<compile_context>
chip_gen: v7x
topology: tpu7x:2x2x1
jax: 0.10.2.dev20260603
libtpu: 0.0.44.dev20260713+nightly
codegen_flags: <defaults>
</compile_context>

<pallas_src>
import functools

import jax
import jax.numpy as jnp
from jax import lax
from jax.experimental import pallas as pl
from jax.experimental.pallas import tpu as pltpu
from jax.experimental.pallas import tpu_sc as plsc

T, H, W, C = 2, 224, 224, 192
NUM_HEADS = 6
HD = C // NUM_HEADS
WS = 5
R = WS // 2
NPIX = T * H * W
NROW = T * H
RB = 8
LANES = 16


def _qkv_body(x_ref, wq_ref, wk_ref, wv_ref, bq_ref, bk_ref, bv_ref,
              qt_ref, kt_ref, vt_ref):
    scale = HD ** -0.5
    dn = (((0,), (1,)), ((), ()))
    wq, wk, wv = wq_ref[...], wk_ref[...], wv_ref[...]
    for rr in range(RB):
        x = x_ref[pl.ds(rr * W, W), :]
        q = lax.dot_general(wq, x, dn, preferred_element_type=jnp.float32)
        qt_ref[rr] = (q + bq_ref[...]) * scale
        k = lax.dot_general(wk, x, dn, preferred_element_type=jnp.float32)
        kt_ref[rr] = k + bk_ref[...]
        v = lax.dot_general(wv, x, dn, preferred_element_type=jnp.float32)
        vt_ref[rr] = v + bv_ref[...]


def _proj_body(ot_ref, wp_ref, bp_ref, out_ref):
    dn = (((0,), (0,)), ((), ()))
    for rr in range(RB):
        o = ot_ref[rr]
        y = lax.dot_general(o, wp_ref[...], dn,
                            preferred_element_type=jnp.float32)
        out_ref[pl.ds(rr * W, W), :] = y + bp_ref[...]


def _qkv_call(x, Wq, Wk, Wv, bq, bk, bv, interpret=False):
    nblk = NROW // RB
    wspec = pl.BlockSpec((C, C), lambda i: (0, 0))
    bspec = pl.BlockSpec((C, 1), lambda i: (0, 0))
    ospec = pl.BlockSpec((RB, C, W), lambda i: (i, 0, 0))
    oshape = jax.ShapeDtypeStruct((NROW, C, W), jnp.float32)
    return pl.pallas_call(
        _qkv_body,
        grid=(nblk,),
        in_specs=[pl.BlockSpec((RB * W, C), lambda i: (i, 0)),
                  wspec, wspec, wspec, bspec, bspec, bspec],
        out_specs=[ospec, ospec, ospec],
        out_shape=[oshape] * 3,
        interpret=interpret,
    )(x, Wq, Wk, Wv, bq, bk, bv)


def _proj_call(ot, Wp, bp, interpret=False):
    nblk = NROW // RB
    return pl.pallas_call(
        _proj_body,
        grid=(nblk,),
        in_specs=[pl.BlockSpec((RB, C, W), lambda i: (i, 0, 0)),
                  pl.BlockSpec((C, C), lambda i: (0, 0)),
                  pl.BlockSpec((1, C), lambda i: (0, 0))],
        out_specs=pl.BlockSpec((RB * W, C), lambda i: (i, 0)),
        out_shape=jax.ShapeDtypeStruct((NPIX, C), jnp.float32),
        interpret=interpret,
    )(ot, Wp, bp)


_SC_PARAMS = pltpu.CompilerParams(use_tc_tiling_on_sc=False,
                                  needs_layout_passes=False)


@functools.lru_cache(maxsize=None)
def _build_attn(t_, h_, w_, c_, heads):
    hd = c_ // heads
    nrow = t_ * h_
    nchunk = w_ // LANES
    nc, ns = 2, 16
    nworker = nc * ns
    rows_per_w = nrow // nworker
    ring = WS + 1
    mesh = plsc.VectorSubcoreMesh(core_axis_name="c", subcore_axis_name="s",
                                  num_cores=nc, num_subcores=ns)

    cunroll = 2
    assert hd % cunroll == 0

    @functools.partial(
        pl.kernel,
        out_type=jax.ShapeDtypeStruct((nrow, c_, w_), jnp.float32),
        mesh=mesh,
        scratch_types=[
            pltpu.VMEM((ring, hd, w_ + 12), jnp.float32),
            pltpu.VMEM((ring, hd, w_ + 24), jnp.float32),
            pltpu.VMEM((2, hd, w_), jnp.float32),
            pltpu.VMEM((2, hd, w_ + 24), jnp.float32),
            pltpu.VMEM((WS * WS, w_ + 24), jnp.float32),
            pltpu.SemaphoreType.DMA,
            pltpu.SemaphoreType.DMA,
        ],
        compiler_params=_SC_PARAMS,
    )
    def attn(qt, kt, vt, ot, kbuf, vbuf, qbuf, obuf, wbuf, sem_in, sem_out):
        cid = lax.axis_index("c")
        sid = lax.axis_index("s")
        wid = cid * ns + sid
        row0 = wid * rows_per_w
        t = row0 // h_
        y0 = row0 % h_
        rbase = t * h_

        lane16 = lax.iota(jnp.int32, LANES)
        idx_l = jnp.abs(lane16 - 8) + 8
        idx_r = (w_ + 7) - jnp.abs(lane16 - 11)

        def fill(buf, slot):
            def fcc(cc, _):
                vl = plsc.load_gather(buf.at[slot, cc], [idx_l])
                buf[slot, cc, pl.ds(0, LANES)] = vl
                vr = plsc.load_gather(buf.at[slot, cc], [idx_r])
                buf[slot, cc, pl.ds(w_ - 4, LANES)] = vr
                return 0
            lax.fori_loop(0, hd, fcc, 0)

        def head_loop(n, _):
            ch0 = n * hd

            def pro(i, _):
                r = y0 - R + i

                @pl.when((r >= 0) & (r < h_))
                def _load():
                    slot = r % ring
                    pltpu.sync_copy(kt.at[rbase + r, pl.ds(ch0, hd)],
                                    kbuf.at[slot, :, pl.ds(8, w_)])
                    pltpu.sync_copy(vt.at[rbase + r, pl.ds(ch0, hd)],
                                    vbuf.at[slot, :, pl.ds(8, w_)])
                    fill(kbuf, slot)
                    fill(vbuf, slot)
                return 0

            lax.fori_loop(0, WS, pro, 0)
            pltpu.sync_copy(qt.at[rbase + y0, pl.ds(ch0, hd)], qbuf.at[0])

            def row_loop(i, _):
                y = y0 + i
                cur = i % 2
                nxt = (i + 1) % 2
                have_next = (i + 1) < rows_per_w
                rpre = y + R + 1
                pre_kv = have_next & (rpre < h_)

                @pl.when(have_next)
                def _pq():
                    pltpu.async_copy(qt.at[rbase + y + 1, pl.ds(ch0, hd)],
                                     qbuf.at[nxt], sem_in)

                @pl.when(pre_kv)
                def _pkv():
                    slot = rpre % ring
                    pltpu.async_copy(kt.at[rbase + rpre, pl.ds(ch0, hd)],
                                     kbuf.at[slot, :, pl.ds(8, w_)], sem_in)
                    pltpu.async_copy(vt.at[rbase + rpre, pl.ds(ch0, hd)],
                                     vbuf.at[slot, :, pl.ds(8, w_)], sem_in)

                slots = []
                for o in range(-R, R + 1):
                    ry = jnp.abs(y + o)
                    ry = (h_ - 1) - jnp.abs((h_ - 1) - ry)
                    slots.append(ry % ring)

                zero = jnp.zeros((LANES,), jnp.float32)

                def _tree(vals, op):
                    vals = list(vals)
                    while len(vals) > 1:
                        nv = [op(vals[k], vals[k + 1])
                              for k in range(0, len(vals) - 1, 2)]
                        if len(vals) % 2:
                            nv.append(vals[-1])
                        vals = nv
                    return vals[0]

                def do_chunk(x0):
                    def c_loop(ci, accs):
                        new = list(accs)
                        for u in range(cunroll):
                            cc = ci * cunroll + u
                            qv = qbuf[cur, cc, pl.ds(x0, LANES)]
                            j = 0
                            for dy in range(WS):
                                for dx in range(WS):
                                    kv = kbuf[slots[dy], cc,
                                              pl.ds(x0 + dx + 6, LANES)]
                                    new[j] = new[j] + qv * kv
                                    j += 1
                        return tuple(new)

                    accs = lax.fori_loop(0, hd // cunroll, c_loop,
                                         tuple(zero for _ in range(WS * WS)))

                    m = _tree(accs, jnp.maximum)
                    es = [jnp.exp(a - m) for a in accs]
                    inv = 1.0 / _tree(es, jnp.add)
                    for j in range(WS * WS):
                        wbuf[j, pl.ds(x0 + 8, LANES)] = es[j] * inv

                def chunk_loop(xc, _):
                    do_chunk(xc * LANES)
                    return 0

                lax.fori_loop(0, nchunk, chunk_loop, 0)

                def zero_loop(cc, _):
                    for kk in range((w_ + 16) // LANES):
                        obuf[cur, cc, pl.ds(kk * LANES, LANES)] = zero
                    return 0

                lax.fori_loop(0, hd, zero_loop, 0)

                nu = (w_ + 4 + LANES - 1) // LANES

                def u_loop(k, _):
                    b = 6 + k * LANES
                    ws_ = []
                    for dy in range(WS):
                        for dx in range(WS):
                            ws_.append(wbuf[dy * WS + dx,
                                            pl.ds(b + 2 - dx, LANES)])

                    def c3_loop(cc, _):
                        vvs = [vbuf[slots[dy], cc, pl.ds(b, LANES)]
                               for dy in range(WS)]
                        for dx in range(WS):
                            osum = _tree(
                                [ws_[dy * WS + dx] * vvs[dy]
                                 for dy in range(WS)], jnp.add)
                            plsc.addupdate(
                                obuf.at[cur, cc, pl.ds(b + 2 - dx, LANES)],
                                osum)
                        return 0

                    lax.fori_loop(0, hd, c3_loop, 0)
                    return 0

                lax.fori_loop(0, nu, u_loop, 0)

                @pl.when(i > 0)
                def _wstore():
                    pltpu.make_async_copy(
                        obuf.at[nxt, :, pl.ds(8, w_)],
                        ot.at[rbase + y - 1, pl.ds(ch0, hd)],
                        sem_out).wait()

                pltpu.async_copy(obuf.at[cur, :, pl.ds(8, w_)],
                                 ot.at[rbase + y, pl.ds(ch0, hd)], sem_out)

                @pl.when(have_next)
                def _wq():
                    pltpu.make_async_copy(
                        qt.at[rbase + y + 1, pl.ds(ch0, hd)], qbuf.at[nxt],
                        sem_in).wait()

                @pl.when(pre_kv)
                def _wkv():
                    slot = rpre % ring
                    pltpu.make_async_copy(
                        kt.at[rbase + rpre, pl.ds(ch0, hd)],
                        kbuf.at[slot, :, pl.ds(8, w_)], sem_in).wait()
                    pltpu.make_async_copy(
                        vt.at[rbase + rpre, pl.ds(ch0, hd)],
                        vbuf.at[slot, :, pl.ds(8, w_)], sem_in).wait()
                    fill(kbuf, slot)
                    fill(vbuf, slot)

                return 0

            lax.fori_loop(0, rows_per_w, row_loop, 0)
            pltpu.make_async_copy(
                obuf.at[(rows_per_w - 1) % 2, :, pl.ds(8, w_)],
                ot.at[rbase + y0 + rows_per_w - 1, pl.ds(ch0, hd)],
                sem_out).wait()
            return 0

        lax.fori_loop(0, heads, head_loop, 0)

    return attn


def kernel(vid, Wq, bq, Wk, bk, Wv, bv, Wp, bp):
    x = vid.reshape(NPIX, C)
    qt, kt, vt = _qkv_call(x, Wq, Wk, Wv, bq.reshape(C, 1), bk.reshape(C, 1),
                           bv.reshape(C, 1))
    attn = _build_attn(T, H, W, C, NUM_HEADS)
    ot = attn(qt, kt, vt)
    out = _proj_call(ot, Wp, bp.reshape(1, C))
    return out.reshape(T, H, W, C)

# --- scband reference (transcript-rebuilt; emitter-appended) ---
"""Pipeline reference for scband-product-attention-70978629533850 (READ-ONLY COPY).

The authoritative reference and input builder live on the scoring server;
editing this copy changes nothing except your own understanding.
"""

import jax, jax.numpy as jnp
import numpy as np

T, H, W, C = 2, 224, 224, 192
NUM_HEADS = 6
WS = 5


def setup_inputs(seed: int = 0) -> dict:
    key = jax.random.key(seed)
    ks = jax.random.split(key, 6)
    s = 0.02
    vid = jax.random.normal(ks[0], (T, H, W, C), dtype=jnp.float32)
    Wq = s * jax.random.normal(ks[1], (C, C), dtype=jnp.float32)
    Wk = s * jax.random.normal(ks[2], (C, C), dtype=jnp.float32)
    Wv = s * jax.random.normal(ks[3], (C, C), dtype=jnp.float32)
    Wp = s * jax.random.normal(ks[4], (C, C), dtype=jnp.float32)
    bq = jnp.zeros((C,), jnp.float32)
    bk = jnp.zeros((C,), jnp.float32)
    bv = jnp.zeros((C,), jnp.float32)
    bp = jnp.zeros((C,), jnp.float32)
    return {"vid": vid, "Wq": Wq, "bq": bq, "Wk": Wk, "bk": bk,
            "Wv": Wv, "bv": bv, "Wp": Wp, "bp": bp}


def _forward(vid, Wq, bq, Wk, bk, Wv, bv, Wp, bp):
    # vid: [T, H, W, C] (module internally permutes t h w c -> t c h w; we keep channels-last)
    T_, H_, W_, C_ = vid.shape
    hd = C_ // NUM_HEADS
    scale = hd ** (-0.5)
    # qkv projection (ConvProjectionNoReshape approximated by 1x1 / pointwise projection)
    q = (vid @ Wq + bq) * scale  # q_vid = q_vid * self.scale
    k = vid @ Wk + bk
    v = vid @ Wv + bv
    qh = q.reshape(T_, H_, W_, NUM_HEADS, hd)
    kh = k.reshape(T_, H_, W_, NUM_HEADS, hd)
    vh = v.reshape(T_, H_, W_, NUM_HEADS, hd)
    r = WS // 2
    pad = ((0, 0), (r, r), (r, r), (0, 0), (0, 0))
    kp = jnp.pad(kh, pad, mode='reflect')  # reflect_bounds=True
    vp = jnp.pad(vh, pad, mode='reflect')
    # dnls prod_with_heads search: for each query pixel, dot-product against the
    # ws x ws spatial neighborhood (wt=0 -> no temporal search), k=-1 -> keep all.
    dists = []
    for dy in range(WS):
        for dx in range(WS):
            kk = kp[:, dy:dy + H_, dx:dx + W_]
            dists.append(jnp.einsum('thwnd,thwnd->thwn', qh, kk))
    dists = jnp.stack(dists, axis=-1)  # [T, H, W, heads, ws*ws]
    # ws != 8 path: dists = softmax(dists)
    attn = jax.nn.softmax(dists, axis=-1)
    # WeightedPatchSumHeads with ps=1: weighted sum of neighbor v pixels
    out = jnp.zeros_like(qh)
    i = 0
    for dy in range(WS):
        for dx in range(WS):
            vv = vp[:, dy:dy + H_, dx:dx + W_]
            out = out + attn[..., i][..., None] * vv
            i += 1
    x = out.reshape(T_, H_, W_, C_)
    # output projection
    x = x @ Wp + bp
    # iFoldz with ps=1, stride0=1: every pixel written exactly once, zvid == 1,
    # so fold.vid / fold.zvid is the identity.
    return x


def reference(vid, Wq, bq, Wk, bk, Wv, bv, Wp, bp):
    return _forward(vid, Wq, bq, Wk, bk, Wv, bv, Wp, bp)

if __name__ == "__main__":
    import jax
    _d = setup_inputs()
    print(jax.jit(kernel)(*tuple(_d.values())))

</pallas_src>

<mosaic_0001>
#map = affine_map<(d0, d1) -> (0, 0, 0)>
module attributes {stable_mosaic.version = 14 : i64} {
  func.func @attn(%arg0: i32, %arg1: i32, %arg2: memref<448x192x224xf32, #tpu.memory_space<hbm>>, %arg3: memref<448x192x224xf32, #tpu.memory_space<hbm>>, %arg4: memref<448x192x224xf32, #tpu.memory_space<hbm>>, %arg5: memref<448x192x224xf32, #tpu.memory_space<hbm>>, %arg6: memref<6x32x236xf32, #tpu.memory_space<vmem>>, %arg7: memref<6x32x248xf32, #tpu.memory_space<vmem>>, %arg8: memref<2x32x224xf32, #tpu.memory_space<vmem>>, %arg9: memref<2x32x248xf32, #tpu.memory_space<vmem>>, %arg10: memref<25x248xf32, #tpu.memory_space<vmem>>, %arg11: memref<!tpu.dma_semaphore, #tpu.memory_space<semaphore_mem>>, %arg12: memref<!tpu.dma_semaphore, #tpu.memory_space<semaphore_mem>>) attributes {dimension_semantics = [#tpu.dimension_semantics<core_parallel>, #tpu.dimension_semantics<subcore_parallel>], iteration_bounds = array<i64: 2, 16>, scalar_prefetch = 0 : i64, scratch_operands = 7 : i64, tpu.core_type = #tpu.core_type<sc_vector_subcore>, window_params = [{transform_indices = #map}, {transform_indices = #map}, {transform_indices = #map}, {transform_indices = #map}]} {
    %mul3A = arith.constant 16 : i32
    %mul3A_0 = arith.muli %arg0, %mul3A : i32
    %add3A = arith.addi %mul3A_0, %arg1 : i32
    %mul3A_1 = arith.constant 14 : i32
    %mul3A_2 = arith.muli %add3A, %mul3A_1 : i32
    %jit3A = arith.constant 224 : i32
    %div3A = arith.divsi %mul3A_2, %jit3A : i32
    %sign3A = arith.constant 0 : i32
    %sign3A_3 = arith.cmpi sgt, %mul3A_2, %sign3A : i32
    %sign3A_4 = arith.extui %sign3A_3 : i1 to i32
    %sign3A_5 = arith.constant 0 : i32
    %sign3A_6 = arith.cmpi slt, %mul3A_2, %sign3A_5 : i32
    %sign3A_7 = arith.extui %sign3A_6 : i1 to i32
    %sign3A_8 = arith.subi %sign3A_4, %sign3A_7 : i32
    %sign3A_9 = arith.constant 0 : i32
    %sign3A_10 = arith.cmpi sgt, %jit3A, %sign3A_9 : i32
    %sign3A_11 = arith.extui %sign3A_10 : i1 to i32
    %sign3A_12 = arith.constant 0 : i32
    %sign3A_13 = arith.cmpi slt, %jit3A, %sign3A_12 : i32
    %sign3A_14 = arith.extui %sign3A_13 : i1 to i32
    %sign3A_15 = arith.subi %sign3A_11, %sign3A_14 : i32
    %ne3A = arith.cmpi ne, %sign3A_8, %sign3A_15 : i32
    %rem3A = arith.remsi %mul3A_2, %jit3A : i32
    %ne3A_16 = arith.constant 0 : i32
    %ne3A_17 = arith.cmpi ne, %rem3A, %ne3A_16 : i32
    %and3A = arith.andi %ne3A, %ne3A_17 : i1
    %sub3A = arith.constant 1 : i32
    %sub3A_18 = arith.subi %div3A, %sub3A : i32
    %select_n3A = arith.select %and3A, %sub3A_18, %div3A : i32
    %jit3A_19 = arith.constant 224 : i32
    %eq3A = arith.constant 0 : i32
    %eq3A_20 = arith.cmpi eq, %jit3A_19, %eq3A : i32
    %jit3A_21 = arith.constant 1 : i32
    %select_n3A_22 = arith.select %eq3A_20, %jit3A_21, %jit3A_19 : i32
    %rem3A_23 = arith.remsi %mul3A_2, %select_n3A_22 : i32
    %ne3A_24 = arith.constant 0 : i32
    %ne3A_25 = arith.cmpi ne, %rem3A_23, %ne3A_24 : i32
    %lt3A = arith.constant 0 : i32
    %lt3A_26 = arith.cmpi slt, %rem3A_23, %lt3A : i32
    %lt3A_27 = arith.constant 0 : i32
    %lt3A_28 = arith.cmpi slt, %select_n3A_22, %lt3A_27 : i32
    %ne3A_29 = arith.xori %lt3A_26, %lt3A_28 : i1
    %and3A_30 = arith.andi %ne3A_29, %ne3A_25 : i1
    %add3A_31 = arith.addi %rem3A_23, %select_n3A_22 : i32
    %select_n3A_32 = arith.select %and3A_30, %add3A_31, %rem3A_23 : i32
    %mul3A_33 = arith.constant 224 : i32
    %mul3A_34 = arith.muli %select_n3A, %mul3A_33 : i32
    %iota3A = tpu.iota {dimensions = array<i32: 0>} : vector<16xi32>
    %sub3A_35 = arith.constant 8 : i32
    %sub3A_36 = vector.broadcast %sub3A_35 : i32 to vector<16xi32>
    %sub3A_37 = arith.subi %iota3A, %sub3A_36 : vector<16xi32>
    %abs3A = math.absi %sub3A_37 : vector<16xi32>
    %add3A_38 = arith.constant 8 : i32
    %add3A_39 = vector.broadcast %add3A_38 : i32 to vector<16xi32>
    %add3A_40 = arith.addi %abs3A, %add3A_39 : vector<16xi32>
    %sub3A_41 = arith.constant 11 : i32
    %sub3A_42 = vector.broadcast %sub3A_41 : i32 to vector<16xi32>
    %sub3A_43 = arith.subi %iota3A, %sub3A_42 : vector<16xi32>
    %abs3A_44 = math.absi %sub3A_43 : vector<16xi32>
    %sub3A_45 = arith.constant 231 : i32
    %sub3A_46 = vector.broadcast %sub3A_45 : i32 to vector<16xi32>
    %sub3A_47 = arith.subi %sub3A_46, %abs3A_44 : vector<16xi32>
    %scan3A = arith.constant 0 : i32
    %scan3A_48 = arith.constant 0 : i32
    %scan3A_49 = arith.constant 6 : i32
    %scan3A_50 = arith.addi %scan3A_48, %scan3A_49 : i32
    %scan3A_51 = arith.constant 1 : i32
    %scan3A_52 = scf.for %scan3A_54 = %scan3A_48 to %scan3A_50 step %scan3A_51 iter_args(%scan3A_55 = %scan3A) -> (i32)  : i32 {
      %mul3A_56 = arith.constant 32 : i32
      %mul3A_57 = arith.muli %scan3A_54, %mul3A_56 : i32
      %scan3A_58 = arith.constant 0 : i32
      %scan3A_59 = arith.constant 0 : i32
      %scan3A_60 = arith.constant 5 : i32
      %scan3A_61 = arith.addi %scan3A_59, %scan3A_60 : i32
      %scan3A_62 = arith.constant 1 : i32
      %scan3A_63 = scf.for %scan3A_93 = %scan3A_59 to %scan3A_61 step %scan3A_62 iter_args(%scan3A_94 = %scan3A_58) -> (i32)  : i32 {
        %sub3A_95 = arith.constant 2 : i32
        %sub3A_96 = arith.subi %select_n3A_32, %sub3A_95 : i32
        %add3A_97 = arith.addi %sub3A_96, %scan3A_93 : i32
        %ge3A = arith.constant 0 : i32
        %ge3A_98 = arith.cmpi sge, %add3A_97, %ge3A : i32
        %lt3A_99 = arith.constant 224 : i32
        %lt3A_100 = arith.cmpi slt, %add3A_97, %lt3A_99 : i32
        %and3A_101 = arith.andi %ge3A_98, %lt3A_100 : i1
        %convert_element_type3A = arith.extui %and3A_101 : i1 to i32
        %cond3A = arith.constant 0 : i32
        %cond3A_102 = arith.cmpi ne, %convert_element_type3A, %cond3A : i32
        scf.if %cond3A_102 {
          %jit3A_104 = arith.constant 6 : i32
          %eq3A_105 = arith.constant 0 : i32
          %eq3A_106 = arith.cmpi eq, %jit3A_104, %eq3A_105 : i32
          %jit3A_107 = arith.constant 1 : i32
          %select_n3A_108 = arith.select %eq3A_106, %jit3A_107, %jit3A_104 : i32
          %rem3A_109 = arith.remsi %add3A_97, %select_n3A_108 : i32
          %ne3A_110 = arith.constant 0 : i32
          %ne3A_111 = arith.cmpi ne, %rem3A_109, %ne3A_110 : i32
          %lt3A_112 = arith.constant 0 : i32
          %lt3A_113 = arith.cmpi slt, %rem3A_109, %lt3A_112 : i32
          %lt3A_114 = arith.constant 0 : i32
          %lt3A_115 = arith.cmpi slt, %select_n3A_108, %lt3A_114 : i32
          %ne3A_116 = arith.xori %lt3A_113, %lt3A_115 : i1
          %and3A_117 = arith.andi %ne3A_116, %ne3A_111 : i1
          %add3A_118 = arith.addi %rem3A_109, %select_n3A_108 : i32
          %select_n3A_119 = arith.select %and3A_117, %add3A_118, %rem3A_109 : i32
          %add3A_120 = arith.addi %mul3A_34, %add3A_97 : i32
          "tpu.region"() ({
            %run_scoped3A_136 = tpu.sem_alloc : memref<!tpu.dma_semaphore, #tpu.memory_space<semaphore_mem>>
            %dma_start3A = arith.constant 0 : i32
            %dma_start3A_137 = arith.constant 8 : i32
            %dma_start3A_138 = tpu.memref_slice %arg6[%select_n3A_119, %dma_start3A, %dma_start3A_137] : memref<6x32x236xf32, #tpu.memory_space<vmem>> -> memref<1x32x224xf32, #tpu.memory_space<vmem>>
            %dma_start3A_139 = tpu.memref_squeeze %dma_start3A_138 : memref<1x32x224xf32, #tpu.memory_space<vmem>> -> memref<32x224xf32, #tpu.memory_space<vmem>>
            %dma_start3A_140 = arith.constant 0 : i32
            %dma_start3A_141 = tpu.memref_slice %arg3[%add3A_120, %mul3A_57, %dma_start3A_140] : memref<448x192x224xf32, #tpu.memory_space<hbm>> -> memref<1x32x224xf32, #tpu.memory_space<hbm>>
            %dma_start3A_142 = tpu.memref_squeeze %dma_start3A_141 : memref<1x32x224xf32, #tpu.memory_space<hbm>> -> memref<32x224xf32, #tpu.memory_space<hbm>>
            %dma_start3A_143 = arith.constant 0 : i32
            %dma_start3A_144 = arith.constant 8 : i32
            %dma_start3A_145 = tpu.memref_slice %arg6[%select_n3A_119, %dma_start3A_143, %dma_start3A_144] : memref<6x32x236xf32, #tpu.memory_space<vmem>> -> memref<1x32x224xf32, #tpu.memory_space<vmem>>
            %dma_start3A_146 = tpu.memref_squeeze %dma_start3A_145 : memref<1x32x224xf32, #tpu.memory_space<vmem>> -> memref<32x224xf32, #tpu.memory_space<vmem>>
            %dma_start3A_147 = arith.constant 0 : i32
            %dma_start3A_148 = tpu.memref_slice %arg3[%add3A_120, %mul3A_57, %dma_start3A_147] : memref<448x192x224xf32, #tpu.memory_space<hbm>> -> memref<1x32x224xf32, #tpu.memory_space<hbm>>
            %dma_start3A_149 = tpu.memref_squeeze %dma_start3A_148 : memref<1x32x224xf32, #tpu.memory_space<hbm>> -> memref<32x224xf32, #tpu.memory_space<hbm>>
            tpu.enqueue_dma source(%dma_start3A_149 : memref<32x224xf32, #tpu.memory_space<hbm>>) target(%dma_start3A_146 : memref<32x224xf32, #tpu.memory_space<vmem>>) target_semaphore(%run_scoped3A_136 : memref<!tpu.dma_semaphore, #tpu.memory_space<semaphore_mem>>)
            %dma_wait3A_150 = arith.constant 0 : i32
            %dma_wait3A_151 = arith.constant 8 : i32
            %dma_wait3A_152 = tpu.memref_slice %arg6[%select_n3A_119, %dma_wait3A_150, %dma_wait3A_151] : memref<6x32x236xf32, #tpu.memory_space<vmem>> -> memref<1x32x224xf32, #tpu.memory_space<vmem>>
            %dma_wait3A_153 = tpu.memref_squeeze %dma_wait3A_152 : memref<1x32x224xf32, #tpu.memory_space<vmem>> -> memref<32x224xf32, #tpu.memory_space<vmem>>
            %dma_wait3A_154 = arith.constant 0 : i32
            %dma_wait3A_155 = tpu.memref_slice %arg3[%add3A_120, %mul3A_57, %dma_wait3A_154] : memref<448x192x224xf32, #tpu.memory_space<hbm>> -> memref<1x32x224xf32, #tpu.memory_space<hbm>>
            %dma_wait3A_156 = tpu.memref_squeeze %dma_wait3A_155 : memref<1x32x224xf32, #tpu.memory_space<hbm>> -> memref<32x224xf32, #tpu.memory_space<hbm>>
            %dma_wait3A_157 = arith.constant 0 : i32
            %dma_wait3A_158 = arith.constant 8 : i32
            %dma_wait3A_159 = tpu.memref_slice %arg6[%select_n3A_119, %dma_wait3A_157, %dma_wait3A_158] : memref<6x32x236xf32, #tpu.memory_space<vmem>> -> memref<1x32x224xf32, #tpu.memory_space<vmem>>
            %dma_wait3A_160 = tpu.memref_squeeze %dma_wait3A_159 : memref<1x32x224xf32, #tpu.memory_space<vmem>> -> memref<32x224xf32, #tpu.memory_space<vmem>>
            %dma_wait3A_161 = arith.constant 0 : i32
            %dma_wait3A_162 = tpu.memref_slice %arg3[%add3A_120, %mul3A_57, %dma_wait3A_161] : memref<448x192x224xf32, #tpu.memory_space<hbm>> -> memref<1x32x224xf32, #tpu.memory_space<hbm>>
            %dma_wait3A_163 = tpu.memref_squeeze %dma_wait3A_162 : memref<1x32x224xf32, #tpu.memory_space<hbm>> -> memref<32x224xf32, #tpu.memory_space<hbm>>
            tpu.wait_dma2 semaphore(%run_scoped3A_136 : memref<!tpu.dma_semaphore, #tpu.memory_space<semaphore_mem>>) src(%dma_wait3A_163 : memref<32x224xf32, #tpu.memory_space<hbm>>) dst(%dma_wait3A_160 : memref<32x224xf32, #tpu.memory_space<vmem>>)
            tpu.yield
          }) : () -> ()
          %add3A_121 = arith.addi %mul3A_34, %add3A_97 : i32
          "tpu.region"() ({
            %run_scoped3A_136 = tpu.sem_alloc : memref<!tpu.dma_semaphore, #tpu.memory_space<semaphore_mem>>
            %dma_start3A = arith.constant 0 : i32
            %dma_start3A_137 = arith.constant 8 : i32
            %dma_start3A_138 = tpu.memref_slice %arg7[%select_n3A_119, %dma_start3A, %dma_start3A_137] : memref<6x32x248xf32, #tpu.memory_space<vmem>> -> memref<1x32x224xf32, #tpu.memory_space<vmem>>
            %dma_start3A_139 = tpu.memref_squeeze %dma_start3A_138 : memref<1x32x224xf32, #tpu.memory_space<vmem>> -> memref<32x224xf32, #tpu.memory_space<vmem>>
            %dma_start3A_140 = arith.constant 0 : i32
            %dma_start3A_141 = tpu.memref_slice %arg4[%add3A_121, %mul3A_57, %dma_start3A_140] : memref<448x192x224xf32, #tpu.memory_space<hbm>> -> memref<1x32x224xf32, #tpu.memory_space<hbm>>
            %dma_start3A_142 = tpu.memref_squeeze %dma_start3A_141 : memref<1x32x224xf32, #tpu.memory_space<hbm>> -> memref<32x224xf32, #tpu.memory_space<hbm>>
            %dma_start3A_143 = arith.constant 0 : i32
            %dma_start3A_144 = arith.constant 8 : i32
            %dma_start3A_145 = tpu.memref_slice %arg7[%select_n3A_119, %dma_start3A_143, %dma_start3A_144] : memref<6x32x248xf32, #tpu.memory_space<vmem>> -> memref<1x32x224xf32, #tpu.memory_space<vmem>>
            %dma_start3A_146 = tpu.memref_squeeze %dma_start3A_145 : memref<1x32x224xf32, #tpu.memory_space<vmem>> -> memref<32x224xf32, #tpu.memory_space<vmem>>
            %dma_start3A_147 = arith.constant 0 : i32
            %dma_start3A_148 = tpu.memref_slice %arg4[%add3A_121, %mul3A_57, %dma_start3A_147] : memref<448x192x224xf32, #tpu.memory_space<hbm>> -> memref<1x32x224xf32, #tpu.memory_space<hbm>>
            %dma_start3A_149 = tpu.memref_squeeze %dma_start3A_148 : memref<1x32x224xf32, #tpu.memory_space<hbm>> -> memref<32x224xf32, #tpu.memory_space<hbm>>
            tpu.enqueue_dma source(%dma_start3A_149 : memref<32x224xf32, #tpu.memory_space<hbm>>) target(%dma_start3A_146 : memref<32x224xf32, #tpu.memory_space<vmem>>) target_semaphore(%run_scoped3A_136 : memref<!tpu.dma_semaphore, #tpu.memory_space<semaphore_mem>>)
            %dma_wait3A_150 = arith.constant 0 : i32
            %dma_wait3A_151 = arith.constant 8 : i32
            %dma_wait3A_152 = tpu.memref_slice %arg7[%select_n3A_119, %dma_wait3A_150, %dma_wait3A_151] : memref<6x32x248xf32, #tpu.memory_space<vmem>> -> memref<1x32x224xf32, #tpu.memory_space<vmem>>
            %dma_wait3A_153 = tpu.memref_squeeze %dma_wait3A_152 : memref<1x32x224xf32, #tpu.memory_space<vmem>> -> memref<32x224xf32, #tpu.memory_space<vmem>>
            %dma_wait3A_154 = arith.constant 0 : i32
            %dma_wait3A_155 = tpu.memref_slice %arg4[%add3A_121, %mul3A_57, %dma_wait3A_154] : memref<448x192x224xf32, #tpu.memory_space<hbm>> -> memref<1x32x224xf32, #tpu.memory_space<hbm>>
            %dma_wait3A_156 = tpu.memref_squeeze %dma_wait3A_155 : memref<1x32x224xf32, #tpu.memory_space<hbm>> -> memref<32x224xf32, #tpu.memory_space<hbm>>
            %dma_wait3A_157 = arith.constant 0 : i32
            %dma_wait3A_158 = arith.constant 8 : i32
            %dma_wait3A_159 = tpu.memref_slice %arg7[%select_n3A_119, %dma_wait3A_157, %dma_wait3A_158] : memref<6x32x248xf32, #tpu.memory_space<vmem>> -> memref<1x32x224xf32, #tpu.memory_space<vmem>>
            %dma_wait3A_160 = tpu.memref_squeeze %dma_wait3A_159 : memref<1x32x224xf32, #tpu.memory_space<vmem>> -> memref<32x224xf32, #tpu.memory_space<vmem>>
            %dma_wait3A_161 = arith.constant 0 : i32
            %dma_wait3A_162 = tpu.memref_slice %arg4[%add3A_121, %mul3A_57, %dma_wait3A_161] : memref<448x192x224xf32, #tpu.memory_space<hbm>> -> memref<1x32x224xf32, #tpu.memory_space<hbm>>
            %dma_wait3A_163 = tpu.memref_squeeze %dma_wait3A_162 : memref<1x32x224xf32, #tpu.memory_space<hbm>> -> memref<32x224xf32, #tpu.memory_space<hbm>>
            tpu.wait_dma2 semaphore(%run_scoped3A_136 : memref<!tpu.dma_semaphore, #tpu.memory_space<semaphore_mem>>) src(%dma_wait3A_163 : memref<32x224xf32, #tpu.memory_space<hbm>>) dst(%dma_wait3A_160 : memref<32x224xf32, #tpu.memory_space<vmem>>)
            tpu.yield
          }) : () -> ()
          %scan3A_122 = arith.constant 0 : i32
          %scan3A_123 = arith.constant 0 : i32
          %scan3A_124 = arith.constant 32 : i32
          %scan3A_125 = arith.addi %scan3A_123, %scan3A_124 : i32
          %scan3A_126 = arith.constant 1 : i32
          %scan3A_127 = scf.for %scan3A_136 = %scan3A_123 to %scan3A_125 step %scan3A_126 iter_args(%scan3A_137 = %scan3A_122) -> (i32)  : i32 {
            %gather3A = arith.constant 0 : i32
            %gather3A_138 = tpu.memref_slice %arg6[%select_n3A_119, %scan3A_136, %gather3A] : memref<6x32x236xf32, #tpu.memory_space<vmem>> -> memref<1x1x236xf32, #tpu.memory_space<vmem>>
            %gather3A_139 = tpu.memref_squeeze %gather3A_138 : memref<1x1x236xf32, #tpu.memory_space<vmem>> -> memref<236xf32, #tpu.memory_space<vmem>>
            %gather3A_140 = tpu.vector_load_idx %gather3A_139[%add3A_40] : memref<236xf32, #tpu.memory_space<vmem>>[vector<16xi32>], vector<16xf32>,
            %swap3A = arith.index_cast %select_n3A_119 : i32 to index
            %swap3A_141 = arith.index_cast %scan3A_136 : i32 to index
            %swap3A_142 = arith.constant 0 : index
            %swap3A_143 = tpu.vector_load %arg6[%swap3A, %swap3A_141, %swap3A_142] {strides = array<i32>} : memref<6x32x236xf32, #tpu.memory_space<vmem>>, vector<16xf32>,
            tpu.vector_store %arg6[%swap3A, %swap3A_141, %swap3A_142], %gather3A_140 {strides = array<i32>} : memref<6x32x236xf32, #tpu.memory_space<vmem>>, vector<16xf32>,
            %gather3A_144 = arith.constant 0 : i32
            %gather3A_145 = tpu.memref_slice %arg6[%select_n3A_119, %scan3A_136, %gather3A_144] : memref<6x32x236xf32, #tpu.memory_space<vmem>> -> memref<1x1x236xf32, #tpu.memory_space<vmem>>
            %gather3A_146 = tpu.memref_squeeze %gather3A_145 : memref<1x1x236xf32, #tpu.memory_space<vmem>> -> memref<236xf32, #tpu.memory_space<vmem>>
            %gather3A_147 = tpu.vector_load_idx %gather3A_146[%sub3A_47] : memref<236xf32, #tpu.memory_space<vmem>>[vector<16xi32>], vector<16xf32>,
            %swap3A_148 = arith.index_cast %select_n3A_119 : i32 to index
            %swap3A_149 = arith.index_cast %scan3A_136 : i32 to index
            %swap3A_150 = arith.constant 220 : index
            %swap3A_151 = tpu.vector_load %arg6[%swap3A_148, %swap3A_149, %swap3A_150] {strides = array<i32>} : memref<6x32x236xf32, #tpu.memory_space<vmem>>, vector<16xf32>,
            tpu.vector_store %arg6[%swap3A_148, %swap3A_149, %swap3A_150], %gather3A_147 {strides = array<i32>} : memref<6x32x236xf32, #tpu.memory_space<vmem>>, vector<16xf32>,
            %scan3A_152 = arith.constant 0 : i32
            scf.yield %scan3A_152 : i32
          }
          %scan3A_128 = arith.constant 32 : i32
          %scan3A_129 = arith.constant 0 : i32
          %scan3A_130 = arith.constant 0 : i32
          %scan3A_131 = arith.constant 32 : i32
          %scan3A_132 = arith.addi %scan3A_130, %scan3A_131 : i32
          %scan3A_133 = arith.constant 1 : i32
          %scan3A_134 = scf.for %scan3A_136 = %scan3A_130 to %scan3A_132 step %scan3A_133 iter_args(%scan3A_137 = %scan3A_129) -> (i32)  : i32 {
            %gather3A = arith.constant 0 : i32
            %gather3A_138 = tpu.memref_slice %arg7[%select_n3A_119, %scan3A_136, %gather3A] : memref<6x32x248xf32, #tpu.memory_space<vmem>> -> memref<1x1x248xf32, #tpu.memory_space<vmem>>
            %gather3A_139 = tpu.memref_squeeze %gather3A_138 : memref<1x1x248xf32, #tpu.memory_space<vmem>> -> memref<248xf32, #tpu.memory_space<vmem>>
            %gather3A_140 = tpu.vector_load_idx %gather3A_139[%add3A_40] : memref<248xf32, #tpu.memory_space<vmem>>[vector<16xi32>], vector<16xf32>,
            %swap3A = arith.index_cast %select_n3A_119 : i32 to index
            %swap3A_141 = arith.index_cast %scan3A_136 : i32 to index
            %swap3A_142 = arith.constant 0 : index
            %swap3A_143 = tpu.vector_load %arg7[%swap3A, %swap3A_141, %swap3A_142] {strides = array<i32>} : memref<6x32x248xf32, #tpu.memory_space<vmem>>, vector<16xf32>,
            tpu.vector_store %arg7[%swap3A, %swap3A_141, %swap3A_142], %gather3A_140 {strides = array<i32>} : memref<6x32x248xf32, #tpu.memory_space<vmem>>, vector<16xf32>,
            %gather3A_144 = arith.constant 0 : i32
            %gather3A_145 = tpu.memref_slice %arg7[%select_n3A_119, %scan3A_136, %gather3A_144] : memref<6x32x248xf32, #tpu.memory_space<vmem>> -> memref<1x1x248xf32, #tpu.memory_space<vmem>>
            %gather3A_146 = tpu.memref_squeeze %gather3A_145 : memref<1x1x248xf32, #tpu.memory_space<vmem>> -> memref<248xf32, #tpu.memory_space<vmem>>
            %gather3A_147 = tpu.vector_load_idx %gather3A_146[%sub3A_47] : memref<248xf32, #tpu.memory_space<vmem>>[vector<16xi32>], vector<16xf32>,
            %swap3A_148 = arith.index_cast %select_n3A_119 : i32 to index
            %swap3A_149 = arith.index_cast %scan3A_136 : i32 to index
            %swap3A_150 = arith.constant 220 : index
            %swap3A_151 = tpu.vector_load %arg7[%swap3A_148, %swap3A_149, %swap3A_150] {strides = array<i32>} : memref<6x32x248xf32, #tpu.memory_space<vmem>>, vector<16xf32>,
            tpu.vector_store %arg7[%swap3A_148, %swap3A_149, %swap3A_150], %gather3A_147 {strides = array<i32>} : memref<6x32x248xf32, #tpu.memory_space<vmem>>, vector<16xf32>,
            %scan3A_152 = arith.constant 0 : i32
            scf.yield %scan3A_152 : i32
          }
          %scan3A_135 = arith.constant 32 : i32
        } else {
        }
        %scan3A_103 = arith.constant 0 : i32
        scf.yield %scan3A_103 : i32
      }
      %scan3A_64 = arith.constant 5 : i32
      %add3A_65 = arith.addi %mul3A_34, %select_n3A_32 : i32
      %run_scoped3A = arith.constant 0 : i32
      "tpu.region"() ({
        %run_scoped3A_93 = tpu.sem_alloc : memref<!tpu.dma_semaphore, #tpu.memory_space<semaphore_mem>>
        %dma_start3A = arith.constant 0 : i32
        %dma_start3A_94 = arith.constant 0 : i32
        %dma_start3A_95 = tpu.memref_slice %arg8[%run_scoped3A, %dma_start3A, %dma_start3A_94] : memref<2x32x224xf32, #tpu.memory_space<vmem>> -> memref<1x32x224xf32, #tpu.memory_space<vmem>>
        %dma_start3A_96 = tpu.memref_squeeze %dma_start3A_95 : memref<1x32x224xf32, #tpu.memory_space<vmem>> -> memref<32x224xf32, #tpu.memory_space<vmem>>
        %dma_start3A_97 = arith.constant 0 : i32
        %dma_start3A_98 = tpu.memref_slice %arg2[%add3A_65, %mul3A_57, %dma_start3A_97] : memref<448x192x224xf32, #tpu.memory_space<hbm>> -> memref<1x32x224xf32, #tpu.memory_space<hbm>>
        %dma_start3A_99 = tpu.memref_squeeze %dma_start3A_98 : memref<1x32x224xf32, #tpu.memory_space<hbm>> -> memref<32x224xf32, #tpu.memory_space<hbm>>
        %dma_start3A_100 = arith.constant 0 : i32
        %dma_start3A_101 = arith.constant 0 : i32
        %dma_start3A_102 = tpu.memref_slice %arg8[%run_scoped3A, %dma_start3A_100, %dma_start3A_101] : memref<2x32x224xf32, #tpu.memory_space<vmem>> -> memref<1x32x224xf32, #tpu.memory_space<vmem>>
        %dma_start3A_103 = tpu.memref_squeeze %dma_start3A_102 : memref<1x32x224xf32, #tpu.memory_space<vmem>> -> memref<32x224xf32, #tpu.memory_space<vmem>>
        %dma_start3A_104 = arith.constant 0 : i32
        %dma_start3A_105 = tpu.memref_slice %arg2[%add3A_65, %mul3A_57, %dma_start3A_104] : memref<448x192x224xf32, #tpu.memory_space<hbm>> -> memref<1x32x224xf32, #tpu.memory_space<hbm>>
        %dma_start3A_106 = tpu.memref_squeeze %dma_start3A_105 : memref<1x32x224xf32, #tpu.memory_space<hbm>> -> memref<32x224xf32, #tpu.memory_space<hbm>>
        tpu.enqueue_dma source(%dma_start3A_106 : memref<32x224xf32, #tpu.memory_space<hbm>>) target(%dma_start3A_103 : memref<32x224xf32, #tpu.memory_space<vmem>>) target_semaphore(%run_scoped3A_93 : memref<!tpu.dma_semaphore, #tpu.memory_space<semaphore_mem>>)
        %dma_wait3A_107 = arith.constant 0 : i32
        %dma_wait3A_108 = arith.constant 0 : i32
        %dma_wait3A_109 = tpu.memref_slice %arg8[%run_scoped3A, %dma_wait3A_107, %dma_wait3A_108] : memref<2x32x224xf32, #tpu.memory_space<vmem>> -> memref<1x32x224xf32, #tpu.memory_space<vmem>>
        %dma_wait3A_110 = tpu.memref_squeeze %dma_wait3A_109 : memref<1x32x224xf32, #tpu.memory_space<vmem>> -> memref<32x224xf32, #tpu.memory_space<vmem>>
        %dma_wait3A_111 = arith.constant 0 : i32
        %dma_wait3A_112 = tpu.memref_slice %arg2[%add3A_65, %mul3A_57, %dma_wait3A_111] : memref<448x192x224xf32, #tpu.memory_space<hbm>> -> memref<1x32x224xf32, #tpu.memory_space<hbm>>
        %dma_wait3A_113 = tpu.memref_squeeze %dma_wait3A_112 : memref<1x32x224xf32, #tpu.memory_space<hbm>> -> memref<32x224xf32, #tpu.memory_space<hbm>>
        %dma_wait3A_114 = arith.constant 0 : i32
        %dma_wait3A_115 = arith.constant 0 : i32
        %dma_wait3A_116 = tpu.memref_slice %arg8[%run_scoped3A, %dma_wait3A_114, %dma_wait3A_115] : memref<2x32x224xf32, #tpu.memory_space<vmem>> -> memref<1x32x224xf32, #tpu.memory_space<vmem>>
        %dma_wait3A_117 = tpu.memref_squeeze %dma_wait3A_116 : memref<1x32x224xf32, #tpu.memory_space<vmem>> -> memref<32x224xf32, #tpu.memory_space<vmem>>
        %dma_wait3A_118 = arith.constant 0 : i32
        %dma_wait3A_119 = tpu.memref_slice %arg2[%add3A_65, %mul3A_57, %dma_wait3A_118] : memref<448x192x224xf32, #tpu.memory_space<hbm>> -> memref<1x32x224xf32, #tpu.memory_space<hbm>>
        %dma_wait3A_120 = tpu.memref_squeeze %dma_wait3A_119 : memref<1x32x224xf32, #tpu.memory_space<hbm>> -> memref<32x224xf32, #tpu.memory_space<hbm>>
        tpu.wait_dma2 semaphore(%run_scoped3A_93 : memref<!tpu.dma_semaphore, #tpu.memory_space<semaphore_mem>>) src(%dma_wait3A_120 : memref<32x224xf32, #tpu.memory_space<hbm>>) dst(%dma_wait3A_117 : memref<32x224xf32, #tpu.memory_space<vmem>>)
        tpu.yield
      }) : () -> ()
      %scan3A_66 = arith.constant 0 : i32
      %scan3A_67 = arith.constant 0 : i32
      %scan3A_68 = arith.constant 14 : i32
      %scan3A_69 = arith.addi %scan3A_67, %scan3A_68 : i32
      %scan3A_70 = arith.constant 1 : i32
      %scan3A_71 = scf.for %scan3A_93 = %scan3A_67 to %scan3A_69 step %scan3A_70 iter_args(%scan3A_94 = %scan3A_66) -> (i32)  : i32 {
        %add3A_95 = arith.addi %select_n3A_32, %scan3A_93 : i32
        %jit3A_96 = arith.constant 2 : i32
        %eq3A_97 = arith.constant 0 : i32
        %eq3A_98 = arith.cmpi eq, %jit3A_96, %eq3A_97 : i32
        %jit3A_99 = arith.constant 1 : i32
        %select_n3A_100 = arith.select %eq3A_98, %jit3A_99, %jit3A_96 : i32
        %rem3A_101 = arith.remsi %scan3A_93, %select_n3A_100 : i32
        %ne3A_102 = arith.constant 0 : i32
        %ne3A_103 = arith.cmpi ne, %rem3A_101, %ne3A_102 : i32
        %lt3A_104 = arith.constant 0 : i32
        %lt3A_105 = arith.cmpi slt, %rem3A_101, %lt3A_104 : i32
        %lt3A_106 = arith.constant 0 : i32
        %lt3A_107 = arith.cmpi slt, %select_n3A_100, %lt3A_106 : i32
        %ne3A_108 = arith.xori %lt3A_105, %lt3A_107 : i1
        %and3A_109 = arith.andi %ne3A_108, %ne3A_103 : i1
        %add3A_110 = arith.addi %rem3A_101, %select_n3A_100 : i32
        %select_n3A_111 = arith.select %and3A_109, %add3A_110, %rem3A_101 : i32
        %add3A_112 = arith.constant 1 : i32
        %add3A_113 = arith.addi %scan3A_93, %add3A_112 : i32
        %jit3A_114 = arith.constant 2 : i32
        %eq3A_115 = arith.constant 0 : i32
        %eq3A_116 = arith.cmpi eq, %jit3A_114, %eq3A_115 : i32
        %jit3A_117 = arith.constant 1 : i32
        %select_n3A_118 = arith.select %eq3A_116, %jit3A_117, %jit3A_114 : i32
        %rem3A_119 = arith.remsi %add3A_113, %select_n3A_118 : i32
        %ne3A_120 = arith.constant 0 : i32
        %ne3A_121 = arith.cmpi ne, %rem3A_119, %ne3A_120 : i32
        %lt3A_122 = arith.constant 0 : i32
        %lt3A_123 = arith.cmpi slt, %rem3A_119, %lt3A_122 : i32
        %lt3A_124 = arith.constant 0 : i32
        %lt3A_125 = arith.cmpi slt, %select_n3A_118, %lt3A_124 : i32
        %ne3A_126 = arith.xori %lt3A_123, %lt3A_125 : i1
        %and3A_127 = arith.andi %ne3A_126, %ne3A_121 : i1
        %add3A_128 = arith.addi %rem3A_119, %select_n3A_118 : i32
        %select_n3A_129 = arith.select %and3A_127, %add3A_128, %rem3A_119 : i32
        %add3A_130 = arith.constant 1 : i32
        %add3A_131 = arith.addi %scan3A_93, %add3A_130 : i32
        %lt3A_132 = arith.constant 14 : i32
        %lt3A_133 = arith.cmpi slt, %add3A_131, %lt3A_132 : i32
        %add3A_134 = arith.constant 2 : i32
        %add3A_135 = arith.addi %add3A_95, %add3A_134 : i32
        %add3A_136 = arith.constant 1 : i32
        %add3A_137 = arith.addi %add3A_135, %add3A_136 : i32
        %lt3A_138 = arith.constant 224 : i32
        %lt3A_139 = arith.cmpi slt, %add3A_137, %lt3A_138 : i32
        %and3A_140 = arith.andi %lt3A_133, %lt3A_139 : i1
        %convert_element_type3A = arith.extui %lt3A_133 : i1 to i32
        %cond3A = arith.constant 0 : i32
        %cond3A_141 = arith.cmpi ne, %convert_element_type3A, %cond3A : i32
        scf.if %cond3A_141 {
          %add3A_312 = arith.addi %mul3A_34, %add3A_95 : i32
          %add3A_313 = arith.constant 1 : i32
          %add3A_314 = arith.addi %add3A_312, %add3A_313 : i32
          %dma_start3A_315 = arith.constant 0 : i32
          %dma_start3A_316 = arith.constant 0 : i32
          %dma_start3A_317 = tpu.memref_slice %arg8[%select_n3A_129, %dma_start3A_315, %dma_start3A_316] : memref<2x32x224xf32, #tpu.memory_space<vmem>> -> memref<1x32x224xf32, #tpu.memory_space<vmem>>
          %dma_start3A_318 = tpu.memref_squeeze %dma_start3A_317 : memref<1x32x224xf32, #tpu.memory_space<vmem>> -> memref<32x224xf32, #tpu.memory_space<vmem>>
          %dma_start3A_319 = arith.constant 0 : i32
          %dma_start3A_320 = tpu.memref_slice %arg2[%add3A_314, %mul3A_57, %dma_start3A_319] : memref<448x192x224xf32, #tpu.memory_space<hbm>> -> memref<1x32x224xf32, #tpu.memory_space<hbm>>
          %dma_start3A_321 = tpu.memref_squeeze %dma_start3A_320 : memref<1x32x224xf32, #tpu.memory_space<hbm>> -> memref<32x224xf32, #tpu.memory_space<hbm>>
          %dma_start3A_322 = arith.constant 0 : i32
          %dma_start3A_323 = arith.constant 0 : i32
          %dma_start3A_324 = tpu.memref_slice %arg8[%select_n3A_129, %dma_start3A_322, %dma_start3A_323] : memref<2x32x224xf32, #tpu.memory_space<vmem>> -> memref<1x32x224xf32, #tpu.memory_space<vmem>>
          %dma_start3A_325 = tpu.memref_squeeze %dma_start3A_324 : memref<1x32x224xf32, #tpu.memory_space<vmem>> -> memref<32x224xf32, #tpu.memory_space<vmem>>
          %dma_start3A_326 = arith.constant 0 : i32
          %dma_start3A_327 = tpu.memref_slice %arg2[%add3A_314, %mul3A_57, %dma_start3A_326] : memref<448x192x224xf32, #tpu.memory_space<hbm>> -> memref<1x32x224xf32, #tpu.memory_space<hbm>>
          %dma_start3A_328 = tpu.memref_squeeze %dma_start3A_327 : memref<1x32x224xf32, #tpu.memory_space<hbm>> -> memref<32x224xf32, #tpu.memory_space<hbm>>
          tpu.enqueue_dma source(%dma_start3A_328 : memref<32x224xf32, #tpu.memory_space<hbm>>) target(%dma_start3A_325 : memref<32x224xf32, #tpu.memory_space<vmem>>) target_semaphore(%arg11 : memref<!tpu.dma_semaphore, #tpu.memory_space<semaphore_mem>>)
        } else {
        }
        %convert_element_type3A_142 = arith.extui %and3A_140 : i1 to i32
        %cond3A_143 = arith.constant 0 : i32
        %cond3A_144 = arith.cmpi ne, %convert_element_type3A_142, %cond3A_143 : i32
        scf.if %cond3A_144 {
          %jit3A_312 = arith.constant 6 : i32
          %eq3A_313 = arith.constant 0 : i32
          %eq3A_314 = arith.cmpi eq, %jit3A_312, %eq3A_313 : i32
          %jit3A_315 = arith.constant 1 : i32
          %select_n3A_316 = arith.select %eq3A_314, %jit3A_315, %jit3A_312 : i32
          %rem3A_317 = arith.remsi %add3A_137, %select_n3A_316 : i32
          %ne3A_318 = arith.constant 0 : i32
          %ne3A_319 = arith.cmpi ne, %rem3A_317, %ne3A_318 : i32
          %lt3A_320 = arith.constant 0 : i32
          %lt3A_321 = arith.cmpi slt, %rem3A_317, %lt3A_320 : i32
          %lt3A_322 = arith.constant 0 : i32
          %lt3A_323 = arith.cmpi slt, %select_n3A_316, %lt3A_322 : i32
          %ne3A_324 = arith.xori %lt3A_321, %lt3A_323 : i1
          %and3A_325 = arith.andi %ne3A_324, %ne3A_319 : i1
          %add3A_326 = arith.addi %rem3A_317, %select_n3A_316 : i32
          %select_n3A_327 = arith.select %and3A_325, %add3A_326, %rem3A_317 : i32
          %add3A_328 = arith.addi %mul3A_34, %add3A_137 : i32
          %dma_start3A_329 = arith.constant 0 : i32
          %dma_start3A_330 = arith.constant 8 : i32
          %dma_start3A_331 = tpu.memref_slice %arg6[%select_n3A_327, %dma_start3A_329, %dma_start3A_330] : memref<6x32x236xf32, #tpu.memory_space<vmem>> -> memref<1x32x224xf32, #tpu.memory_space<vmem>>
          %dma_start3A_332 = tpu.memref_squeeze %dma_start3A_331 : memref<1x32x224xf32, #tpu.memory_space<vmem>> -> memref<32x224xf32, #tpu.memory_space<vmem>>
          %dma_start3A_333 = arith.constant 0 : i32
          %dma_start3A_334 = tpu.memref_slice %arg3[%add3A_328, %mul3A_57, %dma_start3A_333] : memref<448x192x224xf32, #tpu.memory_space<hbm>> -> memref<1x32x224xf32, #tpu.memory_space<hbm>>
          %dma_start3A_335 = tpu.memref_squeeze %dma_start3A_334 : memref<1x32x224xf32, #tpu.memory_space<hbm>> -> memref<32x224xf32, #tpu.memory_space<hbm>>
          %dma_start3A_336 = arith.constant 0 : i32
          %dma_start3A_337 = arith.constant 8 : i32
          %dma_start3A_338 = tpu.memref_slice %arg6[%select_n3A_327, %dma_start3A_336, %dma_start3A_337] : memref<6x32x236xf32, #tpu.memory_space<vmem>> -> memref<1x32x224xf32, #tpu.memory_space<vmem>>
          %dma_start3A_339 = tpu.memref_squeeze %dma_start3A_338 : memref<1x32x224xf32, #tpu.memory_space<vmem>> -> memref<32x224xf32, #tpu.memory_space<vmem>>
          %dma_start3A_340 = arith.constant 0 : i32
          %dma_start3A_341 = tpu.memref_slice %arg3[%add3A_328, %mul3A_57, %dma_start3A_340] : memref<448x192x224xf32, #tpu.memory_space<hbm>> -> memref<1x32x224xf32, #tpu.memory_space<hbm>>
          %dma_start3A_342 = tpu.memref_squeeze %dma_start3A_341 : memref<1x32x224xf32, #tpu.memory_space<hbm>> -> memref<32x224xf32, #tpu.memory_space<hbm>>
          tpu.enqueue_dma source(%dma_start3A_342 : memref<32x224xf32, #tpu.memory_space<hbm>>) target(%dma_start3A_339 : memref<32x224xf32, #tpu.memory_space<vmem>>) target_semaphore(%arg11 : memref<!tpu.dma_semaphore, #tpu.memory_space<semaphore_mem>>)
          %add3A_343 = arith.addi %mul3A_34, %add3A_137 : i32
          %dma_start3A_344 = arith.constant 0 : i32
          %dma_start3A_345 = arith.constant 8 : i32
          %dma_start3A_346 = tpu.memref_slice %arg7[%select_n3A_327, %dma_start3A_344, %dma_start3A_345] : memref<6x32x248xf32, #tpu.memory_space<vmem>> -> memref<1x32x224xf32, #tpu.memory_space<vmem>>
          %dma_start3A_347 = tpu.memref_squeeze %dma_start3A_346 : memref<1x32x224xf32, #tpu.memory_space<vmem>> -> memref<32x224xf32, #tpu.memory_space<vmem>>
          %dma_start3A_348 = arith.constant 0 : i32
          %dma_start3A_349 = tpu.memref_slice %arg4[%add3A_343, %mul3A_57, %dma_start3A_348] : memref<448x192x224xf32, #tpu.memory_space<hbm>> -> memref<1x32x224xf32, #tpu.memory_space<hbm>>
          %dma_start3A_350 = tpu.memref_squeeze %dma_start3A_349 : memref<1x32x224xf32, #tpu.memory_space<hbm>> -> memref<32x224xf32, #tpu.memory_space<hbm>>
          %dma_start3A_351 = arith.constant 0 : i32
          %dma_start3A_352 = arith.constant 8 : i32
          %dma_start3A_353 = tpu.memref_slice %arg7[%select_n3A_327, %dma_start3A_351, %dma_start3A_352] : memref<6x32x248xf32, #tpu.memory_space<vmem>> -> memref<1x32x224xf32, #tpu.memory_space<vmem>>
          %dma_start3A_354 = tpu.memref_squeeze %dma_start3A_353 : memref<1x32x224xf32, #tpu.memory_space<vmem>> -> memref<32x224xf32, #tpu.memory_space<vmem>>
          %dma_start3A_355 = arith.constant 0 : i32
          %dma_start3A_356 = tpu.memref_slice %arg4[%add3A_343, %mul3A_57, %dma_start3A_355] : memref<448x192x224xf32, #tpu.memory_space<hbm>> -> memref<1x32x224xf32, #tpu.memory_space<hbm>>
          %dma_start3A_357 = tpu.memref_squeeze %dma_start3A_356 : memref<1x32x224xf32, #tpu.memory_space<hbm>> -> memref<32x224xf32, #tpu.memory_space<hbm>>
          tpu.enqueue_dma source(%dma_start3A_357 : memref<32x224xf32, #tpu.memory_space<hbm>>) target(%dma_start3A_354 : memref<32x224xf32, #tpu.memory_space<vmem>>) target_semaphore(%arg11 : memref<!tpu.dma_semaphore, #tpu.memory_space<semaphore_mem>>)
        } else {
        }
        %add3A_145 = arith.constant -2 : i32
        %add3A_146 = arith.addi %add3A_95, %add3A_145 : i32
        %abs3A_147 = math.absi %add3A_146 : i32
        %sub3A_148 = arith.constant 223 : i32
        %sub3A_149 = arith.subi %sub3A_148, %abs3A_147 : i32
        %abs3A_150 = math.absi %sub3A_149 : i32
        %sub3A_151 = arith.constant 223 : i32
        %sub3A_152 = arith.subi %sub3A_151, %abs3A_150 : i32
        %jit3A_153 = arith.constant 6 : i32
        %eq3A_154 = arith.constant 0 : i32
        %eq3A_155 = arith.cmpi eq, %jit3A_153, %eq3A_154 : i32
        %jit3A_156 = arith.constant 1 : i32
        %select_n3A_157 = arith.select %eq3A_155, %jit3A_156, %jit3A_153 : i32
        %rem3A_158 = arith.remsi %sub3A_152, %select_n3A_157 : i32
        %ne3A_159 = arith.constant 0 : i32
        %ne3A_160 = arith.cmpi ne, %rem3A_158, %ne3A_159 : i32
        %lt3A_161 = arith.constant 0 : i32
        %lt3A_162 = arith.cmpi slt, %rem3A_158, %lt3A_161 : i32
        %lt3A_163 = arith.constant 0 : i32
        %lt3A_164 = arith.cmpi slt, %select_n3A_157, %lt3A_163 : i32
        %ne3A_165 = arith.xori %lt3A_162, %lt3A_164 : i1
        %and3A_166 = arith.andi %ne3A_165, %ne3A_160 : i1
        %add3A_167 = arith.addi %rem3A_158, %select_n3A_157 : i32
        %select_n3A_168 = arith.select %and3A_166, %add3A_167, %rem3A_158 : i32
        %add3A_169 = arith.constant -1 : i32
        %add3A_170 = arith.addi %add3A_95, %add3A_169 : i32
        %abs3A_171 = math.absi %add3A_170 : i32
        %sub3A_172 = arith.constant 223 : i32
        %sub3A_173 = arith.subi %sub3A_172, %abs3A_171 : i32
        %abs3A_174 = math.absi %sub3A_173 : i32
        %sub3A_175 = arith.constant 223 : i32
        %sub3A_176 = arith.subi %sub3A_175, %abs3A_174 : i32
        %jit3A_177 = arith.constant 6 : i32
        %eq3A_178 = arith.constant 0 : i32
        %eq3A_179 = arith.cmpi eq, %jit3A_177, %eq3A_178 : i32
        %jit3A_180 = arith.constant 1 : i32
        %select_n3A_181 = arith.select %eq3A_179, %jit3A_180, %jit3A_177 : i32
        %rem3A_182 = arith.remsi %sub3A_176, %select_n3A_181 : i32
        %ne3A_183 = arith.constant 0 : i32
        %ne3A_184 = arith.cmpi ne, %rem3A_182, %ne3A_183 : i32
        %lt3A_185 = arith.constant 0 : i32
        %lt3A_186 = arith.cmpi slt, %rem3A_182, %lt3A_185 : i32
        %lt3A_187 = arith.constant 0 : i32
        %lt3A_188 = arith.cmpi slt, %select_n3A_181, %lt3A_187 : i32
        %ne3A_189 = arith.xori %lt3A_186, %lt3A_188 : i1
        %and3A_190 = arith.andi %ne3A_189, %ne3A_184 : i1
        %add3A_191 = arith.addi %rem3A_182, %select_n3A_181 : i32
        %select_n3A_192 = arith.select %and3A_190, %add3A_191, %rem3A_182 : i32
        %add3A_193 = arith.constant 0 : i32
        %add3A_194 = arith.addi %add3A_95, %add3A_193 : i32
        %abs3A_195 = math.absi %add3A_194 : i32
        %sub3A_196 = arith.constant 223 : i32
        %sub3A_197 = arith.subi %sub3A_196, %abs3A_195 : i32
        %abs3A_198 = math.absi %sub3A_197 : i32
        %sub3A_199 = arith.constant 223 : i32
        %sub3A_200 = arith.subi %sub3A_199, %abs3A_198 : i32
        %jit3A_201 = arith.constant 6 : i32
        %eq3A_202 = arith.constant 0 : i32
        %eq3A_203 = arith.cmpi eq, %jit3A_201, %eq3A_202 : i32
        %jit3A_204 = arith.constant 1 : i32
        %select_n3A_205 = arith.select %eq3A_203, %jit3A_204, %jit3A_201 : i32
        %rem3A_206 = arith.remsi %sub3A_200, %select_n3A_205 : i32
        %ne3A_207 = arith.constant 0 : i32
        %ne3A_208 = arith.cmpi ne, %rem3A_206, %ne3A_207 : i32
        %lt3A_209 = arith.constant 0 : i32
        %lt3A_210 = arith.cmpi slt, %rem3A_206, %lt3A_209 : i32
        %lt3A_211 = arith.constant 0 : i32
        %lt3A_212 = arith.cmpi slt, %select_n3A_205, %lt3A_211 : i32
        %ne3A_213 = arith.xori %lt3A_210, %lt3A_212 : i1
        %and3A_214 = arith.andi %ne3A_213, %ne3A_208 : i1
        %add3A_215 = arith.addi %rem3A_206, %select_n3A_205 : i32
        %select_n3A_216 = arith.select %and3A_214, %add3A_215, %rem3A_206 : i32
        %add3A_217 = arith.constant 1 : i32
        %add3A_218 = arith.addi %add3A_95, %add3A_217 : i32
        %abs3A_219 = math.absi %add3A_218 : i32
        %sub3A_220 = arith.constant 223 : i32
        %sub3A_221 = arith.subi %sub3A_220, %abs3A_219 : i32
        %abs3A_222 = math.absi %sub3A_221 : i32
        %sub3A_223 = arith.constant 223 : i32
        %sub3A_224 = arith.subi %sub3A_223, %abs3A_222 : i32
        %jit3A_225 = arith.constant 6 : i32
        %eq3A_226 = arith.constant 0 : i32
        %eq3A_227 = arith.cmpi eq, %jit3A_225, %eq3A_226 : i32
        %jit3A_228 = arith.constant 1 : i32
        %select_n3A_229 = arith.select %eq3A_227, %jit3A_228, %jit3A_225 : i32
        %rem3A_230 = arith.remsi %sub3A_224, %select_n3A_229 : i32
        %ne3A_231 = arith.constant 0 : i32
        %ne3A_232 = arith.cmpi ne, %rem3A_230, %ne3A_231 : i32
        %lt3A_233 = arith.constant 0 : i32
        %lt3A_234 = arith.cmpi slt, %rem3A_230, %lt3A_233 : i32
        %lt3A_235 = arith.constant 0 : i32
        %lt3A_236 = arith.cmpi slt, %select_n3A_229, %lt3A_235 : i32
        %ne3A_237 = arith.xori %lt3A_234, %lt3A_236 : i1
        %and3A_238 = arith.andi %ne3A_237, %ne3A_232 : i1
        %add3A_239 = arith.addi %rem3A_230, %select_n3A_229 : i32
        %select_n3A_240 = arith.select %and3A_238, %add3A_239, %rem3A_230 : i32
        %add3A_241 = arith.constant 2 : i32
        %add3A_242 = arith.addi %add3A_95, %add3A_241 : i32
        %abs3A_243 = math.absi %add3A_242 : i32
        %sub3A_244 = arith.constant 223 : i32
        %sub3A_245 = arith.subi %sub3A_244, %abs3A_243 : i32
        %abs3A_246 = math.absi %sub3A_245 : i32
        %sub3A_247 = arith.constant 223 : i32
        %sub3A_248 = arith.subi %sub3A_247, %abs3A_246 : i32
        %jit3A_249 = arith.constant 6 : i32
        %eq3A_250 = arith.constant 0 : i32
        %eq3A_251 = arith.cmpi eq, %jit3A_249, %eq3A_250 : i32
        %jit3A_252 = arith.constant 1 : i32
        %select_n3A_253 = arith.select %eq3A_251, %jit3A_252, %jit3A_249 : i32
        %rem3A_254 = arith.remsi %sub3A_248, %select_n3A_253 : i32
        %ne3A_255 = arith.constant 0 : i32
        %ne3A_256 = arith.cmpi ne, %rem3A_254, %ne3A_255 : i32
        %lt3A_257 = arith.constant 0 : i32
        %lt3A_258 = arith.cmpi slt, %rem3A_254, %lt3A_257 : i32
        %lt3A_259 = arith.constant 0 : i32
        %lt3A_260 = arith.cmpi slt, %select_n3A_253, %lt3A_259 : i32
        %ne3A_261 = arith.xori %lt3A_258, %lt3A_260 : i1
        %and3A_262 = arith.andi %ne3A_261, %ne3A_256 : i1
        %add3A_263 = arith.addi %rem3A_254, %select_n3A_253 : i32
        %select_n3A_264 = arith.select %and3A_262, %add3A_263, %rem3A_254 : i32
        %broadcast_in_dim3A = arith.constant 0.000000e+00 : f32
        %broadcast_in_dim3A_265 = vector.broadcast %broadcast_in_dim3A : f32 to vector<16xf32>
        %scan3A_266 = arith.constant 0 : i32
        %scan3A_267 = arith.constant 0 : i32
        %scan3A_268 = arith.constant 14 : i32
        %scan3A_269 = arith.addi %scan3A_267, %scan3A_268 : i32
        %scan3A_270 = arith.constant 1 : i32
        %scan3A_271 = scf.for %scan3A_312 = %scan3A_267 to %scan3A_269 step %scan3A_270 iter_args(%scan3A_313 = %scan3A_266) -> (i32)  : i32 {
          %mul3A_314 = arith.constant 16 : i32
          %mul3A_315 = arith.muli %scan3A_312, %mul3A_314 : i32
          %scan3A_316 = arith.constant 0 : i32
          %scan3A_317 = arith.constant 16 : i32
          %scan3A_318 = arith.addi %scan3A_316, %scan3A_317 : i32
          %scan3A_319 = arith.constant 1 : i32
          %scan3A_320:25 = scf.for %scan3A_596 = %scan3A_316 to %scan3A_318 step %scan3A_319 iter_args(%scan3A_597 = %broadcast_in_dim3A_265, %scan3A_598 = %broadcast_in_dim3A_265, %scan3A_599 = %broadcast_in_dim3A_265, %scan3A_600 = %broadcast_in_dim3A_265, %scan3A_601 = %broadcast_in_dim3A_265, %scan3A_602 = %broadcast_in_dim3A_265, %scan3A_603 = %broadcast_in_dim3A_265, %scan3A_604 = %broadcast_in_dim3A_265, %scan3A_605 = %broadcast_in_dim3A_265, %scan3A_606 = %broadcast_in_dim3A_265, %scan3A_607 = %broadcast_in_dim3A_265, %scan3A_608 = %broadcast_in_dim3A_265, %scan3A_609 = %broadcast_in_dim3A_265, %scan3A_610 = %broadcast_in_dim3A_265, %scan3A_611 = %broadcast_in_dim3A_265, %scan3A_612 = %broadcast_in_dim3A_265, %scan3A_613 = %broadcast_in_dim3A_265, %scan3A_614 = %broadcast_in_dim3A_265, %scan3A_615 = %broadcast_in_dim3A_265, %scan3A_616 = %broadcast_in_dim3A_265, %scan3A_617 = %broadcast_in_dim3A_265, %scan3A_618 = %broadcast_in_dim3A_265, %scan3A_619 = %broadcast_in_dim3A_265, %scan3A_620 = %broadcast_in_dim3A_265, %scan3A_621 = %broadcast_in_dim3A_265) -> (vector<16xf32>, vector<16xf32>, vector<16xf32>, vector<16xf32>, vector<16xf32>, vector<16xf32>, vector<16xf32>, vector<16xf32>, vector<16xf32>, vector<16xf32>, vector<16xf32>, vector<16xf32>, vector<16xf32>, vector<16xf32>, vector<16xf32>, vector<16xf32>, vector<16xf32>, vector<16xf32>, vector<16xf32>, vector<16xf32>, vector<16xf32>, vector<16xf32>, vector<16xf32>, vector<16xf32>, vector<16xf32>)  : i32 {
            %mul3A_622 = arith.constant 2 : i32
            %mul3A_623 = arith.muli %scan3A_596, %mul3A_622 : i32
            %add3A_624 = arith.constant 0 : i32
            %add3A_625 = arith.addi %mul3A_623, %add3A_624 : i32
            %get3A = arith.index_cast %select_n3A_111 : i32 to index
            %get3A_626 = arith.index_cast %add3A_625 : i32 to index
            %get3A_627 = arith.index_cast %mul3A_315 : i32 to index
            %get3A_628 = tpu.vector_load %arg8[%get3A, %get3A_626, %get3A_627] {strides = array<i32>} : memref<2x32x224xf32, #tpu.memory_space<vmem>>, vector<16xf32>,
            %add3A_629 = arith.constant 0 : i32
            %add3A_630 = arith.addi %mul3A_315, %add3A_629 : i32
            %add3A_631 = arith.constant 6 : i32
            %add3A_632 = arith.addi %add3A_630, %add3A_631 : i32
            %get3A_633 = arith.index_cast %select_n3A_168 : i32 to index
            %get3A_634 = arith.index_cast %add3A_625 : i32 to index
            %get3A_635 = arith.index_cast %add3A_632 : i32 to index
            %get3A_636 = tpu.vector_load %arg6[%get3A_633, %get3A_634, %get3A_635] {strides = array<i32>} : memref<6x32x236xf32, #tpu.memory_space<vmem>>, vector<16xf32>,
            %mul3A_637 = arith.mulf %get3A_628, %get3A_636 : vector<16xf32>
            %add3A_638 = arith.addf %scan3A_597, %mul3A_637 : vector<16xf32>
            %add3A_639 = arith.constant 1 : i32
            %add3A_640 = arith.addi %mul3A_315, %add3A_639 : i32
            %add3A_641 = arith.constant 6 : i32
            %add3A_642 = arith.addi %add3A_640, %add3A_641 : i32
            %get3A_643 = arith.index_cast %select_n3A_168 : i32 to index
            %get3A_644 = arith.index_cast %add3A_625 : i32 to index
            %get3A_645 = arith.index_cast %add3A_642 : i32 to index
            %get3A_646 = tpu.vector_load %arg6[%get3A_643, %get3A_644, %get3A_645] {strides = array<i32>} : memref<6x32x236xf32, #tpu.memory_space<vmem>>, vector<16xf32>,
            %mul3A_647 = arith.mulf %get3A_628, %get3A_646 : vector<16xf32>
            %add3A_648 = arith.addf %scan3A_598, %mul3A_647 : vector<16xf32>
            %add3A_649 = arith.constant 2 : i32
            %add3A_650 = arith.addi %mul3A_315, %add3A_649 : i32
            %add3A_651 = arith.constant 6 : i32
            %add3A_652 = arith.addi %add3A_650, %add3A_651 : i32
            %get3A_653 = arith.index_cast %select_n3A_168 : i32 to index
            %get3A_654 = arith.index_cast %add3A_625 : i32 to index
            %get3A_655 = arith.index_cast %add3A_652 : i32 to index
            %get3A_656 = tpu.vector_load %arg6[%get3A_653, %get3A_654, %get3A_655] {strides = array<i32>} : memref<6x32x236xf32, #tpu.memory_space<vmem>>, vector<16xf32>,
            %mul3A_657 = arith.mulf %get3A_628, %get3A_656 : vector<16xf32>
            %add3A_658 = arith.addf %scan3A_599, %mul3A_657 : vector<16xf32>
            %add3A_659 = arith.constant 3 : i32
            %add3A_660 = arith.addi %mul3A_315, %add3A_659 : i32
            %add3A_661 = arith.constant 6 : i32
            %add3A_662 = arith.addi %add3A_660, %add3A_661 : i32
            %get3A_663 = arith.index_cast %select_n3A_168 : i32 to index
            %get3A_664 = arith.index_cast %add3A_625 : i32 to index
            %get3A_665 = arith.index_cast %add3A_662 : i32 to index
            %get3A_666 = tpu.vector_load %arg6[%get3A_663, %get3A_664, %get3A_665] {strides = array<i32>} : memref<6x32x236xf32, #tpu.memory_space<vmem>>, vector<16xf32>,
            %mul3A_667 = arith.mulf %get3A_628, %get3A_666 : vector<16xf32>
            %add3A_668 = arith.addf %scan3A_600, %mul3A_667 : vector<16xf32>
            %add3A_669 = arith.constant 4 : i32
            %add3A_670 = arith.addi %mul3A_315, %add3A_669 : i32
            %add3A_671 = arith.constant 6 : i32
            %add3A_672 = arith.addi %add3A_670, %add3A_671 : i32
            %get3A_673 = arith.index_cast %select_n3A_168 : i32 to index
            %get3A_674 = arith.index_cast %add3A_625 : i32 to index
            %get3A_675 = arith.index_cast %add3A_672 : i32 to index
            %get3A_676 = tpu.vector_load %arg6[%get3A_673, %get3A_674, %get3A_675] {strides = array<i32>} : memref<6x32x236xf32, #tpu.memory_space<vmem>>, vector<16xf32>,
            %mul3A_677 = arith.mulf %get3A_628, %get3A_676 : vector<16xf32>
            %add3A_678 = arith.addf %scan3A_601, %mul3A_677 : vector<16xf32>
            %add3A_679 = arith.constant 0 : i32
            %add3A_680 = arith.addi %mul3A_315, %add3A_679 : i32
            %add3A_681 = arith.constant 6 : i32
            %add3A_682 = arith.addi %add3A_680, %add3A_681 : i32
            %get3A_683 = arith.index_cast %select_n3A_192 : i32 to index
            %get3A_684 = arith.index_cast %add3A_625 : i32 to index
            %get3A_685 = arith.index_cast %add3A_682 : i32 to index
            %get3A_686 = tpu.vector_load %arg6[%get3A_683, %get3A_684, %get3A_685] {strides = array<i32>} : memref<6x32x236xf32, #tpu.memory_space<vmem>>, vector<16xf32>,
            %mul3A_687 = arith.mulf %get3A_628, %get3A_686 : vector<16xf32>
            %add3A_688 = arith.addf %scan3A_602, %mul3A_687 : vector<16xf32>
            %add3A_689 = arith.constant 1 : i32
            %add3A_690 = arith.addi %mul3A_315, %add3A_689 : i32
            %add3A_691 = arith.constant 6 : i32
            %add3A_692 = arith.addi %add3A_690, %add3A_691 : i32
            %get3A_693 = arith.index_cast %select_n3A_192 : i32 to index
            %get3A_694 = arith.index_cast %add3A_625 : i32 to index
            %get3A_695 = arith.index_cast %add3A_692 : i32 to index
            %get3A_696 = tpu.vector_load %arg6[%get3A_693, %get3A_694, %get3A_695] {strides = array<i32>} : memref<6x32x236xf32, #tpu.memory_space<vmem>>, vector<16xf32>,
            %mul3A_697 = arith.mulf %get3A_628, %get3A_696 : vector<16xf32>
            %add3A_698 = arith.addf %scan3A_603, %mul3A_697 : vector<16xf32>
            %add3A_699 = arith.constant 2 : i32
            %add3A_700 = arith.addi %mul3A_315, %add3A_699 : i32
            %add3A_701 = arith.constant 6 : i32
            %add3A_702 = arith.addi %add3A_700, %add3A_701 : i32
            %get3A_703 = arith.index_cast %select_n3A_192 : i32 to index
            %get3A_704 = arith.index_cast %add3A_625 : i32 to index
            %get3A_705 = arith.index_cast %add3A_702 : i32 to index
            %get3A_706 = tpu.vector_load %arg6[%get3A_703, %get3A_704, %get3A_705] {strides = array<i32>} : memref<6x32x236xf32, #tpu.memory_space<vmem>>, vector<16xf32>,
            %mul3A_707 = arith.mulf %get3A_628, %get3A_706 : vector<16xf32>
            %add3A_708 = arith.addf %scan3A_604, %mul3A_707 : vector<16xf32>
            %add3A_709 = arith.constant 3 : i32
            %add3A_710 = arith.addi %mul3A_315, %add3A_709 : i32
            %add3A_711 = arith.constant 6 : i32
            %add3A_712 = arith.addi %add3A_710, %add3A_711 : i32
            %get3A_713 = arith.index_cast %select_n3A_192 : i32 to index
            %get3A_714 = arith.index_cast %add3A_625 : i32 to index
            %get3A_715 = arith.index_cast %add3A_712 : i32 to index
            %get3A_716 = tpu.vector_load %arg6[%get3A_713, %get3A_714, %get3A_715] {strides = array<i32>} : memref<6x32x236xf32, #tpu.memory_space<vmem>>, vector<16xf32>,
            %mul3A_717 = arith.mulf %get3A_628, %get3A_716 : vector<16xf32>
            %add3A_718 = arith.addf %scan3A_605, %mul3A_717 : vector<16xf32>
            %add3A_719 = arith.constant 4 : i32
            %add3A_720 = arith.addi %mul3A_315, %add3A_719 : i32
            %add3A_721 = arith.constant 6 : i32
            %add3A_722 = arith.addi %add3A_720, %add3A_721 : i32
            %get3A_723 = arith.index_cast %select_n3A_192 : i32 to index
            %get3A_724 = arith.index_cast %add3A_625 : i32 to index
            %get3A_725 = arith.index_cast %add3A_722 : i32 to index
            %get3A_726 = tpu.vector_load %arg6[%get3A_723, %get3A_724, %get3A_725] {strides = array<i32>} : memref<6x32x236xf32, #tpu.memory_space<vmem>>, vector<16xf32>,
            %mul3A_727 = arith.mulf %get3A_628, %get3A_726 : vector<16xf32>
            %add3A_728 = arith.addf %scan3A_606, %mul3A_727 : vector<16xf32>
            %add3A_729 = arith.constant 0 : i32
            %add3A_730 = arith.addi %mul3A_315, %add3A_729 : i32
            %add3A_731 = arith.constant 6 : i32
            %add3A_732 = arith.addi %add3A_730, %add3A_731 : i32
            %get3A_733 = arith.index_cast %select_n3A_216 : i32 to index
            %get3A_734 = arith.index_cast %add3A_625 : i32 to index
            %get3A_735 = arith.index_cast %add3A_732 : i32 to index
            %get3A_736 = tpu.vector_load %arg6[%get3A_733, %get3A_734, %get3A_735] {strides = array<i32>} : memref<6x32x236xf32, #tpu.memory_space<vmem>>, vector<16xf32>,
            %mul3A_737 = arith.mulf %get3A_628, %get3A_736 : vector<16xf32>
            %add3A_738 = arith.addf %scan3A_607, %mul3A_737 : vector<16xf32>
            %add3A_739 = arith.constant 1 : i32
            %add3A_740 = arith.addi %mul3A_315, %add3A_739 : i32
            %add3A_741 = arith.constant 6 : i32
            %add3A_742 = arith.addi %add3A_740, %add3A_741 : i32
            %get3A_743 = arith.index_cast %select_n3A_216 : i32 to index
            %get3A_744 = arith.index_cast %add3A_625 : i32 to index
            %get3A_745 = arith.index_cast %add3A_742 : i32 to index
            %get3A_746 = tpu.vector_load %arg6[%get3A_743, %get3A_744, %get3A_745] {strides = array<i32>} : memref<6x32x236xf32, #tpu.memory_space<vmem>>, vector<16xf32>,
            %mul3A_747 = arith.mulf %get3A_628, %get3A_746 : vector<16xf32>
            %add3A_748 = arith.addf %scan3A_608, %mul3A_747 : vector<16xf32>
            %add3A_749 = arith.constant 2 : i32
            %add3A_750 = arith.addi %mul3A_315, %add3A_749 : i32
            %add3A_751 = arith.constant 6 : i32
            %add3A_752 = arith.addi %add3A_750, %add3A_751 : i32
            %get3A_753 = arith.index_cast %select_n3A_216 : i32 to index
            %get3A_754 = arith.index_cast %add3A_625 : i32 to index
            %get3A_755 = arith.index_cast %add3A_752 : i32 to index
            %get3A_756 = tpu.vector_load %arg6[%get3A_753, %get3A_754, %get3A_755] {strides = array<i32>} : memref<6x32x236xf32, #tpu.memory_space<vmem>>, vector<16xf32>,
            %mul3A_757 = arith.mulf %get3A_628, %get3A_756 : vector<16xf32>
            %add3A_758 = arith.addf %scan3A_609, %mul3A_757 : vector<16xf32>
            %add3A_759 = arith.constant 3 : i32
            %add3A_760 = arith.addi %mul3A_315, %add3A_759 : i32
            %add3A_761 = arith.constant 6 : i32
            %add3A_762 = arith.addi %add3A_760, %add3A_761 : i32
            %get3A_763 = arith.index_cast %select_n3A_216 : i32 to index
            %get3A_764 = arith.index_cast %add3A_625 : i32 to index
            %get3A_765 = arith.index_cast %add3A_762 : i32 to index
            %get3A_766 = tpu.vector_load %arg6[%get3A_763, %get3A_764, %get3A_765] {strides = array<i32>} : memref<6x32x236xf32, #tpu.memory_space<vmem>>, vector<16xf32>,
            %mul3A_767 = arith.mulf %get3A_628, %get3A_766 : vector<16xf32>
            %add3A_768 = arith.addf %scan3A_610, %mul3A_767 : vector<16xf32>
            %add3A_769 = arith.constant 4 : i32
            %add3A_770 = arith.addi %mul3A_315, %add3A_769 : i32
            %add3A_771 = arith.constant 6 : i32
            %add3A_772 = arith.addi %add3A_770, %add3A_771 : i32
            %get3A_773 = arith.index_cast %select_n3A_216 : i32 to index
            %get3A_774 = arith.index_cast %add3A_625 : i32 to index
            %get3A_775 = arith.index_cast %add3A_772 : i32 to index
            %get3A_776 = tpu.vector_load %arg6[%get3A_773, %get3A_774, %get3A_775] {strides = array<i32>} : memref<6x32x236xf32, #tpu.memory_space<vmem>>, vector<16xf32>,
            %mul3A_777 = arith.mulf %get3A_628, %get3A_776 : vector<16xf32>
            %add3A_778 = arith.addf %scan3A_611, %mul3A_777 : vector<16xf32>
            %add3A_779 = arith.constant 0 : i32
            %add3A_780 = arith.addi %mul3A_315, %add3A_779 : i32
            %add3A_781 = arith.constant 6 : i32
            %add3A_782 = arith.addi %add3A_780, %add3A_781 : i32
            %get3A_783 = arith.index_cast %select_n3A_240 : i32 to index
            %get3A_784 = arith.index_cast %add3A_625 : i32 to index
            %get3A_785 = arith.index_cast %add3A_782 : i32 to index
            %get3A_786 = tpu.vector_load %arg6[%get3A_783, %get3A_784, %get3A_785] {strides = array<i32>} : memref<6x32x236xf32, #tpu.memory_space<vmem>>, vector<16xf32>,
            %mul3A_787 = arith.mulf %get3A_628, %get3A_786 : vector<16xf32>
            %add3A_788 = arith.addf %scan3A_612, %mul3A_787 : vector<16xf32>
            %add3A_789 = arith.constant 1 : i32
            %add3A_790 = arith.addi %mul3A_315, %add3A_789 : i32
            %add3A_791 = arith.constant 6 : i32
            %add3A_792 = arith.addi %add3A_790, %add3A_791 : i32
            %get3A_793 = arith.index_cast %select_n3A_240 : i32 to index
            %get3A_794 = arith.index_cast %add3A_625 : i32 to index
            %get3A_795 = arith.index_cast %add3A_792 : i32 to index
            %get3A_796 = tpu.vector_load %arg6[%get3A_793, %get3A_794, %get3A_795] {strides = array<i32>} : memref<6x32x236xf32, #tpu.memory_space<vmem>>, vector<16xf32>,
            %mul3A_797 = arith.mulf %get3A_628, %get3A_796 : vector<16xf32>
            %add3A_798 = arith.addf %scan3A_613, %mul3A_797 : vector<16xf32>
            %add3A_799 = arith.constant 2 : i32
            %add3A_800 = arith.addi %mul3A_315, %add3A_799 : i32
            %add3A_801 = arith.constant 6 : i32
            %add3A_802 = arith.addi %add3A_800, %add3A_801 : i32
            %get3A_803 = arith.index_cast %select_n3A_240 : i32 to index
            %get3A_804 = arith.index_cast %add3A_625 : i32 to index
            %get3A_805 = arith.index_cast %add3A_802 : i32 to index
            %get3A_806 = tpu.vector_load %arg6[%get3A_803, %get3A_804, %get3A_805] {strides = array<i32>} : memref<6x32x236xf32, #tpu.memory_space<vmem>>, vector<16xf32>,
            %mul3A_807 = arith.mulf %get3A_628, %get3A_806 : vector<16xf32>
            %add3A_808 = arith.addf %scan3A_614, %mul3A_807 : vector<16xf32>
            %add3A_809 = arith.constant 3 : i32
            %add3A_810 = arith.addi %mul3A_315, %add3A_809 : i32
            %add3A_811 = arith.constant 6 : i32
            %add3A_812 = arith.addi %add3A_810, %add3A_811 : i32
            %get3A_813 = arith.index_cast %select_n3A_240 : i32 to index
            %get3A_814 = arith.index_cast %add3A_625 : i32 to index
            %get3A_815 = arith.index_cast %add3A_812 : i32 to index
            %get3A_816 = tpu.vector_load %arg6[%get3A_813, %get3A_814, %get3A_815] {strides = array<i32>} : memref<6x32x236xf32, #tpu.memory_space<vmem>>, vector<16xf32>,
            %mul3A_817 = arith.mulf %get3A_628, %get3A_816 : vector<16xf32>
            %add3A_818 = arith.addf %scan3A_615, %mul3A_817 : vector<16xf32>
            %add3A_819 = arith.constant 4 : i32
            %add3A_820 = arith.addi %mul3A_315, %add3A_819 : i32
            %add3A_821 = arith.constant 6 : i32
            %add3A_822 = arith.addi %add3A_820, %add3A_821 : i32
            %get3A_823 = arith.index_cast %select_n3A_240 : i32 to index
            %get3A_824 = arith.index_cast %add3A_625 : i32 to index
            %get3A_825 = arith.index_cast %add3A_822 : i32 to index
            %get3A_826 = tpu.vector_load %arg6[%get3A_823, %get3A_824, %get3A_825] {strides = array<i32>} : memref<6x32x236xf32, #tpu.memory_space<vmem>>, vector<16xf32>,
            %mul3A_827 = arith.mulf %get3A_628, %get3A_826 : vector<16xf32>
            %add3A_828 = arith.addf %scan3A_616, %mul3A_827 : vector<16xf32>
            %add3A_829 = arith.constant 0 : i32
            %add3A_830 = arith.addi %mul3A_315, %add3A_829 : i32
            %add3A_831 = arith.constant 6 : i32
            %add3A_832 = arith.addi %add3A_830, %add3A_831 : i32
            %get3A_833 = arith.index_cast %select_n3A_264 : i32 to index
            %get3A_834 = arith.index_cast %add3A_625 : i32 to index
            %get3A_835 = arith.index_cast %add3A_832 : i32 to index
            %get3A_836 = tpu.vector_load %arg6[%get3A_833, %get3A_834, %get3A_835] {strides = array<i32>} : memref<6x32x236xf32, #tpu.memory_space<vmem>>, vector<16xf32>,
            %mul3A_837 = arith.mulf %get3A_628, %get3A_836 : vector<16xf32>
            %add3A_838 = arith.addf %scan3A_617, %mul3A_837 : vector<16xf32>
            %add3A_839 = arith.constant 1 : i32
            %add3A_840 = arith.addi %mul3A_315, %add3A_839 : i32
            %add3A_841 = arith.constant 6 : i32
            %add3A_842 = arith.addi %add3A_840, %add3A_841 : i32
            %get3A_843 = arith.index_cast %select_n3A_264 : i32 to index
            %get3A_844 = arith.index_cast %add3A_625 : i32 to index
            %get3A_845 = arith.index_cast %add3A_842 : i32 to index
            %get3A_846 = tpu.vector_load %arg6[%get3A_843, %get3A_844, %get3A_845] {strides = array<i32>} : memref<6x32x236xf32, #tpu.memory_space<vmem>>, vector<16xf32>,
            %mul3A_847 = arith.mulf %get3A_628, %get3A_846 : vector<16xf32>
            %add3A_848 = arith.addf %scan3A_618, %mul3A_847 : vector<16xf32>
            %add3A_849 = arith.constant 2 : i32
            %add3A_850 = arith.addi %mul3A_315, %add3A_849 : i32
            %add3A_851 = arith.constant 6 : i32
            %add3A_852 = arith.addi %add3A_850, %add3A_851 : i32
            %get3A_853 = arith.index_cast %select_n3A_264 : i32 to index
            %get3A_854 = arith.index_cast %add3A_625 : i32 to index
            %get3A_855 = arith.index_cast %add3A_852 : i32 to index
            %get3A_856 = tpu.vector_load %arg6[%get3A_853, %get3A_854, %get3A_855] {strides = array<i32>} : memref<6x32x236xf32, #tpu.memory_space<vmem>>, vector<16xf32>,
            %mul3A_857 = arith.mulf %get3A_628, %get3A_856 : vector<16xf32>
            %add3A_858 = arith.addf %scan3A_619, %mul3A_857 : vector<16xf32>
            %add3A_859 = arith.constant 3 : i32
            %add3A_860 = arith.addi %mul3A_315, %add3A_859 : i32
            %add3A_861 = arith.constant 6 : i32
            %add3A_862 = arith.addi %add3A_860, %add3A_861 : i32
            %get3A_863 = arith.index_cast %select_n3A_264 : i32 to index
            %get3A_864 = arith.index_cast %add3A_625 : i32 to index
            %get3A_865 = arith.index_cast %add3A_862 : i32 to index
            %get3A_866 = tpu.vector_load %arg6[%get3A_863, %get3A_864, %get3A_865] {strides = array<i32>} : memref<6x32x236xf32, #tpu.memory_space<vmem>>, vector<16xf32>,
            %mul3A_867 = arith.mulf %get3A_628, %get3A_866 : vector<16xf32>
            %add3A_868 = arith.addf %scan3A_620, %mul3A_867 : vector<16xf32>
            %add3A_869 = arith.constant 4 : i32
            %add3A_870 = arith.addi %mul3A_315, %add3A_869 : i32
            %add3A_871 = arith.constant 6 : i32
            %add3A_872 = arith.addi %add3A_870, %add3A_871 : i32
            %get3A_873 = arith.index_cast %select_n3A_264 : i32 to index
            %get3A_874 = arith.index_cast %add3A_625 : i32 to index
            %get3A_875 = arith.index_cast %add3A_872 : i32 to index
            %get3A_876 = tpu.vector_load %arg6[%get3A_873, %get3A_874, %get3A_875] {strides = array<i32>} : memref<6x32x236xf32, #tpu.memory_space<vmem>>, vector<16xf32>,
            %mul3A_877 = arith.mulf %get3A_628, %get3A_876 : vector<16xf32>
            %add3A_878 = arith.addf %scan3A_621, %mul3A_877 : vector<16xf32>
            %mul3A_879 = arith.constant 2 : i32
            %mul3A_880 = arith.muli %scan3A_596, %mul3A_879 : i32
            %add3A_881 = arith.constant 1 : i32
            %add3A_882 = arith.addi %mul3A_880, %add3A_881 : i32
            %get3A_883 = arith.index_cast %select_n3A_111 : i32 to index
            %get3A_884 = arith.index_cast %add3A_882 : i32 to index
            %get3A_885 = arith.index_cast %mul3A_315 : i32 to index
            %get3A_886 = tpu.vector_load %arg8[%get3A_883, %get3A_884, %get3A_885] {strides = array<i32>} : memref<2x32x224xf32, #tpu.memory_space<vmem>>, vector<16xf32>,
            %add3A_887 = arith.constant 0 : i32
            %add3A_888 = arith.addi %mul3A_315, %add3A_887 : i32
            %add3A_889 = arith.constant 6 : i32
            %add3A_890 = arith.addi %add3A_888, %add3A_889 : i32
            %get3A_891 = arith.index_cast %select_n3A_168 : i32 to index
            %get3A_892 = arith.index_cast %add3A_882 : i32 to index
            %get3A_893 = arith.index_cast %add3A_890 : i32 to index
            %get3A_894 = tpu.vector_load %arg6[%get3A_891, %get3A_892, %get3A_893] {strides = array<i32>} : memref<6x32x236xf32, #tpu.memory_space<vmem>>, vector<16xf32>,
            %mul3A_895 = arith.mulf %get3A_886, %get3A_894 : vector<16xf32>
            %add3A_896 = arith.addf %add3A_638, %mul3A_895 : vector<16xf32>
            %add3A_897 = arith.constant 1 : i32
            %add3A_898 = arith.addi %mul3A_315, %add3A_897 : i32
            %add3A_899 = arith.constant 6 : i32
            %add3A_900 = arith.addi %add3A_898, %add3A_899 : i32
            %get3A_901 = arith.index_cast %select_n3A_168 : i32 to index
            %get3A_902 = arith.index_cast %add3A_882 : i32 to index
            %get3A_903 = arith.index_cast %add3A_900 : i32 to index
            %get3A_904 = tpu.vector_load %arg6[%get3A_901, %get3A_902, %get3A_903] {strides = array<i32>} : memref<6x32x236xf32, #tpu.memory_space<vmem>>, vector<16xf32>,
            %mul3A_905 = arith.mulf %get3A_886, %get3A_904 : vector<16xf32>
            %add3A_906 = arith.addf %add3A_648, %mul3A_905 : vector<16xf32>
            %add3A_907 = arith.constant 2 : i32
            %add3A_908 = arith.addi %mul3A_315, %add3A_907 : i32
            %add3A_909 = arith.constant 6 : i32
            %add3A_910 = arith.addi %add3A_908, %add3A_909 : i32
            %get3A_911 = arith.index_cast %select_n3A_168 : i32 to index
            %get3A_912 = arith.index_cast %add3A_882 : i32 to index
            %get3A_913 = arith.index_cast %add3A_910 : i32 to index
            %get3A_914 = tpu.vector_load %arg6[%get3A_911, %get3A_912, %get3A_913] {strides = array<i32>} : memref<6x32x236xf32, #tpu.memory_space<vmem>>, vector<16xf32>,
            %mul3A_915 = arith.mulf %get3A_886, %get3A_914 : vector<16xf32>
            %add3A_916 = arith.addf %add3A_658, %mul3A_915 : vector<16xf32>
            %add3A_917 = arith.constant 3 : i32
            %add3A_918 = arith.addi %mul3A_315, %add3A_917 : i32
            %add3A_919 = arith.constant 6 : i32
            %add3A_920 = arith.addi %add3A_918, %add3A_919 : i32
            %get3A_921 = arith.index_cast %select_n3A_168 : i32 to index
            %get3A_922 = arith.index_cast %add3A_882 : i32 to index
            %get3A_923 = arith.index_cast %add3A_920 : i32 to index
            %get3A_924 = tpu.vector_load %arg6[%get3A_921, %get3A_922, %get3A_923] {strides = array<i32>} : memref<6x32x236xf32, #tpu.memory_space<vmem>>, vector<16xf32>,
            %mul3A_925 = arith.mulf %get3A_886, %get3A_924 : vector<16xf32>
            %add3A_926 = arith.addf %add3A_668, %mul3A_925 : vector<16xf32>
            %add3A_927 = arith.constant 4 : i32
            %add3A_928 = arith.addi %mul3A_315, %add3A_927 : i32
            %add3A_929 = arith.constant 6 : i32
            %add3A_930 = arith.addi %add3A_928, %add3A_929 : i32
            %get3A_931 = arith.index_cast %select_n3A_168 : i32 to index
            %get3A_932 = arith.index_cast %add3A_882 : i32 to index
            %get3A_933 = arith.index_cast %add3A_930 : i32 to index
            %get3A_934 = tpu.vector_load %arg6[%get3A_931, %get3A_932, %get3A_933] {strides = array<i32>} : memref<6x32x236xf32, #tpu.memory_space<vmem>>, vector<16xf32>,
            %mul3A_935 = arith.mulf %get3A_886, %get3A_934 : vector<16xf32>
            %add3A_936 = arith.addf %add3A_678, %mul3A_935 : vector<16xf32>
            %add3A_937 = arith.constant 0 : i32
            %add3A_938 = arith.addi %mul3A_315, %add3A_937 : i32
            %add3A_939 = arith.constant 6 : i32
            %add3A_940 = arith.addi %add3A_938, %add3A_939 : i32
            %get3A_941 = arith.index_cast %select_n3A_192 : i32 to index
            %get3A_942 = arith.index_cast %add3A_882 : i32 to index
            %get3A_943 = arith.index_cast %add3A_940 : i32 to index
            %get3A_944 = tpu.vector_load %arg6[%get3A_941, %get3A_942, %get3A_943] {strides = array<i32>} : memref<6x32x236xf32, #tpu.memory_space<vmem>>, vector<16xf32>,
            %mul3A_945 = arith.mulf %get3A_886, %get3A_944 : vector<16xf32>
            %add3A_946 = arith.addf %add3A_688, %mul3A_945 : vector<16xf32>
            %add3A_947 = arith.constant 1 : i32
            %add3A_948 = arith.addi %mul3A_315, %add3A_947 : i32
            %add3A_949 = arith.constant 6 : i32
            %add3A_950 = arith.addi %add3A_948, %add3A_949 : i32
            %get3A_951 = arith.index_cast %select_n3A_192 : i32 to index
            %get3A_952 = arith.index_cast %add3A_882 : i32 to index
            %get3A_953 = arith.index_cast %add3A_950 : i32 to index
            %get3A_954 = tpu.vector_load %arg6[%get3A_951, %get3A_952, %get3A_953] {strides = array<i32>} : memref<6x32x236xf32, #tpu.memory_space<vmem>>, vector<16xf32>,
            %mul3A_955 = arith.mulf %get3A_886, %get3A_954 : vector<16xf32>
            %add3A_956 = arith.addf %add3A_698, %mul3A_955 : vector<16xf32>
            %add3A_957 = arith.constant 2 : i32
            %add3A_958 = arith.addi %mul3A_315, %add3A_957 : i32
            %add3A_959 = arith.constant 6 : i32
            %add3A_960 = arith.addi %add3A_958, %add3A_959 : i32
            %get3A_961 = arith.index_cast %select_n3A_192 : i32 to index
            %get3A_962 = arith.index_cast %add3A_882 : i32 to index
            %get3A_963 = arith.index_cast %add3A_960 : i32 to index
            %get3A_964 = tpu.vector_load %arg6[%get3A_961, %get3A_962, %get3A_963] {strides = array<i32>} : memref<6x32x236xf32, #tpu.memory_space<vmem>>, vector<16xf32>,
            %mul3A_965 = arith.mulf %get3A_886, %get3A_964 : vector<16xf32>
            %add3A_966 = arith.addf %add3A_708, %mul3A_965 : vector<16xf32>
            %add3A_967 = arith.constant 3 : i32
            %add3A_968 = arith.addi %mul3A_315, %add3A_967 : i32
            %add3A_969 = arith.constant 6 : i32
            %add3A_970 = arith.addi %add3A_968, %add3A_969 : i32
            %get3A_971 = arith.index_cast %select_n3A_192 : i32 to index
            %get3A_972 = arith.index_cast %add3A_882 : i32 to index
            %get3A_973 = arith.index_cast %add3A_970 : i32 to index
            %get3A_974 = tpu.vector_load %arg6[%get3A_971, %get3A_972, %get3A_973] {strides = array<i32>} : memref<6x32x236xf32, #tpu.memory_space<vmem>>, vector<16xf32>,
            %mul3A_975 = arith.mulf %get3A_886, %get3A_974 : vector<16xf32>
            %add3A_976 = arith.addf %add3A_718, %mul3A_975 : vector<16xf32>
            %add3A_977 = arith.constant 4 : i32
            %add3A_978 = arith.addi %mul3A_315, %add3A_977 : i32
            %add3A_979 = arith.constant 6 : i32
            %add3A_980 = arith.addi %add3A_978, %add3A_979 : i32
            %get3A_981 = arith.index_cast %select_n3A_192 : i32 to index
            %get3A_982 = arith.index_cast %add3A_882 : i32 to index
            %get3A_983 = arith.index_cast %add3A_980 : i32 to index
            %get3A_984 = tpu.vector_load %arg6[%get3A_981, %get3A_982, %get3A_983] {strides = array<i32>} : memref<6x32x236xf32, #tpu.memory_space<vmem>>, vector<16xf32>,
            %mul3A_985 = arith.mulf %get3A_886, %get3A_984 : vector<16xf32>
            %add3A_986 = arith.addf %add3A_728, %mul3A_985 : vector<16xf32>
            %add3A_987 = arith.constant 0 : i32
            %add3A_988 = arith.addi %mul3A_315, %add3A_987 : i32
            %add3A_989 = arith.constant 6 : i32
            %add3A_990 = arith.addi %add3A_988, %add3A_989 : i32
            %get3A_991 = arith.index_cast %select_n3A_216 : i32 to index
            %get3A_992 = arith.index_cast %add3A_882 : i32 to index
            %get3A_993 = arith.index_cast %add3A_990 : i32 to index
            %get3A_994 = tpu.vector_load %arg6[%get3A_991, %get3A_992, %get3A_993] {strides = array<i32>} : memref<6x32x236xf32, #tpu.memory_space<vmem>>, vector<16xf32>,
            %mul3A_995 = arith.mulf %get3A_886, %get3A_994 : vector<16xf32>
            %add3A_996 = arith.addf %add3A_738, %mul3A_995 : vector<16xf32>
            %add3A_997 = arith.constant 1 : i32
            %add3A_998 = arith.addi %mul3A_315, %add3A_997 : i32
            %add3A_999 = arith.constant 6 : i32
            %add3A_1000 = arith.addi %add3A_998, %add3A_999 : i32
            %get3A_1001 = arith.index_cast %select_n3A_216 : i32 to index
            %get3A_1002 = arith.index_cast %add3A_882 : i32 to index
            %get3A_1003 = arith.index_cast %add3A_1000 : i32 to index
            %get3A_1004 = tpu.vector_load %arg6[%get3A_1001, %get3A_1002, %get3A_1003] {strides = array<i32>} : memref<6x32x236xf32, #tpu.memory_space<vmem>>, vector<16xf32>,
            %mul3A_1005 = arith.mulf %get3A_886, %get3A_1004 : vector<16xf32>
            %add3A_1006 = arith.addf %add3A_748, %mul3A_1005 : vector<16xf32>
            %add3A_1007 = arith.constant 2 : i32
            %add3A_1008 = arith.addi %mul3A_315, %add3A_1007 : i32
            %add3A_1009 = arith.constant 6 : i32
            %add3A_1010 = arith.addi %add3A_1008, %add3A_1009 : i32
            %get3A_1011 = arith.index_cast %select_n3A_216 : i32 to index
            %get3A_1012 = arith.index_cast %add3A_882 : i32 to index
            %get3A_1013 = arith.index_cast %add3A_1010 : i32 to index
            %get3A_1014 = tpu.vector_load %arg6[%get3A_1011, %get3A_1012, %get3A_1013] {strides = array<i32>} : memref<6x32x236xf32, #tpu.memory_space<vmem>>, vector<16xf32>,
            %mul3A_1015 = arith.mulf %get3A_886, %get3A_1014 : vector<16xf32>
            %add3A_1016 = arith.addf %add3A_758, %mul3A_1015 : vector<16xf32>
            %add3A_1017 = arith.constant 3 : i32
            %add3A_1018 = arith.addi %mul3A_315, %add3A_1017 : i32
            %add3A_1019 = arith.constant 6 : i32
            %add3A_1020 = arith.addi %add3A_1018, %add3A_1019 : i32
            %get3A_1021 = arith.index_cast %select_n3A_216 : i32 to index
            %get3A_1022 = arith.index_cast %add3A_882 : i32 to index
            %get3A_1023 = arith.index_cast %add3A_1020 : i32 to index
            %get3A_1024 = tpu.vector_load %arg6[%get3A_1021, %get3A_1022, %get3A_1023] {strides = array<i32>} : memref<6x32x236xf32, #tpu.memory_space<vmem>>, vector<16xf32>,
            %mul3A_1025 = arith.mulf %get3A_886, %get3A_1024 : vector<16xf32>
            %add3A_1026 = arith.addf %add3A_768, %mul3A_1025 : vector<16xf32>
            %add3A_1027 = arith.constant 4 : i32
            %add3A_1028 = arith.addi %mul3A_315, %add3A_1027 : i32
            %add3A_1029 = arith.constant 6 : i32
            %add3A_1030 = arith.addi %add3A_1028, %add3A_1029 : i32
            %get3A_1031 = arith.index_cast %select_n3A_216 : i32 to index
            %get3A_1032 = arith.index_cast %add3A_882 : i32 to index
            %get3A_1033 = arith.index_cast %add3A_1030 : i32 to index
            %get3A_1034 = tpu.vector_load %arg6[%get3A_1031, %get3A_1032, %get3A_1033] {strides = array<i32>} : memref<6x32x236xf32, #tpu.memory_space<vmem>>, vector<16xf32>,
            %mul3A_1035 = arith.mulf %get3A_886, %get3A_1034 : vector<16xf32>
            %add3A_1036 = arith.addf %add3A_778, %mul3A_1035 : vector<16xf32>
            %add3A_1037 = arith.constant 0 : i32
            %add3A_1038 = arith.addi %mul3A_315, %add3A_1037 : i32
            %add3A_1039 = arith.constant 6 : i32
            %add3A_1040 = arith.addi %add3A_1038, %add3A_1039 : i32
            %get3A_1041 = arith.index_cast %select_n3A_240 : i32 to index
            %get3A_1042 = arith.index_cast %add3A_882 : i32 to index
            %get3A_1043 = arith.index_cast %add3A_1040 : i32 to index
            %get3A_1044 = tpu.vector_load %arg6[%get3A_1041, %get3A_1042, %get3A_1043] {strides = array<i32>} : memref<6x32x236xf32, #tpu.memory_space<vmem>>, vector<16xf32>,
            %mul3A_1045 = arith.mulf %get3A_886, %get3A_1044 : vector<16xf32>
            %add3A_1046 = arith.addf %add3A_788, %mul3A_1045 : vector<16xf32>
            %add3A_1047 = arith.constant 1 : i32
            %add3A_1048 = arith.addi %mul3A_315, %add3A_1047 : i32
            %add3A_1049 = arith.constant 6 : i32
            %add3A_1050 = arith.addi %add3A_1048, %add3A_1049 : i32
            %get3A_1051 = arith.index_cast %select_n3A_240 : i32 to index
            %get3A_1052 = arith.index_cast %add3A_882 : i32 to index
            %get3A_1053 = arith.index_cast %add3A_1050 : i32 to index
            %get3A_1054 = tpu.vector_load %arg6[%get3A_1051, %get3A_1052, %get3A_1053] {strides = array<i32>} : memref<6x32x236xf32, #tpu.memory_space<vmem>>, vector<16xf32>,
            %mul3A_1055 = arith.mulf %get3A_886, %get3A_1054 : vector<16xf32>
            %add3A_1056 = arith.addf %add3A_798, %mul3A_1055 : vector<16xf32>
            %add3A_1057 = arith.constant 2 : i32
            %add3A_1058 = arith.addi %mul3A_315, %add3A_1057 : i32
            %add3A_1059 = arith.constant 6 : i32
            %add3A_1060 = arith.addi %add3A_1058, %add3A_1059 : i32
            %get3A_1061 = arith.index_cast %select_n3A_240 : i32 to index
            %get3A_1062 = arith.index_cast %add3A_882 : i32 to index
            %get3A_1063 = arith.index_cast %add3A_1060 : i32 to index
            %get3A_1064 = tpu.vector_load %arg6[%get3A_1061, %get3A_1062, %get3A_1063] {strides = array<i32>} : memref<6x32x236xf32, #tpu.memory_space<vmem>>, vector<16xf32>,
            %mul3A_1065 = arith.mulf %get3A_886, %get3A_1064 : vector<16xf32>
            %add3A_1066 = arith.addf %add3A_808, %mul3A_1065 : vector<16xf32>
            %add3A_1067 = arith.constant 3 : i32
            %add3A_1068 = arith.addi %mul3A_315, %add3A_1067 : i32
            %add3A_1069 = arith.constant 6 : i32
            %add3A_1070 = arith.addi %add3A_1068, %add3A_1069 : i32
            %get3A_1071 = arith.index_cast %select_n3A_240 : i32 to index
            %get3A_1072 = arith.index_cast %add3A_882 : i32 to index
            %get3A_1073 = arith.index_cast %add3A_1070 : i32 to index
            %get3A_1074 = tpu.vector_load %arg6[%get3A_1071, %get3A_1072, %get3A_1073] {strides = array<i32>} : memref<6x32x236xf32, #tpu.memory_space<vmem>>, vector<16xf32>,
            %mul3A_1075 = arith.mulf %get3A_886, %get3A_1074 : vector<16xf32>
            %add3A_1076 = arith.addf %add3A_818, %mul3A_1075 : vector<16xf32>
            %add3A_1077 = arith.constant 4 : i32
            %add3A_1078 = arith.addi %mul3A_315, %add3A_1077 : i32
            %add3A_1079 = arith.constant 6 : i32
            %add3A_1080 = arith.addi %add3A_1078, %add3A_1079 : i32
            %get3A_1081 = arith.index_cast %select_n3A_240 : i32 to index
            %get3A_1082 = arith.index_cast %add3A_882 : i32 to index
            %get3A_1083 = arith.index_cast %add3A_1080 : i32 to index
            %get3A_1084 = tpu.vector_load %arg6[%get3A_1081, %get3A_1082, %get3A_1083] {strides = array<i32>} : memref<6x32x236xf32, #tpu.memory_space<vmem>>, vector<16xf32>,
            %mul3A_1085 = arith.mulf %get3A_886, %get3A_1084 : vector<16xf32>
            %add3A_1086 = arith.addf %add3A_828, %mul3A_1085 : vector<16xf32>
            %add3A_1087 = arith.constant 0 : i32
            %add3A_1088 = arith.addi %mul3A_315, %add3A_1087 : i32
            %add3A_1089 = arith.constant 6 : i32
            %add3A_1090 = arith.addi %add3A_1088, %add3A_1089 : i32
            %get3A_1091 = arith.index_cast %select_n3A_264 : i32 to index
            %get3A_1092 = arith.index_cast %add3A_882 : i32 to index
            %get3A_1093 = arith.index_cast %add3A_1090 : i32 to index
            %get3A_1094 = tpu.vector_load %arg6[%get3A_1091, %get3A_1092, %get3A_1093] {strides = array<i32>} : memref<6x32x236xf32, #tpu.memory_space<vmem>>, vector<16xf32>,
            %mul3A_1095 = arith.mulf %get3A_886, %get3A_1094 : vector<16xf32>
            %add3A_1096 = arith.addf %add3A_838, %mul3A_1095 : vector<16xf32>
            %add3A_1097 = arith.constant 1 : i32
            %add3A_1098 = arith.addi %mul3A_315, %add3A_1097 : i32
            %add3A_1099 = arith.constant 6 : i32
            %add3A_1100 = arith.addi %add3A_1098, %add3A_1099 : i32
            %get3A_1101 = arith.index_cast %select_n3A_264 : i32 to index
            %get3A_1102 = arith.index_cast %add3A_882 : i32 to index
            %get3A_1103 = arith.index_cast %add3A_1100 : i32 to index
            %get3A_1104 = tpu.vector_load %arg6[%get3A_1101, %get3A_1102, %get3A_1103] {strides = array<i32>} : memref<6x32x236xf32, #tpu.memory_space<vmem>>, vector<16xf32>,
            %mul3A_1105 = arith.mulf %get3A_886, %get3A_1104 : vector<16xf32>
            %add3A_1106 = arith.addf %add3A_848, %mul3A_1105 : vector<16xf32>
            %add3A_1107 = arith.constant 2 : i32
            %add3A_1108 = arith.addi %mul3A_315, %add3A_1107 : i32
            %add3A_1109 = arith.constant 6 : i32
            %add3A_1110 = arith.addi %add3A_1108, %add3A_1109 : i32
            %get3A_1111 = arith.index_cast %select_n3A_264 : i32 to index
            %get3A_1112 = arith.index_cast %add3A_882 : i32 to index
            %get3A_1113 = arith.index_cast %add3A_1110 : i32 to index
            %get3A_1114 = tpu.vector_load %arg6[%get3A_1111, %get3A_1112, %get3A_1113] {strides = array<i32>} : memref<6x32x236xf32, #tpu.memory_space<vmem>>, vector<16xf32>,
            %mul3A_1115 = arith.mulf %get3A_886, %get3A_1114 : vector<16xf32>
            %add3A_1116 = arith.addf %add3A_858, %mul3A_1115 : vector<16xf32>
            %add3A_1117 = arith.constant 3 : i32
            %add3A_1118 = arith.addi %mul3A_315, %add3A_1117 : i32
            %add3A_1119 = arith.constant 6 : i32
            %add3A_1120 = arith.addi %add3A_1118, %add3A_1119 : i32
            %get3A_1121 = arith.index_cast %select_n3A_264 : i32 to index
            %get3A_1122 = arith.index_cast %add3A_882 : i32 to index
            %get3A_1123 = arith.index_cast %add3A_1120 : i32 to index
            %get3A_1124 = tpu.vector_load %arg6[%get3A_1121, %get3A_1122, %get3A_1123] {strides = array<i32>} : memref<6x32x236xf32, #tpu.memory_space<vmem>>, vector<16xf32>,
            %mul3A_1125 = arith.mulf %get3A_886, %get3A_1124 : vector<16xf32>
            %add3A_1126 = arith.addf %add3A_868, %mul3A_1125 : vector<16xf32>
            %add3A_1127 = arith.constant 4 : i32
            %add3A_1128 = arith.addi %mul3A_315, %add3A_1127 : i32
            %add3A_1129 = arith.constant 6 : i32
            %add3A_1130 = arith.addi %add3A_1128, %add3A_1129 : i32
            %get3A_1131 = arith.index_cast %select_n3A_264 : i32 to index
            %get3A_1132 = arith.index_cast %add3A_882 : i32 to index
            %get3A_1133 = arith.index_cast %add3A_1130 : i32 to index
            %get3A_1134 = tpu.vector_load %arg6[%get3A_1131, %get3A_1132, %get3A_1133] {strides = array<i32>} : memref<6x32x236xf32, #tpu.memory_space<vmem>>, vector<16xf32>,
            %mul3A_1135 = arith.mulf %get3A_886, %get3A_1134 : vector<16xf32>
            %add3A_1136 = arith.addf %add3A_878, %mul3A_1135 : vector<16xf32>
            scf.yield %add3A_896, %add3A_906, %add3A_916, %add3A_926, %add3A_936, %add3A_946, %add3A_956, %add3A_966, %add3A_976, %add3A_986, %add3A_996, %add3A_1006, %add3A_1016, %add3A_1026, %add3A_1036, %add3A_1046, %add3A_1056, %add3A_1066, %add3A_1076, %add3A_1086, %add3A_1096, %add3A_1106, %add3A_1116, %add3A_1126, %add3A_1136 : vector<16xf32>, vector<16xf32>, vector<16xf32>, vector<16xf32>, vector<16xf32>, vector<16xf32>, vector<16xf32>, vector<16xf32>, vector<16xf32>, vector<16xf32>, vector<16xf32>, vector<16xf32>, vector<16xf32>, vector<16xf32>, vector<16xf32>, vector<16xf32>, vector<16xf32>, vector<16xf32>, vector<16xf32>, vector<16xf32>, vector<16xf32>, vector<16xf32>, vector<16xf32>, vector<16xf32>, vector<16xf32>
          }
          %scan3A_321 = arith.constant 16 : i32
          %max3A = arith.maximumf %scan3A_320#0, %scan3A_320#1 : vector<16xf32>
          %max3A_322 = arith.maximumf %scan3A_320#2, %scan3A_320#3 : vector<16xf32>
          %max3A_323 = arith.maximumf %scan3A_320#4, %scan3A_320#5 : vector<16xf32>
          %max3A_324 = arith.maximumf %scan3A_320#6, %scan3A_320#7 : vector<16xf32>
          %max3A_325 = arith.maximumf %scan3A_320#8, %scan3A_320#9 : vector<16xf32>
          %max3A_326 = arith.maximumf %scan3A_320#10, %scan3A_320#11 : vector<16xf32>
          %max3A_327 = arith.maximumf %scan3A_320#12, %scan3A_320#13 : vector<16xf32>
          %max3A_328 = arith.maximumf %scan3A_320#14, %scan3A_320#15 : vector<16xf32>
          %max3A_329 = arith.maximumf %scan3A_320#16, %scan3A_320#17 : vector<16xf32>
          %max3A_330 = arith.maximumf %scan3A_320#18, %scan3A_320#19 : vector<16xf32>
          %max3A_331 = arith.maximumf %scan3A_320#20, %scan3A_320#21 : vector<16xf32>
          %max3A_332 = arith.maximumf %scan3A_320#22, %scan3A_320#23 : vector<16xf32>
          %max3A_333 = arith.maximumf %max3A, %max3A_322 : vector<16xf32>
          %max3A_334 = arith.maximumf %max3A_323, %max3A_324 : vector<16xf32>
          %max3A_335 = arith.maximumf %max3A_325, %max3A_326 : vector<16xf32>
          %max3A_336 = arith.maximumf %max3A_327, %max3A_328 : vector<16xf32>
          %max3A_337 = arith.maximumf %max3A_329, %max3A_330 : vector<16xf32>
          %max3A_338 = arith.maximumf %max3A_331, %max3A_332 : vector<16xf32>
          %max3A_339 = arith.maximumf %max3A_333, %max3A_334 : vector<16xf32>
          %max3A_340 = arith.maximumf %max3A_335, %max3A_336 : vector<16xf32>
          %max3A_341 = arith.maximumf %max3A_337, %max3A_338 : vector<16xf32>
          %max3A_342 = arith.maximumf %max3A_339, %max3A_340 : vector<16xf32>
          %max3A_343 = arith.maximumf %max3A_341, %scan3A_320#24 : vector<16xf32>
          %max3A_344 = arith.maximumf %max3A_342, %max3A_343 : vector<16xf32>
          %sub3A_345 = arith.subf %scan3A_320#0, %max3A_344 : vector<16xf32>
          %exp3A = math.exp %sub3A_345 : vector<16xf32>
          %sub3A_346 = arith.subf %scan3A_320#1, %max3A_344 : vector<16xf32>
          %exp3A_347 = math.exp %sub3A_346 : vector<16xf32>
          %sub3A_348 = arith.subf %scan3A_320#2, %max3A_344 : vector<16xf32>
          %exp3A_349 = math.exp %sub3A_348 : vector<16xf32>
          %sub3A_350 = arith.subf %scan3A_320#3, %max3A_344 : vector<16xf32>
          %exp3A_351 = math.exp %sub3A_350 : vector<16xf32>
          %sub3A_352 = arith.subf %scan3A_320#4, %max3A_344 : vector<16xf32>
          %exp3A_353 = math.exp %sub3A_352 : vector<16xf32>
          %sub3A_354 = arith.subf %scan3A_320#5, %max3A_344 : vector<16xf32>
          %exp3A_355 = math.exp %sub3A_354 : vector<16xf32>
          %sub3A_356 = arith.subf %scan3A_320#6, %max3A_344 : vector<16xf32>
          %exp3A_357 = math.exp %sub3A_356 : vector<16xf32>
          %sub3A_358 = arith.subf %scan3A_320#7, %max3A_344 : vector<16xf32>
          %exp3A_359 = math.exp %sub3A_358 : vector<16xf32>
          %sub3A_360 = arith.subf %scan3A_320#8, %max3A_344 : vector<16xf32>
          %exp3A_361 = math.exp %sub3A_360 : vector<16xf32>
          %sub3A_362 = arith.subf %scan3A_320#9, %max3A_344 : vector<16xf32>
          %exp3A_363 = math.exp %sub3A_362 : vector<16xf32>
          %sub3A_364 = arith.subf %scan3A_320#10, %max3A_344 : vector<16xf32>
          %exp3A_365 = math.exp %sub3A_364 : vector<16xf32>
          %sub3A_366 = arith.subf %scan3A_320#11, %max3A_344 : vector<16xf32>
          %exp3A_367 = math.exp %sub3A_366 : vector<16xf32>
          %sub3A_368 = arith.subf %scan3A_320#12, %max3A_344 : vector<16xf32>
          %exp3A_369 = math.exp %sub3A_368 : vector<16xf32>
          %sub3A_370 = arith.subf %scan3A_320#13, %max3A_344 : vector<16xf32>
          %exp3A_371 = math.exp %sub3A_370 : vector<16xf32>
          %sub3A_372 = arith.subf %scan3A_320#14, %max3A_344 : vector<16xf32>
          %exp3A_373 = math.exp %sub3A_372 : vector<16xf32>
          %sub3A_374 = arith.subf %scan3A_320#15, %max3A_344 : vector<16xf32>
          %exp3A_375 = math.exp %sub3A_374 : vector<16xf32>
          %sub3A_376 = arith.subf %scan3A_320#16, %max3A_344 : vector<16xf32>
          %exp3A_377 = math.exp %sub3A_376 : vector<16xf32>
          %sub3A_378 = arith.subf %scan3A_320#17, %max3A_344 : vector<16xf32>
          %exp3A_379 = math.exp %sub3A_378 : vector<16xf32>
          %sub3A_380 = arith.subf %scan3A_320#18, %max3A_344 : vector<16xf32>
          %exp3A_381 = math.exp %sub3A_380 : vector<16xf32>
          %sub3A_382 = arith.subf %scan3A_320#19, %max3A_344 : vector<16xf32>
          %exp3A_383 = math.exp %sub3A_382 : vector<16xf32>
          %sub3A_384 = arith.subf %scan3A_320#20, %max3A_344 : vector<16xf32>
          %exp3A_385 = math.exp %sub3A_384 : vector<16xf32>
          %sub3A_386 = arith.subf %scan3A_320#21, %max3A_344 : vector<16xf32>
          %exp3A_387 = math.exp %sub3A_386 : vector<16xf32>
          %sub3A_388 = arith.subf %scan3A_320#22, %max3A_344 : vector<16xf32>
          %exp3A_389 = math.exp %sub3A_388 : vector<16xf32>
          %sub3A_390 = arith.subf %scan3A_320#23, %max3A_344 : vector<16xf32>
          %exp3A_391 = math.exp %sub3A_390 : vector<16xf32>
          %sub3A_392 = arith.subf %scan3A_320#24, %max3A_344 : vector<16xf32>
          %exp3A_393 = math.exp %sub3A_392 : vector<16xf32>
          %add3A_394 = arith.addf %exp3A, %exp3A_347 : vector<16xf32>
          %add3A_395 = arith.addf %exp3A_349, %exp3A_351 : vector<16xf32>
          %add3A_396 = arith.addf %exp3A_353, %exp3A_355 : vector<16xf32>
          %add3A_397 = arith.addf %exp3A_357, %exp3A_359 : vector<16xf32>
          %add3A_398 = arith.addf %exp3A_361, %exp3A_363 : vector<16xf32>
          %add3A_399 = arith.addf %exp3A_365, %exp3A_367 : vector<16xf32>
          %add3A_400 = arith.addf %exp3A_369, %exp3A_371 : vector<16xf32>
          %add3A_401 = arith.addf %exp3A_373, %exp3A_375 : vector<16xf32>
          %add3A_402 = arith.addf %exp3A_377, %exp3A_379 : vector<16xf32>
          %add3A_403 = arith.addf %exp3A_381, %exp3A_383 : vector<16xf32>
          %add3A_404 = arith.addf %exp3A_385, %exp3A_387 : vector<16xf32>
          %add3A_405 = arith.addf %exp3A_389, %exp3A_391 : vector<16xf32>
          %add3A_406 = arith.addf %add3A_394, %add3A_395 : vector<16xf32>
          %add3A_407 = arith.addf %add3A_396, %add3A_397 : vector<16xf32>
          %add3A_408 = arith.addf %add3A_398, %add3A_399 : vector<16xf32>
          %add3A_409 = arith.addf %add3A_400, %add3A_401 : vector<16xf32>
          %add3A_410 = arith.addf %add3A_402, %add3A_403 : vector<16xf32>
          %add3A_411 = arith.addf %add3A_404, %add3A_405 : vector<16xf32>
          %add3A_412 = arith.addf %add3A_406, %add3A_407 : vector<16xf32>
          %add3A_413 = arith.addf %add3A_408, %add3A_409 : vector<16xf32>
          %add3A_414 = arith.addf %add3A_410, %add3A_411 : vector<16xf32>
          %add3A_415 = arith.addf %add3A_412, %add3A_413 : vector<16xf32>
          %add3A_416 = arith.addf %add3A_414, %exp3A_393 : vector<16xf32>
          %add3A_417 = arith.addf %add3A_415, %add3A_416 : vector<16xf32>
          %div3A_418 = arith.constant 1.000000e+00 : f32
          %div3A_419 = vector.broadcast %div3A_418 : f32 to vector<16xf32>
          %div3A_420 = arith.divf %div3A_419, %add3A_417 : vector<16xf32>
          %mul3A_421 = arith.mulf %exp3A, %div3A_420 : vector<16xf32>
          %add3A_422 = arith.constant 8 : i32
          %add3A_423 = arith.addi %mul3A_315, %add3A_422 : i32
          %swap3A = arith.constant 0 : i32
          %swap3A_424 = arith.index_cast %swap3A : i32 to index
          %swap3A_425 = arith.index_cast %add3A_423 : i32 to index
          %swap3A_426 = tpu.vector_load %arg10[%swap3A_424, %swap3A_425] {strides = array<i32>} : memref<25x248xf32, #tpu.memory_space<vmem>>, vector<16xf32>,
          tpu.vector_store %arg10[%swap3A_424, %swap3A_425], %mul3A_421 {strides = array<i32>} : memref<25x248xf32, #tpu.memory_space<vmem>>, vector<16xf32>,
          %mul3A_427 = arith.mulf %exp3A_347, %div3A_420 : vector<16xf32>
          %add3A_428 = arith.constant 8 : i32
          %add3A_429 = arith.addi %mul3A_315, %add3A_428 : i32
          %swap3A_430 = arith.constant 1 : i32
          %swap3A_431 = arith.index_cast %swap3A_430 : i32 to index
          %swap3A_432 = arith.index_cast %add3A_429 : i32 to index
          %swap3A_433 = tpu.vector_load %arg10[%swap3A_431, %swap3A_432] {strides = array<i32>} : memref<25x248xf32, #tpu.memory_space<vmem>>, vector<16xf32>,
          tpu.vector_store %arg10[%swap3A_431, %swap3A_432], %mul3A_427 {strides = array<i32>} : memref<25x248xf32, #tpu.memory_space<vmem>>, vector<16xf32>,
          %mul3A_434 = arith.mulf %exp3A_349, %div3A_420 : vector<16xf32>
          %add3A_435 = arith.constant 8 : i32
          %add3A_436 = arith.addi %mul3A_315, %add3A_435 : i32
          %swap3A_437 = arith.constant 2 : i32
          %swap3A_438 = arith.index_cast %swap3A_437 : i32 to index
          %swap3A_439 = arith.index_cast %add3A_436 : i32 to index
          %swap3A_440 = tpu.vector_load %arg10[%swap3A_438, %swap3A_439] {strides = array<i32>} : memref<25x248xf32, #tpu.memory_space<vmem>>, vector<16xf32>,
          tpu.vector_store %arg10[%swap3A_438, %swap3A_439], %mul3A_434 {strides = array<i32>} : memref<25x248xf32, #tpu.memory_space<vmem>>, vector<16xf32>,
          %mul3A_441 = arith.mulf %exp3A_351, %div3A_420 : vector<16xf32>
          %add3A_442 = arith.constant 8 : i32
          %add3A_443 = arith.addi %mul3A_315, %add3A_442 : i32
          %swap3A_444 = arith.constant 3 : i32
          %swap3A_445 = arith.index_cast %swap3A_444 : i32 to index
          %swap3A_446 = arith.index_cast %add3A_443 : i32 to index
          %swap3A_447 = tpu.vector_load %arg10[%swap3A_445, %swap3A_446] {strides = array<i32>} : memref<25x248xf32, #tpu.memory_space<vmem>>, vector<16xf32>,
          tpu.vector_store %arg10[%swap3A_445, %swap3A_446], %mul3A_441 {strides = array<i32>} : memref<25x248xf32, #tpu.memory_space<vmem>>, vector<16xf32>,
          %mul3A_448 = arith.mulf %exp3A_353, %div3A_420 : vector<16xf32>
          %add3A_449 = arith.constant 8 : i32
          %add3A_450 = arith.addi %mul3A_315, %add3A_449 : i32
          %swap3A_451 = arith.constant 4 : i32
          %swap3A_452 = arith.index_cast %swap3A_451 : i32 to index
          %swap3A_453 = arith.index_cast %add3A_450 : i32 to index
          %swap3A_454 = tpu.vector_load %arg10[%swap3A_452, %swap3A_453] {strides = array<i32>} : memref<25x248xf32, #tpu.memory_space<vmem>>, vector<16xf32>,
          tpu.vector_store %arg10[%swap3A_452, %swap3A_453], %mul3A_448 {strides = array<i32>} : memref<25x248xf32, #tpu.memory_space<vmem>>, vector<16xf32>,
          %mul3A_455 = arith.mulf %exp3A_355, %div3A_420 : vector<16xf32>
          %add3A_456 = arith.constant 8 : i32
          %add3A_457 = arith.addi %mul3A_315, %add3A_456 : i32
          %swap3A_458 = arith.constant 5 : i32
          %swap3A_459 = arith.index_cast %swap3A_458 : i32 to index
          %swap3A_460 = arith.index_cast %add3A_457 : i32 to index
          %swap3A_461 = tpu.vector_load %arg10[%swap3A_459, %swap3A_460] {strides = array<i32>} : memref<25x248xf32, #tpu.memory_space<vmem>>, vector<16xf32>,
          tpu.vector_store %arg10[%swap3A_459, %swap3A_460], %mul3A_455 {strides = array<i32>} : memref<25x248xf32, #tpu.memory_space<vmem>>, vector<16xf32>,
          %mul3A_462 = arith.mulf %exp3A_357, %div3A_420 : vector<16xf32>
          %add3A_463 = arith.constant 8 : i32
          %add3A_464 = arith.addi %mul3A_315, %add3A_463 : i32
          %swap3A_465 = arith.constant 6 : i32
          %swap3A_466 = arith.index_cast %swap3A_465 : i32 to index
          %swap3A_467 = arith.index_cast %add3A_464 : i32 to index
          %swap3A_468 = tpu.vector_load %arg10[%swap3A_466, %swap3A_467] {strides = array<i32>} : memref<25x248xf32, #tpu.memory_space<vmem>>, vector<16xf32>,
          tpu.vector_store %arg10[%swap3A_466, %swap3A_467], %mul3A_462 {strides = array<i32>} : memref<25x248xf32, #tpu.memory_space<vmem>>, vector<16xf32>,
          %mul3A_469 = arith.mulf %exp3A_359, %div3A_420 : vector<16xf32>
          %add3A_470 = arith.constant 8 : i32
          %add3A_471 = arith.addi %mul3A_315, %add3A_470 : i32
          %swap3A_472 = arith.constant 7 : i32
          %swap3A_473 = arith.index_cast %swap3A_472 : i32 to index
          %swap3A_474 = arith.index_cast %add3A_471 : i32 to index
          %swap3A_475 = tpu.vector_load %arg10[%swap3A_473, %swap3A_474] {strides = array<i32>} : memref<25x248xf32, #tpu.memory_space<vmem>>, vector<16xf32>,
          tpu.vector_store %arg10[%swap3A_473, %swap3A_474], %mul3A_469 {strides = array<i32>} : memref<25x248xf32, #tpu.memory_space<vmem>>, vector<16xf32>,
          %mul3A_476 = arith.mulf %exp3A_361, %div3A_420 : vector<16xf32>
          %add3A_477 = arith.constant 8 : i32
          %add3A_478 = arith.addi %mul3A_315, %add3A_477 : i32
          %swap3A_479 = arith.constant 8 : i32
          %swap3A_480 = arith.index_cast %swap3A_479 : i32 to index
          %swap3A_481 = arith.index_cast %add3A_478 : i32 to index
          %swap3A_482 = tpu.vector_load %arg10[%swap3A_480, %swap3A_481] {strides = array<i32>} : memref<25x248xf32, #tpu.memory_space<vmem>>, vector<16xf32>,
          tpu.vector_store %arg10[%swap3A_480, %swap3A_481], %mul3A_476 {strides = array<i32>} : memref<25x248xf32, #tpu.memory_space<vmem>>, vector<16xf32>,
          %mul3A_483 = arith.mulf %exp3A_363, %div3A_420 : vector<16xf32>
          %add3A_484 = arith.constant 8 : i32
          %add3A_485 = arith.addi %mul3A_315, %add3A_484 : i32
          %swap3A_486 = arith.constant 9 : i32
          %swap3A_487 = arith.index_cast %swap3A_486 : i32 to index
          %swap3A_488 = arith.index_cast %add3A_485 : i32 to index
          %swap3A_489 = tpu.vector_load %arg10[%swap3A_487, %swap3A_488] {strides = array<i32>} : memref<25x248xf32, #tpu.memory_space<vmem>>, vector<16xf32>,
          tpu.vector_store %arg10[%swap3A_487, %swap3A_488], %mul3A_483 {strides = array<i32>} : memref<25x248xf32, #tpu.memory_space<vmem>>, vector<16xf32>,
          %mul3A_490 = arith.mulf %exp3A_365, %div3A_420 : vector<16xf32>
          %add3A_491 = arith.constant 8 : i32
          %add3A_492 = arith.addi %mul3A_315, %add3A_491 : i32
          %swap3A_493 = arith.constant 10 : i32
          %swap3A_494 = arith.index_cast %swap3A_493 : i32 to index
          %swap3A_495 = arith.index_cast %add3A_492 : i32 to index
          %swap3A_496 = tpu.vector_load %arg10[%swap3A_494, %swap3A_495] {strides = array<i32>} : memref<25x248xf32, #tpu.memory_space<vmem>>, vector<16xf32>,
          tpu.vector_store %arg10[%swap3A_494, %swap3A_495], %mul3A_490 {strides = array<i32>} : memref<25x248xf32, #tpu.memory_space<vmem>>, vector<16xf32>,
          %mul3A_497 = arith.mulf %exp3A_367, %div3A_420 : vector<16xf32>
          %add3A_498 = arith.constant 8 : i32
          %add3A_499 = arith.addi %mul3A_315, %add3A_498 : i32
          %swap3A_500 = arith.constant 11 : i32
          %swap3A_501 = arith.index_cast %swap3A_500 : i32 to index
          %swap3A_502 = arith.index_cast %add3A_499 : i32 to index
          %swap3A_503 = tpu.vector_load %arg10[%swap3A_501, %swap3A_502] {strides = array<i32>} : memref<25x248xf32, #tpu.memory_space<vmem>>, vector<16xf32>,
          tpu.vector_store %arg10[%swap3A_501, %swap3A_502], %mul3A_497 {strides = array<i32>} : memref<25x248xf32, #tpu.memory_space<vmem>>, vector<16xf32>,
          %mul3A_504 = arith.mulf %exp3A_369, %div3A_420 : vector<16xf32>
          %add3A_505 = arith.constant 8 : i32
          %add3A_506 = arith.addi %mul3A_315, %add3A_505 : i32
          %swap3A_507 = arith.constant 12 : i32
          %swap3A_508 = arith.index_cast %swap3A_507 : i32 to index
          %swap3A_509 = arith.index_cast %add3A_506 : i32 to index
          %swap3A_510 = tpu.vector_load %arg10[%swap3A_508, %swap3A_509] {strides = array<i32>} : memref<25x248xf32, #tpu.memory_space<vmem>>, vector<16xf32>,
          tpu.vector_store %arg10[%swap3A_508, %swap3A_509], %mul3A_504 {strides = array<i32>} : memref<25x248xf32, #tpu.memory_space<vmem>>, vector<16xf32>,
          %mul3A_511 = arith.mulf %exp3A_371, %div3A_420 : vector<16xf32>
          %add3A_512 = arith.constant 8 : i32
          %add3A_513 = arith.addi %mul3A_315, %add3A_512 : i32
          %swap3A_514 = arith.constant 13 : i32
          %swap3A_515 = arith.index_cast %swap3A_514 : i32 to index
          %swap3A_516 = arith.index_cast %add3A_513 : i32 to index
          %swap3A_517 = tpu.vector_load %arg10[%swap3A_515, %swap3A_516] {strides = array<i32>} : memref<25x248xf32, #tpu.memory_space<vmem>>, vector<16xf32>,
          tpu.vector_store %arg10[%swap3A_515, %swap3A_516], %mul3A_511 {strides = array<i32>} : memref<25x248xf32, #tpu.memory_space<vmem>>, vector<16xf32>,
          %mul3A_518 = arith.mulf %exp3A_373, %div3A_420 : vector<16xf32>
          %add3A_519 = arith.constant 8 : i32
          %add3A_520 = arith.addi %mul3A_315, %add3A_519 : i32
          %swap3A_521 = arith.constant 14 : i32
          %swap3A_522 = arith.index_cast %swap3A_521 : i32 to index
          %swap3A_523 = arith.index_cast %add3A_520 : i32 to index
          %swap3A_524 = tpu.vector_load %arg10[%swap3A_522, %swap3A_523] {strides = array<i32>} : memref<25x248xf32, #tpu.memory_space<vmem>>, vector<16xf32>,
          tpu.vector_store %arg10[%swap3A_522, %swap3A_523], %mul3A_518 {strides = array<i32>} : memref<25x248xf32, #tpu.memory_space<vmem>>, vector<16xf32>,
          %mul3A_525 = arith.mulf %exp3A_375, %div3A_420 : vector<16xf32>
          %add3A_526 = arith.constant 8 : i32
          %add3A_527 = arith.addi %mul3A_315, %add3A_526 : i32
          %swap3A_528 = arith.constant 15 : i32
          %swap3A_529 = arith.index_cast %swap3A_528 : i32 to index
          %swap3A_530 = arith.index_cast %add3A_527 : i32 to index
          %swap3A_531 = tpu.vector_load %arg10[%swap3A_529, %swap3A_530] {strides = array<i32>} : memref<25x248xf32, #tpu.memory_space<vmem>>, vector<16xf32>,
          tpu.vector_store %arg10[%swap3A_529, %swap3A_530], %mul3A_525 {strides = array<i32>} : memref<25x248xf32, #tpu.memory_space<vmem>>, vector<16xf32>,
          %mul3A_532 = arith.mulf %exp3A_377, %div3A_420 : vector<16xf32>
          %add3A_533 = arith.constant 8 : i32
          %add3A_534 = arith.addi %mul3A_315, %add3A_533 : i32
          %swap3A_535 = arith.constant 16 : i32
          %swap3A_536 = arith.index_cast %swap3A_535 : i32 to index
          %swap3A_537 = arith.index_cast %add3A_534 : i32 to index
          %swap3A_538 = tpu.vector_load %arg10[%swap3A_536, %swap3A_537] {strides = array<i32>} : memref<25x248xf32, #tpu.memory_space<vmem>>, vector<16xf32>,
          tpu.vector_store %arg10[%swap3A_536, %swap3A_537], %mul3A_532 {strides = array<i32>} : memref<25x248xf32, #tpu.memory_space<vmem>>, vector<16xf32>,
          %mul3A_539 = arith.mulf %exp3A_379, %div3A_420 : vector<16xf32>
          %add3A_540 = arith.constant 8 : i32
          %add3A_541 = arith.addi %mul3A_315, %add3A_540 : i32
          %swap3A_542 = arith.constant 17 : i32
          %swap3A_543 = arith.index_cast %swap3A_542 : i32 to index
          %swap3A_544 = arith.index_cast %add3A_541 : i32 to index
          %swap3A_545 = tpu.vector_load %arg10[%swap3A_543, %swap3A_544] {strides = array<i32>} : memref<25x248xf32, #tpu.memory_space<vmem>>, vector<16xf32>,
          tpu.vector_store %arg10[%swap3A_543, %swap3A_544], %mul3A_539 {strides = array<i32>} : memref<25x248xf32, #tpu.memory_space<vmem>>, vector<16xf32>,
          %mul3A_546 = arith.mulf %exp3A_381, %div3A_420 : vector<16xf32>
          %add3A_547 = arith.constant 8 : i32
          %add3A_548 = arith.addi %mul3A_315, %add3A_547 : i32
          %swap3A_549 = arith.constant 18 : i32
          %swap3A_550 = arith.index_cast %swap3A_549 : i32 to index
          %swap3A_551 = arith.index_cast %add3A_548 : i32 to index
          %swap3A_552 = tpu.vector_load %arg10[%swap3A_550, %swap3A_551] {strides = array<i32>} : memref<25x248xf32, #tpu.memory_space<vmem>>, vector<16xf32>,
          tpu.vector_store %arg10[%swap3A_550, %swap3A_551], %mul3A_546 {strides = array<i32>} : memref<25x248xf32, #tpu.memory_space<vmem>>, vector<16xf32>,
          %mul3A_553 = arith.mulf %exp3A_383, %div3A_420 : vector<16xf32>
          %add3A_554 = arith.constant 8 : i32
          %add3A_555 = arith.addi %mul3A_315, %add3A_554 : i32
          %swap3A_556 = arith.constant 19 : i32
          %swap3A_557 = arith.index_cast %swap3A_556 : i32 to index
          %swap3A_558 = arith.index_cast %add3A_555 : i32 to index
          %swap3A_559 = tpu.vector_load %arg10[%swap3A_557, %swap3A_558] {strides = array<i32>} : memref<25x248xf32, #tpu.memory_space<vmem>>, vector<16xf32>,
          tpu.vector_store %arg10[%swap3A_557, %swap3A_558], %mul3A_553 {strides = array<i32>} : memref<25x248xf32, #tpu.memory_space<vmem>>, vector<16xf32>,
          %mul3A_560 = arith.mulf %exp3A_385, %div3A_420 : vector<16xf32>
          %add3A_561 = arith.constant 8 : i32
          %add3A_562 = arith.addi %mul3A_315, %add3A_561 : i32
          %swap3A_563 = arith.constant 20 : i32
          %swap3A_564 = arith.index_cast %swap3A_563 : i32 to index
          %swap3A_565 = arith.index_cast %add3A_562 : i32 to index
          %swap3A_566 = tpu.vector_load %arg10[%swap3A_564, %swap3A_565] {strides = array<i32>} : memref<25x248xf32, #tpu.memory_space<vmem>>, vector<16xf32>,
          tpu.vector_store %arg10[%swap3A_564, %swap3A_565], %mul3A_560 {strides = array<i32>} : memref<25x248xf32, #tpu.memory_space<vmem>>, vector<16xf32>,
          %mul3A_567 = arith.mulf %exp3A_387, %div3A_420 : vector<16xf32>
          %add3A_568 = arith.constant 8 : i32
          %add3A_569 = arith.addi %mul3A_315, %add3A_568 : i32
          %swap3A_570 = arith.constant 21 : i32
          %swap3A_571 = arith.index_cast %swap3A_570 : i32 to index
          %swap3A_572 = arith.index_cast %add3A_569 : i32 to index
          %swap3A_573 = tpu.vector_load %arg10[%swap3A_571, %swap3A_572] {strides = array<i32>} : memref<25x248xf32, #tpu.memory_space<vmem>>, vector<16xf32>,
          tpu.vector_store %arg10[%swap3A_571, %swap3A_572], %mul3A_567 {strides = array<i32>} : memref<25x248xf32, #tpu.memory_space<vmem>>, vector<16xf32>,
          %mul3A_574 = arith.mulf %exp3A_389, %div3A_420 : vector<16xf32>
          %add3A_575 = arith.constant 8 : i32
          %add3A_576 = arith.addi %mul3A_315, %add3A_575 : i32
          %swap3A_577 = arith.constant 22 : i32
          %swap3A_578 = arith.index_cast %swap3A_577 : i32 to index
          %swap3A_579 = arith.index_cast %add3A_576 : i32 to index
          %swap3A_580 = tpu.vector_load %arg10[%swap3A_578, %swap3A_579] {strides = array<i32>} : memref<25x248xf32, #tpu.memory_space<vmem>>, vector<16xf32>,
          tpu.vector_store %arg10[%swap3A_578, %swap3A_579], %mul3A_574 {strides = array<i32>} : memref<25x248xf32, #tpu.memory_space<vmem>>, vector<16xf32>,
          %mul3A_581 = arith.mulf %exp3A_391, %div3A_420 : vector<16xf32>
          %add3A_582 = arith.constant 8 : i32
          %add3A_583 = arith.addi %mul3A_315, %add3A_582 : i32
          %swap3A_584 = arith.constant 23 : i32
          %swap3A_585 = arith.index_cast %swap3A_584 : i32 to index
          %swap3A_586 = arith.index_cast %add3A_583 : i32 to index
          %swap3A_587 = tpu.vector_load %arg10[%swap3A_585, %swap3A_586] {strides = array<i32>} : memref<25x248xf32, #tpu.memory_space<vmem>>, vector<16xf32>,
          tpu.vector_store %arg10[%swap3A_585, %swap3A_586], %mul3A_581 {strides = array<i32>} : memref<25x248xf32, #tpu.memory_space<vmem>>, vector<16xf32>,
          %mul3A_588 = arith.mulf %exp3A_393, %div3A_420 : vector<16xf32>
          %add3A_589 = arith.constant 8 : i32
          %add3A_590 = arith.addi %mul3A_315, %add3A_589 : i32
          %swap3A_591 = arith.constant 24 : i32
          %swap3A_592 = arith.index_cast %swap3A_591 : i32 to index
          %swap3A_593 = arith.index_cast %add3A_590 : i32 to index
          %swap3A_594 = tpu.vector_load %arg10[%swap3A_592, %swap3A_593] {strides = array<i32>} : memref<25x248xf32, #tpu.memory_space<vmem>>, vector<16xf32>,
          tpu.vector_store %arg10[%swap3A_592, %swap3A_593], %mul3A_588 {strides = array<i32>} : memref<25x248xf32, #tpu.memory_space<vmem>>, vector<16xf32>,
          %scan3A_595 = arith.constant 0 : i32
          scf.yield %scan3A_595 : i32
        }
        %scan3A_272 = arith.constant 14 : i32
        %scan3A_273 = arith.constant 0 : i32
        %scan3A_274 = arith.constant 0 : i32
        %scan3A_275 = arith.constant 32 : i32
        %scan3A_276 = arith.addi %scan3A_274, %scan3A_275 : i32
        %scan3A_277 = arith.constant 1 : i32
        %scan3A_278 = scf.for %scan3A_312 = %scan3A_274 to %scan3A_276 step %scan3A_277 iter_args(%scan3A_313 = %scan3A_273) -> (i32)  : i32 {
          %swap3A = arith.index_cast %select_n3A_111 : i32 to index
          %swap3A_314 = arith.index_cast %scan3A_312 : i32 to index
          %swap3A_315 = arith.constant 0 : index
          %swap3A_316 = tpu.vector_load %arg9[%swap3A, %swap3A_314, %swap3A_315] {strides = array<i32>} : memref<2x32x248xf32, #tpu.memory_space<vmem>>, vector<16xf32>,
          tpu.vector_store %arg9[%swap3A, %swap3A_314, %swap3A_315], %broadcast_in_dim3A_265 {strides = array<i32>} : memref<2x32x248xf32, #tpu.memory_space<vmem>>, vector<16xf32>,
          %swap3A_317 = arith.index_cast %select_n3A_111 : i32 to index
          %swap3A_318 = arith.index_cast %scan3A_312 : i32 to index
          %swap3A_319 = arith.constant 16 : index
          %swap3A_320 = tpu.vector_load %arg9[%swap3A_317, %swap3A_318, %swap3A_319] {strides = array<i32>} : memref<2x32x248xf32, #tpu.memory_space<vmem>>, vector<16xf32>,
          tpu.vector_store %arg9[%swap3A_317, %swap3A_318, %swap3A_319], %broadcast_in_dim3A_265 {strides = array<i32>} : memref<2x32x248xf32, #tpu.memory_space<vmem>>, vector<16xf32>,
          %swap3A_321 = arith.index_cast %select_n3A_111 : i32 to index
          %swap3A_322 = arith.index_cast %scan3A_312 : i32 to index
          %swap3A_323 = arith.constant 32 : index
          %swap3A_324 = tpu.vector_load %arg9[%swap3A_321, %swap3A_322, %swap3A_323] {strides = array<i32>} : memref<2x32x248xf32, #tpu.memory_space<vmem>>, vector<16xf32>,
          tpu.vector_store %arg9[%swap3A_321, %swap3A_322, %swap3A_323], %broadcast_in_dim3A_265 {strides = array<i32>} : memref<2x32x248xf32, #tpu.memory_space<vmem>>, vector<16xf32>,
          %swap3A_325 = arith.index_cast %select_n3A_111 : i32 to index
          %swap3A_326 = arith.index_cast %scan3A_312 : i32 to index
          %swap3A_327 = arith.constant 48 : index
          %swap3A_328 = tpu.vector_load %arg9[%swap3A_325, %swap3A_326, %swap3A_327] {strides = array<i32>} : memref<2x32x248xf32, #tpu.memory_space<vmem>>, vector<16xf32>,
          tpu.vector_store %arg9[%swap3A_325, %swap3A_326, %swap3A_327], %broadcast_in_dim3A_265 {strides = array<i32>} : memref<2x32x248xf32, #tpu.memory_space<vmem>>, vector<16xf32>,
          %swap3A_329 = arith.index_cast %select_n3A_111 : i32 to index
          %swap3A_330 = arith.index_cast %scan3A_312 : i32 to index
          %swap3A_331 = arith.constant 64 : index
          %swap3A_332 = tpu.vector_load %arg9[%swap3A_329, %swap3A_330, %swap3A_331] {strides = array<i32>} : memref<2x32x248xf32, #tpu.memory_space<vmem>>, vector<16xf32>,
          tpu.vector_store %arg9[%swap3A_329, %swap3A_330, %swap3A_331], %broadcast_in_dim3A_265 {strides = array<i32>} : memref<2x32x248xf32, #tpu.memory_space<vmem>>, vector<16xf32>,
          %swap3A_333 = arith.index_cast %select_n3A_111 : i32 to index
          %swap3A_334 = arith.index_cast %scan3A_312 : i32 to index
          %swap3A_335 = arith.constant 80 : index
          %swap3A_336 = tpu.vector_load %arg9[%swap3A_333, %swap3A_334, %swap3A_335] {strides = array<i32>} : memref<2x32x248xf32, #tpu.memory_space<vmem>>, vector<16xf32>,
          tpu.vector_store %arg9[%swap3A_333, %swap3A_334, %swap3A_335], %broadcast_in_dim3A_265 {strides = array<i32>} : memref<2x32x248xf32, #tpu.memory_space<vmem>>, vector<16xf32>,
          %swap3A_337 = arith.index_cast %select_n3A_111 : i32 to index
          %swap3A_338 = arith.index_cast %scan3A_312 : i32 to index
          %swap3A_339 = arith.constant 96 : index
          %swap3A_340 = tpu.vector_load %arg9[%swap3A_337, %swap3A_338, %swap3A_339] {strides = array<i32>} : memref<2x32x248xf32, #tpu.memory_space<vmem>>, vector<16xf32>,
          tpu.vector_store %arg9[%swap3A_337, %swap3A_338, %swap3A_339], %broadcast_in_dim3A_265 {strides = array<i32>} : memref<2x32x248xf32, #tpu.memory_space<vmem>>, vector<16xf32>,
          %swap3A_341 = arith.index_cast %select_n3A_111 : i32 to index
          %swap3A_342 = arith.index_cast %scan3A_312 : i32 to index
          %swap3A_343 = arith.constant 112 : index
          %swap3A_344 = tpu.vector_load %arg9[%swap3A_341, %swap3A_342, %swap3A_343] {strides = array<i32>} : memref<2x32x248xf32, #tpu.memory_space<vmem>>, vector<16xf32>,
          tpu.vector_store %arg9[%swap3A_341, %swap3A_342, %swap3A_343], %broadcast_in_dim3A_265 {strides = array<i32>} : memref<2x32x248xf32, #tpu.memory_space<vmem>>, vector<16xf32>,
          %swap3A_345 = arith.index_cast %select_n3A_111 : i32 to index
          %swap3A_346 = arith.index_cast %scan3A_312 : i32 to index
          %swap3A_347 = arith.constant 128 : index
          %swap3A_348 = tpu.vector_load %arg9[%swap3A_345, %swap3A_346, %swap3A_347] {strides = array<i32>} : memref<2x32x248xf32, #tpu.memory_space<vmem>>, vector<16xf32>,
          tpu.vector_store %arg9[%swap3A_345, %swap3A_346, %swap3A_347], %broadcast_in_dim3A_265 {strides = array<i32>} : memref<2x32x248xf32, #tpu.memory_space<vmem>>, vector<16xf32>,
          %swap3A_349 = arith.index_cast %select_n3A_111 : i32 to index
          %swap3A_350 = arith.index_cast %scan3A_312 : i32 to index
          %swap3A_351 = arith.constant 144 : index
          %swap3A_352 = tpu.vector_load %arg9[%swap3A_349, %swap3A_350, %swap3A_351] {strides = array<i32>} : memref<2x32x248xf32, #tpu.memory_space<vmem>>, vector<16xf32>,
          tpu.vector_store %arg9[%swap3A_349, %swap3A_350, %swap3A_351], %broadcast_in_dim3A_265 {strides = array<i32>} : memref<2x32x248xf32, #tpu.memory_space<vmem>>, vector<16xf32>,
          %swap3A_353 = arith.index_cast %select_n3A_111 : i32 to index
          %swap3A_354 = arith.index_cast %scan3A_312 : i32 to index
          %swap3A_355 = arith.constant 160 : index
          %swap3A_356 = tpu.vector_load %arg9[%swap3A_353, %swap3A_354, %swap3A_355] {strides = array<i32>} : memref<2x32x248xf32, #tpu.memory_space<vmem>>, vector<16xf32>,
          tpu.vector_store %arg9[%swap3A_353, %swap3A_354, %swap3A_355], %broadcast_in_dim3A_265 {strides = array<i32>} : memref<2x32x248xf32, #tpu.memory_space<vmem>>, vector<16xf32>,
          %swap3A_357 = arith.index_cast %select_n3A_111 : i32 to index
          %swap3A_358 = arith.index_cast %scan3A_312 : i32 to index
          %swap3A_359 = arith.constant 176 : index
          %swap3A_360 = tpu.vector_load %arg9[%swap3A_357, %swap3A_358, %swap3A_359] {strides = array<i32>} : memref<2x32x248xf32, #tpu.memory_space<vmem>>, vector<16xf32>,
          tpu.vector_store %arg9[%swap3A_357, %swap3A_358, %swap3A_359], %broadcast_in_dim3A_265 {strides = array<i32>} : memref<2x32x248xf32, #tpu.memory_space<vmem>>, vector<16xf32>,
          %swap3A_361 = arith.index_cast %select_n3A_111 : i32 to index
          %swap3A_362 = arith.index_cast %scan3A_312 : i32 to index
          %swap3A_363 = arith.constant 192 : index
          %swap3A_364 = tpu.vector_load %arg9[%swap3A_361, %swap3A_362, %swap3A_363] {strides = array<i32>} : memref<2x32x248xf32, #tpu.memory_space<vmem>>, vector<16xf32>,
          tpu.vector_store %arg9[%swap3A_361, %swap3A_362, %swap3A_363], %broadcast_in_dim3A_265 {strides = array<i32>} : memref<2x32x248xf32, #tpu.memory_space<vmem>>, vector<16xf32>,
          %swap3A_365 = arith.index_cast %select_n3A_111 : i32 to index
          %swap3A_366 = arith.index_cast %scan3A_312 : i32 to index
          %swap3A_367 = arith.constant 208 : index
          %swap3A_368 = tpu.vector_load %arg9[%swap3A_365, %swap3A_366, %swap3A_367] {strides = array<i32>} : memref<2x32x248xf32, #tpu.memory_space<vmem>>, vector<16xf32>,
          tpu.vector_store %arg9[%swap3A_365, %swap3A_366, %swap3A_367], %broadcast_in_dim3A_265 {strides = array<i32>} : memref<2x32x248xf32, #tpu.memory_space<vmem>>, vector<16xf32>,
          %swap3A_369 = arith.index_cast %select_n3A_111 : i32 to index
          %swap3A_370 = arith.index_cast %scan3A_312 : i32 to index
          %swap3A_371 = arith.constant 224 : index
          %swap3A_372 = tpu.vector_load %arg9[%swap3A_369, %swap3A_370, %swap3A_371] {strides = array<i32>} : memref<2x32x248xf32, #tpu.memory_space<vmem>>, vector<16xf32>,
          tpu.vector_store %arg9[%swap3A_369, %swap3A_370, %swap3A_371], %broadcast_in_dim3A_265 {strides = array<i32>} : memref<2x32x248xf32, #tpu.memory_space<vmem>>, vector<16xf32>,
          %scan3A_373 = arith.constant 0 : i32
          scf.yield %scan3A_373 : i32
        }
        %scan3A_279 = arith.constant 32 : i32
        %scan3A_280 = arith.constant 0 : i32
        %scan3A_281 = arith.constant 0 : i32
        %scan3A_282 = arith.constant 15 : i32
        %scan3A_283 = arith.addi %scan3A_281, %scan3A_282 : i32
        %scan3A_284 = arith.constant 1 : i32
        %scan3A_285 = scf.for %scan3A_312 = %scan3A_281 to %scan3A_283 step %scan3A_284 iter_args(%scan3A_313 = %scan3A_280) -> (i32)  : i32 {
          %mul3A_314 = arith.constant 16 : i32
          %mul3A_315 = arith.muli %scan3A_312, %mul3A_314 : i32
          %add3A_316 = arith.constant 6 : i32
          %add3A_317 = arith.addi %add3A_316, %mul3A_315 : i32
          %add3A_318 = arith.constant 2 : i32
          %add3A_319 = arith.addi %add3A_317, %add3A_318 : i32
          %sub3A_320 = arith.constant 0 : i32
          %sub3A_321 = arith.subi %add3A_319, %sub3A_320 : i32
          %get3A = arith.constant 0 : i32
          %get3A_322 = arith.index_cast %get3A : i32 to index
          %get3A_323 = arith.index_cast %sub3A_321 : i32 to index
          %get3A_324 = tpu.vector_load %arg10[%get3A_322, %get3A_323] {strides = array<i32>} : memref<25x248xf32, #tpu.memory_space<vmem>>, vector<16xf32>,
          %add3A_325 = arith.constant 2 : i32
          %add3A_326 = arith.addi %add3A_317, %add3A_325 : i32
          %sub3A_327 = arith.constant 1 : i32
          %sub3A_328 = arith.subi %add3A_326, %sub3A_327 : i32
          %get3A_329 = arith.constant 1 : i32
          %get3A_330 = arith.index_cast %get3A_329 : i32 to index
          %get3A_331 = arith.index_cast %sub3A_328 : i32 to index
          %get3A_332 = tpu.vector_load %arg10[%get3A_330, %get3A_331] {strides = array<i32>} : memref<25x248xf32, #tpu.memory_space<vmem>>, vector<16xf32>,
          %add3A_333 = arith.constant 2 : i32
          %add3A_334 = arith.addi %add3A_317, %add3A_333 : i32
          %sub3A_335 = arith.constant 2 : i32
          %sub3A_336 = arith.subi %add3A_334, %sub3A_335 : i32
          %get3A_337 = arith.constant 2 : i32
          %get3A_338 = arith.index_cast %get3A_337 : i32 to index
          %get3A_339 = arith.index_cast %sub3A_336 : i32 to index
          %get3A_340 = tpu.vector_load %arg10[%get3A_338, %get3A_339] {strides = array<i32>} : memref<25x248xf32, #tpu.memory_space<vmem>>, vector<16xf32>,
          %add3A_341 = arith.constant 2 : i32
          %add3A_342 = arith.addi %add3A_317, %add3A_341 : i32
          %sub3A_343 = arith.constant 3 : i32
          %sub3A_344 = arith.subi %add3A_342, %sub3A_343 : i32
          %get3A_345 = arith.constant 3 : i32
          %get3A_346 = arith.index_cast %get3A_345 : i32 to index
          %get3A_347 = arith.index_cast %sub3A_344 : i32 to index
          %get3A_348 = tpu.vector_load %arg10[%get3A_346, %get3A_347] {strides = array<i32>} : memref<25x248xf32, #tpu.memory_space<vmem>>, vector<16xf32>,
          %add3A_349 = arith.constant 2 : i32
          %add3A_350 = arith.addi %add3A_317, %add3A_349 : i32
          %sub3A_351 = arith.constant 4 : i32
          %sub3A_352 = arith.subi %add3A_350, %sub3A_351 : i32
          %get3A_353 = arith.constant 4 : i32
          %get3A_354 = arith.index_cast %get3A_353 : i32 to index
          %get3A_355 = arith.index_cast %sub3A_352 : i32 to index
          %get3A_356 = tpu.vector_load %arg10[%get3A_354, %get3A_355] {strides = array<i32>} : memref<25x248xf32, #tpu.memory_space<vmem>>, vector<16xf32>,
          %add3A_357 = arith.constant 2 : i32
          %add3A_358 = arith.addi %add3A_317, %add3A_357 : i32
          %sub3A_359 = arith.constant 0 : i32
          %sub3A_360 = arith.subi %add3A_358, %sub3A_359 : i32
          %get3A_361 = arith.constant 5 : i32
          %get3A_362 = arith.index_cast %get3A_361 : i32 to index
          %get3A_363 = arith.index_cast %sub3A_360 : i32 to index
          %get3A_364 = tpu.vector_load %arg10[%get3A_362, %get3A_363] {strides = array<i32>} : memref<25x248xf32, #tpu.memory_space<vmem>>, vector<16xf32>,
          %add3A_365 = arith.constant 2 : i32
          %add3A_366 = arith.addi %add3A_317, %add3A_365 : i32
          %sub3A_367 = arith.constant 1 : i32
          %sub3A_368 = arith.subi %add3A_366, %sub3A_367 : i32
          %get3A_369 = arith.constant 6 : i32
          %get3A_370 = arith.index_cast %get3A_369 : i32 to index
          %get3A_371 = arith.index_cast %sub3A_368 : i32 to index
          %get3A_372 = tpu.vector_load %arg10[%get3A_370, %get3A_371] {strides = array<i32>} : memref<25x248xf32, #tpu.memory_space<vmem>>, vector<16xf32>,
          %add3A_373 = arith.constant 2 : i32
          %add3A_374 = arith.addi %add3A_317, %add3A_373 : i32
          %sub3A_375 = arith.constant 2 : i32
          %sub3A_376 = arith.subi %add3A_374, %sub3A_375 : i32
          %get3A_377 = arith.constant 7 : i32
          %get3A_378 = arith.index_cast %get3A_377 : i32 to index
          %get3A_379 = arith.index_cast %sub3A_376 : i32 to index
          %get3A_380 = tpu.vector_load %arg10[%get3A_378, %get3A_379] {strides = array<i32>} : memref<25x248xf32, #tpu.memory_space<vmem>>, vector<16xf32>,
          %add3A_381 = arith.constant 2 : i32
          %add3A_382 = arith.addi %add3A_317, %add3A_381 : i32
          %sub3A_383 = arith.constant 3 : i32
          %sub3A_384 = arith.subi %add3A_382, %sub3A_383 : i32
          %get3A_385 = arith.constant 8 : i32
          %get3A_386 = arith.index_cast %get3A_385 : i32 to index
          %get3A_387 = arith.index_cast %sub3A_384 : i32 to index
          %get3A_388 = tpu.vector_load %arg10[%get3A_386, %get3A_387] {strides = array<i32>} : memref<25x248xf32, #tpu.memory_space<vmem>>, vector<16xf32>,
          %add3A_389 = arith.constant 2 : i32
          %add3A_390 = arith.addi %add3A_317, %add3A_389 : i32
          %sub3A_391 = arith.constant 4 : i32
          %sub3A_392 = arith.subi %add3A_390, %sub3A_391 : i32
          %get3A_393 = arith.constant 9 : i32
          %get3A_394 = arith.index_cast %get3A_393 : i32 to index
          %get3A_395 = arith.index_cast %sub3A_392 : i32 to index
          %get3A_396 = tpu.vector_load %arg10[%get3A_394, %get3A_395] {strides = array<i32>} : memref<25x248xf32, #tpu.memory_space<vmem>>, vector<16xf32>,
          %add3A_397 = arith.constant 2 : i32
          %add3A_398 = arith.addi %add3A_317, %add3A_397 : i32
          %sub3A_399 = arith.constant 0 : i32
          %sub3A_400 = arith.subi %add3A_398, %sub3A_399 : i32
          %get3A_401 = arith.constant 10 : i32
          %get3A_402 = arith.index_cast %get3A_401 : i32 to index
          %get3A_403 = arith.index_cast %sub3A_400 : i32 to index
          %get3A_404 = tpu.vector_load %arg10[%get3A_402, %get3A_403] {strides = array<i32>} : memref<25x248xf32, #tpu.memory_space<vmem>>, vector<16xf32>,
          %add3A_405 = arith.constant 2 : i32
          %add3A_406 = arith.addi %add3A_317, %add3A_405 : i32
          %sub3A_407 = arith.constant 1 : i32
          %sub3A_408 = arith.subi %add3A_406, %sub3A_407 : i32
          %get3A_409 = arith.constant 11 : i32
          %get3A_410 = arith.index_cast %get3A_409 : i32 to index
          %get3A_411 = arith.index_cast %sub3A_408 : i32 to index
          %get3A_412 = tpu.vector_load %arg10[%get3A_410, %get3A_411] {strides = array<i32>} : memref<25x248xf32, #tpu.memory_space<vmem>>, vector<16xf32>,
          %add3A_413 = arith.constant 2 : i32
          %add3A_414 = arith.addi %add3A_317, %add3A_413 : i32
          %sub3A_415 = arith.constant 2 : i32
          %sub3A_416 = arith.subi %add3A_414, %sub3A_415 : i32
          %get3A_417 = arith.constant 12 : i32
          %get3A_418 = arith.index_cast %get3A_417 : i32 to index
          %get3A_419 = arith.index_cast %sub3A_416 : i32 to index
          %get3A_420 = tpu.vector_load %arg10[%get3A_418, %get3A_419] {strides = array<i32>} : memref<25x248xf32, #tpu.memory_space<vmem>>, vector<16xf32>,
          %add3A_421 = arith.constant 2 : i32
          %add3A_422 = arith.addi %add3A_317, %add3A_421 : i32
          %sub3A_423 = arith.constant 3 : i32
          %sub3A_424 = arith.subi %add3A_422, %sub3A_423 : i32
          %get3A_425 = arith.constant 13 : i32
          %get3A_426 = arith.index_cast %get3A_425 : i32 to index
          %get3A_427 = arith.index_cast %sub3A_424 : i32 to index
          %get3A_428 = tpu.vector_load %arg10[%get3A_426, %get3A_427] {strides = array<i32>} : memref<25x248xf32, #tpu.memory_space<vmem>>, vector<16xf32>,
          %add3A_429 = arith.constant 2 : i32
          %add3A_430 = arith.addi %add3A_317, %add3A_429 : i32
          %sub3A_431 = arith.constant 4 : i32
          %sub3A_432 = arith.subi %add3A_430, %sub3A_431 : i32
          %get3A_433 = arith.constant 14 : i32
          %get3A_434 = arith.index_cast %get3A_433 : i32 to index
          %get3A_435 = arith.index_cast %sub3A_432 : i32 to index
          %get3A_436 = tpu.vector_load %arg10[%get3A_434, %get3A_435] {strides = array<i32>} : memref<25x248xf32, #tpu.memory_space<vmem>>, vector<16xf32>,
          %add3A_437 = arith.constant 2 : i32
          %add3A_438 = arith.addi %add3A_317, %add3A_437 : i32
          %sub3A_439 = arith.constant 0 : i32
          %sub3A_440 = arith.subi %add3A_438, %sub3A_439 : i32
          %get3A_441 = arith.constant 15 : i32
          %get3A_442 = arith.index_cast %get3A_441 : i32 to index
          %get3A_443 = arith.index_cast %sub3A_440 : i32 to index
          %get3A_444 = tpu.vector_load %arg10[%get3A_442, %get3A_443] {strides = array<i32>} : memref<25x248xf32, #tpu.memory_space<vmem>>, vector<16xf32>,
          %add3A_445 = arith.constant 2 : i32
          %add3A_446 = arith.addi %add3A_317, %add3A_445 : i32
          %sub3A_447 = arith.constant 1 : i32
          %sub3A_448 = arith.subi %add3A_446, %sub3A_447 : i32
          %get3A_449 = arith.constant 16 : i32
          %get3A_450 = arith.index_cast %get3A_449 : i32 to index
          %get3A_451 = arith.index_cast %sub3A_448 : i32 to index
          %get3A_452 = tpu.vector_load %arg10[%get3A_450, %get3A_451] {strides = array<i32>} : memref<25x248xf32, #tpu.memory_space<vmem>>, vector<16xf32>,
          %add3A_453 = arith.constant 2 : i32
          %add3A_454 = arith.addi %add3A_317, %add3A_453 : i32
          %sub3A_455 = arith.constant 2 : i32
          %sub3A_456 = arith.subi %add3A_454, %sub3A_455 : i32
          %get3A_457 = arith.constant 17 : i32
          %get3A_458 = arith.index_cast %get3A_457 : i32 to index
          %get3A_459 = arith.index_cast %sub3A_456 : i32 to index
          %get3A_460 = tpu.vector_load %arg10[%get3A_458, %get3A_459] {strides = array<i32>} : memref<25x248xf32, #tpu.memory_space<vmem>>, vector<16xf32>,
          %add3A_461 = arith.constant 2 : i32
          %add3A_462 = arith.addi %add3A_317, %add3A_461 : i32
          %sub3A_463 = arith.constant 3 : i32
          %sub3A_464 = arith.subi %add3A_462, %sub3A_463 : i32
          %get3A_465 = arith.constant 18 : i32
          %get3A_466 = arith.index_cast %get3A_465 : i32 to index
          %get3A_467 = arith.index_cast %sub3A_464 : i32 to index
          %get3A_468 = tpu.vector_load %arg10[%get3A_466, %get3A_467] {strides = array<i32>} : memref<25x248xf32, #tpu.memory_space<vmem>>, vector<16xf32>,
          %add3A_469 = arith.constant 2 : i32
          %add3A_470 = arith.addi %add3A_317, %add3A_469 : i32
          %sub3A_471 = arith.constant 4 : i32
          %sub3A_472 = arith.subi %add3A_470, %sub3A_471 : i32
          %get3A_473 = arith.constant 19 : i32
          %get3A_474 = arith.index_cast %get3A_473 : i32 to index
          %get3A_475 = arith.index_cast %sub3A_472 : i32 to index
          %get3A_476 = tpu.vector_load %arg10[%get3A_474, %get3A_475] {strides = array<i32>} : memref<25x248xf32, #tpu.memory_space<vmem>>, vector<16xf32>,
          %add3A_477 = arith.constant 2 : i32
          %add3A_478 = arith.addi %add3A_317, %add3A_477 : i32
          %sub3A_479 = arith.constant 0 : i32
          %sub3A_480 = arith.subi %add3A_478, %sub3A_479 : i32
          %get3A_481 = arith.constant 20 : i32
          %get3A_482 = arith.index_cast %get3A_481 : i32 to index
          %get3A_483 = arith.index_cast %sub3A_480 : i32 to index
          %get3A_484 = tpu.vector_load %arg10[%get3A_482, %get3A_483] {strides = array<i32>} : memref<25x248xf32, #tpu.memory_space<vmem>>, vector<16xf32>,
          %add3A_485 = arith.constant 2 : i32
          %add3A_486 = arith.addi %add3A_317, %add3A_485 : i32
          %sub3A_487 = arith.constant 1 : i32
          %sub3A_488 = arith.subi %add3A_486, %sub3A_487 : i32
          %get3A_489 = arith.constant 21 : i32
          %get3A_490 = arith.index_cast %get3A_489 : i32 to index
          %get3A_491 = arith.index_cast %sub3A_488 : i32 to index
          %get3A_492 = tpu.vector_load %arg10[%get3A_490, %get3A_491] {strides = array<i32>} : memref<25x248xf32, #tpu.memory_space<vmem>>, vector<16xf32>,
          %add3A_493 = arith.constant 2 : i32
          %add3A_494 = arith.addi %add3A_317, %add3A_493 : i32
          %sub3A_495 = arith.constant 2 : i32
          %sub3A_496 = arith.subi %add3A_494, %sub3A_495 : i32
          %get3A_497 = arith.constant 22 : i32
          %get3A_498 = arith.index_cast %get3A_497 : i32 to index
          %get3A_499 = arith.index_cast %sub3A_496 : i32 to index
          %get3A_500 = tpu.vector_load %arg10[%get3A_498, %get3A_499] {strides = array<i32>} : memref<25x248xf32, #tpu.memory_space<vmem>>, vector<16xf32>,
          %add3A_501 = arith.constant 2 : i32
          %add3A_502 = arith.addi %add3A_317, %add3A_501 : i32
          %sub3A_503 = arith.constant 3 : i32
          %sub3A_504 = arith.subi %add3A_502, %sub3A_503 : i32
          %get3A_505 = arith.constant 23 : i32
          %get3A_506 = arith.index_cast %get3A_505 : i32 to index
          %get3A_507 = arith.index_cast %sub3A_504 : i32 to index
          %get3A_508 = tpu.vector_load %arg10[%get3A_506, %get3A_507] {strides = array<i32>} : memref<25x248xf32, #tpu.memory_space<vmem>>, vector<16xf32>,
          %add3A_509 = arith.constant 2 : i32
          %add3A_510 = arith.addi %add3A_317, %add3A_509 : i32
          %sub3A_511 = arith.constant 4 : i32
          %sub3A_512 = arith.subi %add3A_510, %sub3A_511 : i32
          %get3A_513 = arith.constant 24 : i32
          %get3A_514 = arith.index_cast %get3A_513 : i32 to index
          %get3A_515 = arith.index_cast %sub3A_512 : i32 to index
          %get3A_516 = tpu.vector_load %arg10[%get3A_514, %get3A_515] {strides = array<i32>} : memref<25x248xf32, #tpu.memory_space<vmem>>, vector<16xf32>,
          %scan3A_517 = arith.constant 0 : i32
          %scan3A_518 = arith.constant 0 : i32
          %scan3A_519 = arith.constant 32 : i32
          %scan3A_520 = arith.addi %scan3A_518, %scan3A_519 : i32
          %scan3A_521 = arith.constant 1 : i32
          %scan3A_522 = scf.for %scan3A_525 = %scan3A_518 to %scan3A_520 step %scan3A_521 iter_args(%scan3A_526 = %scan3A_517) -> (i32)  : i32 {
            %get3A_527 = arith.index_cast %select_n3A_168 : i32 to index
            %get3A_528 = arith.index_cast %scan3A_525 : i32 to index
            %get3A_529 = arith.index_cast %add3A_317 : i32 to index
            %get3A_530 = tpu.vector_load %arg7[%get3A_527, %get3A_528, %get3A_529] {strides = array<i32>} : memref<6x32x248xf32, #tpu.memory_space<vmem>>, vector<16xf32>,
            %get3A_531 = arith.index_cast %select_n3A_192 : i32 to index
            %get3A_532 = arith.index_cast %scan3A_525 : i32 to index
            %get3A_533 = arith.index_cast %add3A_317 : i32 to index
            %get3A_534 = tpu.vector_load %arg7[%get3A_531, %get3A_532, %get3A_533] {strides = array<i32>} : memref<6x32x248xf32, #tpu.memory_space<vmem>>, vector<16xf32>,
            %get3A_535 = arith.index_cast %select_n3A_216 : i32 to index
            %get3A_536 = arith.index_cast %scan3A_525 : i32 to index
            %get3A_537 = arith.index_cast %add3A_317 : i32 to index
            %get3A_538 = tpu.vector_load %arg7[%get3A_535, %get3A_536, %get3A_537] {strides = array<i32>} : memref<6x32x248xf32, #tpu.memory_space<vmem>>, vector<16xf32>,
            %get3A_539 = arith.index_cast %select_n3A_240 : i32 to index
            %get3A_540 = arith.index_cast %scan3A_525 : i32 to index
            %get3A_541 = arith.index_cast %add3A_317 : i32 to index
            %get3A_542 = tpu.vector_load %arg7[%get3A_539, %get3A_540, %get3A_541] {strides = array<i32>} : memref<6x32x248xf32, #tpu.memory_space<vmem>>, vector<16xf32>,
            %get3A_543 = arith.index_cast %select_n3A_264 : i32 to index
            %get3A_544 = arith.index_cast %scan3A_525 : i32 to index
            %get3A_545 = arith.index_cast %add3A_317 : i32 to index
            %get3A_546 = tpu.vector_load %arg7[%get3A_543, %get3A_544, %get3A_545] {strides = array<i32>} : memref<6x32x248xf32, #tpu.memory_space<vmem>>, vector<16xf32>,
            %mul3A_547 = arith.mulf %get3A_324, %get3A_530 : vector<16xf32>
            %mul3A_548 = arith.mulf %get3A_364, %get3A_534 : vector<16xf32>
            %mul3A_549 = arith.mulf %get3A_404, %get3A_538 : vector<16xf32>
            %mul3A_550 = arith.mulf %get3A_444, %get3A_542 : vector<16xf32>
            %mul3A_551 = arith.mulf %get3A_484, %get3A_546 : vector<16xf32>
            %add3A_552 = arith.addf %mul3A_547, %mul3A_548 : vector<16xf32>
            %add3A_553 = arith.addf %mul3A_549, %mul3A_550 : vector<16xf32>
            %add3A_554 = arith.addf %add3A_552, %add3A_553 : vector<16xf32>
            %add3A_555 = arith.addf %add3A_554, %mul3A_551 : vector<16xf32>
            %add3A_556 = arith.constant 2 : i32
            %add3A_557 = arith.addi %add3A_317, %add3A_556 : i32
            %sub3A_558 = arith.constant 0 : i32
            %sub3A_559 = arith.subi %add3A_557, %sub3A_558 : i32
            %swap3A = arith.index_cast %select_n3A_111 : i32 to index
            %swap3A_560 = arith.index_cast %scan3A_525 : i32 to index
            %swap3A_561 = arith.index_cast %sub3A_559 : i32 to index
            %swap3A_562 = tpu.vector_load %arg9[%swap3A, %swap3A_560, %swap3A_561] {strides = array<i32>} : memref<2x32x248xf32, #tpu.memory_space<vmem>>, vector<16xf32>,
            tpu.vector_store %arg9[%swap3A, %swap3A_560, %swap3A_561], %add3A_555 {add = true, strides = array<i32>} : memref<2x32x248xf32, #tpu.memory_space<vmem>>, vector<16xf32>,
            %mul3A_563 = arith.mulf %get3A_332, %get3A_530 : vector<16xf32>
            %mul3A_564 = arith.mulf %get3A_372, %get3A_534 : vector<16xf32>
            %mul3A_565 = arith.mulf %get3A_412, %get3A_538 : vector<16xf32>
            %mul3A_566 = arith.mulf %get3A_452, %get3A_542 : vector<16xf32>
            %mul3A_567 = arith.mulf %get3A_492, %get3A_546 : vector<16xf32>
            %add3A_568 = arith.addf %mul3A_563, %mul3A_564 : vector<16xf32>
            %add3A_569 = arith.addf %mul3A_565, %mul3A_566 : vector<16xf32>
            %add3A_570 = arith.addf %add3A_568, %add3A_569 : vector<16xf32>
            %add3A_571 = arith.addf %add3A_570, %mul3A_567 : vector<16xf32>
            %add3A_572 = arith.constant 2 : i32
            %add3A_573 = arith.addi %add3A_317, %add3A_572 : i32
            %sub3A_574 = arith.constant 1 : i32
            %sub3A_575 = arith.subi %add3A_573, %sub3A_574 : i32
            %swap3A_576 = arith.index_cast %select_n3A_111 : i32 to index
            %swap3A_577 = arith.index_cast %scan3A_525 : i32 to index
            %swap3A_578 = arith.index_cast %sub3A_575 : i32 to index
            %swap3A_579 = tpu.vector_load %arg9[%swap3A_576, %swap3A_577, %swap3A_578] {strides = array<i32>} : memref<2x32x248xf32, #tpu.memory_space<vmem>>, vector<16xf32>,
            tpu.vector_store %arg9[%swap3A_576, %swap3A_577, %swap3A_578], %add3A_571 {add = true, strides = array<i32>} : memref<2x32x248xf32, #tpu.memory_space<vmem>>, vector<16xf32>,
            %mul3A_580 = arith.mulf %get3A_340, %get3A_530 : vector<16xf32>
            %mul3A_581 = arith.mulf %get3A_380, %get3A_534 : vector<16xf32>
            %mul3A_582 = arith.mulf %get3A_420, %get3A_538 : vector<16xf32>
            %mul3A_583 = arith.mulf %get3A_460, %get3A_542 : vector<16xf32>
            %mul3A_584 = arith.mulf %get3A_500, %get3A_546 : vector<16xf32>
            %add3A_585 = arith.addf %mul3A_580, %mul3A_581 : vector<16xf32>
            %add3A_586 = arith.addf %mul3A_582, %mul3A_583 : vector<16xf32>
            %add3A_587 = arith.addf %add3A_585, %add3A_586 : vector<16xf32>
            %add3A_588 = arith.addf %add3A_587, %mul3A_584 : vector<16xf32>
            %add3A_589 = arith.constant 2 : i32
            %add3A_590 = arith.addi %add3A_317, %add3A_589 : i32
            %sub3A_591 = arith.constant 2 : i32
            %sub3A_592 = arith.subi %add3A_590, %sub3A_591 : i32
            %swap3A_593 = arith.index_cast %select_n3A_111 : i32 to index
            %swap3A_594 = arith.index_cast %scan3A_525 : i32 to index
            %swap3A_595 = arith.index_cast %sub3A_592 : i32 to index
            %swap3A_596 = tpu.vector_load %arg9[%swap3A_593, %swap3A_594, %swap3A_595] {strides = array<i32>} : memref<2x32x248xf32, #tpu.memory_space<vmem>>, vector<16xf32>,
            tpu.vector_store %arg9[%swap3A_593, %swap3A_594, %swap3A_595], %add3A_588 {add = true, strides = array<i32>} : memref<2x32x248xf32, #tpu.memory_space<vmem>>, vector<16xf32>,
            %mul3A_597 = arith.mulf %get3A_348, %get3A_530 : vector<16xf32>
            %mul3A_598 = arith.mulf %get3A_388, %get3A_534 : vector<16xf32>
            %mul3A_599 = arith.mulf %get3A_428, %get3A_538 : vector<16xf32>
            %mul3A_600 = arith.mulf %get3A_468, %get3A_542 : vector<16xf32>
            %mul3A_601 = arith.mulf %get3A_508, %get3A_546 : vector<16xf32>
            %add3A_602 = arith.addf %mul3A_597, %mul3A_598 : vector<16xf32>
            %add3A_603 = arith.addf %mul3A_599, %mul3A_600 : vector<16xf32>
            %add3A_604 = arith.addf %add3A_602, %add3A_603 : vector<16xf32>
            %add3A_605 = arith.addf %add3A_604, %mul3A_601 : vector<16xf32>
            %add3A_606 = arith.constant 2 : i32
            %add3A_607 = arith.addi %add3A_317, %add3A_606 : i32
            %sub3A_608 = arith.constant 3 : i32
            %sub3A_609 = arith.subi %add3A_607, %sub3A_608 : i32
            %swap3A_610 = arith.index_cast %select_n3A_111 : i32 to index
            %swap3A_611 = arith.index_cast %scan3A_525 : i32 to index
            %swap3A_612 = arith.index_cast %sub3A_609 : i32 to index
            %swap3A_613 = tpu.vector_load %arg9[%swap3A_610, %swap3A_611, %swap3A_612] {strides = array<i32>} : memref<2x32x248xf32, #tpu.memory_space<vmem>>, vector<16xf32>,
            tpu.vector_store %arg9[%swap3A_610, %swap3A_611, %swap3A_612], %add3A_605 {add = true, strides = array<i32>} : memref<2x32x248xf32, #tpu.memory_space<vmem>>, vector<16xf32>,
            %mul3A_614 = arith.mulf %get3A_356, %get3A_530 : vector<16xf32>
            %mul3A_615 = arith.mulf %get3A_396, %get3A_534 : vector<16xf32>
            %mul3A_616 = arith.mulf %get3A_436, %get3A_538 : vector<16xf32>
            %mul3A_617 = arith.mulf %get3A_476, %get3A_542 : vector<16xf32>
            %mul3A_618 = arith.mulf %get3A_516, %get3A_546 : vector<16xf32>
            %add3A_619 = arith.addf %mul3A_614, %mul3A_615 : vector<16xf32>
            %add3A_620 = arith.addf %mul3A_616, %mul3A_617 : vector<16xf32>
            %add3A_621 = arith.addf %add3A_619, %add3A_620 : vector<16xf32>
            %add3A_622 = arith.addf %add3A_621, %mul3A_618 : vector<16xf32>
            %add3A_623 = arith.constant 2 : i32
            %add3A_624 = arith.addi %add3A_317, %add3A_623 : i32
            %sub3A_625 = arith.constant 4 : i32
            %sub3A_626 = arith.subi %add3A_624, %sub3A_625 : i32
            %swap3A_627 = arith.index_cast %select_n3A_111 : i32 to index
            %swap3A_628 = arith.index_cast %scan3A_525 : i32 to index
            %swap3A_629 = arith.index_cast %sub3A_626 : i32 to index
            %swap3A_630 = tpu.vector_load %arg9[%swap3A_627, %swap3A_628, %swap3A_629] {strides = array<i32>} : memref<2x32x248xf32, #tpu.memory_space<vmem>>, vector<16xf32>,
            tpu.vector_store %arg9[%swap3A_627, %swap3A_628, %swap3A_629], %add3A_622 {add = true, strides = array<i32>} : memref<2x32x248xf32, #tpu.memory_space<vmem>>, vector<16xf32>,
            %scan3A_631 = arith.constant 0 : i32
            scf.yield %scan3A_631 : i32
          }
          %scan3A_523 = arith.constant 32 : i32
          %scan3A_524 = arith.constant 0 : i32
          scf.yield %scan3A_524 : i32
        }
        %scan3A_286 = arith.constant 15 : i32
        %gt3A = arith.constant 0 : i32
        %gt3A_287 = arith.cmpi sgt, %scan3A_93, %gt3A : i32
        %convert_element_type3A_288 = arith.extui %gt3A_287 : i1 to i32
        %cond3A_289 = arith.constant 0 : i32
        %cond3A_290 = arith.cmpi ne, %convert_element_type3A_288, %cond3A_289 : i32
        scf.if %cond3A_290 {
          %add3A_312 = arith.addi %mul3A_34, %add3A_95 : i32
          %sub3A_313 = arith.constant 1 : i32
          %sub3A_314 = arith.subi %add3A_312, %sub3A_313 : i32
          %dma_wait3A_315 = arith.constant 0 : i32
          %dma_wait3A_316 = arith.constant 8 : i32
          %dma_wait3A_317 = tpu.memref_slice %arg9[%select_n3A_129, %dma_wait3A_315, %dma_wait3A_316] : memref<2x32x248xf32, #tpu.memory_space<vmem>> -> memref<1x32x224xf32, #tpu.memory_space<vmem>>
          %dma_wait3A_318 = tpu.memref_squeeze %dma_wait3A_317 : memref<1x32x224xf32, #tpu.memory_space<vmem>> -> memref<32x224xf32, #tpu.memory_space<vmem>>
          %dma_wait3A_319 = arith.constant 0 : i32
          %dma_wait3A_320 = tpu.memref_slice %arg5[%sub3A_314, %mul3A_57, %dma_wait3A_319] : memref<448x192x224xf32, #tpu.memory_space<hbm>> -> memref<1x32x224xf32, #tpu.memory_space<hbm>>
          %dma_wait3A_321 = tpu.memref_squeeze %dma_wait3A_320 : memref<1x32x224xf32, #tpu.memory_space<hbm>> -> memref<32x224xf32, #tpu.memory_space<hbm>>
          %dma_wait3A_322 = arith.constant 0 : i32
          %dma_wait3A_323 = tpu.memref_slice %arg5[%sub3A_314, %mul3A_57, %dma_wait3A_322] : memref<448x192x224xf32, #tpu.memory_space<hbm>> -> memref<1x32x224xf32, #tpu.memory_space<hbm>>
          %dma_wait3A_324 = tpu.memref_squeeze %dma_wait3A_323 : memref<1x32x224xf32, #tpu.memory_space<hbm>> -> memref<32x224xf32, #tpu.memory_space<hbm>>
          %dma_wait3A_325 = arith.constant 0 : i32
          %dma_wait3A_326 = arith.constant 8 : i32
          %dma_wait3A_327 = tpu.memref_slice %arg9[%select_n3A_129, %dma_wait3A_325, %dma_wait3A_326] : memref<2x32x248xf32, #tpu.memory_space<vmem>> -> memref<1x32x224xf32, #tpu.memory_space<vmem>>
          %dma_wait3A_328 = tpu.memref_squeeze %dma_wait3A_327 : memref<1x32x224xf32, #tpu.memory_space<vmem>> -> memref<32x224xf32, #tpu.memory_space<vmem>>
          tpu.wait_dma2 semaphore(%arg12 : memref<!tpu.dma_semaphore, #tpu.memory_space<semaphore_mem>>) src(%dma_wait3A_328 : memref<32x224xf32, #tpu.memory_space<vmem>>) dst(%dma_wait3A_324 : memref<32x224xf32, #tpu.memory_space<hbm>>)
        } else {
        }
        %add3A_291 = arith.addi %mul3A_34, %add3A_95 : i32
        %dma_start3A = arith.constant 0 : i32
        %dma_start3A_292 = arith.constant 8 : i32
        %dma_start3A_293 = tpu.memref_slice %arg9[%select_n3A_111, %dma_start3A, %dma_start3A_292] : memref<2x32x248xf32, #tpu.memory_space<vmem>> -> memref<1x32x224xf32, #tpu.memory_space<vmem>>
        %dma_start3A_294 = tpu.memref_squeeze %dma_start3A_293 : memref<1x32x224xf32, #tpu.memory_space<vmem>> -> memref<32x224xf32, #tpu.memory_space<vmem>>
        %dma_start3A_295 = arith.constant 0 : i32
        %dma_start3A_296 = tpu.memref_slice %arg5[%add3A_291, %mul3A_57, %dma_start3A_295] : memref<448x192x224xf32, #tpu.memory_space<hbm>> -> memref<1x32x224xf32, #tpu.memory_space<hbm>>
        %dma_start3A_297 = tpu.memref_squeeze %dma_start3A_296 : memref<1x32x224xf32, #tpu.memory_space<hbm>> -> memref<32x224xf32, #tpu.memory_space<hbm>>
        %dma_start3A_298 = arith.constant 0 : i32
        %dma_start3A_299 = tpu.memref_slice %arg5[%add3A_291, %mul3A_57, %dma_start3A_298] : memref<448x192x224xf32, #tpu.memory_space<hbm>> -> memref<1x32x224xf32, #tpu.memory_space<hbm>>
        %dma_start3A_300 = tpu.memref_squeeze %dma_start3A_299 : memref<1x32x224xf32, #tpu.memory_space<hbm>> -> memref<32x224xf32, #tpu.memory_space<hbm>>
        %dma_start3A_301 = arith.constant 0 : i32
        %dma_start3A_302 = arith.constant 8 : i32
        %dma_start3A_303 = tpu.memref_slice %arg9[%select_n3A_111, %dma_start3A_301, %dma_start3A_302] : memref<2x32x248xf32, #tpu.memory_space<vmem>> -> memref<1x32x224xf32, #tpu.memory_space<vmem>>
        %dma_start3A_304 = tpu.memref_squeeze %dma_start3A_303 : memref<1x32x224xf32, #tpu.memory_space<vmem>> -> memref<32x224xf32, #tpu.memory_space<vmem>>
        tpu.enqueue_dma source(%dma_start3A_304 : memref<32x224xf32, #tpu.memory_space<vmem>>) target(%dma_start3A_300 : memref<32x224xf32, #tpu.memory_space<hbm>>) target_semaphore(%arg12 : memref<!tpu.dma_semaphore, #tpu.memory_space<semaphore_mem>>)
        %convert_element_type3A_305 = arith.extui %lt3A_133 : i1 to i32
        %cond3A_306 = arith.constant 0 : i32
        %cond3A_307 = arith.cmpi ne, %convert_element_type3A_305, %cond3A_306 : i32
        scf.if %cond3A_307 {
          %add3A_312 = arith.addi %mul3A_34, %add3A_95 : i32
          %add3A_313 = arith.constant 1 : i32
          %add3A_314 = arith.addi %add3A_312, %add3A_313 : i32
          %dma_wait3A_315 = arith.constant 0 : i32
          %dma_wait3A_316 = arith.constant 0 : i32
          %dma_wait3A_317 = tpu.memref_slice %arg8[%select_n3A_129, %dma_wait3A_315, %dma_wait3A_316] : memref<2x32x224xf32, #tpu.memory_space<vmem>> -> memref<1x32x224xf32, #tpu.memory_space<vmem>>
          %dma_wait3A_318 = tpu.memref_squeeze %dma_wait3A_317 : memref<1x32x224xf32, #tpu.memory_space<vmem>> -> memref<32x224xf32, #tpu.memory_space<vmem>>
          %dma_wait3A_319 = arith.constant 0 : i32
          %dma_wait3A_320 = tpu.memref_slice %arg2[%add3A_314, %mul3A_57, %dma_wait3A_319] : memref<448x192x224xf32, #tpu.memory_space<hbm>> -> memref<1x32x224xf32, #tpu.memory_space<hbm>>
          %dma_wait3A_321 = tpu.memref_squeeze %dma_wait3A_320 : memref<1x32x224xf32, #tpu.memory_space<hbm>> -> memref<32x224xf32, #tpu.memory_space<hbm>>
          %dma_wait3A_322 = arith.constant 0 : i32
          %dma_wait3A_323 = arith.constant 0 : i32
          %dma_wait3A_324 = tpu.memref_slice %arg8[%select_n3A_129, %dma_wait3A_322, %dma_wait3A_323] : memref<2x32x224xf32, #tpu.memory_space<vmem>> -> memref<1x32x224xf32, #tpu.memory_space<vmem>>
          %dma_wait3A_325 = tpu.memref_squeeze %dma_wait3A_324 : memref<1x32x224xf32, #tpu.memory_space<vmem>> -> memref<32x224xf32, #tpu.memory_space<vmem>>
          %dma_wait3A_326 = arith.constant 0 : i32
          %dma_wait3A_327 = tpu.memref_slice %arg2[%add3A_314, %mul3A_57, %dma_wait3A_326] : memref<448x192x224xf32, #tpu.memory_space<hbm>> -> memref<1x32x224xf32, #tpu.memory_space<hbm>>
          %dma_wait3A_328 = tpu.memref_squeeze %dma_wait3A_327 : memref<1x32x224xf32, #tpu.memory_space<hbm>> -> memref<32x224xf32, #tpu.memory_space<hbm>>
          tpu.wait_dma2 semaphore(%arg11 : memref<!tpu.dma_semaphore, #tpu.memory_space<semaphore_mem>>) src(%dma_wait3A_328 : memref<32x224xf32, #tpu.memory_space<hbm>>) dst(%dma_wait3A_325 : memref<32x224xf32, #tpu.memory_space<vmem>>)
        } else {
        }
        %convert_element_type3A_308 = arith.extui %and3A_140 : i1 to i32
        %cond3A_309 = arith.constant 0 : i32
        %cond3A_310 = arith.cmpi ne, %convert_element_type3A_308, %cond3A_309 : i32
        scf.if %cond3A_310 {
          %jit3A_312 = arith.constant 6 : i32
          %eq3A_313 = arith.constant 0 : i32
          %eq3A_314 = arith.cmpi eq, %jit3A_312, %eq3A_313 : i32
          %jit3A_315 = arith.constant 1 : i32
          %select_n3A_316 = arith.select %eq3A_314, %jit3A_315, %jit3A_312 : i32
          %rem3A_317 = arith.remsi %add3A_137, %select_n3A_316 : i32
          %ne3A_318 = arith.constant 0 : i32
          %ne3A_319 = arith.cmpi ne, %rem3A_317, %ne3A_318 : i32
          %lt3A_320 = arith.constant 0 : i32
          %lt3A_321 = arith.cmpi slt, %rem3A_317, %lt3A_320 : i32
          %lt3A_322 = arith.constant 0 : i32
          %lt3A_323 = arith.cmpi slt, %select_n3A_316, %lt3A_322 : i32
          %ne3A_324 = arith.xori %lt3A_321, %lt3A_323 : i1
          %and3A_325 = arith.andi %ne3A_324, %ne3A_319 : i1
          %add3A_326 = arith.addi %rem3A_317, %select_n3A_316 : i32
          %select_n3A_327 = arith.select %and3A_325, %add3A_326, %rem3A_317 : i32
          %add3A_328 = arith.addi %mul3A_34, %add3A_137 : i32
          %dma_wait3A_329 = arith.constant 0 : i32
          %dma_wait3A_330 = arith.constant 8 : i32
          %dma_wait3A_331 = tpu.memref_slice %arg6[%select_n3A_327, %dma_wait3A_329, %dma_wait3A_330] : memref<6x32x236xf32, #tpu.memory_space<vmem>> -> memref<1x32x224xf32, #tpu.memory_space<vmem>>
          %dma_wait3A_332 = tpu.memref_squeeze %dma_wait3A_331 : memref<1x32x224xf32, #tpu.memory_space<vmem>> -> memref<32x224xf32, #tpu.memory_space<vmem>>
          %dma_wait3A_333 = arith.constant 0 : i32
          %dma_wait3A_334 = tpu.memref_slice %arg3[%add3A_328, %mul3A_57, %dma_wait3A_333] : memref<448x192x224xf32, #tpu.memory_space<hbm>> -> memref<1x32x224xf32, #tpu.memory_space<hbm>>
          %dma_wait3A_335 = tpu.memref_squeeze %dma_wait3A_334 : memref<1x32x224xf32, #tpu.memory_space<hbm>> -> memref<32x224xf32, #tpu.memory_space<hbm>>
          %dma_wait3A_336 = arith.constant 0 : i32
          %dma_wait3A_337 = arith.constant 8 : i32
          %dma_wait3A_338 = tpu.memref_slice %arg6[%select_n3A_327, %dma_wait3A_336, %dma_wait3A_337] : memref<6x32x236xf32, #tpu.memory_space<vmem>> -> memref<1x32x224xf32, #tpu.memory_space<vmem>>
          %dma_wait3A_339 = tpu.memref_squeeze %dma_wait3A_338 : memref<1x32x224xf32, #tpu.memory_space<vmem>> -> memref<32x224xf32, #tpu.memory_space<vmem>>
          %dma_wait3A_340 = arith.constant 0 : i32
          %dma_wait3A_341 = tpu.memref_slice %arg3[%add3A_328, %mul3A_57, %dma_wait3A_340] : memref<448x192x224xf32, #tpu.memory_space<hbm>> -> memref<1x32x224xf32, #tpu.memory_space<hbm>>
          %dma_wait3A_342 = tpu.memref_squeeze %dma_wait3A_341 : memref<1x32x224xf32, #tpu.memory_space<hbm>> -> memref<32x224xf32, #tpu.memory_space<hbm>>
          tpu.wait_dma2 semaphore(%arg11 : memref<!tpu.dma_semaphore, #tpu.memory_space<semaphore_mem>>) src(%dma_wait3A_342 : memref<32x224xf32, #tpu.memory_space<hbm>>) dst(%dma_wait3A_339 : memref<32x224xf32, #tpu.memory_space<vmem>>)
          %add3A_343 = arith.addi %mul3A_34, %add3A_137 : i32
          %dma_wait3A_344 = arith.constant 0 : i32
          %dma_wait3A_345 = arith.constant 8 : i32
          %dma_wait3A_346 = tpu.memref_slice %arg7[%select_n3A_327, %dma_wait3A_344, %dma_wait3A_345] : memref<6x32x248xf32, #tpu.memory_space<vmem>> -> memref<1x32x224xf32, #tpu.memory_space<vmem>>
          %dma_wait3A_347 = tpu.memref_squeeze %dma_wait3A_346 : memref<1x32x224xf32, #tpu.memory_space<vmem>> -> memref<32x224xf32, #tpu.memory_space<vmem>>
          %dma_wait3A_348 = arith.constant 0 : i32
          %dma_wait3A_349 = tpu.memref_slice %arg4[%add3A_343, %mul3A_57, %dma_wait3A_348] : memref<448x192x224xf32, #tpu.memory_space<hbm>> -> memref<1x32x224xf32, #tpu.memory_space<hbm>>
          %dma_wait3A_350 = tpu.memref_squeeze %dma_wait3A_349 : memref<1x32x224xf32, #tpu.memory_space<hbm>> -> memref<32x224xf32, #tpu.memory_space<hbm>>
          %dma_wait3A_351 = arith.constant 0 : i32
          %dma_wait3A_352 = arith.constant 8 : i32
          %dma_wait3A_353 = tpu.memref_slice %arg7[%select_n3A_327, %dma_wait3A_351, %dma_wait3A_352] : memref<6x32x248xf32, #tpu.memory_space<vmem>> -> memref<1x32x224xf32, #tpu.memory_space<vmem>>
          %dma_wait3A_354 = tpu.memref_squeeze %dma_wait3A_353 : memref<1x32x224xf32, #tpu.memory_space<vmem>> -> memref<32x224xf32, #tpu.memory_space<vmem>>
          %dma_wait3A_355 = arith.constant 0 : i32
          %dma_wait3A_356 = tpu.memref_slice %arg4[%add3A_343, %mul3A_57, %dma_wait3A_355] : memref<448x192x224xf32, #tpu.memory_space<hbm>> -> memref<1x32x224xf32, #tpu.memory_space<hbm>>
          %dma_wait3A_357 = tpu.memref_squeeze %dma_wait3A_356 : memref<1x32x224xf32, #tpu.memory_space<hbm>> -> memref<32x224xf32, #tpu.memory_space<hbm>>
          tpu.wait_dma2 semaphore(%arg11 : memref<!tpu.dma_semaphore, #tpu.memory_space<semaphore_mem>>) src(%dma_wait3A_357 : memref<32x224xf32, #tpu.memory_space<hbm>>) dst(%dma_wait3A_354 : memref<32x224xf32, #tpu.memory_space<vmem>>)
          %scan3A_358 = arith.constant 0 : i32
          %scan3A_359 = arith.constant 0 : i32
          %scan3A_360 = arith.constant 32 : i32
          %scan3A_361 = arith.addi %scan3A_359, %scan3A_360 : i32
          %scan3A_362 = arith.constant 1 : i32
          %scan3A_363 = scf.for %scan3A_372 = %scan3A_359 to %scan3A_361 step %scan3A_362 iter_args(%scan3A_373 = %scan3A_358) -> (i32)  : i32 {
            %gather3A = arith.constant 0 : i32
            %gather3A_374 = tpu.memref_slice %arg6[%select_n3A_327, %scan3A_372, %gather3A] : memref<6x32x236xf32, #tpu.memory_space<vmem>> -> memref<1x1x236xf32, #tpu.memory_space<vmem>>
            %gather3A_375 = tpu.memref_squeeze %gather3A_374 : memref<1x1x236xf32, #tpu.memory_space<vmem>> -> memref<236xf32, #tpu.memory_space<vmem>>
            %gather3A_376 = tpu.vector_load_idx %gather3A_375[%add3A_40] : memref<236xf32, #tpu.memory_space<vmem>>[vector<16xi32>], vector<16xf32>,
            %swap3A = arith.index_cast %select_n3A_327 : i32 to index
            %swap3A_377 = arith.index_cast %scan3A_372 : i32 to index
            %swap3A_378 = arith.constant 0 : index
            %swap3A_379 = tpu.vector_load %arg6[%swap3A, %swap3A_377, %swap3A_378] {strides = array<i32>} : memref<6x32x236xf32, #tpu.memory_space<vmem>>, vector<16xf32>,
            tpu.vector_store %arg6[%swap3A, %swap3A_377, %swap3A_378], %gather3A_376 {strides = array<i32>} : memref<6x32x236xf32, #tpu.memory_space<vmem>>, vector<16xf32>,
            %gather3A_380 = arith.constant 0 : i32
            %gather3A_381 = tpu.memref_slice %arg6[%select_n3A_327, %scan3A_372, %gather3A_380] : memref<6x32x236xf32, #tpu.memory_space<vmem>> -> memref<1x1x236xf32, #tpu.memory_space<vmem>>
            %gather3A_382 = tpu.memref_squeeze %gather3A_381 : memref<1x1x236xf32, #tpu.memory_space<vmem>> -> memref<236xf32, #tpu.memory_space<vmem>>
            %gather3A_383 = tpu.vector_load_idx %gather3A_382[%sub3A_47] : memref<236xf32, #tpu.memory_space<vmem>>[vector<16xi32>], vector<16xf32>,
            %swap3A_384 = arith.index_cast %select_n3A_327 : i32 to index
            %swap3A_385 = arith.index_cast %scan3A_372 : i32 to index
            %swap3A_386 = arith.constant 220 : index
            %swap3A_387 = tpu.vector_load %arg6[%swap3A_384, %swap3A_385, %swap3A_386] {strides = array<i32>} : memref<6x32x236xf32, #tpu.memory_space<vmem>>, vector<16xf32>,
            tpu.vector_store %arg6[%swap3A_384, %swap3A_385, %swap3A_386], %gather3A_383 {strides = array<i32>} : memref<6x32x236xf32, #tpu.memory_space<vmem>>, vector<16xf32>,
            %scan3A_388 = arith.constant 0 : i32
            scf.yield %scan3A_388 : i32
          }
          %scan3A_364 = arith.constant 32 : i32
          %scan3A_365 = arith.constant 0 : i32
          %scan3A_366 = arith.constant 0 : i32
          %scan3A_367 = arith.constant 32 : i32
          %scan3A_368 = arith.addi %scan3A_366, %scan3A_367 : i32
          %scan3A_369 = arith.constant 1 : i32
          %scan3A_370 = scf.for %scan3A_372 = %scan3A_366 to %scan3A_368 step %scan3A_369 iter_args(%scan3A_373 = %scan3A_365) -> (i32)  : i32 {
            %gather3A = arith.constant 0 : i32
            %gather3A_374 = tpu.memref_slice %arg7[%select_n3A_327, %scan3A_372, %gather3A] : memref<6x32x248xf32, #tpu.memory_space<vmem>> -> memref<1x1x248xf32, #tpu.memory_space<vmem>>
            %gather3A_375 = tpu.memref_squeeze %gather3A_374 : memref<1x1x248xf32, #tpu.memory_space<vmem>> -> memref<248xf32, #tpu.memory_space<vmem>>
            %gather3A_376 = tpu.vector_load_idx %gather3A_375[%add3A_40] : memref<248xf32, #tpu.memory_space<vmem>>[vector<16xi32>], vector<16xf32>,
            %swap3A = arith.index_cast %select_n3A_327 : i32 to index
            %swap3A_377 = arith.index_cast %scan3A_372 : i32 to index
            %swap3A_378 = arith.constant 0 : index
            %swap3A_379 = tpu.vector_load %arg7[%swap3A, %swap3A_377, %swap3A_378] {strides = array<i32>} : memref<6x32x248xf32, #tpu.memory_space<vmem>>, vector<16xf32>,
            tpu.vector_store %arg7[%swap3A, %swap3A_377, %swap3A_378], %gather3A_376 {strides = array<i32>} : memref<6x32x248xf32, #tpu.memory_space<vmem>>, vector<16xf32>,
            %gather3A_380 = arith.constant 0 : i32
            %gather3A_381 = tpu.memref_slice %arg7[%select_n3A_327, %scan3A_372, %gather3A_380] : memref<6x32x248xf32, #tpu.memory_space<vmem>> -> memref<1x1x248xf32, #tpu.memory_space<vmem>>
            %gather3A_382 = tpu.memref_squeeze %gather3A_381 : memref<1x1x248xf32, #tpu.memory_space<vmem>> -> memref<248xf32, #tpu.memory_space<vmem>>
            %gather3A_383 = tpu.vector_load_idx %gather3A_382[%sub3A_47] : memref<248xf32, #tpu.memory_space<vmem>>[vector<16xi32>], vector<16xf32>,
            %swap3A_384 = arith.index_cast %select_n3A_327 : i32 to index
            %swap3A_385 = arith.index_cast %scan3A_372 : i32 to index
            %swap3A_386 = arith.constant 220 : index
            %swap3A_387 = tpu.vector_load %arg7[%swap3A_384, %swap3A_385, %swap3A_386] {strides = array<i32>} : memref<6x32x248xf32, #tpu.memory_space<vmem>>, vector<16xf32>,
            tpu.vector_store %arg7[%swap3A_384, %swap3A_385, %swap3A_386], %gather3A_383 {strides = array<i32>} : memref<6x32x248xf32, #tpu.memory_space<vmem>>, vector<16xf32>,
            %scan3A_388 = arith.constant 0 : i32
            scf.yield %scan3A_388 : i32
          }
          %scan3A_371 = arith.constant 32 : i32
        } else {
        }
        %scan3A_311 = arith.constant 0 : i32
        scf.yield %scan3A_311 : i32
      }
      %scan3A_72 = arith.constant 14 : i32
      %add3A_73 = arith.addi %mul3A_34, %select_n3A_32 : i32
      %add3A_74 = arith.constant 14 : i32
      %add3A_75 = arith.addi %add3A_73, %add3A_74 : i32
      %sub3A_76 = arith.constant 1 : i32
      %sub3A_77 = arith.subi %add3A_75, %sub3A_76 : i32
      %dma_wait3A = arith.constant 1 : i32
      %dma_wait3A_78 = arith.constant 0 : i32
      %dma_wait3A_79 = arith.constant 8 : i32
      %dma_wait3A_80 = tpu.memref_slice %arg9[%dma_wait3A, %dma_wait3A_78, %dma_wait3A_79] : memref<2x32x248xf32, #tpu.memory_space<vmem>> -> memref<1x32x224xf32, #tpu.memory_space<vmem>>
      %dma_wait3A_81 = tpu.memref_squeeze %dma_wait3A_80 : memref<1x32x224xf32, #tpu.memory_space<vmem>> -> memref<32x224xf32, #tpu.memory_space<vmem>>
      %dma_wait3A_82 = arith.constant 0 : i32
      %dma_wait3A_83 = tpu.memref_slice %arg5[%sub3A_77, %mul3A_57, %dma_wait3A_82] : memref<448x192x224xf32, #tpu.memory_space<hbm>> -> memref<1x32x224xf32, #tpu.memory_space<hbm>>
      %dma_wait3A_84 = tpu.memref_squeeze %dma_wait3A_83 : memref<1x32x224xf32, #tpu.memory_space<hbm>> -> memref<32x224xf32, #tpu.memory_space<hbm>>
      %dma_wait3A_85 = arith.constant 0 : i32
      %dma_wait3A_86 = tpu.memref_slice %arg5[%sub3A_77, %mul3A_57, %dma_wait3A_85] : memref<448x192x224xf32, #tpu.memory_space<hbm>> -> memref<1x32x224xf32, #tpu.memory_space<hbm>>
      %dma_wait3A_87 = tpu.memref_squeeze %dma_wait3A_86 : memref<1x32x224xf32, #tpu.memory_space<hbm>> -> memref<32x224xf32, #tpu.memory_space<hbm>>
      %dma_wait3A_88 = arith.constant 0 : i32
      %dma_wait3A_89 = arith.constant 8 : i32
      %dma_wait3A_90 = tpu.memref_slice %arg9[%dma_wait3A, %dma_wait3A_88, %dma_wait3A_89] : memref<2x32x248xf32, #tpu.memory_space<vmem>> -> memref<1x32x224xf32, #tpu.memory_space<vmem>>
      %dma_wait3A_91 = tpu.memref_squeeze %dma_wait3A_90 : memref<1x32x224xf32, #tpu.memory_space<vmem>> -> memref<32x224xf32, #tpu.memory_space<vmem>>
      tpu.wait_dma2 semaphore(%arg12 : memref<!tpu.dma_semaphore, #tpu.memory_space<semaphore_mem>>) src(%dma_wait3A_91 : memref<32x224xf32, #tpu.memory_space<vmem>>) dst(%dma_wait3A_87 : memref<32x224xf32, #tpu.memory_space<hbm>>)
      %scan3A_92 = arith.constant 0 : i32
      scf.yield %scan3A_92 : i32
    }
    %scan3A_53 = arith.constant 6 : i32
    return
  }
}

module attributes {stable_mosaic.version = 14 : i64} {
  func.func @_qkv_body(%arg0: i32, %arg1: memref<1792x192xf32, #tpu.memory_space<vmem>>, %arg2: memref<192x192xf32, #tpu.memory_space<vmem>>, %arg3: memref<192x192xf32, #tpu.memory_space<vmem>>, %arg4: memref<192x192xf32, #tpu.memory_space<vmem>>, %arg5: memref<192x1xf32, #tpu.memory_space<vmem>>, %arg6: memref<192x1xf32, #tpu.memory_space<vmem>>, %arg7: memref<192x1xf32, #tpu.memory_space<vmem>>, %arg8: memref<8x192x224xf32, #tpu.memory_space<vmem>>, %arg9: memref<8x192x224xf32, #tpu.memory_space<vmem>>, %arg10: memref<8x192x224xf32, #tpu.memory_space<vmem>>) attributes {dimension_semantics = [#tpu.dimension_semantics<arbitrary>], iteration_bounds = array<i64: 56>, scalar_prefetch = 0 : i64, scratch_operands = 0 : i64, tpu.core_type = #tpu.core_type<tc>, window_params = [{transform_indices = @transform_0, window_bounds = array<i64: 1792, 192>}, {pipeline_mode = #tpu.pipeline_mode<synchronous>, transform_indices = @transform_1, window_bounds = array<i64: 192, 192>}, {pipeline_mode = #tpu.pipeline_mode<synchronous>, transform_indices = @transform_2, window_bounds = array<i64: 192, 192>}, {pipeline_mode = #tpu.pipeline_mode<synchronous>, transform_indices = @transform_3, window_bounds = array<i64: 192, 192>}, {pipeline_mode = #tpu.pipeline_mode<synchronous>, transform_indices = @transform_4, window_bounds = array<i64: 192, 1>}, {pipeline_mode = #tpu.pipeline_mode<synchronous>, transform_indices = @transform_5, window_bounds = array<i64: 192, 1>}, {pipeline_mode = #tpu.pipeline_mode<synchronous>, transform_indices = @transform_6, window_bounds = array<i64: 192, 1>}, {transform_indices = @transform_7, window_bounds = array<i64: 8, 192, 224>}, {transform_indices = @transform_8, window_bounds = array<i64: 8, 192, 224>}, {transform_indices = @transform_9, window_bounds = array<i64: 8, 192, 224>}]} {
    %get3A = arith.constant 0 : index
    %get3A_0 = arith.constant 0 : index
    %get3A_1 = vector.load %arg2[%get3A, %get3A_0] : memref<192x192xf32, #tpu.memory_space<vmem>>, vector<192x192xf32>
    %get3A_2 = arith.constant 0 : index
    %get3A_3 = arith.constant 0 : index
    %get3A_4 = vector.load %arg3[%get3A_2, %get3A_3] : memref<192x192xf32, #tpu.memory_space<vmem>>, vector<192x192xf32>
    %get3A_5 = arith.constant 0 : index
    %get3A_6 = arith.constant 0 : index
    %get3A_7 = vector.load %arg4[%get3A_5, %get3A_6] : memref<192x192xf32, #tpu.memory_space<vmem>>, vector<192x192xf32>
    %get3A_8 = arith.constant 0 : index
    %get3A_9 = arith.constant 0 : index
    %get3A_10 = vector.load %arg1[%get3A_8, %get3A_9] : memref<1792x192xf32, #tpu.memory_space<vmem>>, vector<224x192xf32>
    %dot_general3A = arith.constant dense<0.000000e+00> : vector<192x224xf32>
    %dot_general3A_11 = tpu.matmul %get3A_1, %get3A_10, %dot_general3A {dimension_numbers = #tpu.dot_dimension_numbers<[0], [1], [1], [0], [0, 1, 1, 0], [], []>, transpose_lhs_hint = false} : vector<192x192xf32>, vector<224x192xf32>, vector<192x224xf32> -> vector<192x224xf32>
    %get3A_12 = arith.constant 0 : index
    %get3A_13 = arith.constant 0 : index
    %get3A_14 = vector.load %arg5[%get3A_12, %get3A_13] : memref<192x1xf32, #tpu.memory_space<vmem>>, vector<192x1xf32>
    %add3A = vector.broadcast %get3A_14 : vector<192x1xf32> to vector<192x224xf32>
    %add3A_15 = arith.addf %dot_general3A_11, %add3A : vector<192x224xf32>
    %mul3A = arith.constant 0.176776692 : f32
    %mul3A_16 = vector.broadcast %mul3A : f32 to vector<192x224xf32>
    %mul3A_17 = arith.mulf %add3A_15, %mul3A_16 : vector<192x224xf32>
    %swap3A = arith.constant 0 : index
    %swap3A_18 = arith.constant 0 : index
    %swap3A_19 = arith.constant 0 : index
    %swap3A_20 = vector.load %arg8[%swap3A, %swap3A_18, %swap3A_19] : memref<8x192x224xf32, #tpu.memory_space<vmem>>, vector<1x192x224xf32>
    %swap3A_21 = vector.shape_cast %swap3A_20 : vector<1x192x224xf32> to vector<192x224xf32>
    %swap3A_22 = vector.shape_cast %mul3A_17 : vector<192x224xf32> to vector<1x192x224xf32>
    tpu.vector_store %arg8[%swap3A, %swap3A_18, %swap3A_19], %swap3A_22 {strides = array<i32>} : memref<8x192x224xf32, #tpu.memory_space<vmem>>, vector<1x192x224xf32>,
    %dot_general3A_23 = arith.constant dense<0.000000e+00> : vector<192x224xf32>
    %dot_general3A_24 = tpu.matmul %get3A_4, %get3A_10, %dot_general3A_23 {dimension_numbers = #tpu.dot_dimension_numbers<[0], [1], [1], [0], [0, 1, 1, 0], [], []>, transpose_lhs_hint = false} : vector<192x192xf32>, vector<224x192xf32>, vector<192x224xf32> -> vector<192x224xf32>
    %get3A_25 = arith.constant 0 : index
    %get3A_26 = arith.constant 0 : index
    %get3A_27 = vector.load %arg6[%get3A_25, %get3A_26] : memref<192x1xf32, #tpu.memory_space<vmem>>, vector<192x1xf32>
    %add3A_28 = vector.broadcast %get3A_27 : vector<192x1xf32> to vector<192x224xf32>
    %add3A_29 = arith.addf %dot_general3A_24, %add3A_28 : vector<192x224xf32>
    %swap3A_30 = arith.constant 0 : index
    %swap3A_31 = arith.constant 0 : index
    %swap3A_32 = arith.constant 0 : index
    %swap3A_33 = vector.load %arg9[%swap3A_30, %swap3A_31, %swap3A_32] : memref<8x192x224xf32, #tpu.memory_space<vmem>>, vector<1x192x224xf32>
    %swap3A_34 = vector.shape_cast %swap3A_33 : vector<1x192x224xf32> to vector<192x224xf32>
    %swap3A_35 = vector.shape_cast %add3A_29 : vector<192x224xf32> to vector<1x192x224xf32>
    tpu.vector_store %arg9[%swap3A_30, %swap3A_31, %swap3A_32], %swap3A_35 {strides = array<i32>} : memref<8x192x224xf32, #tpu.memory_space<vmem>>, vector<1x192x224xf32>,
    %dot_general3A_36 = arith.constant dense<0.000000e+00> : vector<192x224xf32>
    %dot_general3A_37 = tpu.matmul %get3A_7, %get3A_10, %dot_general3A_36 {dimension_numbers = #tpu.dot_dimension_numbers<[0], [1], [1], [0], [0, 1, 1, 0], [], []>, transpose_lhs_hint = false} : vector<192x192xf32>, vector<224x192xf32>, vector<192x224xf32> -> vector<192x224xf32>
    %get3A_38 = arith.constant 0 : index
    %get3A_39 = arith.constant 0 : index
    %get3A_40 = vector.load %arg7[%get3A_38, %get3A_39] : memref<192x1xf32, #tpu.memory_space<vmem>>, vector<192x1xf32>
    %add3A_41 = vector.broadcast %get3A_40 : vector<192x1xf32> to vector<192x224xf32>
    %add3A_42 = arith.addf %dot_general3A_37, %add3A_41 : vector<192x224xf32>
    %swap3A_43 = arith.constant 0 : index
    %swap3A_44 = arith.constant 0 : index
    %swap3A_45 = arith.constant 0 : index
    %swap3A_46 = vector.load %arg10[%swap3A_43, %swap3A_44, %swap3A_45] : memref<8x192x224xf32, #tpu.memory_space<vmem>>, vector<1x192x224xf32>
    %swap3A_47 = vector.shape_cast %swap3A_46 : vector<1x192x224xf32> to vector<192x224xf32>
    %swap3A_48 = vector.shape_cast %add3A_42 : vector<192x224xf32> to vector<1x192x224xf32>
    tpu.vector_store %arg10[%swap3A_43, %swap3A_44, %swap3A_45], %swap3A_48 {strides = array<i32>} : memref<8x192x224xf32, #tpu.memory_space<vmem>>, vector<1x192x224xf32>,
    %get3A_49 = arith.constant 224 : index
    %get3A_50 = arith.constant 0 : index
    %get3A_51 = vector.load %arg1[%get3A_49, %get3A_50] : memref<1792x192xf32, #tpu.memory_space<vmem>>, vector<224x192xf32>
    %dot_general3A_52 = arith.constant dense<0.000000e+00> : vector<192x224xf32>
    %dot_general3A_53 = tpu.matmul %get3A_1, %get3A_51, %dot_general3A_52 {dimension_numbers = #tpu.dot_dimension_numbers<[0], [1], [1], [0], [0, 1, 1, 0], [], []>, transpose_lhs_hint = false} : vector<192x192xf32>, vector<224x192xf32>, vector<192x224xf32> -> vector<192x224xf32>
    %get3A_54 = arith.constant 0 : index
    %get3A_55 = arith.constant 0 : index
    %get3A_56 = vector.load %arg5[%get3A_54, %get3A_55] : memref<192x1xf32, #tpu.memory_space<vmem>>, vector<192x1xf32>
    %add3A_57 = vector.broadcast %get3A_56 : vector<192x1xf32> to vector<192x224xf32>
    %add3A_58 = arith.addf %dot_general3A_53, %add3A_57 : vector<192x224xf32>
    %mul3A_59 = arith.constant 0.176776692 : f32
    %mul3A_60 = vector.broadcast %mul3A_59 : f32 to vector<192x224xf32>
    %mul3A_61 = arith.mulf %add3A_58, %mul3A_60 : vector<192x224xf32>
    %swap3A_62 = arith.constant 1 : index
    %swap3A_63 = arith.constant 0 : index
    %swap3A_64 = arith.constant 0 : index
    %swap3A_65 = vector.load %arg8[%swap3A_62, %swap3A_63, %swap3A_64] : memref<8x192x224xf32, #tpu.memory_space<vmem>>, vector<1x192x224xf32>
    %swap3A_66 = vector.shape_cast %swap3A_65 : vector<1x192x224xf32> to vector<192x224xf32>
    %swap3A_67 = vector.shape_cast %mul3A_61 : vector<192x224xf32> to vector<1x192x224xf32>
    tpu.vector_store %arg8[%swap3A_62, %swap3A_63, %swap3A_64], %swap3A_67 {strides = array<i32>} : memref<8x192x224xf32, #tpu.memory_space<vmem>>, vector<1x192x224xf32>,
    %dot_general3A_68 = arith.constant dense<0.000000e+00> : vector<192x224xf32>
    %dot_general3A_69 = tpu.matmul %get3A_4, %get3A_51, %dot_general3A_68 {dimension_numbers = #tpu.dot_dimension_numbers<[0], [1], [1], [0], [0, 1, 1, 0], [], []>, transpose_lhs_hint = false} : vector<192x192xf32>, vector<224x192xf32>, vector<192x224xf32> -> vector<192x224xf32>
    %get3A_70 = arith.constant 0 : index
    %get3A_71 = arith.constant 0 : index
    %get3A_72 = vector.load %arg6[%get3A_70, %get3A_71] : memref<192x1xf32, #tpu.memory_space<vmem>>, vector<192x1xf32>
    %add3A_73 = vector.broadcast %get3A_72 : vector<192x1xf32> to vector<192x224xf32>
    %add3A_74 = arith.addf %dot_general3A_69, %add3A_73 : vector<192x224xf32>
    %swap3A_75 = arith.constant 1 : index
    %swap3A_76 = arith.constant 0 : index
    %swap3A_77 = arith.constant 0 : index
    %swap3A_78 = vector.load %arg9[%swap3A_75, %swap3A_76, %swap3A_77] : memref<8x192x224xf32, #tpu.memory_space<vmem>>, vector<1x192x224xf32>
    %swap3A_79 = vector.shape_cast %swap3A_78 : vector<1x192x224xf32> to vector<192x224xf32>
    %swap3A_80 = vector.shape_cast %add3A_74 : vector<192x224xf32> to vector<1x192x224xf32>
    tpu.vector_store %arg9[%swap3A_75, %swap3A_76, %swap3A_77], %swap3A_80 {strides = array<i32>} : memref<8x192x224xf32, #tpu.memory_space<vmem>>, vector<1x192x224xf32>,
    %dot_general3A_81 = arith.constant dense<0.000000e+00> : vector<192x224xf32>
    %dot_general3A_82 = tpu.matmul %get3A_7, %get3A_51, %dot_general3A_81 {dimension_numbers = #tpu.dot_dimension_numbers<[0], [1], [1], [0], [0, 1, 1, 0], [], []>, transpose_lhs_hint = false} : vector<192x192xf32>, vector<224x192xf32>, vector<192x224xf32> -> vector<192x224xf32>
    %get3A_83 = arith.constant 0 : index
    %get3A_84 = arith.constant 0 : index
    %get3A_85 = vector.load %arg7[%get3A_83, %get3A_84] : memref<192x1xf32, #tpu.memory_space<vmem>>, vector<192x1xf32>
    %add3A_86 = vector.broadcast %get3A_85 : vector<192x1xf32> to vector<192x224xf32>
    %add3A_87 = arith.addf %dot_general3A_82, %add3A_86 : vector<192x224xf32>
    %swap3A_88 = arith.constant 1 : index
    %swap3A_89 = arith.constant 0 : index
    %swap3A_90 = arith.constant 0 : index
    %swap3A_91 = vector.load %arg10[%swap3A_88, %swap3A_89, %swap3A_90] : memref<8x192x224xf32, #tpu.memory_space<vmem>>, vector<1x192x224xf32>
    %swap3A_92 = vector.shape_cast %swap3A_91 : vector<1x192x224xf32> to vector<192x224xf32>
    %swap3A_93 = vector.shape_cast %add3A_87 : vector<192x224xf32> to vector<1x192x224xf32>
    tpu.vector_store %arg10[%swap3A_88, %swap3A_89, %swap3A_90], %swap3A_93 {strides = array<i32>} : memref<8x192x224xf32, #tpu.memory_space<vmem>>, vector<1x192x224xf32>,
    %get3A_94 = arith.constant 448 : index
    %get3A_95 = arith.constant 0 : index
    %get3A_96 = vector.load %arg1[%get3A_94, %get3A_95] : memref<1792x192xf32, #tpu.memory_space<vmem>>, vector<224x192xf32>
    %dot_general3A_97 = arith.constant dense<0.000000e+00> : vector<192x224xf32>
    %dot_general3A_98 = tpu.matmul %get3A_1, %get3A_96, %dot_general3A_97 {dimension_numbers = #tpu.dot_dimension_numbers<[0], [1], [1], [0], [0, 1, 1, 0], [], []>, transpose_lhs_hint = false} : vector<192x192xf32>, vector<224x192xf32>, vector<192x224xf32> -> vector<192x224xf32>
    %get3A_99 = arith.constant 0 : index
    %get3A_100 = arith.constant 0 : index
    %get3A_101 = vector.load %arg5[%get3A_99, %get3A_100] : memref<192x1xf32, #tpu.memory_space<vmem>>, vector<192x1xf32>
    %add3A_102 = vector.broadcast %get3A_101 : vector<192x1xf32> to vector<192x224xf32>
    %add3A_103 = arith.addf %dot_general3A_98, %add3A_102 : vector<192x224xf32>
    %mul3A_104 = arith.constant 0.176776692 : f32
    %mul3A_105 = vector.broadcast %mul3A_104 : f32 to vector<192x224xf32>
    %mul3A_106 = arith.mulf %add3A_103, %mul3A_105 : vector<192x224xf32>
    %swap3A_107 = arith.constant 2 : index
    %swap3A_108 = arith.constant 0 : index
    %swap3A_109 = arith.constant 0 : index
    %swap3A_110 = vector.load %arg8[%swap3A_107, %swap3A_108, %swap3A_109] : memref<8x192x224xf32, #tpu.memory_space<vmem>>, vector<1x192x224xf32>
    %swap3A_111 = vector.shape_cast %swap3A_110 : vector<1x192x224xf32> to vector<192x224xf32>
    %swap3A_112 = vector.shape_cast %mul3A_106 : vector<192x224xf32> to vector<1x192x224xf32>
    tpu.vector_store %arg8[%swap3A_107, %swap3A_108, %swap3A_109], %swap3A_112 {strides = array<i32>} : memref<8x192x224xf32, #tpu.memory_space<vmem>>, vector<1x192x224xf32>,
    %dot_general3A_113 = arith.constant dense<0.000000e+00> : vector<192x224xf32>
    %dot_general3A_114 = tpu.matmul %get3A_4, %get3A_96, %dot_general3A_113 {dimension_numbers = #tpu.dot_dimension_numbers<[0], [1], [1], [0], [0, 1, 1, 0], [], []>, transpose_lhs_hint = false} : vector<192x192xf32>, vector<224x192xf32>, vector<192x224xf32> -> vector<192x224xf32>
    %get3A_115 = arith.constant 0 : index
    %get3A_116 = arith.constant 0 : index
    %get3A_117 = vector.load %arg6[%get3A_115, %get3A_116] : memref<192x1xf32, #tpu.memory_space<vmem>>, vector<192x1xf32>
    %add3A_118 = vector.broadcast %get3A_117 : vector<192x1xf32> to vector<192x224xf32>
    %add3A_119 = arith.addf %dot_general3A_114, %add3A_118 : vector<192x224xf32>
    %swap3A_120 = arith.constant 2 : index
    %swap3A_121 = arith.constant 0 : index
    %swap3A_122 = arith.constant 0 : index
    %swap3A_123 = vector.load %arg9[%swap3A_120, %swap3A_121, %swap3A_122] : memref<8x192x224xf32, #tpu.memory_space<vmem>>, vector<1x192x224xf32>
    %swap3A_124 = vector.shape_cast %swap3A_123 : vector<1x192x224xf32> to vector<192x224xf32>
    %swap3A_125 = vector.shape_cast %add3A_119 : vector<192x224xf32> to vector<1x192x224xf32>
    tpu.vector_store %arg9[%swap3A_120, %swap3A_121, %swap3A_122], %swap3A_125 {strides = array<i32>} : memref<8x192x224xf32, #tpu.memory_space<vmem>>, vector<1x192x224xf32>,
    %dot_general3A_126 = arith.constant dense<0.000000e+00> : vector<192x224xf32>
    %dot_general3A_127 = tpu.matmul %get3A_7, %get3A_96, %dot_general3A_126 {dimension_numbers = #tpu.dot_dimension_numbers<[0], [1], [1], [0], [0, 1, 1, 0], [], []>, transpose_lhs_hint = false} : vector<192x192xf32>, vector<224x192xf32>, vector<192x224xf32> -> vector<192x224xf32>
    %get3A_128 = arith.constant 0 : index
    %get3A_129 = arith.constant 0 : index
    %get3A_130 = vector.load %arg7[%get3A_128, %get3A_129] : memref<192x1xf32, #tpu.memory_space<vmem>>, vector<192x1xf32>
    %add3A_131 = vector.broadcast %get3A_130 : vector<192x1xf32> to vector<192x224xf32>
    %add3A_132 = arith.addf %dot_general3A_127, %add3A_131 : vector<192x224xf32>
    %swap3A_133 = arith.constant 2 : index
    %swap3A_134 = arith.constant 0 : index
    %swap3A_135 = arith.constant 0 : index
    %swap3A_136 = vector.load %arg10[%swap3A_133, %swap3A_134, %swap3A_135] : memref<8x192x224xf32, #tpu.memory_space<vmem>>, vector<1x192x224xf32>
    %swap3A_137 = vector.shape_cast %swap3A_136 : vector<1x192x224xf32> to vector<192x224xf32>
    %swap3A_138 = vector.shape_cast %add3A_132 : vector<192x224xf32> to vector<1x192x224xf32>
    tpu.vector_store %arg10[%swap3A_133, %swap3A_134, %swap3A_135], %swap3A_138 {strides = array<i32>} : memref<8x192x224xf32, #tpu.memory_space<vmem>>, vector<1x192x224xf32>,
    %get3A_139 = arith.constant 672 : index
    %get3A_140 = arith.constant 0 : index
    %get3A_141 = vector.load %arg1[%get3A_139, %get3A_140] : memref<1792x192xf32, #tpu.memory_space<vmem>>, vector<224x192xf32>
    %dot_general3A_142 = arith.constant dense<0.000000e+00> : vector<192x224xf32>
    %dot_general3A_143 = tpu.matmul %get3A_1, %get3A_141, %dot_general3A_142 {dimension_numbers = #tpu.dot_dimension_numbers<[0], [1], [1], [0], [0, 1, 1, 0], [], []>, transpose_lhs_hint = false} : vector<192x192xf32>, vector<224x192xf32>, vector<192x224xf32> -> vector<192x224xf32>
    %get3A_144 = arith.constant 0 : index
    %get3A_145 = arith.constant 0 : index
    %get3A_146 = vector.load %arg5[%get3A_144, %get3A_145] : memref<192x1xf32, #tpu.memory_space<vmem>>, vector<192x1xf32>
    %add3A_147 = vector.broadcast %get3A_146 : vector<192x1xf32> to vector<192x224xf32>
    %add3A_148 = arith.addf %dot_general3A_143, %add3A_147 : vector<192x224xf32>
    %mul3A_149 = arith.constant 0.176776692 : f32
    %mul3A_150 = vector.broadcast %mul3A_149 : f32 to vector<192x224xf32>
    %mul3A_151 = arith.mulf %add3A_148, %mul3A_150 : vector<192x224xf32>
    %swap3A_152 = arith.constant 3 : index
    %swap3A_153 = arith.constant 0 : index
    %swap3A_154 = arith.constant 0 : index
    %swap3A_155 = vector.load %arg8[%swap3A_152, %swap3A_153, %swap3A_154] : memref<8x192x224xf32, #tpu.memory_space<vmem>>, vector<1x192x224xf32>
    %swap3A_156 = vector.shape_cast %swap3A_155 : vector<1x192x224xf32> to vector<192x224xf32>
    %swap3A_157 = vector.shape_cast %mul3A_151 : vector<192x224xf32> to vector<1x192x224xf32>
    tpu.vector_store %arg8[%swap3A_152, %swap3A_153, %swap3A_154], %swap3A_157 {strides = array<i32>} : memref<8x192x224xf32, #tpu.memory_space<vmem>>, vector<1x192x224xf32>,
    %dot_general3A_158 = arith.constant dense<0.000000e+00> : vector<192x224xf32>
    %dot_general3A_159 = tpu.matmul %get3A_4, %get3A_141, %dot_general3A_158 {dimension_numbers = #tpu.dot_dimension_numbers<[0], [1], [1], [0], [0, 1, 1, 0], [], []>, transpose_lhs_hint = false} : vector<192x192xf32>, vector<224x192xf32>, vector<192x224xf32> -> vector<192x224xf32>
    %get3A_160 = arith.constant 0 : index
    %get3A_161 = arith.constant 0 : index
    %get3A_162 = vector.load %arg6[%get3A_160, %get3A_161] : memref<192x1xf32, #tpu.memory_space<vmem>>, vector<192x1xf32>
    %add3A_163 = vector.broadcast %get3A_162 : vector<192x1xf32> to vector<192x224xf32>
    %add3A_164 = arith.addf %dot_general3A_159, %add3A_163 : vector<192x224xf32>
    %swap3A_165 = arith.constant 3 : index
    %swap3A_166 = arith.constant 0 : index
    %swap3A_167 = arith.constant 0 : index
    %swap3A_168 = vector.load %arg9[%swap3A_165, %swap3A_166, %swap3A_167] : memref<8x192x224xf32, #tpu.memory_space<vmem>>, vector<1x192x224xf32>
    %swap3A_169 = vector.shape_cast %swap3A_168 : vector<1x192x224xf32> to vector<192x224xf32>
    %swap3A_170 = vector.shape_cast %add3A_164 : vector<192x224xf32> to vector<1x192x224xf32>
    tpu.vector_store %arg9[%swap3A_165, %swap3A_166, %swap3A_167], %swap3A_170 {strides = array<i32>} : memref<8x192x224xf32, #tpu.memory_space<vmem>>, vector<1x192x224xf32>,
    %dot_general3A_171 = arith.constant dense<0.000000e+00> : vector<192x224xf32>
    %dot_general3A_172 = tpu.matmul %get3A_7, %get3A_141, %dot_general3A_171 {dimension_numbers = #tpu.dot_dimension_numbers<[0], [1], [1], [0], [0, 1, 1, 0], [], []>, transpose_lhs_hint = false} : vector<192x192xf32>, vector<224x192xf32>, vector<192x224xf32> -> vector<192x224xf32>
    %get3A_173 = arith.constant 0 : index
    %get3A_174 = arith.constant 0 : index
    %get3A_175 = vector.load %arg7[%get3A_173, %get3A_174] : memref<192x1xf32, #tpu.memory_space<vmem>>, vector<192x1xf32>
    %add3A_176 = vector.broadcast %get3A_175 : vector<192x1xf32> to vector<192x224xf32>
    %add3A_177 = arith.addf %dot_general3A_172, %add3A_176 : vector<192x224xf32>
    %swap3A_178 = arith.constant 3 : index
    %swap3A_179 = arith.constant 0 : index
    %swap3A_180 = arith.constant 0 : index
    %swap3A_181 = vector.load %arg10[%swap3A_178, %swap3A_179, %swap3A_180] : memref<8x192x224xf32, #tpu.memory_space<vmem>>, vector<1x192x224xf32>
    %swap3A_182 = vector.shape_cast %swap3A_181 : vector<1x192x224xf32> to vector<192x224xf32>
    %swap3A_183 = vector.shape_cast %add3A_177 : vector<192x224xf32> to vector<1x192x224xf32>
    tpu.vector_store %arg10[%swap3A_178, %swap3A_179, %swap3A_180], %swap3A_183 {strides = array<i32>} : memref<8x192x224xf32, #tpu.memory_space<vmem>>, vector<1x192x224xf32>,
    %get3A_184 = arith.constant 896 : index
    %get3A_185 = arith.constant 0 : index
    %get3A_186 = vector.load %arg1[%get3A_184, %get3A_185] : memref<1792x192xf32, #tpu.memory_space<vmem>>, vector<224x192xf32>
    %dot_general3A_187 = arith.constant dense<0.000000e+00> : vector<192x224xf32>
    %dot_general3A_188 = tpu.matmul %get3A_1, %get3A_186, %dot_general3A_187 {dimension_numbers = #tpu.dot_dimension_numbers<[0], [1], [1], [0], [0, 1, 1, 0], [], []>, transpose_lhs_hint = false} : vector<192x192xf32>, vector<224x192xf32>, vector<192x224xf32> -> vector<192x224xf32>
    %get3A_189 = arith.constant 0 : index
    %get3A_190 = arith.constant 0 : index
    %get3A_191 = vector.load %arg5[%get3A_189, %get3A_190] : memref<192x1xf32, #tpu.memory_space<vmem>>, vector<192x1xf32>
    %add3A_192 = vector.broadcast %get3A_191 : vector<192x1xf32> to vector<192x224xf32>
    %add3A_193 = arith.addf %dot_general3A_188, %add3A_192 : vector<192x224xf32>
    %mul3A_194 = arith.constant 0.176776692 : f32
    %mul3A_195 = vector.broadcast %mul3A_194 : f32 to vector<192x224xf32>
    %mul3A_196 = arith.mulf %add3A_193, %mul3A_195 : vector<192x224xf32>
    %swap3A_197 = arith.constant 4 : index
    %swap3A_198 = arith.constant 0 : index
    %swap3A_199 = arith.constant 0 : index
    %swap3A_200 = vector.load %arg8[%swap3A_197, %swap3A_198, %swap3A_199] : memref<8x192x224xf32, #tpu.memory_space<vmem>>, vector<1x192x224xf32>
    %swap3A_201 = vector.shape_cast %swap3A_200 : vector<1x192x224xf32> to vector<192x224xf32>
    %swap3A_202 = vector.shape_cast %mul3A_196 : vector<192x224xf32> to vector<1x192x224xf32>
    tpu.vector_store %arg8[%swap3A_197, %swap3A_198, %swap3A_199], %swap3A_202 {strides = array<i32>} : memref<8x192x224xf32, #tpu.memory_space<vmem>>, vector<1x192x224xf32>,
    %dot_general3A_203 = arith.constant dense<0.000000e+00> : vector<192x224xf32>
    %dot_general3A_204 = tpu.matmul %get3A_4, %get3A_186, %dot_general3A_203 {dimension_numbers = #tpu.dot_dimension_numbers<[0], [1], [1], [0], [0, 1, 1, 0], [], []>, transpose_lhs_hint = false} : vector<192x192xf32>, vector<224x192xf32>, vector<192x224xf32> -> vector<192x224xf32>
    %get3A_205 = arith.constant 0 : index
    %get3A_206 = arith.constant 0 : index
    %get3A_207 = vector.load %arg6[%get3A_205, %get3A_206] : memref<192x1xf32, #tpu.memory_space<vmem>>, vector<192x1xf32>
    %add3A_208 = vector.broadcast %get3A_207 : vector<192x1xf32> to vector<192x224xf32>
    %add3A_209 = arith.addf %dot_general3A_204, %add3A_208 : vector<192x224xf32>
    %swap3A_210 = arith.constant 4 : index
    %swap3A_211 = arith.constant 0 : index
    %swap3A_212 = arith.constant 0 : index
    %swap3A_213 = vector.load %arg9[%swap3A_210, %swap3A_211, %swap3A_212] : memref<8x192x224xf32, #tpu.memory_space<vmem>>, vector<1x192x224xf32>
    %swap3A_214 = vector.shape_cast %swap3A_213 : vector<1x192x224xf32> to vector<192x224xf32>
    %swap3A_215 = vector.shape_cast %add3A_209 : vector<192x224xf32> to vector<1x192x224xf32>
    tpu.vector_store %arg9[%swap3A_210, %swap3A_211, %swap3A_212], %swap3A_215 {strides = array<i32>} : memref<8x192x224xf32, #tpu.memory_space<vmem>>, vector<1x192x224xf32>,
    %dot_general3A_216 = arith.constant dense<0.000000e+00> : vector<192x224xf32>
    %dot_general3A_217 = tpu.matmul %get3A_7, %get3A_186, %dot_general3A_216 {dimension_numbers = #tpu.dot_dimension_numbers<[0], [1], [1], [0], [0, 1, 1, 0], [], []>, transpose_lhs_hint = false} : vector<192x192xf32>, vector<224x192xf32>, vector<192x224xf32> -> vector<192x224xf32>
    %get3A_218 = arith.constant 0 : index
    %get3A_219 = arith.constant 0 : index
    %get3A_220 = vector.load %arg7[%get3A_218, %get3A_219] : memref<192x1xf32, #tpu.memory_space<vmem>>, vector<192x1xf32>
    %add3A_221 = vector.broadcast %get3A_220 : vector<192x1xf32> to vector<192x224xf32>
    %add3A_222 = arith.addf %dot_general3A_217, %add3A_221 : vector<192x224xf32>
    %swap3A_223 = arith.constant 4 : index
    %swap3A_224 = arith.constant 0 : index
    %swap3A_225 = arith.constant 0 : index
    %swap3A_226 = vector.load %arg10[%swap3A_223, %swap3A_224, %swap3A_225] : memref<8x192x224xf32, #tpu.memory_space<vmem>>, vector<1x192x224xf32>
    %swap3A_227 = vector.shape_cast %swap3A_226 : vector<1x192x224xf32> to vector<192x224xf32>
    %swap3A_228 = vector.shape_cast %add3A_222 : vector<192x224xf32> to vector<1x192x224xf32>
    tpu.vector_store %arg10[%swap3A_223, %swap3A_224, %swap3A_225], %swap3A_228 {strides = array<i32>} : memref<8x192x224xf32, #tpu.memory_space<vmem>>, vector<1x192x224xf32>,
    %get3A_229 = arith.constant 1120 : index
    %get3A_230 = arith.constant 0 : index
    %get3A_231 = vector.load %arg1[%get3A_229, %get3A_230] : memref<1792x192xf32, #tpu.memory_space<vmem>>, vector<224x192xf32>
    %dot_general3A_232 = arith.constant dense<0.000000e+00> : vector<192x224xf32>
    %dot_general3A_233 = tpu.matmul %get3A_1, %get3A_231, %dot_general3A_232 {dimension_numbers = #tpu.dot_dimension_numbers<[0], [1], [1], [0], [0, 1, 1, 0], [], []>, transpose_lhs_hint = false} : vector<192x192xf32>, vector<224x192xf32>, vector<192x224xf32> -> vector<192x224xf32>
    %get3A_234 = arith.constant 0 : index
    %get3A_235 = arith.constant 0 : index
    %get3A_236 = vector.load %arg5[%get3A_234, %get3A_235] : memref<192x1xf32, #tpu.memory_space<vmem>>, vector<192x1xf32>
    %add3A_237 = vector.broadcast %get3A_236 : vector<192x1xf32> to vector<192x224xf32>
    %add3A_238 = arith.addf %dot_general3A_233, %add3A_237 : vector<192x224xf32>
    %mul3A_239 = arith.constant 0.176776692 : f32
    %mul3A_240 = vector.broadcast %mul3A_239 : f32 to vector<192x224xf32>
    %mul3A_241 = arith.mulf %add3A_238, %mul3A_240 : vector<192x224xf32>
    %swap3A_242 = arith.constant 5 : index
    %swap3A_243 = arith.constant 0 : index
    %swap3A_244 = arith.constant 0 : index
    %swap3A_245 = vector.load %arg8[%swap3A_242, %swap3A_243, %swap3A_244] : memref<8x192x224xf32, #tpu.memory_space<vmem>>, vector<1x192x224xf32>
    %swap3A_246 = vector.shape_cast %swap3A_245 : vector<1x192x224xf32> to vector<192x224xf32>
    %swap3A_247 = vector.shape_cast %mul3A_241 : vector<192x224xf32> to vector<1x192x224xf32>
    tpu.vector_store %arg8[%swap3A_242, %swap3A_243, %swap3A_244], %swap3A_247 {strides = array<i32>} : memref<8x192x224xf32, #tpu.memory_space<vmem>>, vector<1x192x224xf32>,
    %dot_general3A_248 = arith.constant dense<0.000000e+00> : vector<192x224xf32>
    %dot_general3A_249 = tpu.matmul %get3A_4, %get3A_231, %dot_general3A_248 {dimension_numbers = #tpu.dot_dimension_numbers<[0], [1], [1], [0], [0, 1, 1, 0], [], []>, transpose_lhs_hint = false} : vector<192x192xf32>, vector<224x192xf32>, vector<192x224xf32> -> vector<192x224xf32>
    %get3A_250 = arith.constant 0 : index
    %get3A_251 = arith.constant 0 : index
    %get3A_252 = vector.load %arg6[%get3A_250, %get3A_251] : memref<192x1xf32, #tpu.memory_space<vmem>>, vector<192x1xf32>
    %add3A_253 = vector.broadcast %get3A_252 : vector<192x1xf32> to vector<192x224xf32>
    %add3A_254 = arith.addf %dot_general3A_249, %add3A_253 : vector<192x224xf32>
    %swap3A_255 = arith.constant 5 : index
    %swap3A_256 = arith.constant 0 : index
    %swap3A_257 = arith.constant 0 : index
    %swap3A_258 = vector.load %arg9[%swap3A_255, %swap3A_256, %swap3A_257] : memref<8x192x224xf32, #tpu.memory_space<vmem>>, vector<1x192x224xf32>
    %swap3A_259 = vector.shape_cast %swap3A_258 : vector<1x192x224xf32> to vector<192x224xf32>
    %swap3A_260 = vector.shape_cast %add3A_254 : vector<192x224xf32> to vector<1x192x224xf32>
    tpu.vector_store %arg9[%swap3A_255, %swap3A_256, %swap3A_257], %swap3A_260 {strides = array<i32>} : memref<8x192x224xf32, #tpu.memory_space<vmem>>, vector<1x192x224xf32>,
    %dot_general3A_261 = arith.constant dense<0.000000e+00> : vector<192x224xf32>
    %dot_general3A_262 = tpu.matmul %get3A_7, %get3A_231, %dot_general3A_261 {dimension_numbers = #tpu.dot_dimension_numbers<[0], [1], [1], [0], [0, 1, 1, 0], [], []>, transpose_lhs_hint = false} : vector<192x192xf32>, vector<224x192xf32>, vector<192x224xf32> -> vector<192x224xf32>
    %get3A_263 = arith.constant 0 : index
    %get3A_264 = arith.constant 0 : index
    %get3A_265 = vector.load %arg7[%get3A_263, %get3A_264] : memref<192x1xf32, #tpu.memory_space<vmem>>, vector<192x1xf32>
    %add3A_266 = vector.broadcast %get3A_265 : vector<192x1xf32> to vector<192x224xf32>
    %add3A_267 = arith.addf %dot_general3A_262, %add3A_266 : vector<192x224xf32>
    %swap3A_268 = arith.constant 5 : index
    %swap3A_269 = arith.constant 0 : index
    %swap3A_270 = arith.constant 0 : index
    %swap3A_271 = vector.load %arg10[%swap3A_268, %swap3A_269, %swap3A_270] : memref<8x192x224xf32, #tpu.memory_space<vmem>>, vector<1x192x224xf32>
    %swap3A_272 = vector.shape_cast %swap3A_271 : vector<1x192x224xf32> to vector<192x224xf32>
    %swap3A_273 = vector.shape_cast %add3A_267 : vector<192x224xf32> to vector<1x192x224xf32>
    tpu.vector_store %arg10[%swap3A_268, %swap3A_269, %swap3A_270], %swap3A_273 {strides = array<i32>} : memref<8x192x224xf32, #tpu.memory_space<vmem>>, vector<1x192x224xf32>,
    %get3A_274 = arith.constant 1344 : index
    %get3A_275 = arith.constant 0 : index
    %get3A_276 = vector.load %arg1[%get3A_274, %get3A_275] : memref<1792x192xf32, #tpu.memory_space<vmem>>, vector<224x192xf32>
    %dot_general3A_277 = arith.constant dense<0.000000e+00> : vector<192x224xf32>
    %dot_general3A_278 = tpu.matmul %get3A_1, %get3A_276, %dot_general3A_277 {dimension_numbers = #tpu.dot_dimension_numbers<[0], [1], [1], [0], [0, 1, 1, 0], [], []>, transpose_lhs_hint = false} : vector<192x192xf32>, vector<224x192xf32>, vector<192x224xf32> -> vector<192x224xf32>
    %get3A_279 = arith.constant 0 : index
    %get3A_280 = arith.constant 0 : index
    %get3A_281 = vector.load %arg5[%get3A_279, %get3A_280] : memref<192x1xf32, #tpu.memory_space<vmem>>, vector<192x1xf32>
    %add3A_282 = vector.broadcast %get3A_281 : vector<192x1xf32> to vector<192x224xf32>
    %add3A_283 = arith.addf %dot_general3A_278, %add3A_282 : vector<192x224xf32>
    %mul3A_284 = arith.constant 0.176776692 : f32
    %mul3A_285 = vector.broadcast %mul3A_284 : f32 to vector<192x224xf32>
    %mul3A_286 = arith.mulf %add3A_283, %mul3A_285 : vector<192x224xf32>
    %swap3A_287 = arith.constant 6 : index
    %swap3A_288 = arith.constant 0 : index
    %swap3A_289 = arith.constant 0 : index
    %swap3A_290 = vector.load %arg8[%swap3A_287, %swap3A_288, %swap3A_289] : memref<8x192x224xf32, #tpu.memory_space<vmem>>, vector<1x192x224xf32>
    %swap3A_291 = vector.shape_cast %swap3A_290 : vector<1x192x224xf32> to vector<192x224xf32>
    %swap3A_292 = vector.shape_cast %mul3A_286 : vector<192x224xf32> to vector<1x192x224xf32>
    tpu.vector_store %arg8[%swap3A_287, %swap3A_288, %swap3A_289], %swap3A_292 {strides = array<i32>} : memref<8x192x224xf32, #tpu.memory_space<vmem>>, vector<1x192x224xf32>,
    %dot_general3A_293 = arith.constant dense<0.000000e+00> : vector<192x224xf32>
    %dot_general3A_294 = tpu.matmul %get3A_4, %get3A_276, %dot_general3A_293 {dimension_numbers = #tpu.dot_dimension_numbers<[0], [1], [1], [0], [0, 1, 1, 0], [], []>, transpose_lhs_hint = false} : vector<192x192xf32>, vector<224x192xf32>, vector<192x224xf32> -> vector<192x224xf32>
    %get3A_295 = arith.constant 0 : index
    %get3A_296 = arith.constant 0 : index
    %get3A_297 = vector.load %arg6[%get3A_295, %get3A_296] : memref<192x1xf32, #tpu.memory_space<vmem>>, vector<192x1xf32>
    %add3A_298 = vector.broadcast %get3A_297 : vector<192x1xf32> to vector<192x224xf32>
    %add3A_299 = arith.addf %dot_general3A_294, %add3A_298 : vector<192x224xf32>
    %swap3A_300 = arith.constant 6 : index
    %swap3A_301 = arith.constant 0 : index
    %swap3A_302 = arith.constant 0 : index
    %swap3A_303 = vector.load %arg9[%swap3A_300, %swap3A_301, %swap3A_302] : memref<8x192x224xf32, #tpu.memory_space<vmem>>, vector<1x192x224xf32>
    %swap3A_304 = vector.shape_cast %swap3A_303 : vector<1x192x224xf32> to vector<192x224xf32>
    %swap3A_305 = vector.shape_cast %add3A_299 : vector<192x224xf32> to vector<1x192x224xf32>
    tpu.vector_store %arg9[%swap3A_300, %swap3A_301, %swap3A_302], %swap3A_305 {strides = array<i32>} : memref<8x192x224xf32, #tpu.memory_space<vmem>>, vector<1x192x224xf32>,
    %dot_general3A_306 = arith.constant dense<0.000000e+00> : vector<192x224xf32>
    %dot_general3A_307 = tpu.matmul %get3A_7, %get3A_276, %dot_general3A_306 {dimension_numbers = #tpu.dot_dimension_numbers<[0], [1], [1], [0], [0, 1, 1, 0], [], []>, transpose_lhs_hint = false} : vector<192x192xf32>, vector<224x192xf32>, vector<192x224xf32> -> vector<192x224xf32>
    %get3A_308 = arith.constant 0 : index
    %get3A_309 = arith.constant 0 : index
    %get3A_310 = vector.load %arg7[%get3A_308, %get3A_309] : memref<192x1xf32, #tpu.memory_space<vmem>>, vector<192x1xf32>
    %add3A_311 = vector.broadcast %get3A_310 : vector<192x1xf32> to vector<192x224xf32>
    %add3A_312 = arith.addf %dot_general3A_307, %add3A_311 : vector<192x224xf32>
    %swap3A_313 = arith.constant 6 : index
    %swap3A_314 = arith.constant 0 : index
    %swap3A_315 = arith.constant 0 : index
    %swap3A_316 = vector.load %arg10[%swap3A_313, %swap3A_314, %swap3A_315] : memref<8x192x224xf32, #tpu.memory_space<vmem>>, vector<1x192x224xf32>
    %swap3A_317 = vector.shape_cast %swap3A_316 : vector<1x192x224xf32> to vector<192x224xf32>
    %swap3A_318 = vector.shape_cast %add3A_312 : vector<192x224xf32> to vector<1x192x224xf32>
    tpu.vector_store %arg10[%swap3A_313, %swap3A_314, %swap3A_315], %swap3A_318 {strides = array<i32>} : memref<8x192x224xf32, #tpu.memory_space<vmem>>, vector<1x192x224xf32>,
    %get3A_319 = arith.constant 1568 : index
    %get3A_320 = arith.constant 0 : index
    %get3A_321 = vector.load %arg1[%get3A_319, %get3A_320] : memref<1792x192xf32, #tpu.memory_space<vmem>>, vector<224x192xf32>
    %dot_general3A_322 = arith.constant dense<0.000000e+00> : vector<192x224xf32>
    %dot_general3A_323 = tpu.matmul %get3A_1, %get3A_321, %dot_general3A_322 {dimension_numbers = #tpu.dot_dimension_numbers<[0], [1], [1], [0], [0, 1, 1, 0], [], []>, transpose_lhs_hint = false} : vector<192x192xf32>, vector<224x192xf32>, vector<192x224xf32> -> vector<192x224xf32>
    %get3A_324 = arith.constant 0 : index
    %get3A_325 = arith.constant 0 : index
    %get3A_326 = vector.load %arg5[%get3A_324, %get3A_325] : memref<192x1xf32, #tpu.memory_space<vmem>>, vector<192x1xf32>
    %add3A_327 = vector.broadcast %get3A_326 : vector<192x1xf32> to vector<192x224xf32>
    %add3A_328 = arith.addf %dot_general3A_323, %add3A_327 : vector<192x224xf32>
    %mul3A_329 = arith.constant 0.176776692 : f32
    %mul3A_330 = vector.broadcast %mul3A_329 : f32 to vector<192x224xf32>
    %mul3A_331 = arith.mulf %add3A_328, %mul3A_330 : vector<192x224xf32>
    %swap3A_332 = arith.constant 7 : index
    %swap3A_333 = arith.constant 0 : index
    %swap3A_334 = arith.constant 0 : index
    %swap3A_335 = vector.load %arg8[%swap3A_332, %swap3A_333, %swap3A_334] : memref<8x192x224xf32, #tpu.memory_space<vmem>>, vector<1x192x224xf32>
    %swap3A_336 = vector.shape_cast %swap3A_335 : vector<1x192x224xf32> to vector<192x224xf32>
    %swap3A_337 = vector.shape_cast %mul3A_331 : vector<192x224xf32> to vector<1x192x224xf32>
    tpu.vector_store %arg8[%swap3A_332, %swap3A_333, %swap3A_334], %swap3A_337 {strides = array<i32>} : memref<8x192x224xf32, #tpu.memory_space<vmem>>, vector<1x192x224xf32>,
    %dot_general3A_338 = arith.constant dense<0.000000e+00> : vector<192x224xf32>
    %dot_general3A_339 = tpu.matmul %get3A_4, %get3A_321, %dot_general3A_338 {dimension_numbers = #tpu.dot_dimension_numbers<[0], [1], [1], [0], [0, 1, 1, 0], [], []>, transpose_lhs_hint = false} : vector<192x192xf32>, vector<224x192xf32>, vector<192x224xf32> -> vector<192x224xf32>
    %get3A_340 = arith.constant 0 : index
    %get3A_341 = arith.constant 0 : index
    %get3A_342 = vector.load %arg6[%get3A_340, %get3A_341] : memref<192x1xf32, #tpu.memory_space<vmem>>, vector<192x1xf32>
    %add3A_343 = vector.broadcast %get3A_342 : vector<192x1xf32> to vector<192x224xf32>
    %add3A_344 = arith.addf %dot_general3A_339, %add3A_343 : vector<192x224xf32>
    %swap3A_345 = arith.constant 7 : index
    %swap3A_346 = arith.constant 0 : index
    %swap3A_347 = arith.constant 0 : index
    %swap3A_348 = vector.load %arg9[%swap3A_345, %swap3A_346, %swap3A_347] : memref<8x192x224xf32, #tpu.memory_space<vmem>>, vector<1x192x224xf32>
    %swap3A_349 = vector.shape_cast %swap3A_348 : vector<1x192x224xf32> to vector<192x224xf32>
    %swap3A_350 = vector.shape_cast %add3A_344 : vector<192x224xf32> to vector<1x192x224xf32>
    tpu.vector_store %arg9[%swap3A_345, %swap3A_346, %swap3A_347], %swap3A_350 {strides = array<i32>} : memref<8x192x224xf32, #tpu.memory_space<vmem>>, vector<1x192x224xf32>,
    %dot_general3A_351 = arith.constant dense<0.000000e+00> : vector<192x224xf32>
    %dot_general3A_352 = tpu.matmul %get3A_7, %get3A_321, %dot_general3A_351 {dimension_numbers = #tpu.dot_dimension_numbers<[0], [1], [1], [0], [0, 1, 1, 0], [], []>, transpose_lhs_hint = false} : vector<192x192xf32>, vector<224x192xf32>, vector<192x224xf32> -> vector<192x224xf32>
    %get3A_353 = arith.constant 0 : index
    %get3A_354 = arith.constant 0 : index
    %get3A_355 = vector.load %arg7[%get3A_353, %get3A_354] : memref<192x1xf32, #tpu.memory_space<vmem>>, vector<192x1xf32>
    %add3A_356 = vector.broadcast %get3A_355 : vector<192x1xf32> to vector<192x224xf32>
    %add3A_357 = arith.addf %dot_general3A_352, %add3A_356 : vector<192x224xf32>
    %swap3A_358 = arith.constant 7 : index
    %swap3A_359 = arith.constant 0 : index
    %swap3A_360 = arith.constant 0 : index
    %swap3A_361 = vector.load %arg10[%swap3A_358, %swap3A_359, %swap3A_360] : memref<8x192x224xf32, #tpu.memory_space<vmem>>, vector<1x192x224xf32>
    %swap3A_362 = vector.shape_cast %swap3A_361 : vector<1x192x224xf32> to vector<192x224xf32>
    %swap3A_363 = vector.shape_cast %add3A_357 : vector<192x224xf32> to vector<1x192x224xf32>
    tpu.vector_store %arg10[%swap3A_358, %swap3A_359, %swap3A_360], %swap3A_363 {strides = array<i32>} : memref<8x192x224xf32, #tpu.memory_space<vmem>>, vector<1x192x224xf32>,
    return
  }
  func.func @transform_0(%arg0: i32) -> (i32, i32) {
    %c0_i32 = arith.constant 0 : i32
    %c0_i32_0 = arith.constant 0 : i32
    return %arg0, %c0_i32 : i32, i32
  }
  func.func @transform_1(%arg0: i32) -> (i32, i32) {
    %c0_i32 = arith.constant 0 : i32
    %c0_i32_0 = arith.constant 0 : i32
    %c0_i32_1 = arith.constant 0 : i32
    return %c0_i32, %c0_i32_0 : i32, i32
  }
  func.func @transform_2(%arg0: i32) -> (i32, i32) {
    %c0_i32 = arith.constant 0 : i32
    %c0_i32_0 = arith.constant 0 : i32
    %c0_i32_1 = arith.constant 0 : i32
    return %c0_i32, %c0_i32_0 : i32, i32
  }
  func.func @transform_3(%arg0: i32) -> (i32, i32) {
    %c0_i32 = arith.constant 0 : i32
    %c0_i32_0 = arith.constant 0 : i32
    %c0_i32_1 = arith.constant 0 : i32
    return %c0_i32, %c0_i32_0 : i32, i32
  }
  func.func @transform_4(%arg0: i32) -> (i32, i32) {
    %c0_i32 = arith.constant 0 : i32
    %c0_i32_0 = arith.constant 0 : i32
    %c0_i32_1 = arith.constant 0 : i32
    return %c0_i32, %c0_i32_0 : i32, i32
  }
  func.func @transform_5(%arg0: i32) -> (i32, i32) {
    %c0_i32 = arith.constant 0 : i32
    %c0_i32_0 = arith.constant 0 : i32
    %c0_i32_1 = arith.constant 0 : i32
    return %c0_i32, %c0_i32_0 : i32, i32
  }
  func.func @transform_6(%arg0: i32) -> (i32, i32) {
    %c0_i32 = arith.constant 0 : i32
    %c0_i32_0 = arith.constant 0 : i32
    %c0_i32_1 = arith.constant 0 : i32
    return %c0_i32, %c0_i32_0 : i32, i32
  }
  func.func @transform_7(%arg0: i32) -> (i32, i32, i32) {
    %c0_i32 = arith.constant 0 : i32
    %c0_i32_0 = arith.constant 0 : i32
    %c0_i32_1 = arith.constant 0 : i32
    return %arg0, %c0_i32, %c0_i32_0 : i32, i32, i32
  }
  func.func @transform_8(%arg0: i32) -> (i32, i32, i32) {
    %c0_i32 = arith.constant 0 : i32
    %c0_i32_0 = arith.constant 0 : i32
    %c0_i32_1 = arith.constant 0 : i32
    return %arg0, %c0_i32, %c0_i32_0 : i32, i32, i32
  }
  func.func @transform_9(%arg0: i32) -> (i32, i32, i32) {
    %c0_i32 = arith.constant 0 : i32
    %c0_i32_0 = arith.constant 0 : i32
    %c0_i32_1 = arith.constant 0 : i32
    return %arg0, %c0_i32, %c0_i32_0 : i32, i32, i32
  }
}

module attributes {stable_mosaic.version = 14 : i64} {
  func.func @_proj_body(%arg0: i32, %arg1: memref<8x192x224xf32, #tpu.memory_space<vmem>>, %arg2: memref<192x192xf32, #tpu.memory_space<vmem>>, %arg3: memref<1x192xf32, #tpu.memory_space<vmem>>, %arg4: memref<1792x192xf32, #tpu.memory_space<vmem>>) attributes {dimension_semantics = [#tpu.dimension_semantics<arbitrary>], iteration_bounds = array<i64: 56>, scalar_prefetch = 0 : i64, scratch_operands = 0 : i64, tpu.core_type = #tpu.core_type<tc>, window_params = [{transform_indices = @transform_0, window_bounds = array<i64: 8, 192, 224>}, {pipeline_mode = #tpu.pipeline_mode<synchronous>, transform_indices = @transform_1, window_bounds = array<i64: 192, 192>}, {pipeline_mode = #tpu.pipeline_mode<synchronous>, transform_indices = @transform_2, window_bounds = array<i64: 1, 192>}, {transform_indices = @transform_3, window_bounds = array<i64: 1792, 192>}]} {
    %get3A = arith.constant 0 : index
    %get3A_0 = arith.constant 0 : index
    %get3A_1 = arith.constant 0 : index
    %get3A_2 = vector.load %arg1[%get3A, %get3A_0, %get3A_1] : memref<8x192x224xf32, #tpu.memory_space<vmem>>, vector<1x192x224xf32>
    %get3A_3 = vector.shape_cast %get3A_2 : vector<1x192x224xf32> to vector<192x224xf32>
    %get3A_4 = arith.constant 0 : index
    %get3A_5 = arith.constant 0 : index
    %get3A_6 = vector.load %arg2[%get3A_4, %get3A_5] : memref<192x192xf32, #tpu.memory_space<vmem>>, vector<192x192xf32>
    %dot_general3A = arith.constant dense<0.000000e+00> : vector<224x192xf32>
    %dot_general3A_7 = tpu.matmul %get3A_3, %get3A_6, %dot_general3A {dimension_numbers = #tpu.dot_dimension_numbers<[0], [0], [1], [1], [0, 1, 1, 1], [], []>, transpose_lhs_hint = false} : vector<192x224xf32>, vector<192x192xf32>, vector<224x192xf32> -> vector<224x192xf32>
    %get3A_8 = arith.constant 0 : index
    %get3A_9 = arith.constant 0 : index
    %get3A_10 = vector.load %arg3[%get3A_8, %get3A_9] : memref<1x192xf32, #tpu.memory_space<vmem>>, vector<1x192xf32>
    %add3A = vector.broadcast %get3A_10 : vector<1x192xf32> to vector<224x192xf32>
    %add3A_11 = arith.addf %dot_general3A_7, %add3A : vector<224x192xf32>
    %swap3A = arith.constant 0 : index
    %swap3A_12 = arith.constant 0 : index
    %swap3A_13 = vector.load %arg4[%swap3A, %swap3A_12] : memref<1792x192xf32, #tpu.memory_space<vmem>>, vector<224x192xf32>
    tpu.vector_store %arg4[%swap3A, %swap3A_12], %add3A_11 {strides = array<i32>} : memref<1792x192xf32, #tpu.memory_space<vmem>>, vector<224x192xf32>,
    %get3A_14 = arith.constant 1 : index
    %get3A_15 = arith.constant 0 : index
    %get3A_16 = arith.constant 0 : index
    %get3A_17 = vector.load %arg1[%get3A_14, %get3A_15, %get3A_16] : memref<8x192x224xf32, #tpu.memory_space<vmem>>, vector<1x192x224xf32>
    %get3A_18 = vector.shape_cast %get3A_17 : vector<1x192x224xf32> to vector<192x224xf32>
    %get3A_19 = arith.constant 0 : index
    %get3A_20 = arith.constant 0 : index
    %get3A_21 = vector.load %arg2[%get3A_19, %get3A_20] : memref<192x192xf32, #tpu.memory_space<vmem>>, vector<192x192xf32>
    %dot_general3A_22 = arith.constant dense<0.000000e+00> : vector<224x192xf32>
    %dot_general3A_23 = tpu.matmul %get3A_18, %get3A_21, %dot_general3A_22 {dimension_numbers = #tpu.dot_dimension_numbers<[0], [0], [1], [1], [0, 1, 1, 1], [], []>, transpose_lhs_hint = false} : vector<192x224xf32>, vector<192x192xf32>, vector<224x192xf32> -> vector<224x192xf32>
    %get3A_24 = arith.constant 0 : index
    %get3A_25 = arith.constant 0 : index
    %get3A_26 = vector.load %arg3[%get3A_24, %get3A_25] : memref<1x192xf32, #tpu.memory_space<vmem>>, vector<1x192xf32>
    %add3A_27 = vector.broadcast %get3A_26 : vector<1x192xf32> to vector<224x192xf32>
    %add3A_28 = arith.addf %dot_general3A_23, %add3A_27 : vector<224x192xf32>
    %swap3A_29 = arith.constant 224 : index
    %swap3A_30 = arith.constant 0 : index
    %swap3A_31 = vector.load %arg4[%swap3A_29, %swap3A_30] : memref<1792x192xf32, #tpu.memory_space<vmem>>, vector<224x192xf32>
    tpu.vector_store %arg4[%swap3A_29, %swap3A_30], %add3A_28 {strides = array<i32>} : memref<1792x192xf32, #tpu.memory_space<vmem>>, vector<224x192xf32>,
    %get3A_32 = arith.constant 2 : index
    %get3A_33 = arith.constant 0 : index
    %get3A_34 = arith.constant 0 : index
    %get3A_35 = vector.load %arg1[%get3A_32, %get3A_33, %get3A_34] : memref<8x192x224xf32, #tpu.memory_space<vmem>>, vector<1x192x224xf32>
    %get3A_36 = vector.shape_cast %get3A_35 : vector<1x192x224xf32> to vector<192x224xf32>
    %get3A_37 = arith.constant 0 : index
    %get3A_38 = arith.constant 0 : index
    %get3A_39 = vector.load %arg2[%get3A_37, %get3A_38] : memref<192x192xf32, #tpu.memory_space<vmem>>, vector<192x192xf32>
    %dot_general3A_40 = arith.constant dense<0.000000e+00> : vector<224x192xf32>
    %dot_general3A_41 = tpu.matmul %get3A_36, %get3A_39, %dot_general3A_40 {dimension_numbers = #tpu.dot_dimension_numbers<[0], [0], [1], [1], [0, 1, 1, 1], [], []>, transpose_lhs_hint = false} : vector<192x224xf32>, vector<192x192xf32>, vector<224x192xf32> -> vector<224x192xf32>
    %get3A_42 = arith.constant 0 : index
    %get3A_43 = arith.constant 0 : index
    %get3A_44 = vector.load %arg3[%get3A_42, %get3A_43] : memref<1x192xf32, #tpu.memory_space<vmem>>, vector<1x192xf32>
    %add3A_45 = vector.broadcast %get3A_44 : vector<1x192xf32> to vector<224x192xf32>
    %add3A_46 = arith.addf %dot_general3A_41, %add3A_45 : vector<224x192xf32>
    %swap3A_47 = arith.constant 448 : index
    %swap3A_48 = arith.constant 0 : index
    %swap3A_49 = vector.load %arg4[%swap3A_47, %swap3A_48] : memref<1792x192xf32, #tpu.memory_space<vmem>>, vector<224x192xf32>
    tpu.vector_store %arg4[%swap3A_47, %swap3A_48], %add3A_46 {strides = array<i32>} : memref<1792x192xf32, #tpu.memory_space<vmem>>, vector<224x192xf32>,
    %get3A_50 = arith.constant 3 : index
    %get3A_51 = arith.constant 0 : index
    %get3A_52 = arith.constant 0 : index
    %get3A_53 = vector.load %arg1[%get3A_50, %get3A_51, %get3A_52] : memref<8x192x224xf32, #tpu.memory_space<vmem>>, vector<1x192x224xf32>
    %get3A_54 = vector.shape_cast %get3A_53 : vector<1x192x224xf32> to vector<192x224xf32>
    %get3A_55 = arith.constant 0 : index
    %get3A_56 = arith.constant 0 : index
    %get3A_57 = vector.load %arg2[%get3A_55, %get3A_56] : memref<192x192xf32, #tpu.memory_space<vmem>>, vector<192x192xf32>
    %dot_general3A_58 = arith.constant dense<0.000000e+00> : vector<224x192xf32>
    %dot_general3A_59 = tpu.matmul %get3A_54, %get3A_57, %dot_general3A_58 {dimension_numbers = #tpu.dot_dimension_numbers<[0], [0], [1], [1], [0, 1, 1, 1], [], []>, transpose_lhs_hint = false} : vector<192x224xf32>, vector<192x192xf32>, vector<224x192xf32> -> vector<224x192xf32>
    %get3A_60 = arith.constant 0 : index
    %get3A_61 = arith.constant 0 : index
    %get3A_62 = vector.load %arg3[%get3A_60, %get3A_61] : memref<1x192xf32, #tpu.memory_space<vmem>>, vector<1x192xf32>
    %add3A_63 = vector.broadcast %get3A_62 : vector<1x192xf32> to vector<224x192xf32>
    %add3A_64 = arith.addf %dot_general3A_59, %add3A_63 : vector<224x192xf32>
    %swap3A_65 = arith.constant 672 : index
    %swap3A_66 = arith.constant 0 : index
    %swap3A_67 = vector.load %arg4[%swap3A_65, %swap3A_66] : memref<1792x192xf32, #tpu.memory_space<vmem>>, vector<224x192xf32>
    tpu.vector_store %arg4[%swap3A_65, %swap3A_66], %add3A_64 {strides = array<i32>} : memref<1792x192xf32, #tpu.memory_space<vmem>>, vector<224x192xf32>,
    %get3A_68 = arith.constant 4 : index
    %get3A_69 = arith.constant 0 : index
    %get3A_70 = arith.constant 0 : index
    %get3A_71 = vector.load %arg1[%get3A_68, %get3A_69, %get3A_70] : memref<8x192x224xf32, #tpu.memory_space<vmem>>, vector<1x192x224xf32>
    %get3A_72 = vector.shape_cast %get3A_71 : vector<1x192x224xf32> to vector<192x224xf32>
    %get3A_73 = arith.constant 0 : index
    %get3A_74 = arith.constant 0 : index
    %get3A_75 = vector.load %arg2[%get3A_73, %get3A_74] : memref<192x192xf32, #tpu.memory_space<vmem>>, vector<192x192xf32>
    %dot_general3A_76 = arith.constant dense<0.000000e+00> : vector<224x192xf32>
    %dot_general3A_77 = tpu.matmul %get3A_72, %get3A_75, %dot_general3A_76 {dimension_numbers = #tpu.dot_dimension_numbers<[0], [0], [1], [1], [0, 1, 1, 1], [], []>, transpose_lhs_hint = false} : vector<192x224xf32>, vector<192x192xf32>, vector<224x192xf32> -> vector<224x192xf32>
    %get3A_78 = arith.constant 0 : index
    %get3A_79 = arith.constant 0 : index
    %get3A_80 = vector.load %arg3[%get3A_78, %get3A_79] : memref<1x192xf32, #tpu.memory_space<vmem>>, vector<1x192xf32>
    %add3A_81 = vector.broadcast %get3A_80 : vector<1x192xf32> to vector<224x192xf32>
    %add3A_82 = arith.addf %dot_general3A_77, %add3A_81 : vector<224x192xf32>
    %swap3A_83 = arith.constant 896 : index
    %swap3A_84 = arith.constant 0 : index
    %swap3A_85 = vector.load %arg4[%swap3A_83, %swap3A_84] : memref<1792x192xf32, #tpu.memory_space<vmem>>, vector<224x192xf32>
    tpu.vector_store %arg4[%swap3A_83, %swap3A_84], %add3A_82 {strides = array<i32>} : memref<1792x192xf32, #tpu.memory_space<vmem>>, vector<224x192xf32>,
    %get3A_86 = arith.constant 5 : index
    %get3A_87 = arith.constant 0 : index
    %get3A_88 = arith.constant 0 : index
    %get3A_89 = vector.load %arg1[%get3A_86, %get3A_87, %get3A_88] : memref<8x192x224xf32, #tpu.memory_space<vmem>>, vector<1x192x224xf32>
    %get3A_90 = vector.shape_cast %get3A_89 : vector<1x192x224xf32> to vector<192x224xf32>
    %get3A_91 = arith.constant 0 : index
    %get3A_92 = arith.constant 0 : index
    %get3A_93 = vector.load %arg2[%get3A_91, %get3A_92] : memref<192x192xf32, #tpu.memory_space<vmem>>, vector<192x192xf32>
    %dot_general3A_94 = arith.constant dense<0.000000e+00> : vector<224x192xf32>
    %dot_general3A_95 = tpu.matmul %get3A_90, %get3A_93, %dot_general3A_94 {dimension_numbers = #tpu.dot_dimension_numbers<[0], [0], [1], [1], [0, 1, 1, 1], [], []>, transpose_lhs_hint = false} : vector<192x224xf32>, vector<192x192xf32>, vector<224x192xf32> -> vector<224x192xf32>
    %get3A_96 = arith.constant 0 : index
    %get3A_97 = arith.constant 0 : index
    %get3A_98 = vector.load %arg3[%get3A_96, %get3A_97] : memref<1x192xf32, #tpu.memory_space<vmem>>, vector<1x192xf32>
    %add3A_99 = vector.broadcast %get3A_98 : vector<1x192xf32> to vector<224x192xf32>
    %add3A_100 = arith.addf %dot_general3A_95, %add3A_99 : vector<224x192xf32>
    %swap3A_101 = arith.constant 1120 : index
    %swap3A_102 = arith.constant 0 : index
    %swap3A_103 = vector.load %arg4[%swap3A_101, %swap3A_102] : memref<1792x192xf32, #tpu.memory_space<vmem>>, vector<224x192xf32>
    tpu.vector_store %arg4[%swap3A_101, %swap3A_102], %add3A_100 {strides = array<i32>} : memref<1792x192xf32, #tpu.memory_space<vmem>>, vector<224x192xf32>,
    %get3A_104 = arith.constant 6 : index
    %get3A_105 = arith.constant 0 : index
    %get3A_106 = arith.constant 0 : index
    %get3A_107 = vector.load %arg1[%get3A_104, %get3A_105, %get3A_106] : memref<8x192x224xf32, #tpu.memory_space<vmem>>, vector<1x192x224xf32>
    %get3A_108 = vector.shape_cast %get3A_107 : vector<1x192x224xf32> to vector<192x224xf32>
    %get3A_109 = arith.constant 0 : index
    %get3A_110 = arith.constant 0 : index
    %get3A_111 = vector.load %arg2[%get3A_109, %get3A_110] : memref<192x192xf32, #tpu.memory_space<vmem>>, vector<192x192xf32>
    %dot_general3A_112 = arith.constant dense<0.000000e+00> : vector<224x192xf32>
    %dot_general3A_113 = tpu.matmul %get3A_108, %get3A_111, %dot_general3A_112 {dimension_numbers = #tpu.dot_dimension_numbers<[0], [0], [1], [1], [0, 1, 1, 1], [], []>, transpose_lhs_hint = false} : vector<192x224xf32>, vector<192x192xf32>, vector<224x192xf32> -> vector<224x192xf32>
    %get3A_114 = arith.constant 0 : index
    %get3A_115 = arith.constant 0 : index
    %get3A_116 = vector.load %arg3[%get3A_114, %get3A_115] : memref<1x192xf32, #tpu.memory_space<vmem>>, vector<1x192xf32>
    %add3A_117 = vector.broadcast %get3A_116 : vector<1x192xf32> to vector<224x192xf32>
    %add3A_118 = arith.addf %dot_general3A_113, %add3A_117 : vector<224x192xf32>
    %swap3A_119 = arith.constant 1344 : index
    %swap3A_120 = arith.constant 0 : index
    %swap3A_121 = vector.load %arg4[%swap3A_119, %swap3A_120] : memref<1792x192xf32, #tpu.memory_space<vmem>>, vector<224x192xf32>
    tpu.vector_store %arg4[%swap3A_119, %swap3A_120], %add3A_118 {strides = array<i32>} : memref<1792x192xf32, #tpu.memory_space<vmem>>, vector<224x192xf32>,
    %get3A_122 = arith.constant 7 : index
    %get3A_123 = arith.constant 0 : index
    %get3A_124 = arith.constant 0 : index
    %get3A_125 = vector.load %arg1[%get3A_122, %get3A_123, %get3A_124] : memref<8x192x224xf32, #tpu.memory_space<vmem>>, vector<1x192x224xf32>
    %get3A_126 = vector.shape_cast %get3A_125 : vector<1x192x224xf32> to vector<192x224xf32>
    %get3A_127 = arith.constant 0 : index
    %get3A_128 = arith.constant 0 : index
    %get3A_129 = vector.load %arg2[%get3A_127, %get3A_128] : memref<192x192xf32, #tpu.memory_space<vmem>>, vector<192x192xf32>
    %dot_general3A_130 = arith.constant dense<0.000000e+00> : vector<224x192xf32>
    %dot_general3A_131 = tpu.matmul %get3A_126, %get3A_129, %dot_general3A_130 {dimension_numbers = #tpu.dot_dimension_numbers<[0], [0], [1], [1], [0, 1, 1, 1], [], []>, transpose_lhs_hint = false} : vector<192x224xf32>, vector<192x192xf32>, vector<224x192xf32> -> vector<224x192xf32>
    %get3A_132 = arith.constant 0 : index
    %get3A_133 = arith.constant 0 : index
    %get3A_134 = vector.load %arg3[%get3A_132, %get3A_133] : memref<1x192xf32, #tpu.memory_space<vmem>>, vector<1x192xf32>
    %add3A_135 = vector.broadcast %get3A_134 : vector<1x192xf32> to vector<224x192xf32>
    %add3A_136 = arith.addf %dot_general3A_131, %add3A_135 : vector<224x192xf32>
    %swap3A_137 = arith.constant 1568 : index
    %swap3A_138 = arith.constant 0 : index
    %swap3A_139 = vector.load %arg4[%swap3A_137, %swap3A_138] : memref<1792x192xf32, #tpu.memory_space<vmem>>, vector<224x192xf32>
    tpu.vector_store %arg4[%swap3A_137, %swap3A_138], %add3A_136 {strides = array<i32>} : memref<1792x192xf32, #tpu.memory_space<vmem>>, vector<224x192xf32>,
    return
  }
  func.func @transform_0(%arg0: i32) -> (i32, i32, i32) {
    %c0_i32 = arith.constant 0 : i32
    %c0_i32_0 = arith.constant 0 : i32
    %c0_i32_1 = arith.constant 0 : i32
    return %arg0, %c0_i32, %c0_i32_0 : i32, i32, i32
  }
  func.func @transform_1(%arg0: i32) -> (i32, i32) {
    %c0_i32 = arith.constant 0 : i32
    %c0_i32_0 = arith.constant 0 : i32
    %c0_i32_1 = arith.constant 0 : i32
    return %c0_i32, %c0_i32_0 : i32, i32
  }
  func.func @transform_2(%arg0: i32) -> (i32, i32) {
    %c0_i32 = arith.constant 0 : i32
    %c0_i32_0 = arith.constant 0 : i32
    %c0_i32_1 = arith.constant 0 : i32
    return %c0_i32, %c0_i32_0 : i32, i32
  }
  func.func @transform_3(%arg0: i32) -> (i32, i32) {
    %c0_i32 = arith.constant 0 : i32
    %c0_i32_0 = arith.constant 0 : i32
    return %arg0, %c0_i32 : i32, i32
  }
}

</mosaic_0001>

<sc_bundles>
// kernel: kernel.5.cloned.1.call-start
scs
__scs_entry_jumppad:
0x0: {  	(pc) =	sbr.rel $0x88, $3  }
0x1: {  	(tag) =	ssettag $0x0;
	lr =	simm.s32 $0x1  }
0x2: {  	[smem:$0x3F98] =	sst lr;
	_ =	strace $0xD0000000  }
0x3: {  	_ = 	snop  }
0x4: {  	_ = 	snop  }
0x5: {  	_ = 	snop  }
0x6: {  	_ = 	snop  }
0x7: {  	_ = 	snop  }
__scs_overlays_trampoline_lowered:
0x8: {  	[smem:$0x3FA7] =	sst s0  }
0x9: {  	[smem:$0x3FA8] =	sst s1  }
0xa: {  	[smem:$0x3FA9] =	sst s2  }
0xb: {  	[smem:$0x3FAA] =	sst s3  }
0xc: {  	[smem:$0x3FAB] =	sst s4  }
0xd: {  	[smem:$0x3FAC] =	sst s5  }
0xe: {  	[smem:$0x3FAD] =	sst s6  }
0xf: {  	[smem:$0x3FAE] =	sst s7  }
0x10: {  	[smem:$0x3FAF] =	sst s8  }
0x11: {  	[smem:$0x3FB0] =	sst s9;
	s0 =	simm.s32 @!p0 $0x0  }
0x12: {  	s1 =	sld [smem:$0x3F96];
	s0 =	simm.s32 @p0 $0x1  }
0x13: {  	[smem:$0x3FB1] =	sst s0;
	s0 =	simm.s32 @!p1 $0x0  }
0x14: {  	s2 =	sld [smem:$0x3F95];
	s0 =	simm.s32 @p1 $0x1  }
0x15: {  	[smem:$0x3FB2] =	sst s0;
	s0 =	simm.s32 @!p2 $0x0  }
0x16: {  	s3 =	sld [smem:$0x3FDB];
	s0 =	simm.s32 @p2 $0x1  }
0x17: {  	s4 =	simm.s32 $0x1BF5;
	[smem:$0x3FB4] =	sst s0  }
0x18: {  	s0 =	sld [smem:$0x3F97];
	_ =	swait.ge [sflag:s4], $0x0  }
0x19: {  	s7 =	sld [smem:$0x3F98]  }
0x1a: {  	s8 =	sadd.s32 $0xFFFFE003, lr  }
0x1b: {  	s9 =	sadd.s32 $0xFFFFFEF7, lr;
	s5 =	simm.s32 $0xFFFFFFFF;
	p2 =	slt.u32 s8, $0xFFFFF086  }
0x1c: {  	p1 =	slt.u32 s9, $0xF7A;
	s5 =	simm.s32 @!p2 $0x0  }
0x1d: {  	s5 =	simm.s32 @p1 $0x1;
	p0 =	seq.s32 s7, s2  }
0x1e: {  	s7 =	smul.u32 @!p0 $0xF7A, s2;
	p2 =	seq.s32 @!p0 s5, $0x0  }
0x1f: {  	s9 =	smul.u32 $0xF7A, s1;
	s8 =	simm.s32 @!p0 $0x1BF5;
	p2 =	por !p2, p0  }
0x20: {  	[sflag:s8] =	ssyncset.s32 @!p0 $0xFFFFF086;
	s6 =	sadd.s32 @!p0 s3, s7;
	s7 =	simm.s32 @!p0 $0x108  }
0x21: {  	s3 =	sadd.s32 s3, s9;
	s6 =	sadd.s32 @!p0 $0x88, s6;
	s7 =	simm.s32 @p2 $0x1082  }
0x22: {  	[simem:s7], [sflag:s8] =	dma.local @!p0 [hbm:s6], $0xF7A  }
0x23: {  	s9 =	sor.u32 $0xD0000000, s2;
	s6 =	simm.s32 $0x108;
	_ =	swait.ge @!p0 [sflag:s8], $0x0  }
0x24: {  	s3 =	sadd.s32 $0x88, s3;
	s6 =	simm.s32 @!p1 $0x1082;
	[sflag:s4] =	ssyncset.s32 $0xFFFFF086  }
0x25: {  	[simem:s6], [sflag:s4] =	dma.local [hbm:s3], $0xF7A  }
0x26: {  	[smem:$0x3F98] =	sst s1;
	(tag) =	ssettag s2;
	_ =	strace s9  }
0x27: {  	s1 =	sld [smem:$0x3FA8]  }
0x28: {  	s2 =	sld [smem:$0x3FA9]  }
0x29: {  	s4 =	sld [smem:$0x3FAB]  }
0x2a: {  	p0 =	seq.s32 s5, $0x0;
	s5 =	sld [smem:$0x3FAC]  }
0x2b: {  	s6 =	sld [smem:$0x3FAD]  }
0x2c: {  	s7 =	sld [smem:$0x3FAE]  }
0x2d: {  	s3 =	simm.s32 $0x108;
	s8 =	sld [smem:$0x3FAF]  }
0x2e: {  	s3 =	simm.s32 @!p0 $0x1082;
	s9 =	sld [smem:$0x3FB0]  }
0x2f: {  	lr =	sadd.s32 s0, s3;
	s0 =	sld [smem:$0x3FA7]  }
0x30: {  	s3 =	sld [smem:$0x3FAA]  }
0x31: {  	[smem:$0x3FB3] =	sst s10  }
0x32: {  	s10 =	sld [smem:$0x3FB1];
	_ =	sdelay $0x3  }
0x33: {  	p0 =	seq.s32 s10, $0x1;
	s10 =	sld [smem:$0x3FB3];
	_ =	sdelay $0x3  }
0x34: {  	[smem:$0x3FB3] =	sst s10  }
0x35: {  	s10 =	sld [smem:$0x3FB2];
	_ =	sdelay $0x3  }
0x36: {  	p1 =	seq.s32 s10, $0x1;
	s10 =	sld [smem:$0x3FB3];
	_ =	sdelay $0x3  }
0x37: {  	[smem:$0x3FB3] =	sst s10  }
0x38: {  	s10 =	sld [smem:$0x3FB4]  }
0x39: {  	_ = 	snop;
	(pc) =	sbr.ind lr, $3  }
0x3a: {  	_ = 	snop  }
0x3b: {  	_ = 	snop  }
0x3c: {  	p2 =	seq.s32 s10, $0x1;
	s10 =	sld [smem:$0x3FB3]  }
0x3d: {  	_ =	shalt  }
0x3e: {  	_ =	shalt  }
0x3f: {  	_ =	shalt  }
0x40: {  	_ =	shalt  }
0x41: {  	_ =	shalt  }
0x42: {  	_ =	shalt  }
0x43: {  	_ =	shalt  }
0x44: {  	_ =	shalt  }
0x45: {  	_ =	shalt  }
0x46: {  	_ =	shalt  }
0x47: {  	_ =	shalt  }
0x48: {  	_ =	shalt  }
0x49: {  	_ =	shalt  }
0x4a: {  	_ =	shalt  }
0x4b: {  	_ =	shalt  }
0x4c: {  	_ =	shalt  }
0x4d: {  	_ =	shalt  }
0x4e: {  	_ =	shalt  }
0x4f: {  	_ =	shalt  }
0x50: {  	_ =	shalt  }
0x51: {  	_ =	shalt  }
0x52: {  	_ =	shalt  }
0x53: {  	_ =	shalt  }
0x54: {  	_ =	shalt  }
0x55: {  	_ =	shalt  }
0x56: {  	_ =	shalt  }
0x57: {  	_ =	shalt  }
0x58: {  	_ =	shalt  }
0x59: {  	_ =	shalt  }
0x5a: {  	_ =	shalt  }
0x5b: {  	_ =	shalt  }
0x5c: {  	_ =	shalt  }
0x5d: {  	_ =	shalt  }
0x5e: {  	_ =	shalt  }
0x5f: {  	_ =	shalt  }
0x60: {  	_ =	shalt  }
0x61: {  	_ =	shalt  }
0x62: {  	_ =	shalt  }
0x63: {  	_ =	shalt  }
0x64: {  	_ =	shalt  }
0x65: {  	_ =	shalt  }
0x66: {  	_ =	shalt  }
0x67: {  	_ =	shalt  }
0x68: {  	_ =	shalt  }
0x69: {  	_ =	shalt  }
0x6a: {  	_ =	shalt  }
0x6b: {  	_ =	shalt  }
0x6c: {  	_ =	shalt  }
0x6d: {  	_ =	shalt  }
0x6e: {  	_ =	shalt  }
0x6f: {  	_ =	shalt  }
0x70: {  	_ =	shalt  }
0x71: {  	_ =	shalt  }
0x72: {  	_ =	shalt  }
0x73: {  	_ =	shalt  }
0x74: {  	_ =	shalt  }
0x75: {  	_ =	shalt  }
0x76: {  	_ =	shalt  }
0x77: {  	_ =	shalt  }
0x78: {  	_ =	shalt  }
0x79: {  	_ =	shalt  }
0x7a: {  	_ =	shalt  }
0x7b: {  	_ =	shalt  }
0x7c: {  	_ =	shalt  }
0x7d: {  	_ =	shalt  }
0x7e: {  	_ =	shalt  }
0x7f: {  	_ =	shalt  }
0x80: {  	_ =	shalt  }
0x81: {  	_ =	shalt  }
0x82: {  	_ =	shalt  }
0x83: {  	_ =	shalt  }
0x84: {  	_ =	shalt  }
0x85: {  	_ =	shalt  }
0x86: {  	_ =	shalt  }
0x87: {  	_ =	shalt  }
.Lfunc_end0:
.L_simem_size_0:
called_computation.1_lowered:
.L_overlay_start_0:
0x88: {  	s2 =	sld [smem:$0x3FD9]  }
0x89: {  	s3 =	sld [smem:$0x3FFE];
	_ =	sdelay $0x1  }
0x8a: {  	s1 =	srdreg.scid  }
0x8b: {  	s0 =	sand.u32 $0x1, s1  }
0x8c: {  	s17 =	sshll.u32 s0, $0xA;
	s2 =	sadd.s32 s3, s2  }
0x8d: {  	s2 =	sadd.s32 s2, s17  }
0x8e: {  	[smem:$0x3FBF] =	sst s2  }
0x8f: {  	_ = 	snop  }
0x90: {  	s2 =	sld [smem:$0x3FD0];
	(tm) =	ssettm $0x1  }
0x91: {  	s18 =	sld [smem:$0x3FFB];
	_ =	sdelay $0x3  }
0x92: {  	_ =	strace s18  }
0x93: {  	s3 =	sld [smem:$0x3FFC];
	_ =	sdelay $0x3  }
0x94: {  	_ =	strace s3  }
0x95: {  	s3 =	sld [smem:$0x3FFD];
	_ =	sdelay $0x3  }
0x96: {  	_ =	strace s3  }
0x97: {  	_ =	strace $0x8FFFFFFF  }
0x98: {  	s19 =	sld [smem:$0x3FDB];
	_ =	sdelay $0x1  }
0x99: {  	s4 =	simm.s32 $_scs_section_size  }
0x9a: {  	s5 =	simm.s32 $_size__tile_overlayer_lowered;
	s6 =	simm.s32 $_tile_overlayer_lowered  }
0x9b: {  	s22 =	simm.s32 $0x1BFF;
	s21 =	sshll.u32 s6, $0x1;
	s3 =	sadd.s32 s4, s19  }
0x9c: {  	s7 =	simm.s32 $0x0;
	s20 =	sshll.u32 s5, $0x1;
	s5 =	sadd.s32 s21, s3  }
0x9d: {  	[timem:s7], [sflag:s22] =	dma.local [hbm:s5], s20  }
0x9e: {  	_ =	swait.ge [sflag:s22], s20  }
0x9f: {  	s4 =	ssub.s32 $0x0, s20;
	[sflag:s22] =	ssyncset.done $0x0  }
0xa0: {  	[sflag:s22] =	ssyncadd.s32 s4;
	_ =	sdelay $0x1  }
0xa1: {  	s23 =	simm.s32 $0x1B8B  }
0xa2: {  	_ =	swait.ge [sflag:s23], $0x1  }
0xa3: {  	[sflag:s23] =	ssyncset.done $0x0  }
0xa4: {  	s25 =	simm.s32 $0x1B8E;
	s24 =	sld [smem:$0x3FFE];
	[sflag:s23] =	ssyncadd.s32 $0xFFFFFFFF  }
0xa5: {  	s26 =	simm.s32 $execute0_lowered;
	[smem:$0x3FD2] =	sst s25  }
0xa6: {  	s5 =	sshll.u32 s26, $0x1;
	_ =	strace $0x80000046;
	[dreg:$0x1] =	wrdreg $0xFFFFFFFF  }
0xa7: {  	s28 =	simm.s32 $_size_execute0_lowered;
	s3 =	sadd.s32 s3, s5;
	[dreg:$0x0] =	wrdreg $0x0  }
0xa8: {  	s5 =	sshll.u32 s28, $0x1;
	[dreg:$0x2] =	wrdreg s3  }
0xa9: {  	[dreg:$0x3] =	wrdreg s5  }
0xaa: {  	[dreg:$0x4] =	wrdreg $0xC0  }
0xab: {  	_ =	task [dreg:s7], $0x5FFFF  }
0xac: {  	[dreg:$0x1] =	wrdreg $0xFFFFFFFF  }
0xad: {  	[dreg:$0x0] =	wrdreg $0x60  }
0xae: {  	[dreg:$0x2] =	wrdreg s24  }
0xaf: {  	[dreg:$0x3] =	wrdreg s2  }
0xb0: {  	[dreg:$0x4] =	wrdreg $0x9  }
0xb1: {  	_ =	task.clear_ibuf [dreg:s7], $0x5FFFF;
	_ =	strace $0x90000046  }
0xb2: {  	s29 =	simm.s32 $0x9;
	_ =	strace $0x80000048  }
0xb3: {  	_ =	swait.ge [sflag:s29], $0x1  }
0xb4: {  	[sflag:s29] =	ssyncadd.s32 $0xFFFFFFFF  }
0xb5: {  	_ =	strace $0x90000048  }
0xb6: {  	_ =	sfence  }
0xb7: {  	s30 =	sld [smem:$0x0];
	_ =	sdelay $0x2  }
0xb8: {  	s31 =	sshll.u32 s1, $0xD;
	s1 =	sshrl.u32 s1, $0x2  }
0xb9: {  	s3 =	sand.u32 $0x4000, s31;
	s1 =	sadd.s32 s1, s30  }
0xba: {  	s0 =	sor.u32 s3, s0;
	s1 =	sshll.u32 s1, $0x11  }
0xbb: {  	s0 =	sor.u32 s1, s0  }
0xbc: {  	s0 =	sadd.s32 $0x8F2B, s0  }
0xbd: {  	[sflag:s0] =	ssyncadd.remote.s32 $0x1  }
0xbe: {  	_ =	sfence.sel $0xFFFF  }
0xbf: {  	[dreg:$0x0] =	wrdreg $0xFFFFFFFF;
	(pc) =	sbr.abs _section_cstart, $3  }
0xc0: {  	[dreg:$0x1] =	wrdreg $0xFFFFFFFF  }
0xc1: {  	_ =	task.clear_ibuf [dreg:s7], $0x2FFFF;
	_ =	strace $0x9FFFFFFF  }
0xc2: {  	(tm) =	ssettm $0x7FFFFFFF  }
0xc3: {  	_ =	shalt  }
tec
execute0_lowered:
.L_overlay_start_1:
0x0: {  	(tag) =	ssettag $0x1  }
0x1: {  	s0 =	srdreg.scid;
	s1 =	rddreg [dreg:$0x0];
	v0 =	vimm.s32 $0x9ABCBA98;
	v1 =	vimm.s32 $0xE7E6E5E4;
	s3 =	simm.s32 $0x0;
	v2 =	vimm.s32 $0xE3E4E5E6  }
0x2: {  	s4 =	stileid.u32;
	v3 =	vimm.s32 $0xDFDEDDDC;
	v4 =	vimm.s32 $0xE3E2E1E0;
	[smem:$0x7FF] =	sst s3;
	s25 =	sadd.s32 $0x1400, s1  }
0x3: {  	vm0 =	vcmask $0x1F10;
	s0 =	sand.u32 $0x1, s0;
	v1 =	vunpack.c.0.s8.s32 v1;
	v2 =	vunpack.c.0.s8.s32 v2;
	s28 =	sadd.s32 $0x24D400, s1;
	s1 =	sadd.s32 $0x499400, s1  }
0x4: {  	v0 =	vunpack.c.l.s4.s8 v0;
	v3 =	vunpack.c.0.s8.s32 v3;
	v4 =	vunpack.c.0.s8.s32 v4;
	s2 =	sshll.u32 s0, $0x4;
	_ =	strace $0x80000047;
	[dreg:$0x3] =	wrdreg s25  }
0x5: {  	s26 =	ssub.s32 $0x2, s0;
	s12 =	smul.u32 $0xE0, s0;
	s2 =	sor.u32 s4, s2;
	v1 =	vsel vm0, v2, v1  }
0x6: {  	[dreg:$0x5] =	wrdreg s28;
	s29 =	sshrl.u32 s26, $0x1;
	v2 =	vsel vm0, v4, v3;
	v3 =	vimm.s32 $0xD0E0F10;
	v0 =	vunpack.c.0.s8.s32 v0;
	s2 =	smul.u32 $0xE, s2  }
0x7: {  	[dreg:$0x7] =	wrdreg s1;
	s0 =	ssub.s32 s26, s29;
	v3 =	vunpack.c.0.s8.s32 v3;
	v1 =	vcombine.low v2, v1;
	v2 =	vimm.s32 $0xF0E0D00  }
0x8: {  	vm14 =	vcmask $0x3310;
	[dreg:$0x4] =	wrdreg s12;
	s0 =	smax.u32 s0, $0x1;
	v0 =	vand.u32 $0xF, v0;
	v2 =	vunpack.c.0.s8.s32 v2;
	s5 =	sadd.s32 $0xFFFFFF20, s2  }
.Ltmp0:
0x9: {  	vm15 =	vcmask $0x3F34;
	[dreg:$0xa] =	wrdreg s0;
	v0 =	vsel vm14, v0, v3;
	s2 =	smin.u32 s2, s5;
	(pc) =	sbr.rel .LBB2_1-.Ltmp0, $4  }
0xa: {  	v5 =	vsel vm15, v2, v0;
	s30 =	sadd.s32 s12, s2;
	[dreg:$0x6] =	wrdreg s2;
	s31 =	sadd.s32 $0x3, s2  }
0xb: {  	v1 =	vand.u32 $0xFF, v1;
	s13 =	sadd.s32 $0xFFFFFFFE, s2;
	s1 =	smul.u32 $0xA800, s30;
	[dreg:$0xb] =	wrdreg s31  }
0xc: {  	[tilespmem:$0x1FFF0] =	vst v1;
	[dreg:$0x8] =	wrdreg s13  }
0xd: {  	s14 =	simm.s32 $0x3;
	v2 =	vimm.f32 $0.0e+00;
	[tilespmem:$0x1FFE0] =	vst v5;
	[dreg:$0x9] =	wrdreg s1;
	s1 =	simm.s32 $0x0  }
.LBB2_42:
0xe: {  	s1 =	rddreg [dreg:$0xc]  }
0xf: {  	s0 =	rddreg [dreg:$0xa];
	s1 =	sadd.s32 $0x1, s1  }
0x10: {  	p0 =	sne.s32 s1, s0  }
.Ltmp1:
0x11: {  	_ = 	snop;
	(pc) =	sbr.rel @!p0 .LBB2_43-.Ltmp1, $1  }
0x12: {  	_ =	sdelay $0x3  }
.LBB2_1:
.Ltmp2:
0x13: {  	(pc) =	sbr.rel .LBB2_2-.Ltmp2, $2  }
0x14: {  	_ =	sdelay $0x2  }
0x15: {  	[dreg:$0xc] =	wrdreg s1;
	s1 =	simm.s32 $0x0  }
.LBB2_41:
0x16: {  	s0 =	simm.s32 $0x2  }
0x17: {  	_ =	swait.ge [sflag:s0], $0x1C00  }
0x18: {  	s1 =	rddreg [dreg:$0xd]  }
0x19: {  	s1 =	sadd.s32 $0x1, s1  }
0x1a: {  	p0 =	sne.s32 s1, $0x6  }
.Ltmp3:
0x1b: {  	_ = 	snop;
	(pc) =	sbr.rel @!p0 .LBB2_42-.Ltmp3, $3  }
0x1c: {  	_ =	sdelay $0x1  }
0x1d: {  	[sflag:s0] =	ssyncset.done $0x0  }
0x1e: {  	s14 =	simm.s32 $0x3;
	s13 =	rddreg [dreg:$0x8];
	[sflag:s0] =	ssyncadd.s32 $0xFFFFE400  }
.LBB2_2:
.Ltmp4:
0x1f: {  	(pc) =	sbr.rel .LBB2_3-.Ltmp4, $3  }
0x20: {  	_ =	sdelay $0x1  }
0x21: {  	[dreg:$0xd] =	wrdreg s1  }
0x22: {  	s15 =	smul.u32 $0x1C00, s1;
	s0 =	simm.s32 $0x0;
	s1 =	smov.u32 s13  }
.LBB2_12:
0x23: {  	_ =	sdelay $0x2  }
0x24: {  	s2 =	sadd.s32 s6, s2;
	[tilespmem:s4+$0xDC] =	vst v3  }
0x25: {  	v3 =	vld.idx.msk [tilespmem:v5+s2+$0x0], $0xffff;
	_ =	sdelay $0x4  }
0x26: {  	[tilespmem:s2+$0x0] =	vst v3  }
0x27: {  	v3 =	vld.idx.msk [tilespmem:v1+s2+$0x0], $0xffff;
	_ =	sdelay $0x4  }
0x28: {  	[tilespmem:s2+$0xDC] =	vst v3  }
.LBB2_13:
0x29: {  	s0 =	sadd.s32 $0x1, s0  }
0x2a: {  	p0 =	sne.s32 s0, $0x5  }
.Ltmp5:
0x2b: {  	_ = 	snop;
	(pc) =	sbr.rel @!p0 .LBB2_14-.Ltmp5, $2  }
0x2c: {  	_ =	sdelay $0x2  }
0x2d: {  	s1 =	sadd.s32 $0x1, s1  }
.LBB2_3:
0x2e: {  	s2 =	sadd.s32 s0, s13  }
0x2f: {  	p0 =	sgt.u32 s2, $0xDF  }
.Ltmp6:
0x30: {  	_ = 	snop;
	(pc) =	sbr.rel @p0 .LBB2_13-.Ltmp6, $1  }
0x31: {  	_ =	sdelay $0x3  }
0x32: {  	s4 =	sand.u32 $0xFF, s1  }
0x33: {  	s5 =	smulhi.u32 $0x2AAAAAAB, s4  }
0x34: {  	s6 =	smul.u32 $0x7C00, s4  }
0x35: {  	s2 =	sadd.s32 s12, s2;
	s4 =	smul.u32 $0x7800, s4  }
0x36: {  	s2 =	smul.u32 $0xA800, s2  }
0x37: {  	s7 =	smul.u32 $0x2E800, s5  }
0x38: {  	s5 =	smul.u32 $0x2D000, s5  }
0x39: {  	s8 =	rddreg [dreg:$0x1];
	s6 =	ssub.s32 s6, s7  }
0x3a: {  	s31 =	sadd.s32 s15, s2;
	s4 =	ssub.s32 s4, s5;
	s7 =	sshra.s32 s6, $0x2  }
0x3b: {  	s4 =	sshra.s32 s4, $0x2;
	s6 =	sshrl.u32 s31, $0x3;
	s2 =	sadd.s32 $0xB400, s7  }
0x3c: {  	s5 =	sadd.s32 $0xB408, s7;
	s7 =	sor.u32 $0x8, s4;
	s8 =	sadd.s32 s8, s6  }
0x3d: {  	s9 =	simm.s32 $0x1C;
	s11 =	sadd.s32 $0x0, s8;
	s10 =	sadd.s32 $0xF0, s7  }
.LBB2_5:
0x3e: {  	[tilespmem:s7], [sflag:$0x3] =	stream.linear.gather [hbm4b:s11+s3], $0xE0, $0x38;
	[tilespmem:$0x1FC38] =	vst v63  }
0x3f: {  	s11 =	smov.u32 s9;
	s7 =	smov.u32 s10;
	p0 =	sne.s32 s9, $0x364  }
.Ltmp7:
0x40: {  	s9 =	sadd.s32 $0x1C, s9;
	(pc) =	sbr.rel @p0 .LBB2_5-.Ltmp7, $2  }
0x41: {  	_ =	sdelay $0x2  }
0x42: {  	s10 =	sadd.s32 $0xF0, s10;
	s11 =	sadd.s32 s11, s8  }
0x43: {  	[tilespmem:s7], [sflag:$0x3] =	stream.linear.gather [hbm4b:s11+s3], $0xE0, $0x38;
	[tilespmem:$0x1FC38] =	vst v63  }
0x44: {  	_ =	swait.ge [sflag:s14], $0x1C00  }
0x45: {  	s31 =	rddreg [dreg:$0x5]  }
0x46: {  	s7 =	simm.s32 $0x1C;
	[sflag:s14] =	ssyncset.done $0x0;
	s6 =	sadd.s32 s31, s6  }
0x47: {  	s8 =	sadd.s32 $0xF8, s5;
	[sflag:s14] =	ssyncadd.s32 $0xFFFFE400;
	s9 =	sadd.s32 $0x0, s6  }
.LBB2_7:
0x48: {  	[tilespmem:s5], [sflag:$0x3] =	stream.linear.gather [hbm4b:s9+s3], $0xE0, $0x38;
	[tilespmem:$0x1FC38] =	vst v63  }
0x49: {  	s9 =	smov.u32 s7;
	s5 =	smov.u32 s8;
	p0 =	sne.s32 s7, $0x364  }
.Ltmp8:
0x4a: {  	s7 =	sadd.s32 $0x1C, s7;
	(pc) =	sbr.rel @p0 .LBB2_7-.Ltmp8, $2  }
0x4b: {  	_ =	sdelay $0x2  }
0x4c: {  	s8 =	sadd.s32 $0xF8, s8;
	s9 =	sadd.s32 s9, s6  }
0x4d: {  	[tilespmem:s5], [sflag:$0x3] =	stream.linear.gather [hbm4b:s9+s3], $0xE0, $0x38;
	[tilespmem:$0x1FC38] =	vst v63  }
0x4e: {  	_ =	swait.ge [sflag:s14], $0x1C00  }
0x4f: {  	[sflag:s14] =	ssyncset.done $0x0  }
0x50: {  	s6 =	sadd.s32 $0x0, s4;
	[sflag:s14] =	ssyncadd.s32 $0xFFFFE400  }
0x51: {  	v3 =	vmov s4;
	v4 =	vld.idx.msk [tilespmem:v5+s6+$0x0], $0xffff;
	_ =	sdelay $0x3  }
0x52: {  	s5 =	simm.s32 $0x0  }
0x53: {  	[tilespmem:v3+s5+$0x0 ss:$0x1] =	vst.idx.msk $0xffff, v4  }
0x54: {  	v4 =	vld.idx.msk [tilespmem:v1+s6+$0x0], $0xffff;
	_ =	sdelay $0x3  }
0x55: {  	s7 =	simm.s32 $0xF0;
	s6 =	simm.s32 $0x780  }
.LBB2_9:
0x56: {  	p0 =	sne.s32 s6, $0x7440;
	s8 =	sadd.s32 s7, s4;
	[tilespmem:v3+s5+$0xDC ss:$0x1] =	vst.idx.msk $0xffff, v4;
	s5 =	smov.u32 s7  }
0x57: {  	v4 =	vld.idx.msk [tilespmem:v5+s8+$0x0], $0xffff;
	_ =	sdelay $0x5  }
0x58: {  	[tilespmem:v3+s5+$0x0 ss:$0x1] =	vst.idx.msk $0xffff, v4  }
0x59: {  	v4 =	vld.idx.msk [tilespmem:v1+s8+$0x0], $0xffff  }
.Ltmp9:
0x5a: {  	(pc) =	sbr.rel @p0 .LBB2_9-.Ltmp9, $2  }
0x5b: {  	_ =	sdelay $0x2  }
0x5c: {  	s7 =	sshra.s32 s6, $0x2;
	s6 =	sadd.s32 $0x3C0, s6  }
0x5d: {  	_ =	sdelay $0x3  }
0x5e: {  	s4 =	sadd.s32 s7, s4;
	[tilespmem:v3+s5+$0xDC ss:$0x1] =	vst.idx.msk $0xffff, v4  }
0x5f: {  	v4 =	vld.idx.msk [tilespmem:v5+s4+$0x0], $0xffff;
	_ =	sdelay $0x4  }
0x60: {  	[tilespmem:v3+s7+$0x0 ss:$0x1] =	vst.idx.msk $0xffff, v4  }
0x61: {  	v4 =	vld.idx.msk [tilespmem:v1+s4+$0x0], $0xffff;
	_ =	sdelay $0x4  }
0x62: {  	s4 =	sadd.s32 $0x0, s2;
	[tilespmem:v3+s7+$0xDC ss:$0x1] =	vst.idx.msk $0xffff, v4  }
0x63: {  	v3 =	vld.idx.msk [tilespmem:v5+s4+$0x0], $0xffff;
	_ =	sdelay $0x4  }
0x64: {  	[tilespmem:s4+$0x0] =	vst v3  }
0x65: {  	v3 =	vld.idx.msk [tilespmem:v1+s4+$0x0], $0xffff;
	_ =	sdelay $0x3  }
0x66: {  	s6 =	simm.s32 $0xF8;
	s5 =	simm.s32 $0x7C0  }
.LBB2_11:
0x67: {  	p0 =	sne.s32 s5, $0x7820;
	[tilespmem:s4+$0xDC] =	vst v3;
	s4 =	sadd.s32 s6, s2  }
0x68: {  	v3 =	vld.idx.msk [tilespmem:v5+s4+$0x0], $0xffff;
	_ =	sdelay $0x5  }
0x69: {  	[tilespmem:s4+$0x0] =	vst v3  }
0x6a: {  	v3 =	vld.idx.msk [tilespmem:v1+s4+$0x0], $0xffff  }
.Ltmp10:
0x6b: {  	(pc) =	sbr.rel @p0 .LBB2_11-.Ltmp10, $2  }
0x6c: {  	_ =	sdelay $0x2  }
0x6d: {  	s6 =	sshra.s32 s5, $0x2;
	s5 =	sadd.s32 $0x3E0, s5  }
.Ltmp11:
0x6e: {  	_ = 	snop;
	(pc) =	sbr.rel .LBB2_12-.Ltmp11, $1  }
0x6f: {  	_ =	sdelay $0x3  }
.LBB2_14:
0x70: {  	s0 =	rddreg [dreg:$0x9]  }
0x71: {  	s1 =	rddreg [dreg:$0x3];
	s0 =	sadd.s32 s0, s15  }
0x72: {  	s6 =	simm.s32 $0x0;
	s30 =	simm.s32 $0x16E00;
	s0 =	sshrl.u32 s0, $0x3  }
.Ltmp12:
0x73: {  	s31 =	sadd.s32 $0xA800, s15;
	s0 =	sadd.s32 s1, s0;
	(pc) =	sbr.rel .LBB2_15-.Ltmp12, $4  }
0x74: {  	[tilespmem:s30], [sflag:$0x3] =	stream.linear.gather [hbm4b:s0+s6], $0x1C00, $0x38;
	[tilespmem:$0x1FC38] =	vst v63  }
0x75: {  	_ =	swait.ge [sflag:s14], $0x1C00;
	[dreg:$0xf] =	wrdreg s31  }
0x76: {  	[dreg:$0xe] =	wrdreg s15;
	[sflag:s14] =	ssyncset.done $0x0  }
0x77: {  	p0 =	por $0x0, $0x0;
	s1 =	rddreg [dreg:$0xb];
	[sflag:s14] =	ssyncadd.s32 $0xFFFFE400  }
.LBB2_35:
0x78: {  	s1 =	rddreg [dreg:$0x10]  }
0x79: {  	p0 =	por !p0, !p0;
	s6 =	rddreg [dreg:$0x11];
	s1 =	sadd.s32 $0x1, s1  }
.LBB2_15:
0x7a: {  	s0 =	rddreg [dreg:$0x6]  }
0x7b: {  	p1 =	seq.s32 s6, $0xD;
	s2 =	sadd.s32 $0x1, s6;
	[dreg:$0x10] =	wrdreg s1  }
0x7c: {  	s29 =	sand.u32 $0xFF, s1;
	p6 =	sne.s32 s6, $0xD;
	s26 =	sadd.s32 s0, s6  }
0x7d: {  	[dreg:$0x11] =	wrdreg s2;
	s2 =	sand.u32 @!p1 $0x1, s2;
	s4 =	smulhi.u32 $0x2AAAAAAB, s29  }
0x7e: {  	s30 =	smul.u32 $0x7C00, s29;
	s0 =	sadd.s32 @!p1 s12, s26;
	p2 =	seq.s32 @!p1 s2, $0x1  }
0x7f: {  	s2 =	simm.s32 @!p1 $0x18A00;
	p3 =	slt.u32 s26, $0xDD;
	p2 =	por !p2, p1  }
0x80: {  	s0 =	smul.u32 @!p1 $0xA800, s0;
	s2 =	simm.s32 @p2 $0x16E00;
	p2 =	por !p6, !p3  }
0x81: {  	s5 =	rddreg [dreg:$0xf];
	s1 =	smul.u32 $0x7800, s29;
	p2 =	por !p2, !p2  }
0x82: {  	s31 =	smul.u32 $0x2E800, s4;
	s0 =	sadd.s32 @!p1 s0, s5;
	p3 =	por p1, !p2  }
.Ltmp13:
0x83: {  	s5 =	rddreg [dreg:$0x3];
	s0 =	sshrl.u32 @!p1 s0, $0x3;
	(pc) =	sbr.rel @p3 .LBB2_21-.Ltmp13, $4  }
0x84: {  	s4 =	smul.u32 $0x2D000, s4;
	s0 =	sadd.s32 @!p1 s5, s0;
	s5 =	simm.s32 @!p1 $0x0  }
0x85: {  	[tilespmem:s2], [sflag:$0x1] =	stream.linear.gather @!p1 [hbm4b:s0+s5], $0x1C00, $0x38;
	[tilespmem:$0x1FC38] =	vst v63  }
0x86: {  	s1 =	ssub.s32 s1, s4;
	s0 =	ssub.s32 s30, s31  }
0x87: {  	[dreg:$0x12] =	wrdreg s6;
	s23 =	sshra.s32 s1, $0x2;
	s0 =	sshra.s32 s0, $0x2  }
0x88: {  	s1 =	sadd.s32 $0x3, s26  }
0x89: {  	s1 =	sadd.s32 s12, s1  }
0x8a: {  	s1 =	smul.u32 $0xA800, s1;
	_ =	sdelay $0x1  }
0x8b: {  	s1 =	sadd.s32 s15, s1  }
0x8c: {  	s5 =	rddreg [dreg:$0x1];
	s2 =	sshrl.u32 s1, $0x3  }
0x8d: {  	s4 =	sor.u32 $0x8, s23;
	s6 =	simm.s32 $0x1C;
	s5 =	sadd.s32 s5, s2  }
0x8e: {  	s7 =	sadd.s32 $0xF0, s4;
	s1 =	sadd.s32 $0xB408, s0;
	s8 =	sadd.s32 $0x0, s5  }
.LBB2_17:
0x8f: {  	[tilespmem:s4], [sflag:$0x1] =	stream.linear.gather [hbm4b:s8+s3], $0xE0, $0x38;
	[tilespmem:$0x1FC38] =	vst v63  }
0x90: {  	s8 =	smov.u32 s6;
	s4 =	smov.u32 s7;
	p3 =	sne.s32 s6, $0x364  }
.Ltmp14:
0x91: {  	s6 =	sadd.s32 $0x1C, s6;
	(pc) =	sbr.rel @p3 .LBB2_17-.Ltmp14, $2  }
0x92: {  	_ =	sdelay $0x2  }
0x93: {  	s7 =	sadd.s32 $0xF0, s7;
	s8 =	sadd.s32 s8, s5  }
0x94: {  	[tilespmem:s4], [sflag:$0x1] =	stream.linear.gather [hbm4b:s8+s3], $0xE0, $0x38;
	[tilespmem:$0x1FC38] =	vst v63  }
0x95: {  	s31 =	rddreg [dreg:$0x5]  }
0x96: {  	s2 =	sadd.s32 s31, s2  }
0x97: {  	s4 =	simm.s32 $0x1C;
	s5 =	sadd.s32 $0xF8, s1;
	s6 =	sadd.s32 $0x0, s2  }
.LBB2_19:
0x98: {  	[tilespmem:s1], [sflag:$0x1] =	stream.linear.gather [hbm4b:s6+s3], $0xE0, $0x38;
	[tilespmem:$0x1FC38] =	vst v63  }
0x99: {  	s6 =	smov.u32 s4;
	s1 =	smov.u32 s5;
	p3 =	sne.s32 s4, $0x364  }
.Ltmp15:
0x9a: {  	s4 =	sadd.s32 $0x1C, s4;
	(pc) =	sbr.rel @p3 .LBB2_19-.Ltmp15, $2  }
0x9b: {  	_ =	sdelay $0x2  }
0x9c: {  	s5 =	sadd.s32 $0xF8, s5;
	s6 =	sadd.s32 s6, s2  }
0x9d: {  	[tilespmem:s1], [sflag:$0x1] =	stream.linear.gather [hbm4b:s6+s3], $0xE0, $0x38;
	[tilespmem:$0x1FC38] =	vst v63  }
.LBB2_21:
0x9e: {  	s1 =	sadd.s32 $0xFFFFFFFE, s26;
	s2 =	ssub.s32 $0x2, s26  }
0x9f: {  	s21 =	sadd.s32 $0xFFFFFFFF, s26;
	s4 =	ssub.s32 $0x1, s26;
	s1 =	smin.u32 s1, s2  }
0xa0: {  	s5 =	simm.s32 $0x1;
	s2 =	smin.u32 s21, s4;
	s1 =	ssub.s32 $0xDF, s1  }
0xa1: {  	s5 =	simm.s32 @!p0 $0x0;
	s2 =	ssub.s32 $0xDF, s2;
	s20 =	ssub.s32 $0x0, s1  }
0xa2: {  	s8 =	smul.u32 $0x7C00, s5;
	s7 =	ssub.s32 $0x0, s2;
	s1 =	smin.u32 s1, s20  }
0xa3: {  	s5 =	smul.u32 $0x7000, s5;
	s2 =	smin.u32 s2, s7;
	s1 =	ssub.s32 $0xDF, s1  }
0xa4: {  	s25 =	sadd.s32 $0xB400, s0;
	s2 =	ssub.s32 $0xDF, s2;
	s22 =	smulhi.u32 $0x2AAAAAAB, s1  }
0xa5: {  	s12 =	ssub.s32 $0xDF, s26;
	s6 =	sshra.s32 s1, $0x1F;
	s24 =	smulhi.u32 $0x2AAAAAAB, s2  }
0xa6: {  	s15 =	ssub.s32 $0xDE, s26;
	s9 =	sshra.s32 s2, $0x1F;
	s6 =	smul.u32 $0x2AAAAAAB, s6  }
0xa7: {  	s19 =	ssub.s32 $0xDD, s26;
	s14 =	ssub.s32 $0x0, s12;
	s30 =	smul.u32 $0x2AAAAAAB, s9  }
0xa8: {  	s17 =	ssub.s32 $0x0, s15;
	s8 =	sshrl.u32 s8, $0x2;
	s4 =	sadd.s32 s6, s22  }
0xa9: {  	s5 =	sshrl.u32 s5, $0x2;
	s9 =	sadd.s32 s30, s24;
	s6 =	sshrl.u32 s4, $0x1F  }
0xaa: {  	s20 =	ssub.s32 $0x0, s19;
	s11 =	sshrl.u32 s9, $0x1F;
	s4 =	sadd.s32 s6, s4  }
0xab: {  	s28 =	sadd.s32 $0x1A608, s8;
	s0 =	sadd.s32 s11, s9;
	s31 =	smul.u32 $0x6, s4  }
0xac: {  	s29 =	sadd.s32 $0x1A600, s8;
	s8 =	sadd.s32 $0x1A670, s8;
	s0 =	smul.u32 $0x6, s0  }
0xad: {  	s13 =	sadd.s32 $0x16E00, s5;
	[dreg:$0x16] =	wrdreg s8;
	s10 =	ssub.s32 s1, s31  }
0xae: {  	s1 =	smin.u32 s12, s14;
	s12 =	ssub.s32 s2, s0;
	p3 =	slt.s32 s10, $0x0  }
0xaf: {  	s4 =	sadd.s32 $0x6, s10;
	s0 =	ssub.s32 $0xDF, s1;
	s1 =	smin.u32 s15, s17  }
0xb0: {  	s7 =	sadd.s32 $0x6, s12;
	s16 =	smulhi.u32 $0x2AAAAAAB, s0;
	s18 =	sshra.s32 s0, $0x1F  }
0xb1: {  	s10 =	smov.u32 @p3 s4;
	s1 =	ssub.s32 $0xDF, s1;
	s5 =	smul.u32 $0x2AAAAAAB, s18  }
0xb2: {  	p3 =	slt.s32 s12, $0x0;
	s4 =	smin.u32 s19, s20;
	s21 =	smulhi.u32 $0x2AAAAAAB, s1  }
0xb3: {  	s22 =	sshra.s32 s1, $0x1F;
	s4 =	ssub.s32 $0xDF, s4;
	s19 =	smul.u32 $0x7800, s10  }
0xb4: {  	s12 =	smov.u32 @p3 s7;
	s24 =	smul.u32 $0x2AAAAAAB, s22;
	s2 =	sadd.s32 s5, s16  }
0xb5: {  	s31 =	smulhi.u32 $0x2AAAAAAB, s4;
	s11 =	sshra.s32 s4, $0x1F;
	s30 =	sshrl.u32 s2, $0x1F  }
0xb6: {  	s14 =	smul.u32 $0x2AAAAAAB, s11;
	s5 =	sadd.s32 s24, s21;
	s2 =	sadd.s32 s30, s2  }
0xb7: {  	[dreg:$0x13] =	wrdreg s10;
	s15 =	sshrl.u32 s5, $0x1F;
	s2 =	smul.u32 $0x6, s2  }
0xb8: {  	[dreg:$0x14] =	wrdreg s12;
	s6 =	sadd.s32 s14, s31;
	s5 =	sadd.s32 s15, s5  }
0xb9: {  	s17 =	sshrl.u32 s6, $0x1F;
	s16 =	smul.u32 $0x6, s5;
	s7 =	ssub.s32 s0, s2  }
0xba: {  	s20 =	smul.u32 $0x7800, s12;
	s2 =	sadd.s32 s17, s6;
	p3 =	slt.s32 s7, $0x0  }
0xbb: {  	s5 =	sadd.s32 $0x6, s7;
	s0 =	ssub.s32 s1, s16;
	s18 =	smul.u32 $0x6, s2  }
0xbc: {  	s7 =	smov.u32 @p3 s5;
	p3 =	slt.s32 s0, $0x0;
	s2 =	sadd.s32 $0x6, s0  }
0xbd: {  	s6 =	simm.s32 $0x0;
	s0 =	smov.u32 @p3 s2;
	s11 =	ssub.s32 s4, s18  }
0xbe: {  	s21 =	smul.u32 $0x7800, s7;
	p3 =	slt.s32 s11, $0x0;
	s2 =	sadd.s32 $0x6, s11  }
0xbf: {  	s1 =	sshra.s32 s20, $0x2;
	s22 =	smul.u32 $0x7800, s0;
	s11 =	smov.u32 @p3 s2  }
0xc0: {  	s5 =	sshra.s32 s19, $0x2;
	s15 =	sor.u32 $0xF6, s1;
	s24 =	smul.u32 $0x7800, s11  }
0xc1: {  	[dreg:$0x15] =	wrdreg s7;
	s19 =	sor.u32 $0xF6, s5;
	s7 =	simm.s32 $0x0  }
0xc2: {  	s30 =	sshra.s32 s21, $0x2;
	s2 =	sshra.s32 s22, $0x2;
	s31 =	sshra.s32 s24, $0x2  }
0xc3: {  	s5 =	sor.u32 $0xF6, s30;
	s21 =	sor.u32 $0xF6, s2;
	s22 =	sor.u32 $0xF6, s31  }
.LBB2_22:
0xc4: {  	s4 =	sshra.s32 s6, $0x2  }
0xc5: {  	s10 =	sadd.s32 s4, s13  }
0xc6: {  	s12 =	sadd.s32 s4, s19;
	v3 =	vld [tilespmem:s10+$0xE0]  }
0xc7: {  	v4 =	vld [tilespmem:s12+$0x0]  }
0xc8: {  	v5 =	vld [tilespmem:s12+$0x1]  }
0xc9: {  	v6 =	vld [tilespmem:s12+$0x2]  }
0xca: {  	v7 =	vld [tilespmem:s12+$0x3]  }
0xcb: {  	s8 =	sadd.s32 s4, s15;
	v8 =	vld [tilespmem:s12+$0x4]  }
0xcc: {  	v9 =	vld [tilespmem:s8+$0x0]  }
0xcd: {  	v10 =	vld [tilespmem:s8+$0x1]  }
0xce: {  	v11 =	vld [tilespmem:s8+$0x2]  }
0xcf: {  	v12 =	vld [tilespmem:s8+$0x3]  }
0xd0: {  	s1 =	sadd.s32 s4, s5;
	v13 =	vld [tilespmem:s8+$0x4]  }
0xd1: {  	v14 =	vld [tilespmem:s1+$0x0]  }
0xd2: {  	v15 =	vld [tilespmem:s1+$0x1]  }
0xd3: {  	v16 =	vld [tilespmem:s1+$0x2]  }
0xd4: {  	v17 =	vld [tilespmem:s1+$0x3]  }
0xd5: {  	s2 =	sadd.s32 s4, s21;
	v19 =	vld [tilespmem:s1+$0x4]  }
0xd6: {  	v20 =	vld [tilespmem:s2+$0x0]  }
0xd7: {  	v21 =	vld [tilespmem:s2+$0x1]  }
0xd8: {  	v22 =	vld [tilespmem:s2+$0x2]  }
0xd9: {  	v23 =	vld [tilespmem:s2+$0x3]  }
0xda: {  	s9 =	sadd.s32 s4, s22;
	v24 =	vld [tilespmem:s2+$0x4]  }
0xdb: {  	v25 =	vld [tilespmem:s9+$0x0];
	v4 =	vmul.f32 v4, v3  }
0xdc: {  	v18 =	vld [tilespmem:s10+$0x0];
	v5 =	vmul.f32 v5, v3;
	v6 =	vmul.f32 v6, v3  }
0xdd: {  	v43 =	vld [tilespmem:s2+$0xFFFFFF11];
	v26 =	vmul.f32 v7, v3;
	v27 =	vmul.f32 v8, v3  }
0xde: {  	v7 =	vld [tilespmem:s9+$0x1];
	v9 =	vmul.f32 v9, v3;
	v10 =	vmul.f32 v10, v3  }
0xdf: {  	v8 =	vld [tilespmem:s9+$0x2];
	v28 =	vmul.f32 v11, v3;
	v30 =	vmul.f32 v12, v3  }
0xe0: {  	v11 =	vld [tilespmem:s12+$0xFFFFFF10];
	v13 =	vmul.f32 v13, v3;
	v14 =	vmul.f32 v14, v3  }
0xe1: {  	v12 =	vld [tilespmem:s12+$0xFFFFFF11];
	v38 =	vmul.f32 v15, v3;
	v39 =	vmul.f32 v16, v3  }
0xe2: {  	v15 =	vld [tilespmem:s12+$0xFFFFFF12];
	v34 =	vmul.f32 v17, v3;
	v36 =	vmul.f32 v19, v3  }
0xe3: {  	v16 =	vld [tilespmem:s12+$0xFFFFFF13];
	v35 =	vmul.f32 v20, v3;
	v37 =	vmul.f32 v21, v3  }
0xe4: {  	v19 =	vld [tilespmem:s12+$0xFFFFFF14];
	v29 =	vmul.f32 v22, v3;
	v31 =	vmul.f32 v23, v3  }
0xe5: {  	v32 =	vmul.f32 v24, v3;
	v33 =	vmul.f32 v25, v3;
	v22 =	vld [tilespmem:s8+$0xFFFFFF12]  }
0xe6: {  	v63 =	vld [tilespmem:s2+$0xFFFFFF12];
	v47 =	vmul.f32 v43, v18;
	v11 =	vmul.f32 v11, v18  }
0xe7: {  	v21 =	vld [tilespmem:s8+$0xFFFFFF11];
	v23 =	vmul.f32 v7, v3;
	v24 =	vmul.f32 v8, v3  }
0xe8: {  	v20 =	vld [tilespmem:s8+$0xFFFFFF10];
	v17 =	vimm.f32 $0.0e+00;
	v7 =	vmul.f32 v12, v18;
	v8 =	vmul.f32 v15, v18  }
0xe9: {  	v12 =	vld [tilespmem:s8+$0xFFFFFF13];
	v15 =	vmul.f32 v16, v18;
	v16 =	vmul.f32 v19, v18;
	v11 =	vadd.f32 v11, v17  }
0xea: {  	v25 =	vld [tilespmem:s1+$0xFFFFFF11];
	v22 =	vmul.f32 v22, v18;
	v7 =	vadd.f32 v7, v17;
	v8 =	vadd.f32 v8, v17  }
0xeb: {  	v43 =	vmul.f32 v63, v18;
	v19 =	vld [tilespmem:s8+$0xFFFFFF14];
	v15 =	vadd.f32 v15, v17;
	v16 =	vadd.f32 v16, v17  }
0xec: {  	v40 =	vld [tilespmem:s1+$0xFFFFFF12];
	v21 =	vmul.f32 v21, v18;
	v22 =	vadd.f32 v22, v17;
	v4 =	vadd.f32 v4, v11  }
0xed: {  	v11 =	vmul.f32 v20, v18;
	v20 =	vld [tilespmem:s1+$0xFFFFFF10];
	v7 =	vadd.f32 v5, v7;
	v6 =	vadd.f32 v6, v8  }
0xee: {  	v5 =	vadd.f32 v27, v16;
	v16 =	vadd.f32 v21, v17;
	v21 =	vld [tilespmem:s1+$0xFFFFFF14];
	v12 =	vmul.f32 v12, v18  }
0xef: {  	v25 =	vmul.f32 v25, v18;
	v8 =	vadd.f32 v26, v15;
	v27 =	vld [tilespmem:s2+$0xFFFFFF10];
	v11 =	vadd.f32 v11, v17  }
0xf0: {  	v19 =	vmul.f32 v19, v18;
	v26 =	vadd.f32 v12, v17;
	v12 =	vadd.f32 v28, v22  }
0xf1: {  	v41 =	vld [tilespmem:s1+$0xFFFFFF13];
	v22 =	vadd.f32 v25, v17;
	v28 =	vimm.f32 $0.0e+00;
	v25 =	vimm.f32 $0.0e+00  }
0xf2: {  	v15 =	vadd.f32 v9, v11;
	v11 =	vadd.f32 v10, v16;
	v10 =	vmul.f32 v40, v18  }
0xf3: {  	v16 =	vadd.f32 v19, v17;
	v20 =	vmul.f32 v20, v18;
	v9 =	vadd.f32 v30, v26  }
0xf4: {  	v21 =	vmul.f32 v21, v18;
	v46 =	vmul.f32 v27, v18;
	v10 =	vadd.f32 v10, v17  }
0xf5: {  	v42 =	vld [tilespmem:s2+$0xFFFFFF13];
	v30 =	vimm.f32 $0.0e+00;
	v27 =	vimm.f32 $0.0e+00;
	v19 =	vadd.f32 v20, v17  }
0xf6: {  	v45 =	vld [tilespmem:s2+$0xFFFFFF14];
	v16 =	vadd.f32 v13, v16;
	v20 =	vmul.f32 v41, v18;
	v10 =	vadd.f32 v39, v10  }
0xf7: {  	s20 =	simm.s32 $0xF;
	s14 =	smov.u32 s13;
	v44 =	vld [tilespmem:s9+$0xFFFFFF10];
	v26 =	vimm.f32 $0.0e+00;
	v39 =	vadd.f32 v21, v17;
	v13 =	vadd.f32 v14, v19  }
0xf8: {  	s16 =	smov.u32 s5;
	s18 =	smov.u32 s21;
	s10 =	smov.u32 s19;
	v40 =	vld [tilespmem:s9+$0xFFFFFF11];
	v21 =	vimm.f32 $0.0e+00;
	v14 =	vadd.f32 v38, v22;
	v38 =	vadd.f32 v20, v17  }
0xf9: {  	s12 =	smov.u32 s15;
	s8 =	sshll.u32 s7, $0x4;
	s2 =	smov.u32 s22;
	v41 =	vld [tilespmem:s9+$0xFFFFFF12];
	v19 =	vimm.f32 $0.0e+00;
	v22 =	vimm.f32 $0.0e+00;
	v20 =	vimm.f32 $0.0e+00  }
.LBB2_23:
0xfa: {  	p3 =	sne.s32 s20, $0x1;
	v17 =	vadd.f32 v46, v17;
	v30 =	vadd.f32 v47, v30;
	v42 =	vmul.f32 v42, v18;
	v46 =	vld [tilespmem:s9+$0xFFFFFF13]  }
0xfb: {  	v45 =	vmul.f32 v45, v18;
	v47 =	vld [tilespmem:s9+$0xFFFFFF14];
	v38 =	vadd.f32 v34, v38;
	v39 =	vadd.f32 v36, v39  }
0xfc: {  	s14 =	sadd.s32 $0x1C0, s14;
	v34 =	vmul.f32 v44, v18;
	v17 =	vadd.f32 v35, v17;
	v30 =	vadd.f32 v37, v30;
	v35 =	vld [tilespmem:s9+$0x3]  }
0xfd: {  	s10 =	sadd.s32 $0x1E0, s10;
	s1 =	sadd.s32 s4, s14;
	v27 =	vadd.f32 v43, v27;
	v28 =	vadd.f32 v42, v28;
	v36 =	vmul.f32 v40, v18;
	v37 =	vld [tilespmem:s9+$0x4]  }
0xfe: {  	s30 =	sadd.s32 s4, s10;
	v25 =	vadd.f32 v45, v25;
	v40 =	vld [tilespmem:s1+$0xE0];
	v26 =	vadd.f32 v34, v26;
	v34 =	vmul.f32 v41, v18  }
0xff: {  	v27 =	vadd.f32 v29, v27;
	v28 =	vadd.f32 v31, v28;
	v41 =	vld [tilespmem:s30+$0x0];
	v42 =	vmul.f32 v46, v18  }
0x100: {  	v25 =	vadd.f32 v32, v25;
	v29 =	vld [tilespmem:s30+$0x1];
	v18 =	vmul.f32 v47, v18;
	v26 =	vadd.f32 v33, v26  }
0x101: {  	v19 =	vadd.f32 v36, v19;
	v22 =	vadd.f32 v34, v22;
	v31 =	vld [tilespmem:s30+$0x2];
	v32 =	vmul.f32 v35, v3  }
0x102: {  	s12 =	sadd.s32 $0x1E0, s12;
	v20 =	vadd.f32 v42, v20;
	v33 =	vld [tilespmem:s30+$0x3];
	v18 =	vadd.f32 v18, v21;
	v21 =	vmul.f32 v37, v3  }
0x103: {  	s31 =	sadd.s32 s4, s12;
	v19 =	vadd.f32 v23, v19;
	v22 =	vadd.f32 v24, v22;
	v34 =	vld [tilespmem:s30+$0x4];
	v3 =	vmov v40  }
0x104: {  	v20 =	vadd.f32 v32, v20;
	v23 =	vld [tilespmem:s31+$0x0];
	v21 =	vadd.f32 v21, v18  }
0x105: {  	v24 =	vld [tilespmem:s31+$0x1]  }
0x106: {  	v32 =	vld [tilespmem:s31+$0x2]  }
0x107: {  	s16 =	sadd.s32 $0x1E0, s16;
	v35 =	vld [tilespmem:s31+$0x3]  }
0x108: {  	s24 =	sadd.s32 s4, s16;
	v36 =	vld [tilespmem:s31+$0x4]  }
0x109: {  	v37 =	vld [tilespmem:s24+$0x0]  }
0x10a: {  	v40 =	vld [tilespmem:s24+$0x1]  }
0x10b: {  	v42 =	vld [tilespmem:s24+$0x2]  }
0x10c: {  	s18 =	sadd.s32 $0x1E0, s18;
	v43 =	vld [tilespmem:s24+$0x3]  }
0x10d: {  	s17 =	sadd.s32 s4, s18;
	v44 =	vld [tilespmem:s24+$0x4]  }
0x10e: {  	v45 =	vld [tilespmem:s17+$0x0]  }
0x10f: {  	v46 =	vld [tilespmem:s17+$0x1]  }
0x110: {  	v47 =	vld [tilespmem:s17+$0x2]  }
0x111: {  	s2 =	sadd.s32 $0x1E0, s2;
	v48 =	vld [tilespmem:s17+$0x3]  }
0x112: {  	s9 =	sadd.s32 s4, s2;
	v49 =	vld [tilespmem:s17+$0x4]  }
0x113: {  	v41 =	vmul.f32 v41, v3;
	v50 =	vmul.f32 v29, v3;
	v51 =	vld [tilespmem:s9+$0x0]  }
0x114: {  	v52 =	vmul.f32 v31, v3;
	v53 =	vmul.f32 v33, v3;
	v54 =	vld [tilespmem:s9+$0x1]  }
0x115: {  	v55 =	vmul.f32 v34, v3;
	v56 =	vmul.f32 v23, v3;
	v57 =	vld [tilespmem:s9+$0x2]  }
0x116: {  	v58 =	vmul.f32 v24, v3;
	v59 =	vmul.f32 v32, v3;
	v18 =	vld [tilespmem:s1+$0x0]  }
0x117: {  	v60 =	vmul.f32 v35, v3;
	v61 =	vmul.f32 v36, v3;
	v23 =	vld [tilespmem:s30+$0xFFFFFF10]  }
0x118: {  	v63 =	vmul.f32 v37, v3;
	v0 =	vmul.f32 v40, v3;
	v62 =	vld [tilespmem:s30+$0xFFFFFF11]  }
0x119: {  	v1 =	vmul.f32 v42, v3;
	v34 =	vmul.f32 v43, v3;
	v40 =	vld [tilespmem:s30+$0xFFFFFF12]  }
0x11a: {  	v36 =	vmul.f32 v44, v3;
	v35 =	vmul.f32 v45, v3;
	v42 =	vld [tilespmem:s30+$0xFFFFFF13]  }
0x11b: {  	v37 =	vmul.f32 v46, v3;
	v29 =	vmul.f32 v47, v3;
	v43 =	vld [tilespmem:s30+$0xFFFFFF14]  }
0x11c: {  	v31 =	vmul.f32 v48, v3;
	v23 =	vmul.f32 v23, v18;
	v44 =	vld [tilespmem:s31+$0xFFFFFF10]  }
0x11d: {  	v32 =	vmul.f32 v49, v3;
	v33 =	vmul.f32 v51, v3;
	v45 =	vld [tilespmem:s31+$0xFFFFFF11]  }
0x11e: {  	v24 =	vmul.f32 v57, v3;
	v4 =	vadd.f32 v23, v4;
	v46 =	vld [tilespmem:s31+$0xFFFFFF12];
	v23 =	vmul.f32 v54, v3  }
0x11f: {  	v47 =	vmul.f32 v62, v18;
	v40 =	vmul.f32 v40, v18;
	v48 =	vld [tilespmem:s31+$0xFFFFFF13]  }
0x120: {  	v42 =	vmul.f32 v42, v18;
	v43 =	vmul.f32 v43, v18;
	v49 =	vld [tilespmem:s31+$0xFFFFFF14];
	v4 =	vadd.f32 v41, v4  }
0x121: {  	v7 =	vadd.f32 v47, v7;
	v6 =	vadd.f32 v40, v6;
	v40 =	vmul.f32 v44, v18;
	v41 =	vld [tilespmem:s24+$0xFFFFFF10]  }
0x122: {  	v8 =	vadd.f32 v42, v8;
	v5 =	vadd.f32 v43, v5;
	v42 =	vmul.f32 v45, v18;
	v43 =	vld [tilespmem:s24+$0xFFFFFF11]  }
0x123: {  	v7 =	vadd.f32 v50, v7;
	v6 =	vadd.f32 v52, v6;
	v44 =	vmul.f32 v46, v18;
	v45 =	vld [tilespmem:s24+$0xFFFFFF12]  }
0x124: {  	v8 =	vadd.f32 v53, v8;
	v46 =	vmul.f32 v48, v18;
	v47 =	vld [tilespmem:s24+$0xFFFFFF13];
	v5 =	vadd.f32 v55, v5  }
0x125: {  	v15 =	vadd.f32 v40, v15;
	v11 =	vadd.f32 v42, v11;
	v40 =	vmul.f32 v49, v18;
	v48 =	vld [tilespmem:s24+$0xFFFFFF14]  }
0x126: {  	v12 =	vadd.f32 v44, v12;
	v9 =	vadd.f32 v46, v9;
	v41 =	vmul.f32 v41, v18;
	v44 =	vld [tilespmem:s17+$0xFFFFFF10]  }
0x127: {  	v15 =	vadd.f32 v56, v15;
	v11 =	vadd.f32 v58, v11;
	v43 =	vmul.f32 v43, v18;
	v49 =	vld [tilespmem:s17+$0xFFFFFF11]  }
0x128: {  	v12 =	vadd.f32 v59, v12;
	v45 =	vmul.f32 v45, v18;
	v50 =	vld [tilespmem:s17+$0xFFFFFF12];
	v9 =	vadd.f32 v60, v9  }
.Ltmp16:
0x129: {  	v16 =	vadd.f32 v40, v16;
	v13 =	vadd.f32 v41, v13;
	v41 =	vmul.f32 v47, v18;
	v42 =	vld [tilespmem:s17+$0xFFFFFF13];
	(pc) =	sbr.rel @p3 .LBB2_23-.Ltmp16, $4  }
0x12a: {  	v14 =	vadd.f32 v43, v14;
	v10 =	vadd.f32 v45, v10;
	v43 =	vmul.f32 v48, v18;
	v45 =	vld [tilespmem:s17+$0xFFFFFF14]  }
0x12b: {  	v16 =	vadd.f32 v61, v16;
	v13 =	vadd.f32 v63, v13;
	v46 =	vmul.f32 v44, v18;
	v44 =	vld [tilespmem:s9+$0xFFFFFF10]  }
0x12c: {  	v14 =	vadd.f32 v0, v14;
	v47 =	vmul.f32 v49, v18;
	v40 =	vld [tilespmem:s9+$0xFFFFFF11];
	v10 =	vadd.f32 v1, v10  }
0x12d: {  	s20 =	sadd.s32 $0xFFFFFFFF, s20;
	v38 =	vadd.f32 v41, v38;
	v39 =	vadd.f32 v43, v39;
	v43 =	vmul.f32 v50, v18;
	v41 =	vld [tilespmem:s9+$0xFFFFFF12]  }
0x12e: {  	v0 =	vadd.f32 v46, v17  }
0x12f: {  	v1 =	vadd.f32 v47, v30;
	v55 =	vmul.f32 v42, v18;
	v42 =	vmax.f32 v6, v8  }
0x130: {  	v46 =	vmax.f32 v13, v14;
	v57 =	vmul.f32 v45, v18;
	v34 =	vadd.f32 v34, v38  }
0x131: {  	v36 =	vadd.f32 v36, v39;
	v27 =	vadd.f32 v43, v27;
	v43 =	vmax.f32 v5, v15  }
0x132: {  	v56 =	vld [tilespmem:s9+$0xFFFFFF13];
	v45 =	vmax.f32 v9, v16;
	v59 =	vmul.f32 v44, v18;
	v0 =	vadd.f32 v35, v0  }
0x133: {  	v58 =	vld [tilespmem:s9+$0xFFFFFF14];
	v1 =	vadd.f32 v37, v1;
	v17 =	vadd.f32 v55, v28;
	v44 =	vmax.f32 v11, v12  }
0x134: {  	v60 =	vld [tilespmem:s9+$0x3];
	v54 =	vmax.f32 v45, v46;
	v61 =	vmul.f32 v40, v18;
	v25 =	vadd.f32 v57, v25  }
0x135: {  	v27 =	vadd.f32 v29, v27;
	v47 =	vmax.f32 v10, v34;
	v53 =	vmax.f32 v43, v44  }
0x136: {  	v62 =	vld [tilespmem:s9+$0x4];
	v26 =	vadd.f32 v59, v26;
	v63 =	vmul.f32 v41, v18;
	v17 =	vadd.f32 v31, v17  }
0x137: {  	v41 =	vmax.f32 v4, v7;
	v30 =	vmul.f32 v56, v18;
	v25 =	vadd.f32 v32, v25  }
0x138: {  	v39 =	vmul.f32 v58, v18;
	v19 =	vadd.f32 v61, v19;
	v26 =	vadd.f32 v33, v26  }
0x139: {  	v40 =	vmul.f32 v60, v3;
	v22 =	vadd.f32 v63, v22;
	v20 =	vadd.f32 v30, v20  }
0x13a: {  	v48 =	vmax.f32 v36, v0;
	v18 =	vadd.f32 v39, v21;
	v19 =	vadd.f32 v23, v19  }
0x13b: {  	v3 =	vmul.f32 v62, v3;
	v21 =	vadd.f32 v24, v22;
	v20 =	vadd.f32 v40, v20  }
0x13c: {  	v49 =	vmax.f32 v1, v27;
	v55 =	vmax.f32 v47, v48;
	v50 =	vmax.f32 v17, v25  }
0x13d: {  	v56 =	vmax.f32 v49, v50;
	v51 =	vmax.f32 v26, v19;
	v52 =	vmax.f32 v21, v20  }
0x13e: {  	v3 =	vadd.f32 v3, v18;
	v18 =	vmax.f32 v41, v42;
	v57 =	vmax.f32 v51, v52  }
0x13f: {  	v58 =	vmax.f32 v54, v55;
	v18 =	vmax.f32 v18, v53;
	v59 =	vmax.f32 v56, v57  }
0x140: {  	v18 =	vmax.f32 v18, v58;
	v60 =	vmax.f32 v59, v3  }
0x141: {  	v18 =	vmax.f32 v18, v60  }
0x142: {  	v61 =	vsub.f32 v4, v18  }
0x143: {  	v62 =	vsub.f32 v7, v18  }
0x144: {  	v63 =	vsub.f32 v6, v18;
	v4 =	vmul.f32 $1.442695020e+00, v61  }
0x145: {  	v22 =	vsub.f32 v8, v18;
	v7 =	vmul.f32 $1.442695020e+00, v62  }
0x146: {  	v24 =	vsub.f32 v5, v18;
	v23 =	vmul.f32 $1.442695020e+00, v63;
	(erf) = vpow2.f32 v4  }
0x147: {  	v29 =	vsub.f32 v15, v18;
	v28 =	vmul.f32 $1.442695020e+00, v22;
	(erf) = vpow2.f32 v7  }
0x148: {  	v31 =	vsub.f32 v11, v18;
	v30 =	vmul.f32 $1.442695020e+00, v24;
	(erf) = vpow2.f32 v23  }
0x149: {  	v33 =	vsub.f32 v12, v18;
	v32 =	vmul.f32 $1.442695020e+00, v29;
	(erf) = vpow2.f32 v28  }
0x14a: {  	v37 =	vsub.f32 v9, v18;
	v35 =	vmul.f32 $1.442695020e+00, v31;
	(erf) = vpow2.f32 v30  }
0x14b: {  	v39 =	vsub.f32 v16, v18;
	v38 =	vmul.f32 $1.442695020e+00, v33;
	(erf) = vpow2.f32 v32  }
0x14c: {  	v41 =	vsub.f32 v13, v18;
	v40 =	vmul.f32 $1.442695020e+00, v37;
	(erf) = vpow2.f32 v35  }
0x14d: {  	v43 =	vsub.f32 v14, v18;
	v42 =	vmul.f32 $1.442695020e+00, v39;
	(erf) = vpow2.f32 v38  }
0x14e: {  	v45 =	vsub.f32 v10, v18;
	v44 =	vmul.f32 $1.442695020e+00, v41;
	(erf) = vpow2.f32 v40  }
0x14f: {  	v47 =	vsub.f32 v34, v18;
	v46 =	vmul.f32 $1.442695020e+00, v43;
	v8 =	vpop (erf);
	(erf) = vpow2.f32 v42  }
0x150: {  	v49 =	vsub.f32 v36, v18;
	v48 =	vmul.f32 $1.442695020e+00, v45;
	v9 =	vpop (erf);
	(erf) = vpow2.f32 v44  }
0x151: {  	v0 =	vsub.f32 v0, v18;
	v50 =	vmul.f32 $1.442695020e+00, v47;
	v10 =	vpop (erf);
	(erf) = vpow2.f32 v46  }
0x152: {  	v1 =	vsub.f32 v1, v18;
	v51 =	vmul.f32 $1.442695020e+00, v49;
	v7 =	vpop (erf);
	(erf) = vpow2.f32 v48  }
0x153: {  	v52 =	vsub.f32 v27, v18;
	v0 =	vmul.f32 $1.442695020e+00, v0;
	v5 =	vpop (erf);
	(erf) = vpow2.f32 v50  }
0x154: {  	v53 =	vsub.f32 v17, v18;
	v1 =	vmul.f32 $1.442695020e+00, v1;
	v11 =	vpop (erf);
	(erf) = vpow2.f32 v51  }
0x155: {  	v54 =	vsub.f32 v25, v18;
	v12 =	vpop (erf);
	(erf) = vpow2.f32 v0;
	v0 =	vmul.f32 $1.442695020e+00, v52  }
0x156: {  	v55 =	vsub.f32 v26, v18;
	v13 =	vpop (erf);
	(erf) = vpow2.f32 v1;
	v1 =	vmul.f32 $1.442695020e+00, v53  }
0x157: {  	v56 =	vsub.f32 v19, v18;
	v14 =	vpop (erf);
	(erf) = vpow2.f32 v0;
	v0 =	vmul.f32 $1.442695020e+00, v54  }
0x158: {  	v57 =	vsub.f32 v21, v18;
	v15 =	vpop (erf);
	(erf) = vpow2.f32 v1;
	v1 =	vmul.f32 $1.442695020e+00, v55  }
0x159: {  	v58 =	vsub.f32 v20, v18;
	v16 =	vpop (erf);
	(erf) = vpow2.f32 v0;
	v0 =	vmul.f32 $1.442695020e+00, v56  }
0x15a: {  	v17 =	vpop (erf);
	(erf) = vpow2.f32 v1;
	v1 =	vmul.f32 $1.442695020e+00, v57  }
0x15b: {  	v4 =	vpop (erf);
	(erf) = vpow2.f32 v0;
	v0 =	vmul.f32 $1.442695020e+00, v58;
	_ =	sdelay $0x1  }
0x15c: {  	v6 =	vpop (erf);
	(erf) = vpow2.f32 v1  }
0x15d: {  	v1 =	vpop (erf);
	(erf) = vpow2.f32 v0  }
0x15e: {  	v0 =	vpop (erf)  }
0x15f: {  	v3 =	vsub.f32 v3, v18;
	v19 =	vpop (erf)  }
0x160: {  	v59 =	vadd.f32 v9, v8;
	v60 =	vadd.f32 v7, v10;
	v20 =	vpop (erf)  }
0x161: {  	v3 =	vmul.f32 $1.442695020e+00, v3;
	v61 =	vadd.f32 v11, v5;
	v62 =	vadd.f32 v13, v12;
	v18 =	vpop (erf)  }
0x162: {  	v21 =	vpop (erf)  }
0x163: {  	v22 =	vadd.f32 v60, v59;
	v48 =	vadd.f32 v62, v61;
	(erf) = vpow2.f32 v3;
	v24 =	vpop (erf)  }
0x164: {  	v63 =	vadd.f32 v17, v16;
	v41 =	vadd.f32 v6, v4;
	v27 =	vpop (erf)  }
0x165: {  	v42 =	vadd.f32 v0, v1;
	v3 =	vadd.f32 v15, v14;
	v40 =	vpop (erf)  }
0x166: {  	v44 =	vadd.f32 v20, v19;
	v45 =	vadd.f32 v21, v18;
	v43 =	vpop (erf)  }
0x167: {  	v46 =	vadd.f32 v27, v24;
	v47 =	vadd.f32 v43, v40  }
0x168: {  	v49 =	vadd.f32 v42, v41;
	v3 =	vadd.f32 v63, v3  }
0x169: {  	v50 =	vadd.f32 v45, v44;
	v51 =	vadd.f32 v47, v46  }
0x16a: {  	v22 =	vadd.f32 v48, v22  }
0x16b: {  	v3 =	vadd.f32 v49, v3;
	v52 =	vadd.f32 v51, v50  }
0x16c: {  	v53 =	vpop (erf)  }
0x16d: {  	v3 =	vadd.f32 v3, v22;
	v54 =	vadd.f32 v52, v53;
	_ =	sdelay $0x1  }
0x16e: {  	v3 =	vadd.f32 v54, v3;
	_ =	sdelay $0x1  }
0x16f: {  	(erf) = vrcp.f32 v3;
	_ =	sdelay $0x8  }
0x170: {  	v3 =	vpop (erf)  }
0x171: {  	v8 =	vmul.f32 v3, v8  }
0x172: {  	v9 =	vmul.f32 v3, v9  }
0x173: {  	v55 =	vmul.f32 v3, v10;
	[tilespmem:s8+$0x1E408] =	vst v8  }
0x174: {  	v7 =	vmul.f32 v3, v7;
	[tilespmem:s8+$0x1E500] =	vst v9  }
0x175: {  	v5 =	vmul.f32 v3, v5;
	[tilespmem:s8+$0x1E5F8] =	vst v55  }
0x176: {  	v56 =	vmul.f32 v3, v11;
	[tilespmem:s8+$0x1E6F0] =	vst v7  }
0x177: {  	v57 =	vmul.f32 v3, v12;
	[tilespmem:s8+$0x1E7E8] =	vst v5  }
0x178: {  	v58 =	vmul.f32 v3, v13;
	[tilespmem:s8+$0x1E8E0] =	vst v56  }
0x179: {  	v59 =	vmul.f32 v3, v14;
	[tilespmem:s8+$0x1E9D8] =	vst v57  }
0x17a: {  	v60 =	vmul.f32 v3, v15;
	[tilespmem:s8+$0x1EAD0] =	vst v58  }
0x17b: {  	v61 =	vmul.f32 v3, v16;
	[tilespmem:s8+$0x1EBC8] =	vst v59  }
0x17c: {  	v62 =	vmul.f32 v3, v17;
	[tilespmem:s8+$0x1ECC0] =	vst v60  }
0x17d: {  	v4 =	vmul.f32 v3, v4;
	[tilespmem:s8+$0x1EDB8] =	vst v61  }
0x17e: {  	v63 =	vmul.f32 v3, v6;
	[tilespmem:s8+$0x1EEB0] =	vst v62  }
0x17f: {  	v1 =	vmul.f32 v3, v1;
	[tilespmem:s8+$0x1EFA8] =	vst v4  }
0x180: {  	v0 =	vmul.f32 v3, v0;
	[tilespmem:s8+$0x1F0A0] =	vst v63  }
0x181: {  	[tilespmem:s8+$0x1F198] =	vst v1;
	v1 =	vmul.f32 v3, v19  }
0x182: {  	[tilespmem:s8+$0x1F290] =	vst v0;
	v0 =	vmul.f32 v3, v20  }
0x183: {  	[tilespmem:s8+$0x1F388] =	vst v1;
	v1 =	vmul.f32 v3, v18  }
0x184: {  	[tilespmem:s8+$0x1F480] =	vst v0;
	v0 =	vmul.f32 v3, v21  }
0x185: {  	s7 =	sadd.s32 $0x1, s7;
	[tilespmem:s8+$0x1F578] =	vst v1;
	v1 =	vmul.f32 v3, v24  }
0x186: {  	p3 =	seq.s32 s7, $0xE;
	[tilespmem:s8+$0x1F670] =	vst v0;
	v0 =	vmul.f32 v3, v27  }
.Ltmp17:
0x187: {  	[tilespmem:s8+$0x1F768] =	vst v1;
	v1 =	vmul.f32 v3, v40;
	(pc) =	sbr.rel @!p3 .LBB2_22-.Ltmp17, $4  }
0x188: {  	[tilespmem:s8+$0x1F860] =	vst v0;
	v0 =	vmul.f32 v3, v43  }
0x189: {  	[tilespmem:s8+$0x1F958] =	vst v1;
	v1 =	vmul.f32 v3, v53  }
0x18a: {  	[tilespmem:s8+$0x1FA50] =	vst v0  }
0x18b: {  	s6 =	sadd.s32 $0x40, s6;
	[tilespmem:s8+$0x1FB48] =	vst v1  }
0x18c: {  	s1 =	rddreg [dreg:$0x16]  }
0x18d: {  	v3 =	vmov s1;
	_ =	sdelay $0x3  }
0x18e: {  	s1 =	simm.s32 $0x0  }
0x18f: {  	[tilespmem:v3+s1+$0xFFFFFF90 ss:$0x1] =	vst.idx.msk $0xffff, v2  }
0x190: {  	[tilespmem:v3+s1+$0xFFFFFFA0 ss:$0x1] =	vst.idx.msk $0xffff, v2  }
0x191: {  	[tilespmem:v3+s1+$0xFFFFFFB0 ss:$0x1] =	vst.idx.msk $0xffff, v2  }
0x192: {  	[tilespmem:v3+s1+$0xFFFFFFC0 ss:$0x1] =	vst.idx.msk $0xffff, v2  }
0x193: {  	[tilespmem:v3+s1+$0xFFFFFFD0 ss:$0x1] =	vst.idx.msk $0xffff, v2  }
0x194: {  	[tilespmem:v3+s1+$0xFFFFFFE0 ss:$0x1] =	vst.idx.msk $0xffff, v2  }
0x195: {  	[tilespmem:v3+s1+$0xFFFFFFF0 ss:$0x1] =	vst.idx.msk $0xffff, v2  }
0x196: {  	[tilespmem:v3+s1+$0x0 ss:$0x1] =	vst.idx.msk $0xffff, v2  }
0x197: {  	[tilespmem:v3+s1+$0x10 ss:$0x1] =	vst.idx.msk $0xffff, v2  }
0x198: {  	[tilespmem:v3+s1+$0x20 ss:$0x1] =	vst.idx.msk $0xffff, v2  }
0x199: {  	[tilespmem:v3+s1+$0x30 ss:$0x1] =	vst.idx.msk $0xffff, v2  }
0x19a: {  	[tilespmem:v3+s1+$0x40 ss:$0x1] =	vst.idx.msk $0xffff, v2  }
0x19b: {  	[tilespmem:v3+s1+$0x50 ss:$0x1] =	vst.idx.msk $0xffff, v2  }
0x19c: {  	s2 =	simm.s32 $0x3E0;
	s15 =	rddreg [dreg:$0xe];
	[tilespmem:v3+s1+$0x60 ss:$0x1] =	vst.idx.msk $0xffff, v2  }
.LBB2_26:
0x19d: {  	p3 =	seq.s32 s2, $0x7820;
	[tilespmem:v3+s1+$0x70 ss:$0x1] =	vst.idx.msk $0xffff, v2;
	s1 =	sshra.s32 s2, $0x2;
	s2 =	sadd.s32 $0x3E0, s2  }
0x19e: {  	[tilespmem:v3+s1+$0xFFFFFF90 ss:$0x1] =	vst.idx.msk $0xffff, v2  }
0x19f: {  	[tilespmem:v3+s1+$0xFFFFFFA0 ss:$0x1] =	vst.idx.msk $0xffff, v2  }
0x1a0: {  	[tilespmem:v3+s1+$0xFFFFFFB0 ss:$0x1] =	vst.idx.msk $0xffff, v2  }
0x1a1: {  	[tilespmem:v3+s1+$0xFFFFFFC0 ss:$0x1] =	vst.idx.msk $0xffff, v2  }
0x1a2: {  	[tilespmem:v3+s1+$0xFFFFFFD0 ss:$0x1] =	vst.idx.msk $0xffff, v2  }
0x1a3: {  	[tilespmem:v3+s1+$0xFFFFFFE0 ss:$0x1] =	vst.idx.msk $0xffff, v2  }
0x1a4: {  	[tilespmem:v3+s1+$0xFFFFFFF0 ss:$0x1] =	vst.idx.msk $0xffff, v2  }
0x1a5: {  	[tilespmem:v3+s1+$0x0 ss:$0x1] =	vst.idx.msk $0xffff, v2  }
0x1a6: {  	[tilespmem:v3+s1+$0x10 ss:$0x1] =	vst.idx.msk $0xffff, v2  }
.Ltmp18:
0x1a7: {  	[tilespmem:v3+s1+$0x20 ss:$0x1] =	vst.idx.msk $0xffff, v2;
	(pc) =	sbr.rel @!p3 .LBB2_26-.Ltmp18, $4  }
0x1a8: {  	[tilespmem:v3+s1+$0x30 ss:$0x1] =	vst.idx.msk $0xffff, v2  }
0x1a9: {  	[tilespmem:v3+s1+$0x40 ss:$0x1] =	vst.idx.msk $0xffff, v2  }
0x1aa: {  	[tilespmem:v3+s1+$0x50 ss:$0x1] =	vst.idx.msk $0xffff, v2  }
0x1ab: {  	[tilespmem:v3+s1+$0x60 ss:$0x1] =	vst.idx.msk $0xffff, v2  }
0x1ac: {  	s12 =	rddreg [dreg:$0x4];
	s0 =	smul.u32 $0x7C00, s0  }
0x1ad: {  	s24 =	rddreg [dreg:$0x13];
	s30 =	smul.u32 $0x7C00, s11  }
0x1ae: {  	s2 =	rddreg [dreg:$0x15];
	s4 =	smul.u32 $0x7C00, s24  }
0x1af: {  	s5 =	rddreg [dreg:$0x14];
	s2 =	smul.u32 $0x7C00, s2  }
0x1b0: {  	[tilespmem:v3+s1+$0x70 ss:$0x1] =	vst.idx.msk $0xffff, v2;
	s5 =	smul.u32 $0x7C00, s5;
	s1 =	sshra.s32 s30, $0x2;
	s6 =	sshra.s32 s0, $0x2  }
0x1b1: {  	s0 =	sadd.s32 $0xB406, s1;
	s1 =	sadd.s32 $0xB406, s6;
	s2 =	sshra.s32 s2, $0x2  }
0x1b2: {  	s5 =	sshra.s32 s5, $0x2;
	s31 =	sshra.s32 s4, $0x2;
	s6 =	simm.s32 $0x0  }
0x1b3: {  	s2 =	sadd.s32 $0xB406, s2;
	s4 =	sadd.s32 $0xB406, s5;
	s5 =	sadd.s32 $0xB406, s31  }
.LBB2_28:
0x1b4: {  	s8 =	sshll.u32 s6, $0x4  }
0x1b5: {  	v3 =	vld [tilespmem:s8+$0x1E408]  }
0x1b6: {  	v4 =	vld [tilespmem:s8+$0x1E4FF]  }
0x1b7: {  	v5 =	vld [tilespmem:s8+$0x1E5F6]  }
0x1b8: {  	v6 =	vld [tilespmem:s8+$0x1E6ED]  }
0x1b9: {  	v7 =	vld [tilespmem:s8+$0x1E7E4]  }
0x1ba: {  	v8 =	vld [tilespmem:s8+$0x1E8E0]  }
0x1bb: {  	v9 =	vld [tilespmem:s8+$0x1E9D7]  }
0x1bc: {  	v10 =	vld [tilespmem:s8+$0x1EACE]  }
0x1bd: {  	v11 =	vld [tilespmem:s8+$0x1EBC5]  }
0x1be: {  	v14 =	vmov s1;
	v12 =	vld [tilespmem:s8+$0x1EDB8]  }
0x1bf: {  	v16 =	vmov s2;
	v15 =	vld [tilespmem:s8+$0x1F194]  }
0x1c0: {  	v18 =	vmov s4;
	v17 =	vld [tilespmem:s8+$0x1F290]  }
0x1c1: {  	v19 =	vld [tilespmem:s8+$0x1F47E]  }
0x1c2: {  	v21 =	vmov s5;
	s7 =	simm.s32 $0x0;
	v20 =	vld [tilespmem:s8+$0x1F66C]  }
0x1c3: {  	v0 =	vld.idx.msk [tilespmem:v14+s7+$0x0 ss:$0x1], $0xffff  }
0x1c4: {  	v1 =	vld.idx.msk [tilespmem:v16+s7+$0x0 ss:$0x1], $0xffff  }
0x1c5: {  	v32 =	vld.idx.msk [tilespmem:v18+s7+$0x0 ss:$0x1], $0xffff  }
0x1c6: {  	v22 =	vld [tilespmem:s8+$0x1F575]  }
0x1c7: {  	v31 =	vld.idx.msk [tilespmem:v21+s7+$0x0 ss:$0x1], $0xffff  }
0x1c8: {  	v13 =	vld [tilespmem:s8+$0x1F09D];
	v29 =	vmul.f32 v0, v17  }
0x1c9: {  	v24 =	vmov s0;
	v25 =	vld [tilespmem:s8+$0x1F387];
	v30 =	vmul.f32 v0, v20;
	v33 =	vmul.f32 v1, v12  }
0x1ca: {  	v26 =	vld [tilespmem:s8+$0x1EEAF];
	v35 =	vmul.f32 v1, v15;
	v39 =	vmul.f32 v32, v8  }
0x1cb: {  	v23 =	vld [tilespmem:s8+$0x1ECBC];
	v34 =	vmul.f32 v0, v19;
	v36 =	vmul.f32 v32, v9  }
0x1cc: {  	v27 =	vld [tilespmem:s8+$0x1EFA6];
	v38 =	vmul.f32 v0, v22;
	v37 =	vmul.f32 v31, v4  }
0x1cd: {  	v28 =	vld [tilespmem:s8+$0x1F768];
	v40 =	vmul.f32 v1, v13;
	v42 =	vmul.f32 v32, v10  }
0x1ce: {  	v47 =	vmul.f32 v31, v6;
	v0 =	vmul.f32 v0, v25;
	v41 =	vadd.f32 v29, v33;
	v33 =	vld.idx.msk [tilespmem:v24+s7+$0x0 ss:$0x1], $0xffff  }
0x1cf: {  	v43 =	vmul.f32 v31, v3;
	v45 =	vmul.f32 v1, v26;
	v29 =	vld [tilespmem:s8+$0x1F85F]  }
0x1d0: {  	v48 =	vmul.f32 v32, v11;
	v35 =	vadd.f32 v30, v35;
	v30 =	vmul.f32 v31, v5  }
0x1d1: {  	v46 =	vmul.f32 v32, v23;
	v32 =	vld [tilespmem:s8+$0x1FB44];
	v37 =	vadd.f32 v36, v37;
	v39 =	vadd.f32 v39, v43  }
0x1d2: {  	v44 =	vmul.f32 v1, v27;
	v36 =	vadd.f32 v38, v40;
	v38 =	vadd.f32 v42, v30;
	v30 =	vld [tilespmem:s8+$0x1F956]  }
0x1d3: {  	v40 =	vmul.f32 v31, v7;
	v31 =	vld [tilespmem:s8+$0x1FA4D];
	v43 =	vadd.f32 v0, v45;
	v45 =	vadd.f32 v41, v39  }
0x1d4: {  	s8 =	simm.s32 $0x3E0;
	v39 =	vadd.f32 v48, v47;
	v42 =	vmul.f32 v33, v28;
	v41 =	vmul.f32 v33, v29  }
.LBB2_29:
0x1d5: {  	p3 =	sne.s32 s8, $0x7820;
	v0 =	vadd.f32 v34, v44;
	v1 =	vadd.f32 v46, v40;
	s9 =	smov.u32 s8;
	s8 =	sadd.s32 $0x3E0, s8  }
0x1d6: {  	v37 =	vadd.f32 v43, v37;
	v40 =	vmul.f32 v33, v32;
	v34 =	vadd.f32 v45, v42  }
0x1d7: {  	s10 =	sadd.s32 s7, s29;
	v42 =	vmul.f32 v33, v30;
	v0 =	vadd.f32 v0, v38;
	v1 =	vadd.f32 v35, v1  }
0x1d8: {  	v33 =	vmul.f32 v33, v31;
	v35 =	vadd.f32 v36, v39;
	[tilespmem:s10+$0x8] =	vst.add.f32.msk $0xffff, v34;
	v34 =	vadd.f32 v37, v41  }
0x1d9: {  	v0 =	vadd.f32 v0, v42  }
0x1da: {  	v33 =	vadd.f32 v35, v33;
	v1 =	vadd.f32 v1, v40;
	[tilespmem:s10+$0x7] =	vst.add.f32.msk $0xffff, v34  }
0x1db: {  	[tilespmem:s10+$0x6] =	vst.add.f32.msk $0xffff, v0  }
0x1dc: {  	[tilespmem:s10+$0x5] =	vst.add.f32.msk $0xffff, v33  }
0x1dd: {  	s7 =	sshra.s32 s9, $0x2;
	[tilespmem:s10+$0x4] =	vst.add.f32.msk $0xffff, v1  }
0x1de: {  	v0 =	vld.idx.msk [tilespmem:v14+s7+$0x0 ss:$0x1], $0xffff  }
0x1df: {  	v1 =	vld.idx.msk [tilespmem:v16+s7+$0x0 ss:$0x1], $0xffff  }
0x1e0: {  	v39 =	vld.idx.msk [tilespmem:v18+s7+$0x0 ss:$0x1], $0xffff  }
0x1e1: {  	v40 =	vld.idx.msk [tilespmem:v21+s7+$0x0 ss:$0x1], $0xffff;
	_ =	sdelay $0x2  }
0x1e2: {  	v33 =	vmul.f32 v0, v17;
	v35 =	vmul.f32 v0, v20  }
0x1e3: {  	v36 =	vmul.f32 v1, v12;
	v37 =	vmul.f32 v1, v15  }
0x1e4: {  	v34 =	vmul.f32 v0, v19;
	v41 =	vmul.f32 v39, v8  }
0x1e5: {  	v38 =	vmul.f32 v0, v22;
	v45 =	vadd.f32 v33, v36;
	v36 =	vmul.f32 v39, v9  }
0x1e6: {  	v43 =	vmul.f32 v1, v13;
	v42 =	vmul.f32 v40, v4;
	v33 =	vld.idx.msk [tilespmem:v24+s7+$0x0 ss:$0x1], $0xffff  }
0x1e7: {  	v44 =	vmul.f32 v39, v10;
	v47 =	vmul.f32 v40, v6;
	v35 =	vadd.f32 v35, v37  }
0x1e8: {  	v0 =	vmul.f32 v0, v25;
	v37 =	vadd.f32 v36, v42;
	v42 =	vmul.f32 v40, v5  }
.Ltmp19:
0x1e9: {  	v48 =	vmul.f32 v1, v26;
	v46 =	vmul.f32 v40, v3;
	v36 =	vadd.f32 v38, v43;
	(pc) =	sbr.rel @p3 .LBB2_29-.Ltmp19, $4  }
0x1ea: {  	v49 =	vmul.f32 v39, v11;
	v40 =	vmul.f32 v40, v7;
	v38 =	vadd.f32 v44, v42  }
0x1eb: {  	v41 =	vadd.f32 v41, v46;
	v44 =	vmul.f32 v1, v27  }
0x1ec: {  	v43 =	vadd.f32 v0, v48;
	v46 =	vmul.f32 v39, v23;
	v42 =	vmul.f32 v33, v28  }
0x1ed: {  	v39 =	vadd.f32 v49, v47;
	v45 =	vadd.f32 v45, v41;
	v41 =	vmul.f32 v33, v29  }
0x1ee: {  	v0 =	vadd.f32 v34, v44  }
0x1ef: {  	v1 =	vadd.f32 v46, v40;
	v3 =	vadd.f32 v43, v37  }
0x1f0: {  	v5 =	vmul.f32 v33, v30;
	s6 =	sadd.s32 $0x1, s6;
	v4 =	vadd.f32 v45, v42;
	v0 =	vadd.f32 v0, v38  }
0x1f1: {  	s7 =	sadd.s32 s7, s29;
	v6 =	vmul.f32 v33, v31;
	v7 =	vadd.f32 v36, v39;
	p3 =	sne.s32 s6, $0xF;
	v3 =	vadd.f32 v3, v41  }
.Ltmp20:
0x1f2: {  	v8 =	vmul.f32 v33, v32;
	v1 =	vadd.f32 v35, v1;
	[tilespmem:s7+$0x8] =	vst.add.f32.msk $0xffff, v4;
	v0 =	vadd.f32 v0, v5;
	(pc) =	sbr.rel @p3 .LBB2_28-.Ltmp20, $4  }
0x1f3: {  	[tilespmem:s7+$0x7] =	vst.add.f32.msk $0xffff, v3;
	v3 =	vadd.f32 v7, v6  }
0x1f4: {  	v1 =	vadd.f32 v1, v8;
	[tilespmem:s7+$0x6] =	vst.add.f32.msk $0xffff, v0  }
0x1f5: {  	s0 =	sadd.s32 $0x10, s0;
	s1 =	sadd.s32 $0x10, s1;
	s2 =	sadd.s32 $0x10, s2;
	[tilespmem:s7+$0x5] =	vst.add.f32.msk $0xffff, v3  }
0x1f6: {  	s4 =	sadd.s32 $0x10, s4;
	s5 =	sadd.s32 $0x10, s5;
	s29 =	sadd.s32 $0x10, s29;
	[tilespmem:s7+$0x4] =	vst.add.f32.msk $0xffff, v1  }
0x1f7: {  	s0 =	sadd.s32 s12, s26;
	s1 =	rddreg [dreg:$0x12]  }
0x1f8: {  	p3 =	seq.s32 s1, $0x0;
	s0 =	smul.u32 $0xA800, s0  }
0x1f9: {  	s1 =	simm.s32 @!p3 $0x2  }
0x1fa: {  	_ =	swait.ge @!p3 [sflag:s1], $0x1C00;
	s0 =	sadd.s32 s15, s0  }
0x1fb: {  	s0 =	sshrl.u32 s0, $0x3;
	s31 =	rddreg [dreg:$0x7]  }
0x1fc: {  	s2 =	sadd.s32 $0xF8, s28;
	[sflag:s1] =	ssyncset.done @!p3 $0x0;
	s0 =	sadd.s32 s31, s0  }
0x1fd: {  	[sflag:s1] =	ssyncadd.s32 @!p3 $0xFFFFE400;
	s1 =	simm.s32 $0x1C;
	s4 =	sadd.s32 $0x0, s0  }
.LBB2_32:
0x1fe: {  	[hbm4b:s4+s3] =	stream.linear.scatter [tilespmem:s28], [sflag:$0x2], $0xE0, $0x38;
	[tilespmem:$0x1FC38] =	vst v63  }
0x1ff: {  	s4 =	smov.u32 s1;
	s28 =	smov.u32 s2;
	p3 =	sne.s32 s1, $0x364  }
.Ltmp21:
0x200: {  	s1 =	sadd.s32 $0x1C, s1;
	(pc) =	sbr.rel @p3 .LBB2_32-.Ltmp21, $2  }
0x201: {  	_ =	sdelay $0x2  }
0x202: {  	s2 =	sadd.s32 $0xF8, s2;
	s4 =	sadd.s32 s4, s0  }
0x203: {  	v5 =	vld [tilespmem:$0x1FFE0];
	_ =	sdelay $0x1  }
.Ltmp22:
0x204: {  	_ = 	snop;
	(pc) =	sbr.rel @p1 .LBB2_41-.Ltmp22, $2  }
0x205: {  	_ =	sdelay $0x2  }
0x206: {  	[hbm4b:s4+s3] =	stream.linear.scatter [tilespmem:s28], [sflag:$0x2], $0xE0, $0x38;
	v1 =	vld [tilespmem:$0x1FFF0]  }
.Ltmp23:
0x207: {  	(pc) =	sbr.rel @!p2 .LBB2_35-.Ltmp23, $4  }
0x208: {  	s0 =	simm.s32 $0x1  }
0x209: {  	_ =	swait.ge [sflag:s0], $0x1C00  }
0x20a: {  	[sflag:s0] =	ssyncset.done $0x0  }
0x20b: {  	[sflag:s0] =	ssyncadd.s32 $0xFFFFE400  }
0x20c: {  	s0 =	simm.s32 $0x1  }
0x20d: {  	_ =	swait.ge [sflag:s0], $0x1C00  }
0x20e: {  	[sflag:s0] =	ssyncset.done $0x0  }
0x20f: {  	[sflag:s0] =	ssyncadd.s32 $0xFFFFE400  }
0x210: {  	_ =	swait.ge [sflag:s0], $0x1C00  }
0x211: {  	[sflag:s0] =	ssyncset.done $0x0  }
0x212: {  	s1 =	sadd.s32 $0x0, s23;
	[sflag:s0] =	ssyncadd.s32 $0xFFFFE400  }
0x213: {  	v3 =	vmov s23;
	v0 =	vld.idx.msk [tilespmem:v5+s1+$0x0], $0xffff;
	_ =	sdelay $0x3  }
0x214: {  	s0 =	simm.s32 $0x0  }
0x215: {  	[tilespmem:v3+s0+$0x0 ss:$0x1] =	vst.idx.msk $0xffff, v0  }
0x216: {  	v4 =	vld.idx.msk [tilespmem:v1+s1+$0x0], $0xffff;
	_ =	sdelay $0x3  }
0x217: {  	s2 =	simm.s32 $0xF0;
	s1 =	simm.s32 $0x780  }
.LBB2_37:
0x218: {  	p1 =	sne.s32 s1, $0x7440;
	s4 =	sadd.s32 s2, s23;
	[tilespmem:v3+s0+$0xDC ss:$0x1] =	vst.idx.msk $0xffff, v4;
	s0 =	smov.u32 s2  }
0x219: {  	v0 =	vld.idx.msk [tilespmem:v5+s4+$0x0], $0xffff;
	_ =	sdelay $0x5  }
0x21a: {  	[tilespmem:v3+s0+$0x0 ss:$0x1] =	vst.idx.msk $0xffff, v0  }
0x21b: {  	v4 =	vld.idx.msk [tilespmem:v1+s4+$0x0], $0xffff  }
.Ltmp24:
0x21c: {  	(pc) =	sbr.rel @p1 .LBB2_37-.Ltmp24, $2  }
0x21d: {  	_ =	sdelay $0x2  }
0x21e: {  	s2 =	sshra.s32 s1, $0x2;
	s1 =	sadd.s32 $0x3C0, s1  }
0x21f: {  	_ =	sdelay $0x3  }
0x220: {  	s1 =	sadd.s32 s2, s23;
	[tilespmem:v3+s0+$0xDC ss:$0x1] =	vst.idx.msk $0xffff, v4  }
0x221: {  	v0 =	vld.idx.msk [tilespmem:v5+s1+$0x0], $0xffff;
	_ =	sdelay $0x4  }
0x222: {  	[tilespmem:v3+s2+$0x0 ss:$0x1] =	vst.idx.msk $0xffff, v0  }
0x223: {  	v0 =	vld.idx.msk [tilespmem:v1+s1+$0x0], $0xffff;
	_ =	sdelay $0x4  }
0x224: {  	s0 =	sadd.s32 $0x0, s25;
	[tilespmem:v3+s2+$0xDC ss:$0x1] =	vst.idx.msk $0xffff, v0  }
0x225: {  	v0 =	vld.idx.msk [tilespmem:v5+s0+$0x0], $0xffff;
	_ =	sdelay $0x4  }
0x226: {  	[tilespmem:s0+$0x0] =	vst v0  }
0x227: {  	v3 =	vld.idx.msk [tilespmem:v1+s0+$0x0], $0xffff;
	_ =	sdelay $0x3  }
0x228: {  	s1 =	simm.s32 $0x7C0;
	s2 =	simm.s32 $0xF8  }
.LBB2_39:
0x229: {  	p1 =	seq.s32 s1, $0x7820;
	[tilespmem:s0+$0xDC] =	vst v3;
	s0 =	sadd.s32 s2, s25  }
0x22a: {  	v0 =	vld.idx.msk [tilespmem:v5+s0+$0x0], $0xffff;
	_ =	sdelay $0x5  }
0x22b: {  	[tilespmem:s0+$0x0] =	vst v0  }
0x22c: {  	v3 =	vld.idx.msk [tilespmem:v1+s0+$0x0], $0xffff  }
.Ltmp25:
0x22d: {  	(pc) =	sbr.rel @!p1 .LBB2_39-.Ltmp25, $2  }
0x22e: {  	_ =	sdelay $0x2  }
0x22f: {  	s2 =	sshra.s32 s1, $0x2;
	s1 =	sadd.s32 $0x3E0, s1  }
0x230: {  	_ =	sdelay $0x2  }
0x231: {  	s1 =	sadd.s32 s2, s25;
	[tilespmem:s0+$0xDC] =	vst v3  }
0x232: {  	v0 =	vld.idx.msk [tilespmem:v5+s1+$0x0], $0xffff;
	_ =	sdelay $0x4  }
0x233: {  	[tilespmem:s1+$0x0] =	vst v0  }
0x234: {  	v0 =	vld.idx.msk [tilespmem:v1+s1+$0x0], $0xffff  }
.Ltmp26:
0x235: {  	_ = 	snop;
	(pc) =	sbr.rel .LBB2_35-.Ltmp26, $2  }
0x236: {  	_ =	sdelay $0x2  }
0x237: {  	[tilespmem:s1+$0xDC] =	vst v0  }
.LBB2_43:
0x238: {  	_ =	sfence.sel $0x180000  }
0x239: {  	[bflag:$0x0] =	sbarrier.arrive $0xFFFF  }
0x23a: {  	_ =	strace $0x90000047  }
0x23b: {  	s0 =	stileid.u32;
	[bflag:$0x2] =	sbarrier.arrive $0xFFFF  }
0x23c: {  	p0 =	sne.s32 s0, $0x0;
	s0 =	rddreg [dreg:$0x2]  }
0x23d: {  	s0 =	sadd.s32 @!p0 $0x100000, s0  }
0x23e: {  	[sflag:s0] =	ssyncadd.tile.s32 @!p0 $0x1;
	_ =	shalt  }
.Lfunc_end2:
_tile_overlayer_lowered:
.L_overlay_start_2:
0x23f: {  	(tag) =	ssettag $0x2  }
0x240: {  	s0 =	rddreg [dreg:$0x0];
	s2 =	stileid.u32  }
0x241: {  	s1 =	rddreg [dreg:$0x1];
	p0 =	sne.s32 s2, $0x0  }
0x242: {  	s3 =	rddreg [dreg:$0x2];
	[bflag:$0x3] =	sbarrier.arrive $0xFFFF;
	s2 =	simm.s32 @!p0 $0x1C03  }
0x243: {  	[timem:s3], [sflag:s2] =	dma.local @!p0 [hbm:s0], s1  }
0x244: {  	s0 =	simm.s32 @!p0 $0x3  }
0x245: {  	_ =	swait.ge @!p0 [sflag:s0], s1  }
0x246: {  	s1 =	ssub.s32 @!p0 $0x0, s1;
	[sflag:s0] =	ssyncset.done @!p0 $0x0  }
0x247: {  	[sflag:s0] =	ssyncadd.s32 @!p0 s1  }
0x248: {  	[bflag:$0x3] =	sbarrier.arrive $0xFFFF  }
0x249: {  	_ =	shalt  }

// kernel: sparse-core-data-format-call.cloned.1.call-start
scs
called_computation_lowered:
.L_overlay_start_0:
0x0: {  	s2 =	sld [smem:$0x3FD9]  }
0x1: {  	s3 =	sld [smem:$0x3FFE];
	_ =	sdelay $0x1  }
0x2: {  	s1 =	srdreg.scid  }
0x3: {  	s0 =	sand.u32 $0x1, s1  }
0x4: {  	s18 =	sshll.u32 s0, $0xA;
	s2 =	sadd.s32 s3, s2  }
0x5: {  	s2 =	sadd.s32 s2, s18  }
0x6: {  	[smem:$0x3FBF] =	sst s2  }
0x7: {  	_ = 	snop  }
0x8: {  	s2 =	sld [smem:$0x3FD0];
	(tm) =	ssettm $0x1  }
0x9: {  	s19 =	sld [smem:$0x3FFB];
	_ =	sdelay $0x3  }
0xa: {  	_ =	strace s19  }
0xb: {  	s3 =	sld [smem:$0x3FFC];
	_ =	sdelay $0x3  }
0xc: {  	_ =	strace s3  }
0xd: {  	s3 =	sld [smem:$0x3FFD];
	_ =	sdelay $0x3  }
0xe: {  	_ =	strace s3  }
0xf: {  	_ =	strace $0x8FFFFFFF  }
0x10: {  	s20 =	sld [smem:$0x3FDB];
	_ =	sdelay $0x1  }
0x11: {  	s4 =	simm.s32 $_scs_section_size  }
0x12: {  	s5 =	simm.s32 $_size__tile_overlayer_lowered;
	s6 =	simm.s32 $_tile_overlayer_lowered  }
0x13: {  	s23 =	simm.s32 $0x1BFF;
	s22 =	sshll.u32 s6, $0x1;
	s3 =	sadd.s32 s4, s20  }
0x14: {  	s7 =	simm.s32 $0x0;
	s21 =	sshll.u32 s5, $0x1;
	s5 =	sadd.s32 s22, s3  }
0x15: {  	[timem:s7], [sflag:s23] =	dma.local [hbm:s5], s21  }
0x16: {  	_ =	swait.ge [sflag:s23], s21  }
0x17: {  	s4 =	ssub.s32 $0x0, s21;
	[sflag:s23] =	ssyncset.done $0x0  }
0x18: {  	[sflag:s23] =	ssyncadd.s32 s4;
	_ =	sdelay $0x1  }
0x19: {  	s24 =	simm.s32 $0x1B8B  }
0x1a: {  	_ =	swait.ge [sflag:s24], $0x1  }
0x1b: {  	[sflag:s24] =	ssyncset.done $0x0  }
0x1c: {  	s26 =	simm.s32 $0x1B8E;
	s25 =	sld [smem:$0x3FFE];
	[sflag:s24] =	ssyncadd.s32 $0xFFFFFFFF  }
0x1d: {  	s27 =	simm.s32 $execute0_lowered;
	[smem:$0x3FD2] =	sst s26  }
0x1e: {  	s5 =	sshll.u32 s27, $0x1;
	_ =	strace $0x80000049;
	[dreg:$0x1] =	wrdreg $0xFFFFFFFF  }
0x1f: {  	s28 =	simm.s32 $_size_execute0_lowered;
	s3 =	sadd.s32 s3, s5;
	[dreg:$0x0] =	wrdreg $0x0  }
0x20: {  	s5 =	sshll.u32 s28, $0x1;
	[dreg:$0x2] =	wrdreg s3  }
0x21: {  	[dreg:$0x3] =	wrdreg s5  }
0x22: {  	[dreg:$0x4] =	wrdreg $0xC0  }
0x23: {  	_ =	task [dreg:s7], $0x5FFFF  }
0x24: {  	[dreg:$0x1] =	wrdreg $0xFFFFFFFF  }
0x25: {  	[dreg:$0x0] =	wrdreg $0x60  }
0x26: {  	[dreg:$0x2] =	wrdreg s25  }
0x27: {  	[dreg:$0x3] =	wrdreg s2  }
0x28: {  	[dreg:$0x4] =	wrdreg $0x9  }
0x29: {  	_ =	task.clear_ibuf [dreg:s7], $0x5FFFF;
	_ =	strace $0x90000049  }
0x2a: {  	s29 =	simm.s32 $0x9;
	_ =	strace $0x8000004B  }
0x2b: {  	_ =	swait.ge [sflag:s29], $0x1  }
0x2c: {  	[sflag:s29] =	ssyncadd.s32 $0xFFFFFFFF  }
0x2d: {  	_ =	strace $0x9000004B  }
0x2e: {  	_ =	sfence  }
0x2f: {  	s30 =	sld [smem:$0x0];
	_ =	sdelay $0x2  }
0x30: {  	s31 =	sshll.u32 s1, $0xD;
	s1 =	sshrl.u32 s1, $0x2  }
0x31: {  	s3 =	sand.u32 $0x4000, s31;
	s1 =	sadd.s32 s1, s30  }
0x32: {  	s0 =	sor.u32 s3, s0;
	s1 =	sshll.u32 s1, $0x11  }
0x33: {  	s0 =	sor.u32 s1, s0  }
0x34: {  	s0 =	sadd.s32 $0x8F2B, s0  }
0x35: {  	[sflag:s0] =	ssyncadd.remote.s32 $0x1  }
0x36: {  	_ =	sfence.sel $0xFFFF  }
0x37: {  	[dreg:$0x0] =	wrdreg $0xFFFFFFFF;
	(pc) =	sbr.abs _section_cstart, $3  }
0x38: {  	[dreg:$0x1] =	wrdreg $0xFFFFFFFF  }
0x39: {  	_ =	task.clear_ibuf [dreg:s7], $0x2FFFF;
	_ =	strace $0x9FFFFFFF  }
0x3a: {  	(tm) =	ssettm $0x7FFFFFFF  }
0x3b: {  	_ =	shalt  }
tec
execute0_lowered:
.L_overlay_start_1:
0x0: {  	(tag) =	ssettag $0x1  }
0x1: {  	s0 =	rddreg [dreg:$0x0]  }
0x2: {  	s4 =	stileid.u32;
	_ =	strace $0x8000004A;
	s2 =	srdreg.scid  }
0x3: {  	s30 =	simm.s32 $0x1;
	s31 =	simm.s32 $0x2;
	s23 =	simm.s32 $0x0  }
0x4: {  	s12 =	simm.s32 $0x800;
	s22 =	simm.s32 $0x0;
	s24 =	simm.s32 $0x0  }
0x5: {  	s25 =	simm.s32 $0x0;
	s13 =	simm.s32 $0x0;
	s14 =	simm.s32 $0x0  }
0x6: {  	s15 =	simm.s32 $0x0;
	s17 =	simm.s32 $0x0;
	s16 =	simm.s32 $0x0  }
0x7: {  	s18 =	simm.s32 $0x0;
	s8 =	sand.u32 $0x1, s4;
	s0 =	sadd.s32 $0x1400, s0  }
0x8: {  	s29 =	sshll.u32 s2, $0x4;
	s1 =	ssub.s32 $0x2, s8;
	[dreg:$0x4] =	wrdreg s0  }
0x9: {  	s0 =	sand.u32 $0x10, s29;
	s3 =	sshrl.u32 s1, $0x1;
	s1 =	sand.u32 $0x1, s1  }
.Ltmp0:
0xa: {  	s0 =	sor.u32 s4, s0;
	s1 =	sadd.s32 s1, s3;
	(pc) =	sbr.rel .LBB1_1-.Ltmp0, $4  }
0xb: {  	[dreg:$0x3] =	wrdreg s8;
	s10 =	sshrl.u32 s0, $0x1;
	s9 =	smul.u32 $0x38, s1  }
0xc: {  	s21 =	simm.s32 $0x0;
	[sflag:s30] =	ssyncpa.u1 $0x0;
	[dreg:$0x6] =	wrdreg s10  }
0xd: {  	[sflag:s31] =	ssyncpa.u1 $0x0;
	s11 =	sor.u32 $0x1, s9;
	[dreg:$0x5] =	wrdreg s9  }
0xe: {  	s20 =	smov.u32 s8;
	s19 =	smov.u32 s10;
	[dreg:$0x7] =	wrdreg s11  }
.LBB1_18:
0xf: {  	s13 =	rddreg [dreg:$0x8]  }
0x10: {  	s14 =	rddreg [dreg:$0x9]  }
0x11: {  	s4 =	rddreg [dreg:$0x16]  }
0x12: {  	s5 =	rddreg [dreg:$0x17]  }
0x13: {  	s23 =	rddreg [dreg:$0x15]  }
0x14: {  	s17 =	rddreg [dreg:$0xc]  }
0x15: {  	s15 =	rddreg [dreg:$0xa]  }
0x16: {  	s27 =	rddreg [dreg:$0x1]  }
0x17: {  	s30 =	rddreg [dreg:$0x18]  }
0x18: {  	s8 =	rddreg [dreg:$0x3]  }
0x19: {  	s9 =	rddreg [dreg:$0x5]  }
0x1a: {  	s10 =	rddreg [dreg:$0x6]  }
0x1b: {  	s11 =	rddreg [dreg:$0x7]  }
0x1c: {  	s16 =	rddreg [dreg:$0xb]  }
0x1d: {  	s18 =	rddreg [dreg:$0xd]  }
0x1e: {  	s19 =	rddreg [dreg:$0xe]  }
0x1f: {  	s12 =	simm.s32 $0x800;
	s20 =	rddreg [dreg:$0xf]  }
0x20: {  	s0 =	sshll.u32 s13, $0x8;
	s1 =	sshll.u32 s14, $0x3;
	s2 =	sshll.u32 s13, $0x7  }
0x21: {  	p0 =	sgt.s32 s14, $0x80;
	s3 =	smov.u32 s14;
	s25 =	smul.u32 $0x150000, s17  }
0x22: {  	s24 =	sand.u32 $0x78, s14;
	s26 =	smul.u32 $0x1800, s15;
	s28 =	sand.u32 $0x7, s14  }
0x23: {  	s0 =	sand.u32 $0xFFFFF800, s0;
	s1 =	sand.u32 $0xFFFFFC00, s1;
	s21 =	sand.u32 $0x300, s2  }
0x24: {  	s3 =	simm.s32 @!p0 $0x80;
	p0 =	sgt.s32 s13, $0x40;
	s2 =	sand.u32 $0x80, s2  }
0x25: {  	s29 =	sshll.u32 s28, $0x12;
	s0 =	sadd.s32 s1, s0;
	s1 =	smov.u32 s13  }
0x26: {  	s3 =	sadd.s32 s4, s3;
	s2 =	sor.u32 s24, s2;
	s31 =	sor.u32 $0x400, s29  }
0x27: {  	s24 =	rddreg [dreg:$0x13];
	s0 =	sor.u32 s21, s0;
	s1 =	simm.s32 @!p0 $0x40  }
0x28: {  	s4 =	sadd.s32 $0xFFFFFF80, s3;
	s3 =	ssub.s32 $0x100, s3;
	s0 =	sshrl.u32 s0, $0x8  }
0x29: {  	s2 =	sshrl.u32 s2, $0x3;
	s1 =	sadd.s32 s5, s1;
	s22 =	smulhi.u32 $0x1555556, s0  }
0x2a: {  	s21 =	rddreg [dreg:$0x10];
	p0 =	sgt.s32 s4, $0x7F;
	s5 =	sadd.s32 $0xFFFFFFC0, s1  }
0x2b: {  	s3 =	simm.s32 @p0 $0x0;
	s1 =	ssub.s32 $0xC0, s1;
	s4 =	smul.u32 $0xC0, s22  }
0x2c: {  	p0 =	sgt.s32 s5, $0x7F;
	s3 =	smul.u32 s23, s3;
	s23 =	rddreg [dreg:$0x12]  }
0x2d: {  	s1 =	simm.s32 @p0 $0x0;
	s0 =	ssub.s32 s0, s4;
	s4 =	sadd.s32 s27, s25  }
0x2e: {  	s22 =	rddreg [dreg:$0x11];
	s1 =	smul.u32 s1, s3;
	s3 =	sadd.s32 s26, s4  }
0x2f: {  	s25 =	rddreg [dreg:$0x14];
	s0 =	sshll.u32 s0, $0x5;
	s2 =	sadd.s32 s2, s3  }
0x30: {  	s1 =	sand.u32 $0x3FFFFFFF, s1;
	s4 =	sor.u32 $0x8000, s30;
	s0 =	sadd.s32 s0, s2  }
0x31: {  	[hbm4b:s0+s31] =	stream.strided.scatter [tilespmem:s4], [sflag:$0x2], s1, s12, s31, $0x20;
	[tilespmem:$0x10100] =	vst v63  }
.LBB1_19:
0x32: {  	p0 =	slt.u32 s21, $0x2  }
0x33: {  	s1 =	smov.u32 s25;
	s3 =	smov.u32 s23;
	s5 =	smov.u32 s22  }
0x34: {  	p1 =	sgt.s32 @!p0 s25, $0x1;
	s0 =	sshra.s32 @!p0 s25, $0x1F;
	s2 =	sshra.s32 @!p0 s24, $0x1F  }
0x35: {  	p3 =	sgt.s32 @!p0 s22, $0x80;
	s4 =	sshra.s32 @!p0 s22, $0x1F;
	p1 =	por !p1, p0  }
0x36: {  	s0 =	sand.u32 @!p0 s0, s25;
	s2 =	sand.u32 @!p0 s2, s24;
	s4 =	sand.u32 @!p0 s4, s22  }
0x37: {  	s1 =	simm.s32 @p1 $0x1;
	s0 =	sxor.u32 @!p0 $0xFFFFFFFF, s0;
	p1 =	sgt.s32 @!p0 s24, $0xDF  }
0x38: {  	s0 =	sadd.s32 @!p0 s0, s1;
	p1 =	por !p1, p0;
	s1 =	smov.u32 s24  }
0x39: {  	s22 =	smov.u32 s14;
	p2 =	sgt.s32 @!p0 s0, $0x0;
	s1 =	simm.s32 @p1 $0xDF  }
0x3a: {  	s0 =	ssub.s32 @!p0 $0x1, s0;
	p1 =	por !p2, p0;
	s1 =	ssub.s32 @!p0 s1, s2  }
0x3b: {  	s25 =	smov.u32 s17;
	s0 =	simm.s32 @!p1 $0x0;
	s2 =	sadd.s32 @!p0 $0xFFFFFF21, s1  }
0x3c: {  	p1 =	sgt.s32 @!p0 s23, $0x40;
	p2 =	sgt.s32 @!p0 s2, $0x0;
	s2 =	sshra.s32 @!p0 s23, $0x1F  }
0x3d: {  	s1 =	ssub.s32 @!p0 $0xE0, s1;
	p1 =	por !p1, p0;
	s2 =	sand.u32 @!p0 s2, s23  }
0x3e: {  	s3 =	simm.s32 @p1 $0x40;
	p1 =	por !p3, p0;
	p2 =	por !p2, p0  }
0x3f: {  	s5 =	simm.s32 @p1 $0x80;
	s1 =	simm.s32 @!p2 $0x0;
	s2 =	ssub.s32 @!p0 s3, s2  }
0x40: {  	s3 =	ssub.s32 @!p0 s5, s4;
	s0 =	smul.u32 @!p0 s0, s1;
	s1 =	sadd.s32 @!p0 $0xFFFFFFC0, s2  }
0x41: {  	s5 =	smov.u32 s18;
	s4 =	sadd.s32 @!p0 $0xFFFFFF80, s3;
	p1 =	sgt.s32 @!p0 s1, $0x7F  }
0x42: {  	s1 =	ssub.s32 @!p0 $0xC0, s2;
	s2 =	ssub.s32 @!p0 $0x100, s3;
	p2 =	sgt.s32 @!p0 s4, $0x7F  }
0x43: {  	s3 =	sadd.s32 $0x80, s16;
	s4 =	sadd.s32 $0x80, s18;
	p2 =	por !p2, p0  }
0x44: {  	p1 =	por !p1, p0;
	s2 =	simm.s32 @!p2 $0x0;
	p2 =	sgt.s32 s3, $0xBF  }
0x45: {  	s1 =	simm.s32 @!p1 $0x0;
	s0 =	smul.u32 @!p0 s2, s0;
	s5 =	smov.u32 @p2 s4  }
0x46: {  	s2 =	sadd.s32 $0x10, s19;
	s4 =	smov.u32 s19;
	p1 =	sgt.s32 s5, $0xDF  }
0x47: {  	s3 =	simm.s32 @p2 $0x0;
	s0 =	smul.u32 @!p0 s1, s0;
	s4 =	smov.u32 @p1 s2  }
0x48: {  	s1 =	sadd.s32 $0x2, s20;
	s2 =	smov.u32 s20;
	p2 =	sgt.s32 s4, $0xDF  }
0x49: {  	s14 =	smov.u32 s18;
	s17 =	smov.u32 s20;
	s2 =	smov.u32 @p2 s1  }
0x4a: {  	s24 =	smov.u32 s15;
	s5 =	simm.s32 @p1 $0x0;
	p1 =	sgt.s32 s2, $0x1  }
0x4b: {  	s15 =	smov.u32 s19;
	s2 =	smov.u32 @p1 s8;
	p1 =	sne.s32 s21, s11  }
.Ltmp1:
0x4c: {  	s23 =	smov.u32 s13;
	s13 =	smov.u32 s16;
	(pc) =	sbr.rel @!p1 .LBB1_20-.Ltmp1, $4  }
0x4d: {  	s16 =	smov.u32 s3;
	s0 =	sand.u32 @!p0 $0x3FFFFFFF, s0;
	s1 =	simm.s32 @!p0 $0x2  }
0x4e: {  	s18 =	smov.u32 s5;
	s4 =	smov.u32 @p2 s10;
	_ =	swait.ge @!p0 [sflag:s1], s0  }
0x4f: {  	s0 =	ssub.s32 @!p0 $0x0, s0;
	s19 =	smov.u32 s4;
	[sflag:s1] =	ssyncset.done @!p0 $0x0  }
0x50: {  	s21 =	sadd.s32 $0x1, s21;
	[sflag:s1] =	ssyncadd.s32 @!p0 s0;
	s20 =	smov.u32 s2  }
.LBB1_1:
0x51: {  	p0 =	sge.u32 s21, s9  }
.Ltmp2:
0x52: {  	_ = 	snop;
	(pc) =	sbr.rel @p0 .LBB1_3-.Ltmp2, $1  }
0x53: {  	_ =	sdelay $0x3  }
0x54: {  	s0 =	sand.u32 $0x78, s16;
	s1 =	sshll.u32 s18, $0x8  }
0x55: {  	s2 =	sshll.u32 s16, $0x3;
	s3 =	sshll.u32 s18, $0x7;
	p0 =	sgt.s32 s20, $0x1  }
0x56: {  	s7 =	sshra.s32 s20, $0x1F;
	s4 =	smov.u32 s19;
	s5 =	sshra.s32 s19, $0x1F  }
0x57: {  	s27 =	sshra.s32 s18, $0x1F;
	s29 =	sshra.s32 s16, $0x1F;
	s30 =	sxor.u32 $0xFFFFFFFF, s21  }
0x58: {  	s1 =	sand.u32 $0xFFFFF800, s1;
	s2 =	sand.u32 $0xFFFFFC00, s2;
	s6 =	sand.u32 $0x300, s3  }
0x59: {  	s3 =	sand.u32 $0x80, s3;
	s5 =	sand.u32 s5, s19;
	s28 =	sand.u32 s27, s18  }
0x5a: {  	s1 =	sadd.s32 s1, s2;
	s0 =	sor.u32 s0, s3;
	s2 =	smov.u32 s20  }
0x5b: {  	s3 =	sand.u32 s7, s20;
	s1 =	sor.u32 s6, s1;
	s2 =	simm.s32 @!p0 $0x1  }
0x5c: {  	p0 =	sgt.s32 s19, $0xDF;
	s3 =	sxor.u32 $0xFFFFFFFF, s3;
	s0 =	sshrl.u32 s0, $0x3  }
0x5d: {  	s1 =	sshrl.u32 s1, $0x8;
	s4 =	simm.s32 @!p0 $0xDF;
	s2 =	sadd.s32 s3, s2  }
0x5e: {  	s6 =	smulhi.u32 $0x124924A, s1;
	s26 =	ssub.s32 s4, s5;
	p0 =	sgt.s32 s2, $0x0  }
0x5f: {  	s2 =	ssub.s32 $0x1, s2;
	s5 =	sand.u32 s29, s16;
	s29 =	sand.u32 $0x7, s16  }
0x60: {  	s4 =	sadd.s32 $0xFFFFFF21, s26;
	s2 =	simm.s32 @p0 $0x0;
	s3 =	ssub.s32 $0xE0, s26  }
0x61: {  	s26 =	smul.u32 $0x1C00, s19;
	p0 =	sgt.s32 s4, $0x0;
	s4 =	smov.u32 s18  }
0x62: {  	s6 =	smul.u32 $0xE0, s6;
	s3 =	simm.s32 @p0 $0x0;
	p0 =	sgt.s32 s18, $0x60  }
0x63: {  	s2 =	smul.u32 s2, s3;
	s4 =	simm.s32 @!p0 $0x60;
	p0 =	sgt.s32 s16, $0x80  }
0x64: {  	s1 =	ssub.s32 s1, s6;
	s3 =	ssub.s32 s4, s28;
	s4 =	smov.u32 s16  }
0x65: {  	s28 =	rddreg [dreg:$0x4];
	s7 =	sadd.s32 $0xFFFFFFA0, s3;
	s4 =	simm.s32 @!p0 $0x80  }
0x66: {  	s3 =	ssub.s32 $0xE0, s3;
	p0 =	sgt.s32 s7, $0x7F;
	s4 =	ssub.s32 s4, s5  }
0x67: {  	s7 =	smul.u32 $0x188000, s20;
	s3 =	simm.s32 @p0 $0x0;
	s31 =	sadd.s32 $0xFFFFFF80, s4  }
0x68: {  	s2 =	smul.u32 s3, s2;
	p0 =	sgt.s32 s31, $0x7F;
	s3 =	ssub.s32 $0x100, s4  }
0x69: {  	s1 =	sshll.u32 s1, $0x5;
	s4 =	sadd.s32 s28, s7;
	s3 =	simm.s32 @p0 $0x0  }
0x6a: {  	s5 =	sshll.u32 s30, $0xE;
	s4 =	sadd.s32 s26, s4;
	s2 =	smul.u32 s3, s2  }
0x6b: {  	s30 =	sshll.u32 s29, $0x12;
	s27 =	sand.u32 $0x4000, s5;
	s0 =	sadd.s32 s0, s4  }
0x6c: {  	s31 =	sor.u32 $0x400, s30;
	s0 =	sadd.s32 s1, s0;
	s2 =	sand.u32 $0x3FFFFFFF, s2  }
0x6d: {  	[tilespmem:s27], [sflag:$0x1] =	stream.strided.gather [hbm4b:s0+s31], s2, s12, s31, $0x38;
	[tilespmem:$0x10100] =	vst v63  }
.LBB1_3:
0x6e: {  	s0 =	sadd.s32 $0xFFFFFFFF, s21  }
0x6f: {  	p0 =	sge.u32 s0, s9  }
.Ltmp3:
0x70: {  	_ = 	snop;
	(pc) =	sbr.rel @p0 .LBB1_19-.Ltmp3, $1  }
0x71: {  	_ =	sdelay $0x3  }
0x72: {  	[dreg:$0x14] =	wrdreg s25  }
0x73: {  	[dreg:$0x13] =	wrdreg s24  }
0x74: {  	[dreg:$0x12] =	wrdreg s23  }
0x75: {  	[dreg:$0x11] =	wrdreg s22  }
0x76: {  	[dreg:$0xf] =	wrdreg s20  }
0x77: {  	[dreg:$0xe] =	wrdreg s19  }
0x78: {  	[dreg:$0xd] =	wrdreg s18  }
0x79: {  	[dreg:$0xb] =	wrdreg s16;
	p0 =	sgt.s32 s17, $0x1;
	s0 =	smov.u32 s17  }
0x7a: {  	s1 =	sshra.s32 s17, $0x1F;
	s2 =	smov.u32 s15;
	s3 =	sshra.s32 s15, $0x1F  }
0x7b: {  	s18 =	ssub.s32 $0x0, s14;
	s19 =	sshra.s32 s14, $0x1F;
	p1 =	sgt.s32 s14, $0x60  }
0x7c: {  	s4 =	smov.u32 s14;
	s23 =	ssub.s32 $0x0, s13;
	s24 =	sshra.s32 s13, $0x1F  }
0x7d: {  	s0 =	simm.s32 @!p0 $0x1;
	s1 =	sand.u32 s1, s17;
	p0 =	sgt.s32 s15, $0xDF  }
0x7e: {  	s16 =	sand.u32 s3, s15;
	s4 =	simm.s32 @!p1 $0x60;
	s1 =	sxor.u32 $0xFFFFFFFF, s1  }
0x7f: {  	s3 =	smov.u32 s13;
	s2 =	simm.s32 @!p0 $0xDF;
	s0 =	sadd.s32 s1, s0  }
0x80: {  	s1 =	ssub.s32 s2, s16;
	s2 =	sand.u32 s18, s19;
	p0 =	sgt.s32 s0, $0x0  }
0x81: {  	s0 =	ssub.s32 $0x1, s0;
	s5 =	sadd.s32 $0xFFFFFF21, s1;
	s1 =	ssub.s32 $0xE0, s1  }
0x82: {  	[dreg:$0x16] =	wrdreg s2;
	s2 =	sadd.s32 s2, s4;
	p1 =	sgt.s32 s5, $0x0  }
0x83: {  	s0 =	simm.s32 @p0 $0x0;
	s20 =	sadd.s32 $0xFFFFFFA0, s2;
	s2 =	ssub.s32 $0xE0, s2  }
0x84: {  	s1 =	simm.s32 @p1 $0x0;
	p0 =	sgt.s32 s20, $0x7F;
	p1 =	sgt.s32 s13, $0x80  }
0x85: {  	s22 =	smul.u32 s0, s1;
	s0 =	sand.u32 s23, s24;
	s3 =	simm.s32 @!p1 $0x80  }
0x86: {  	s2 =	simm.s32 @p0 $0x0;
	[dreg:$0x17] =	wrdreg s0;
	s0 =	sadd.s32 s0, s3  }
0x87: {  	[dreg:$0x8] =	wrdreg s13;
	s25 =	smul.u32 s2, s22;
	s26 =	sadd.s32 $0xFFFFFF80, s0  }
0x88: {  	s0 =	ssub.s32 $0x100, s0;
	s2 =	sadd.s32 $0x1, s17;
	p0 =	sgt.s32 s26, $0x7F  }
0x89: {  	s3 =	sadd.s32 $0x1, s15;
	s0 =	simm.s32 @p0 $0x0;
	p0 =	slt.s32 s2, $0x2  }
0x8a: {  	[dreg:$0xc] =	wrdreg s17;
	s2 =	simm.s32 @!p0 $0x2;
	p0 =	slt.s32 s3, $0xE0  }
0x8b: {  	s1 =	sadd.s32 $0x80, s14;
	s2 =	ssub.s32 s2, s17;
	s3 =	simm.s32 @!p0 $0xE0  }
0x8c: {  	p1 =	slt.s32 s1, $0xE0;
	s3 =	ssub.s32 s3, s15;
	p0 =	slt.s32 s2, $0x1  }
0x8d: {  	[dreg:$0xa] =	wrdreg s15;
	s1 =	simm.s32 @!p1 $0xE0;
	p1 =	slt.s32 @!p0 s3, $0x1  }
0x8e: {  	[dreg:$0x9] =	wrdreg s14;
	s29 =	ssub.s32 s1, s14;
	p1 =	por p0, p1  }
0x8f: {  	[dreg:$0x10] =	wrdreg s21;
	p2 =	slt.s32 @!p1 s29, $0x1  }
0x90: {  	[dreg:$0x15] =	wrdreg s22;
	s0 =	smul.u32 s0, s25;
	p1 =	por p1, p2  }
.Ltmp4:
0x91: {  	s28 =	simm.s32 $0x1;
	[dreg:$0x19] =	wrdreg s2;
	(pc) =	sbr.rel @p1 .LBB1_18-.Ltmp4, $4  }
0x92: {  	s27 =	sand.u32 $0x3FFFFFFF, s0;
	s0 =	sand.u32 $0x1, s21;
	[dreg:$0x1a] =	wrdreg s3  }
0x93: {  	s31 =	smul.u32 $0x4080, s0;
	_ =	swait.ge [sflag:s28], s27  }
0x94: {  	s30 =	ssub.s32 $0x0, s27;
	[sflag:s28] =	ssyncset.done $0x0  }
0x95: {  	[dreg:$0x18] =	wrdreg s31;
	[sflag:s28] =	ssyncadd.s32 s30  }
0x96: {  	s2 =	rddreg [dreg:$0x8]  }
0x97: {  	s1 =	sadd.s32 $0x80, s2  }
0x98: {  	p1 =	slt.s32 s1, $0xC0  }
0x99: {  	s1 =	simm.s32 @!p1 $0xC0  }
.Ltmp5:
0x9a: {  	s1 =	ssub.s32 s1, s2;
	(pc) =	sbr.rel .LBB1_6-.Ltmp5, $4  }
0x9b: {  	s0 =	sshll.u32 @!p0 s0, $0xE;
	s3 =	sadd.s32 $0xF, s1  }
0x9c: {  	s9 =	simm.s32 $0x0;
	s1 =	rddreg [dreg:$0x18];
	s30 =	sand.u32 $0xFFFFFFF0, s3  }
0x9d: {  	s31 =	sand.u32 @!p0 $0xFFFFFF00, s3;
	s28 =	sshll.u32 s3, $0x3;
	s1 =	sor.u32 @!p0 $0x8000, s1  }
0x9e: {  	p0 =	slt.s32 s3, $0x100;
	s2 =	sand.u32 $0xFFFFF800, s28;
	p1 =	sge.s32 s31, s30  }
.LBB1_17:
0x9f: {  	s9 =	sadd.s32 $0x1, s9;
	s3 =	rddreg [dreg:$0x19]  }
0xa0: {  	p2 =	sne.s32 s9, s3  }
.Ltmp6:
0xa1: {  	_ = 	snop;
	(pc) =	sbr.rel @!p2 .LBB1_18-.Ltmp6, $1  }
0xa2: {  	_ =	sdelay $0x3  }
.LBB1_6:
.Ltmp7:
0xa3: {  	(pc) =	sbr.rel .LBB1_7-.Ltmp7, $2  }
0xa4: {  	_ =	sdelay $0x2  }
0xa5: {  	s4 =	simm.s32 $0x0  }
.LBB1_16:
0xa6: {  	s4 =	sadd.s32 $0x1, s4;
	s3 =	rddreg [dreg:$0x1a]  }
0xa7: {  	p2 =	sne.s32 s4, s3  }
.Ltmp8:
0xa8: {  	_ = 	snop;
	(pc) =	sbr.rel @!p2 .LBB1_17-.Ltmp8, $1  }
0xa9: {  	_ =	sdelay $0x3  }
.LBB1_7:
.Ltmp9:
0xaa: {  	s3 =	sadd.s32 s9, s4;
	(pc) =	sbr.rel .LBB1_8-.Ltmp9, $3  }
0xab: {  	s5 =	sshll.u32 s3, $0x10;
	s3 =	smul.u32 $0x10200, s3;
	_ =	sdelay $0x1  }
0xac: {  	s7 =	simm.s32 $0x0;
	s5 =	sshra.s32 s5, $0x2;
	s3 =	sshra.s32 s3, $0x2  }
0xad: {  	s5 =	sadd.s32 s5, s0;
	s8 =	sadd.s32 s3, s1;
	s3 =	simm.s32 $0x400  }
.LBB1_15:
0xae: {  	s7 =	sadd.s32 $0x1, s7  }
0xaf: {  	p2 =	sne.s32 s7, s29  }
.Ltmp10:
0xb0: {  	_ = 	snop;
	(pc) =	sbr.rel @!p2 .LBB1_16-.Ltmp10, $2  }
0xb1: {  	_ =	sdelay $0x2  }
0xb2: {  	s3 =	sadd.s32 $0x80, s3  }
.LBB1_8:
.Ltmp11:
0xb3: {  	(pc) =	sbr.rel @p0 .LBB1_12-.Ltmp11, $2  }
0xb4: {  	_ =	sdelay $0x2  }
0xb5: {  	s6 =	sshll.u32 s7, $0x7;
	s26 =	sand.u32 $0x7F, s7  }
0xb6: {  	s11 =	sshll.u32 s7, $0x3;
	s15 =	sand.u32 $0x380, s6  }
0xb7: {  	s10 =	sshrl.u32 s11, $0x7;
	s13 =	sadd.s32 $0x800, s11;
	s16 =	sadd.s32 $0x1000, s11  }
0xb8: {  	s18 =	sadd.s32 s15, s5;
	s21 =	sadd.s32 $0x1800, s11;
	s28 =	sadd.s32 $0x2800, s11  }
0xb9: {  	s17 =	sadd.s32 $0x3000, s11;
	s11 =	sadd.s32 $0x3800, s11;
	s12 =	sand.u32 $0x78, s10  }
0xba: {  	s13 =	sshrl.u32 s13, $0x7;
	s20 =	sshrl.u32 s16, $0x7;
	s16 =	sshrl.u32 s21, $0x7  }
0xbb: {  	s21 =	sshrl.u32 s17, $0x7;
	s11 =	sshrl.u32 s11, $0x7;
	s17 =	sadd.s32 $0x30, s10  }
0xbc: {  	v0 =	vmov s18;
	s18 =	sand.u32 $0x3C00, s3;
	s14 =	smul.u32 $0x204, s12;
	s13 =	sand.u32 $0x78, s13  }
0xbd: {  	s15 =	sand.u32 $0x78, s20;
	s22 =	sand.u32 $0x78, s16;
	s13 =	smul.u32 $0x204, s13  }
0xbe: {  	s12 =	sxor.u32 $0x40, s12;
	s16 =	sshrl.u32 s28, $0x7;
	s15 =	smul.u32 $0x204, s15  }
0xbf: {  	s11 =	sand.u32 $0x78, s11;
	s12 =	smul.u32 $0x204, s12;
	s14 =	sshrl.u32 s14, $0x2  }
0xc0: {  	s11 =	smul.u32 $0x204, s11;
	s14 =	sadd.s32 s14, s8;
	s13 =	sshrl.u32 s13, $0x2  }
0xc1: {  	s25 =	sshrl.u32 s15, $0x2;
	s12 =	sshrl.u32 s12, $0x2;
	s13 =	sadd.s32 s13, s8  }
0xc2: {  	s23 =	sadd.s32 s26, s14;
	s14 =	sadd.s32 s25, s8;
	s24 =	sadd.s32 s26, s13  }
0xc3: {  	s13 =	smul.u32 $0x204, s22;
	s25 =	sadd.s32 s26, s14;
	s14 =	sand.u32 $0x78, s16  }
0xc4: {  	s15 =	sadd.s32 $0x10, s10;
	s11 =	sshrl.u32 s11, $0x2;
	s14 =	smul.u32 $0x204, s14  }
0xc5: {  	s12 =	sadd.s32 s12, s8;
	s11 =	sadd.s32 s11, s8;
	s13 =	sshrl.u32 s13, $0x2  }
0xc6: {  	s19 =	sadd.s32 s26, s12;
	s13 =	sadd.s32 s13, s8;
	s22 =	sshrl.u32 s14, $0x2  }
0xc7: {  	s12 =	sand.u32 $0x78, s21;
	s20 =	sadd.s32 s26, s13;
	s13 =	sadd.s32 s22, s8  }
0xc8: {  	s28 =	smul.u32 $0x204, s12;
	s12 =	sadd.s32 s26, s13;
	s13 =	sand.u32 $0x78, s15  }
0xc9: {  	s16 =	sadd.s32 $0x20, s10;
	s21 =	sadd.s32 s26, s11;
	s13 =	smul.u32 $0x204, s13  }
0xca: {  	s14 =	sshrl.u32 s28, $0x2;
	s22 =	sadd.s32 $0x50, s10;
	s15 =	sand.u32 $0x78, s16  }
0xcb: {  	s16 =	sand.u32 $0x78, s22;
	s15 =	smul.u32 $0x204, s15;
	s13 =	sshrl.u32 s13, $0x2  }
0xcc: {  	v1 =	vld.idx.msk [tilespmem:v0+s18+$0x0 ss:$0x1], $0xffff;
	s11 =	sadd.s32 s13, s8;
	s13 =	sand.u32 $0x78, s17;
	s17 =	sadd.s32 $0x60, s10  }
0xcd: {  	s27 =	smul.u32 $0x204, s16;
	s15 =	sshrl.u32 s15, $0x2;
	s28 =	sand.u32 $0x78, s17  }
0xce: {  	s15 =	sadd.s32 s15, s8;
	s17 =	smul.u32 $0x204, s28  }
0xcf: {  	s16 =	sadd.s32 s26, s11;
	s22 =	sadd.s32 s26, s15;
	s15 =	sshrl.u32 s27, $0x2  }
0xd0: {  	s11 =	sadd.s32 s15, s8;
	s28 =	sadd.s32 $0xFFFFFC00, s3;
	s17 =	sshrl.u32 s17, $0x2  }
0xd1: {  	[tilespmem:s23+$0x0 ss:$0x81] =	vst.msk $0xffff, v1;
	v1 =	vld.idx.msk [tilespmem:v0+s18+$0x20 ss:$0x1], $0xffff;
	s15 =	sadd.s32 s17, s8;
	s17 =	sadd.s32 s26, s11;
	s11 =	sand.u32 $0x3C00, s28  }
0xd2: {  	v2 =	vld.idx.msk [tilespmem:v0+s11+$0x70 ss:$0x1], $0xffff  }
0xd3: {  	v3 =	vld.idx.msk [tilespmem:v0+s11+$0x0 ss:$0x1], $0xffff  }
0xd4: {  	v4 =	vld.idx.msk [tilespmem:v0+s11+$0x10 ss:$0x1], $0xffff  }
0xd5: {  	v5 =	vld.idx.msk [tilespmem:v0+s11+$0x20 ss:$0x1], $0xffff  }
0xd6: {  	v6 =	vld.idx.msk [tilespmem:v0+s11+$0x30 ss:$0x1], $0xffff  }
0xd7: {  	s10 =	sadd.s32 $0x70, s10;
	v7 =	vld.idx.msk [tilespmem:v0+s11+$0x40 ss:$0x1], $0xffff;
	[tilespmem:s21+$0x0 ss:$0x81] =	vst.msk $0xffff, v2  }
0xd8: {  	s13 =	smul.u32 $0x204, s13;
	s10 =	sand.u32 $0x78, s10;
	v8 =	vld.idx.msk [tilespmem:v0+s11+$0x50 ss:$0x1], $0xffff;
	[tilespmem:s23+$0x0 ss:$0x81] =	vst.msk $0xffff, v3  }
0xd9: {  	p2 =	sgt.s32 s31, $0x100;
	s10 =	smul.u32 $0x204, s10;
	v9 =	vld.idx.msk [tilespmem:v0+s11+$0x60 ss:$0x1], $0xffff;
	[tilespmem:s24+$0x0 ss:$0x81] =	vst.msk $0xffff, v4  }
.Ltmp12:
0xda: {  	v4 =	vld.idx.msk [tilespmem:v0+s18+$0x10 ss:$0x1], $0xffff;
	[tilespmem:s25+$0x0 ss:$0x81] =	vst.msk $0xffff, v5;
	(pc) =	sbr.rel @!p2 .LBB1_11-.Ltmp12, $4  }
0xdb: {  	s14 =	sadd.s32 s14, s8;
	s13 =	sshrl.u32 s13, $0x2;
	[tilespmem:s20+$0x0 ss:$0x81] =	vst.msk $0xffff, v6;
	v2 =	vld.idx.msk [tilespmem:v0+s18+$0x30 ss:$0x1], $0xffff  }
0xdc: {  	s14 =	sadd.s32 s26, s14;
	s13 =	sadd.s32 s13, s8;
	s10 =	sshrl.u32 s10, $0x2;
	[tilespmem:s19+$0x0 ss:$0x81] =	vst.msk $0xffff, v7;
	v3 =	vld.idx.msk [tilespmem:v0+s18+$0x40 ss:$0x1], $0xffff  }
0xdd: {  	s13 =	sadd.s32 s26, s13;
	s27 =	sadd.s32 s10, s8;
	s10 =	sadd.s32 s26, s15;
	[tilespmem:s12+$0x0 ss:$0x81] =	vst.msk $0xffff, v8;
	v5 =	vld.idx.msk [tilespmem:v0+s18+$0x50 ss:$0x1], $0xffff  }
0xde: {  	s15 =	sadd.s32 s26, s27;
	s11 =	simm.s32 $0x100;
	s27 =	sadd.s32 $0x800, s3;
	[tilespmem:s14+$0x0 ss:$0x81] =	vst.msk $0xffff, v9;
	v6 =	vld.idx.msk [tilespmem:v0+s18+$0x60 ss:$0x1], $0xffff  }
.LBB1_10:
0xdf: {  	s28 =	sadd.s32 $0xFFFFFC00, s27;
	s11 =	sadd.s32 $0x100, s11;
	[tilespmem:s16+$0x0 ss:$0x81] =	vst.msk $0xffff, v4;
	v4 =	vld.idx.msk [tilespmem:v0+s18+$0x70 ss:$0x1], $0xffff;
	s18 =	sand.u32 $0x3C00, s27  }
0xe0: {  	s28 =	sand.u32 $0x3C00, s28;
	v7 =	vld.idx.msk [tilespmem:v0+s18+$0x0 ss:$0x1], $0xffff;
	p2 =	slt.s32 s11, s31;
	[tilespmem:s22+$0x0 ss:$0x81] =	vst.msk $0xffff, v1  }
0xe1: {  	v1 =	vld.idx.msk [tilespmem:v0+s28+$0x70 ss:$0x1], $0xffff;
	[tilespmem:s13+$0x0 ss:$0x81] =	vst.msk $0xffff, v2  }
0xe2: {  	v2 =	vld.idx.msk [tilespmem:v0+s28+$0x0 ss:$0x1], $0xffff;
	[tilespmem:s19+$0x0 ss:$0x81] =	vst.msk $0xffff, v3  }
0xe3: {  	v3 =	vld.idx.msk [tilespmem:v0+s28+$0x10 ss:$0x1], $0xffff;
	[tilespmem:s17+$0x0 ss:$0x81] =	vst.msk $0xffff, v5  }
0xe4: {  	v5 =	vld.idx.msk [tilespmem:v0+s28+$0x20 ss:$0x1], $0xffff;
	[tilespmem:s10+$0x0 ss:$0x81] =	vst.msk $0xffff, v6  }
0xe5: {  	v6 =	vld.idx.msk [tilespmem:v0+s28+$0x30 ss:$0x1], $0xffff;
	[tilespmem:s15+$0x0 ss:$0x81] =	vst.msk $0xffff, v4  }
0xe6: {  	v8 =	vld.idx.msk [tilespmem:v0+s28+$0x40 ss:$0x1], $0xffff;
	[tilespmem:s23+$0x0 ss:$0x81] =	vst.msk $0xffff, v7  }
0xe7: {  	v7 =	vld.idx.msk [tilespmem:v0+s28+$0x50 ss:$0x1], $0xffff;
	[tilespmem:s21+$0x0 ss:$0x81] =	vst.msk $0xffff, v1  }
0xe8: {  	[tilespmem:s23+$0x0 ss:$0x81] =	vst.msk $0xffff, v2;
	v9 =	vld.idx.msk [tilespmem:v0+s28+$0x60 ss:$0x1], $0xffff  }
0xe9: {  	[tilespmem:s24+$0x0 ss:$0x81] =	vst.msk $0xffff, v3;
	v4 =	vld.idx.msk [tilespmem:v0+s18+$0x10 ss:$0x1], $0xffff  }
.Ltmp13:
0xea: {  	[tilespmem:s25+$0x0 ss:$0x81] =	vst.msk $0xffff, v5;
	v1 =	vld.idx.msk [tilespmem:v0+s18+$0x20 ss:$0x1], $0xffff;
	(pc) =	sbr.rel @p2 .LBB1_10-.Ltmp13, $4  }
0xeb: {  	[tilespmem:s20+$0x0 ss:$0x81] =	vst.msk $0xffff, v6;
	v2 =	vld.idx.msk [tilespmem:v0+s18+$0x30 ss:$0x1], $0xffff  }
0xec: {  	[tilespmem:s19+$0x0 ss:$0x81] =	vst.msk $0xffff, v8;
	v3 =	vld.idx.msk [tilespmem:v0+s18+$0x40 ss:$0x1], $0xffff  }
0xed: {  	[tilespmem:s12+$0x0 ss:$0x81] =	vst.msk $0xffff, v7;
	v5 =	vld.idx.msk [tilespmem:v0+s18+$0x50 ss:$0x1], $0xffff  }
0xee: {  	s27 =	sadd.s32 $0x800, s27;
	[tilespmem:s14+$0x0 ss:$0x81] =	vst.msk $0xffff, v9;
	v6 =	vld.idx.msk [tilespmem:v0+s18+$0x60 ss:$0x1], $0xffff  }
.LBB1_11:
0xef: {  	_ =	sdelay $0x2  }
0xf0: {  	[tilespmem:s16+$0x0 ss:$0x81] =	vst.msk $0xffff, v4  }
0xf1: {  	v0 =	vld.idx.msk [tilespmem:v0+s18+$0x70 ss:$0x1], $0xffff;
	[tilespmem:s22+$0x0 ss:$0x81] =	vst.msk $0xffff, v1  }
0xf2: {  	[tilespmem:s13+$0x0 ss:$0x81] =	vst.msk $0xffff, v2  }
0xf3: {  	[tilespmem:s19+$0x0 ss:$0x81] =	vst.msk $0xffff, v3  }
0xf4: {  	[tilespmem:s17+$0x0 ss:$0x81] =	vst.msk $0xffff, v5  }
0xf5: {  	[tilespmem:s10+$0x0 ss:$0x81] =	vst.msk $0xffff, v6  }
0xf6: {  	[tilespmem:s15+$0x0 ss:$0x81] =	vst.msk $0xffff, v0  }
.LBB1_12:
.Ltmp14:
0xf7: {  	(pc) =	sbr.rel @p1 .LBB1_15-.Ltmp14, $1  }
0xf8: {  	_ =	sdelay $0x3  }
0xf9: {  	s11 =	sand.u32 $0x380, s6;
	s10 =	sshrl.u32 s7, $0x4;
	s12 =	sadd.s32 s26, s8  }
0xfa: {  	s13 =	smov.u32 s2;
	s14 =	smov.u32 s31;
	s11 =	sadd.s32 s11, s5  }
.LBB1_14:
0xfb: {  	s15 =	sand.u32 $0x3C00, s13  }
0xfc: {  	s15 =	sadd.s32 s6, s15  }
0xfd: {  	s15 =	sand.u32 $0x3C00, s15  }
0xfe: {  	s16 =	sand.u32 $0x70, s14;
	s27 =	sadd.s32 s14, s10;
	s15 =	sadd.s32 s15, s11  }
0xff: {  	s14 =	sadd.s32 $0x10, s14;
	s28 =	sand.u32 $0x78, s27;
	s15 =	sadd.s32 s16, s15  }
0x100: {  	p2 =	slt.s32 s14, s30;
	v0 =	vld [tilespmem:s15+$0x0];
	s15 =	smul.u32 $0x204, s28  }
.Ltmp15:
0x101: {  	_ = 	snop;
	(pc) =	sbr.rel @p2 .LBB1_14-.Ltmp15, $4  }
0x102: {  	_ = 	snop  }
0x103: {  	s15 =	sshrl.u32 s15, $0x2  }
0x104: {  	s15 =	sadd.s32 s15, s12  }
0x105: {  	s13 =	sadd.s32 $0x80, s13;
	[tilespmem:s15+$0x0 ss:$0x81] =	vst.msk $0xffff, v0  }
.Ltmp16:
0x106: {  	_ = 	snop;
	(pc) =	sbr.rel .LBB1_15-.Ltmp16, $1  }
0x107: {  	_ =	sdelay $0x3  }
.LBB1_20:
0x108: {  	_ =	sfence.sel $0x180000  }
0x109: {  	s0 =	simm.s32 $0x1;
	[bflag:$0x0] =	sbarrier.arrive $0xFFFF  }
0x10a: {  	s30 =	simm.s32 $0x2;
	[sflag:s0] =	ssyncpa.u1 $0x1  }
0x10b: {  	[sflag:s30] =	ssyncpa.u1 $0x1  }
0x10c: {  	_ =	strace $0x9000004A  }
0x10d: {  	s31 =	stileid.u32;
	[bflag:$0x2] =	sbarrier.arrive $0xFFFF  }
0x10e: {  	p0 =	sne.s32 s31, $0x0;
	s0 =	rddreg [dreg:$0x2]  }
0x10f: {  	s0 =	sadd.s32 @!p0 $0x100000, s0  }
0x110: {  	[sflag:s0] =	ssyncadd.tile.s32 @!p0 $0x1;
	_ =	shalt  }
.Lfunc_end1:
_tile_overlayer_lowered:
.L_overlay_start_2:
0x111: {  	(tag) =	ssettag $0x2  }
0x112: {  	s0 =	rddreg [dreg:$0x0];
	s2 =	stileid.u32  }
0x113: {  	s1 =	rddreg [dreg:$0x1];
	p0 =	sne.s32 s2, $0x0  }
0x114: {  	s3 =	rddreg [dreg:$0x2];
	[bflag:$0x3] =	sbarrier.arrive $0xFFFF;
	s2 =	simm.s32 @!p0 $0x1C01  }
0x115: {  	[timem:s3], [sflag:s2] =	dma.local @!p0 [hbm:s0], s1  }
0x116: {  	s0 =	simm.s32 @!p0 $0x1  }
0x117: {  	_ =	swait.ge @!p0 [sflag:s0], s1  }
0x118: {  	s1 =	ssub.s32 @!p0 $0x0, s1;
	[sflag:s0] =	ssyncset.done @!p0 $0x0  }
0x119: {  	[sflag:s0] =	ssyncadd.s32 @!p0 s1  }
0x11a: {  	[bflag:$0x3] =	sbarrier.arrive $0xFFFF  }
0x11b: {  	_ =	shalt  }

</sc_bundles>
